<compile_context>
chip_gen: v7x
topology: tpu7x:2x2x1
jax: 0.10.2.dev20260603
libtpu: 0.0.44.dev20260713+nightly
codegen_flags: <defaults>
</compile_context>

<pallas_src>
import functools

import jax
import jax.numpy as jnp
from jax import lax
from jax.experimental import pallas as pl
from jax.experimental.pallas import tpu as pltpu
from jax.experimental.pallas import tpu_sc as plsc

f32 = jnp.float32

N = 10000
E = 320000
NC, NS = 2, 16
NW = NC * NS
EW = E // NW
CH = 80
KG = 5
GRP = CH * KG
NGRP = EW // GRP
NP = 10240
ROWS_W = NP // NS

EP = E // 8
NPP = NP // 8
NVAL = N // 8
RE = 2000
RN = 256


def _pad2(w, r, c):
    return jnp.pad(w, ((0, r - w.shape[0]), (0, c - w.shape[1])))


def _padrow(b, c):
    return jnp.pad(b.reshape(1, -1), ((0, 0), (0, c - b.shape[0])))


def _kron8(w):
    return jnp.kron(jnp.eye(8, dtype=f32), w)


def _tile8(brow):
    return jnp.tile(brow, (1, 8))


def _spread_const():
    j = jnp.arange(16)[:, None]
    k = jnp.arange(128)[None, :]
    return (k % 16 == j).astype(f32)


def _grp_const():
    k = jnp.arange(128)[:, None]
    g = jnp.arange(8)[None, :]
    return (k // 16 == g).astype(f32)


def _fold_const():
    k = jnp.arange(128)[:, None]
    j = jnp.arange(16)[None, :]
    return (k % 16 == j).astype(f32)


def _pick13_const():
    k = jnp.arange(128)[:, None]
    g = jnp.arange(8)[None, :]
    return (k == 16 * g + 13).astype(f32)


def _lstm_pad(p, d):
    dp = 16
    wih = jnp.zeros((2 * dp, 4 * dp), f32)
    whh = jnp.zeros((dp, 4 * dp), f32)
    b = jnp.zeros((1, 4 * dp), f32)
    for g in range(4):
        wih = wih.at[0:d, g * dp:g * dp + d].set(p["W_ih"][0:d, g * d:(g + 1) * d])
        wih = wih.at[dp:dp + d, g * dp:g * dp + d].set(p["W_ih"][d:2 * d, g * d:(g + 1) * d])
        whh = whh.at[0:d, g * dp:g * dp + d].set(p["W_hh"][:, g * d:(g + 1) * d])
        b = b.at[0, g * dp:g * dp + d].set(p["b"][g * d:(g + 1) * d])
    return wih, whh, b


def _relu(v):
    return jnp.maximum(v, 0.0)


def _dot(a, b):
    return jnp.dot(a, b, preferred_element_type=f32)


def _sdot(a, b):
    return jnp.dot(a, b, preferred_element_type=f32,
                   precision=lax.Precision.HIGHEST)


def _proj_body(x_ref, ws_ref, wd_ref, p_ref, q_ref):
    x = x_ref[...]
    p_ref[...] = _dot(x, ws_ref[...])
    q_ref[...] = _dot(x, wd_ref[...])


def _proj(x8, ws8, wd8):
    k = x8.shape[1]
    return pl.pallas_call(
        _proj_body,
        grid=(NPP // RN,),
        in_specs=[pl.BlockSpec((RN, k), lambda i: (i, 0)),
                  pl.BlockSpec((k, 128), lambda i: (0, 0)),
                  pl.BlockSpec((k, 128), lambda i: (0, 0))],
        out_specs=[pl.BlockSpec((RN, 128), lambda i: (i, 0))] * 2,
        out_shape=[jax.ShapeDtypeStruct((NPP, 128), f32)] * 2,
    )(x8, ws8, wd8)


def _gather_body(p_hbm, q_hbm, srcg, dstg, gs_hbm, gd_hbm,
                 idx_s, idx_d, rows_s, rows_d, sem, sem_os, sem_od):
    wid = lax.axis_index("s") * NC + lax.axis_index("c")
    pltpu.sync_copy(srcg.at[wid], idx_s)
    pltpu.sync_copy(dstg.at[wid], idx_d)

    def group(g, carry):
        goff = wid * EW + g * GRP
        boff = (g % 2) * GRP
        bs = rows_s.at[pl.ds(boff, GRP)]
        bd = rows_d.at[pl.ds(boff, GRP)]

        @pl.when(g >= 2)
        def _():
            prev = wid * EW + (g - 2) * GRP
            pltpu.make_async_copy(bs, gs_hbm.at[pl.ds(prev, GRP)],
                                  sem_os).wait()
            pltpu.make_async_copy(bd, gd_hbm.at[pl.ds(prev, GRP)],
                                  sem_od).wait()

        hs = [pltpu.async_copy(p_hbm.at[idx_s.at[g, k]],
                               bs.at[pl.ds(k * CH, CH)], sem)
              for k in range(KG)]
        hs += [pltpu.async_copy(q_hbm.at[idx_d.at[g, k]],
                                bd.at[pl.ds(k * CH, CH)], sem)
               for k in range(KG)]
        for h in hs:
            h.wait()
        pltpu.async_copy(bs, gs_hbm.at[pl.ds(goff, GRP)], sem_os)
        pltpu.async_copy(bd, gd_hbm.at[pl.ds(goff, GRP)], sem_od)
        return carry

    lax.fori_loop(0, NGRP, group, 0)
    for g in (NGRP - 2, NGRP - 1):
        goff = wid * EW + g * GRP
        boff = (g % 2) * GRP
        pltpu.make_async_copy(rows_s.at[pl.ds(boff, GRP)],
                              gs_hbm.at[pl.ds(goff, GRP)], sem_os).wait()
        pltpu.make_async_copy(rows_d.at[pl.ds(boff, GRP)],
                              gd_hbm.at[pl.ds(goff, GRP)], sem_od).wait()


def _scatter_body(ep_hbm, dstg, zer_hbm, out_hbm, idx_d, rows_v, sem_l,
                  sem_a, shared):
    cid = lax.axis_index("c")
    sid = lax.axis_index("s")
    wid = sid * NC + cid
    pltpu.sync_copy(zer_hbm.at[pl.ds(sid * ROWS_W, ROWS_W)],
                    shared.at[pl.ds(sid * ROWS_W, ROWS_W)])
    pltpu.sync_copy(dstg.at[wid], idx_d)
    plsc.subcore_barrier()
    pltpu.async_copy(ep_hbm.at[pl.ds(wid * EW, GRP)],
                     rows_v.at[pl.ds(0, GRP)], sem_l)

    def group(g, carry):
        goff = wid * EW + g * GRP
        boff = (g % 2) * GRP
        blk = rows_v.at[pl.ds(boff, GRP)]
        pltpu.make_async_copy(ep_hbm.at[pl.ds(goff, GRP)], blk, sem_l).wait()

        @pl.when(g + 1 < NGRP)
        def _():
            nxt = wid * EW + (g + 1) * GRP
            nboff = ((g + 1) % 2) * GRP
            pltpu.async_copy(ep_hbm.at[pl.ds(nxt, GRP)],
                             rows_v.at[pl.ds(nboff, GRP)], sem_l)

        hs = [pltpu.async_copy(blk.at[pl.ds(k * CH, CH)],
                               shared.at[idx_d.at[g, k]], sem_a, add=True)
              for k in range(KG)]
        for h in hs:
            h.wait()
        return carry

    lax.fori_loop(0, NGRP, group, 0)
    plsc.subcore_barrier()
    pltpu.sync_copy(shared.at[pl.ds(sid * ROWS_W, ROWS_W)],
                    out_hbm.at[cid, pl.ds(sid * ROWS_W, ROWS_W)])


@functools.cache
def _sc_kernels():
    mesh = plsc.VectorSubcoreMesh(
        core_axis_name="c", subcore_axis_name="s",
        num_cores=NC, num_subcores=NS)
    gather = pl.kernel(
        _gather_body,
        out_type=[jax.ShapeDtypeStruct((E, 16), f32)] * 2,
        mesh=mesh,
        scratch_types=[pltpu.VMEM((NGRP, KG, CH), jnp.int32),
                       pltpu.VMEM((NGRP, KG, CH), jnp.int32),
                       pltpu.VMEM((2 * GRP, 16), f32),
                       pltpu.VMEM((2 * GRP, 16), f32),
                       pltpu.SemaphoreType.DMA,
                       pltpu.SemaphoreType.DMA,
                       pltpu.SemaphoreType.DMA],
        compiler_params=pltpu.CompilerParams(use_tc_tiling_on_sc=False),
    )
    scatter = pl.kernel(
        _scatter_body,
        out_type=jax.ShapeDtypeStruct((NC, NP, 16), f32),
        mesh=mesh,
        scratch_types=[pltpu.VMEM((NGRP, KG, CH), jnp.int32),
                       pltpu.VMEM((2 * GRP, 16), f32),
                       pltpu.SemaphoreType.DMA,
                       pltpu.SemaphoreType.DMA,
                       pltpu.VMEM_SHARED((NP, 16), f32)],
        compiler_params=pltpu.CompilerParams(use_tc_tiling_on_sc=False),
    )
    return gather, scatter


def _sc_gather(p, q, srcg, dstg):
    return _sc_kernels()[0](p, q, srcg, dstg)


def _sc_scatter(ep, dstg, zer):
    return _sc_kernels()[1](ep, dstg, zer)


def _ones13(shape):
    col = lax.broadcasted_iota(jnp.int32, shape, 1)
    return jnp.where(col % 16 == 13, 1.0, 0.0)


def _edge1_body(ea, gs, gd, u, spread, w1u, b1, w1e8, w28, b28, w38, b38,
                w1e2_8, ep, a2):
    c0 = _sdot(_dot(u[...], w1u[...]) + b1[...], spread[...])
    h = _relu(_dot(ea[...], w1e8[...]) + gs[...] + gd[...] + c0)
    h = _relu(_dot(h, w28[...]) + b28[...])
    e1 = _relu(_dot(h, w38[...]) + b38[...])
    a2[...] = _dot(e1, w1e2_8[...])
    ep[...] = e1 + _ones13((1, 128))


def _edge2_body(a2, gs, gd, u, spread, w1u, b1, w28, b28, w38, b38, ep):
    c0 = _sdot(_dot(u[...], w1u[...]) + b1[...], spread[...])
    h = _relu(a2[...] + gs[...] + gd[...] + c0)
    h = _relu(_dot(h, w28[...]) + b28[...])
    e2 = _relu(_dot(h, w38[...]) + b38[...])
    ep[...] = e2 + _ones13((1, 128))


def _eblk(shape):
    return pl.BlockSpec(shape, lambda i: (i, 0))


def _wblk(shape):
    return pl.BlockSpec(shape, lambda i: (0, 0))


def _edge_mlp1(ea8, gs8, gd8, u, spread, weights):
    w1u, b1, w1e8, w28, b28, w38, b38, w1e2_8 = weights
    return pl.pallas_call(
        _edge1_body,
        grid=(EP // RE,),
        in_specs=[_eblk((RE, 128))] * 3
        + [_wblk((1, 32)), _wblk((16, 128)), _wblk((32, 16)), _wblk((1, 16)),
           _wblk((128, 128)), _wblk((128, 128)), _wblk((1, 128)),
           _wblk((128, 128)), _wblk((1, 128)), _wblk((128, 128))],
        out_specs=[_eblk((RE, 128))] * 2,
        out_shape=[jax.ShapeDtypeStruct((EP, 128), f32)] * 2,
    )(ea8, gs8, gd8, u, spread, w1u, b1, w1e8, w28, b28, w38, b38, w1e2_8)


def _edge_mlp2(a28, gs8, gd8, u, spread, weights):
    w1u, b1, w28, b28, w38, b38 = weights
    return pl.pallas_call(
        _edge2_body,
        grid=(EP // RE,),
        in_specs=[_eblk((RE, 128))] * 3
        + [_wblk((1, 32)), _wblk((16, 128)), _wblk((32, 16)), _wblk((1, 16)),
           _wblk((128, 128)), _wblk((1, 128)), _wblk((128, 128)),
           _wblk((1, 128))],
        out_specs=_eblk((RE, 128)),
        out_shape=jax.ShapeDtypeStruct((EP, 128), f32),
    )(a28, gs8, gd8, u, spread, w1u, b1, w28, b28, w38, b38)


def _node_mlp_body(has_proj, s, x8, u, spread, grpt, pick13, fold,
                   wv1a8, wv1x8, wv1u, bv1, wv28, bv28, wv38, bv38,
                   ws8, wd8, wu1e, wu1v, wu1u, bu1, wu2, bu2, wu3, bu3,
                   *outs):
    if has_proj:
        x1_o, p2_o, q2_o, u1_o, vsum, esum = outs
    else:
        x1_o, u1_o, vsum, esum = outs
    i = pl.program_id(0)
    sums = s[0] + s[1]
    c8 = jnp.maximum(_sdot(sums, pick13[...]), 1.0)
    agg = sums / _sdot(c8, grpt[...])
    uv = _sdot(_dot(u[...], wv1u[...]) + bv1[...], spread[...])
    hv = _relu(_dot(agg, wv1a8[...]) + _dot(x8[...], wv1x8[...]) + uv)
    hv = _relu(_dot(hv, wv28[...]) + bv28[...])
    x1 = _relu(_dot(hv, wv38[...]) + bv38[...])
    pr = lax.broadcasted_iota(jnp.int32, (RN, 128), 0) + i * RN
    x1 = jnp.where(pr < NVAL, x1, 0.0)
    x1_o[...] = x1
    if has_proj:
        p2_o[...] = _dot(x1, ws8[...])
        q2_o[...] = _dot(x1, wd8[...])

    @pl.when(i == 0)
    def _():
        vsum[...] = jnp.zeros_like(vsum)
        esum[...] = jnp.zeros_like(esum)

    vsum[...] += jnp.sum(x1, axis=0, keepdims=True)
    esum[...] += jnp.sum(sums, axis=0, keepdims=True)

    @pl.when(i == pl.num_programs(0) - 1)
    def _():
        e_mean = _sdot(esum[...], fold[...]) / float(E)
        v_mean = _sdot(vsum[...], fold[...]) / float(N)
        hu = _relu(_dot(e_mean, wu1e[...]) + _dot(v_mean, wu1v[...])
                   + _dot(u[...], wu1u[...]) + bu1[...])
        hu = _relu(_dot(hu, wu2[...]) + bu2[...])
        u1_o[...] = _relu(_dot(hu, wu3[...]) + bu3[...])


def _node_mlp(s8, x8, u, consts, weights, has_proj):
    spread, grp, grpt, fold, pick13 = consts
    kx = x8.shape[1]
    (wv1a8, wv1x8, wv1u, bv1, wv28, bv28, wv38, bv38, ws8, wd8,
     wu1e, wu1v, wu1u, bu1, wu2, bu2, wu3, bu3) = weights
    out_specs = [_eblk((RN, 128))]
    out_shape = [jax.ShapeDtypeStruct((NPP, 128), f32)]
    if has_proj:
        out_specs += [_eblk((RN, 128))] * 2
        out_shape += [jax.ShapeDtypeStruct((NPP, 128), f32)] * 2
    out_specs.append(_wblk((1, 32)))
    out_shape.append(jax.ShapeDtypeStruct((1, 32), f32))
    return pl.pallas_call(
        functools.partial(_node_mlp_body, has_proj),
        grid=(NPP // RN,),
        in_specs=[pl.BlockSpec((NC, RN, 128), lambda i: (0, i, 0)),
                  _eblk((RN, kx)), _wblk((1, 32)), _wblk((16, 128)),
                  _wblk((8, 128)), _wblk((128, 8)), _wblk((128, 16)),
                  _wblk((128, 128)), _wblk((kx, 128)), _wblk((32, 16)),
                  _wblk((1, 16)), _wblk((128, 128)), _wblk((1, 128)),
                  _wblk((128, 128)), _wblk((1, 128)),
                  _wblk((128, 128)), _wblk((128, 128)),
                  _wblk((16, 16)), _wblk((16, 16)), _wblk((32, 16)),
                  _wblk((1, 16)), _wblk((16, 16)), _wblk((1, 16)),
                  _wblk((16, 32)), _wblk((1, 32))],
        out_specs=out_specs,
        out_shape=out_shape,
        scratch_shapes=[pltpu.VMEM((1, 128), f32), pltpu.VMEM((1, 128), f32)],
    )(s8, x8, u, spread, grpt, pick13, fold,
      wv1a8, wv1x8, wv1u, bv1, wv28, bv28, wv38, bv38, ws8, wd8,
      wu1e, wu1v, wu1u, bu1, wu2, bu2, wu3, bu3)


def _s2s_steps(xp, nvalid, wih, whh, b, spread, grp, grpt, fold):
    rows = xp.shape[0]
    pr = lax.broadcasted_iota(jnp.int32, (rows, 8), 0)

    def step(_, carry):
        h, c, qstar = carry
        gates = _dot(qstar, wih) + _dot(h, whh) + b
        ig = jax.nn.sigmoid(gates[:, 0:16])
        fg = jax.nn.sigmoid(gates[:, 16:32])
        gg = jnp.tanh(gates[:, 32:48])
        og = jax.nn.sigmoid(gates[:, 48:64])
        c = fg * c + ig * gg
        h = og * jnp.tanh(c)
        qrep = _sdot(h, spread)
        lg = _sdot(xp * qrep, grp)
        lg = jnp.where(pr < nvalid, lg, -1e30)
        m = jnp.max(lg)
        a = jnp.exp(lg - m)
        arep = _sdot(a, grpt)
        r128 = jnp.sum(xp * arep, axis=0, keepdims=True)
        r = _sdot(r128, fold) / jnp.sum(a)
        return h, c, jnp.concatenate([h, r], axis=1)

    h0 = jnp.zeros((1, 16), f32)
    q0 = jnp.zeros((1, 32), f32)
    _, _, q = lax.fori_loop(0, 10, step, (h0, h0, q0))
    return q


_S2S_RC = 4000


def _s2s_edge_body(ep, wih_r, whh_r, b_r, spread_r, grp_r, grpt_r, fold_r,
                   out):
    wih, whh, b = wih_r[...], whh_r[...], b_r[...]
    spread, grp, grpt, fold = (spread_r[...], grp_r[...], grpt_r[...],
                               fold_r[...])

    def step(_, carry):
        h, c, qstar = carry
        gates = _dot(qstar, wih) + _dot(h, whh) + b
        ig = jax.nn.sigmoid(gates[:, 0:16])
        fg = jax.nn.sigmoid(gates[:, 16:32])
        gg = jnp.tanh(gates[:, 32:48])
        og = jax.nn.sigmoid(gates[:, 48:64])
        c = fg * c + ig * gg
        h = og * jnp.tanh(c)
        qrep = _sdot(h, spread)

        def chunk(ci, acc):
            m, s, r128 = acc
            blk = ep[pl.ds(ci * _S2S_RC, _S2S_RC), :]
            lg = _sdot(blk * qrep, grp)
            mn = jnp.maximum(m, jnp.max(lg))
            sc = jnp.exp(m - mn)
            a = jnp.exp(lg - mn)
            s = s * sc + jnp.sum(a)
            r128 = r128 * sc + jnp.sum(blk * _sdot(a, grpt), axis=0,
                                       keepdims=True)
            return mn, s, r128

        m0 = jnp.float32(-1e30)
        s0 = jnp.float32(0.0)
        r0 = jnp.zeros((1, 128), f32)
        _, s, r128 = lax.fori_loop(0, EP // _S2S_RC, chunk, (m0, s0, r0))
        r = _sdot(r128, fold) / s
        return h, c, jnp.concatenate([h, r], axis=1)

    h0 = jnp.zeros((1, 16), f32)
    q0 = jnp.zeros((1, 32), f32)
    _, _, q = lax.fori_loop(0, 10, step, (h0, h0, q0))
    out[...] = q


def _s2s_edge(ep8, wih, whh, b, consts):
    spread, grp, grpt, fold, _ = consts
    return pl.pallas_call(
        _s2s_edge_body,
        out_shape=jax.ShapeDtypeStruct((1, 32), f32),
    )(ep8, wih, whh, b, spread, grp, grpt, fold)


def _node2_body(s, x8, u, spread, grp, grpt, pick13, fold,
                wv1a8, wv1x8, wv1u, bv1, wv28, bv28, wv38, bv38,
                wu1e, wu1v, wu1u, bu1, wu2, bu2, wu3, bu3,
                wih, whh, blstm, qe, wo1, bo1, wo2, bo2, wo3, bo3,
                out, x2acc, vsum, esum):
    i = pl.program_id(0)
    sums = s[0] + s[1]
    c8 = jnp.maximum(_sdot(sums, pick13[...]), 1.0)
    agg = sums / _sdot(c8, grpt[...])
    uv = _sdot(_dot(u[...], wv1u[...]) + bv1[...], spread[...])
    hv = _relu(_dot(agg, wv1a8[...]) + _dot(x8[...], wv1x8[...]) + uv)
    hv = _relu(_dot(hv, wv28[...]) + bv28[...])
    x2 = _relu(_dot(hv, wv38[...]) + bv38[...])
    pr = lax.broadcasted_iota(jnp.int32, (RN, 128), 0) + i * RN
    x2 = jnp.where(pr < NVAL, x2, 0.0)
    x2acc[pl.ds(i * RN, RN), :] = x2

    @pl.when(i == 0)
    def _():
        vsum[...] = jnp.zeros_like(vsum)
        esum[...] = jnp.zeros_like(esum)

    vsum[...] += jnp.sum(x2, axis=0, keepdims=True)
    esum[...] += jnp.sum(sums, axis=0, keepdims=True)

    @pl.when(i == pl.num_programs(0) - 1)
    def _():
        e_mean = _sdot(esum[...], fold[...]) / float(E)
        v_mean = _sdot(vsum[...], fold[...]) / float(N)
        hu = _relu(_dot(e_mean, wu1e[...]) + _dot(v_mean, wu1v[...])
                   + _dot(u[...], wu1u[...]) + bu1[...])
        hu = _relu(_dot(hu, wu2[...]) + bu2[...])
        u2 = _relu(_dot(hu, wu3[...]) + bu3[...])
        qn = _s2s_steps(x2acc[...], NVAL, wih[...], whh[...], blstm[...],
                        spread[...], grp[...], grpt[...], fold[...])
        cat = jnp.concatenate([qe[...], qn, u2], axis=1)
        z = _relu(_dot(cat, wo1[...]) + bo1[...])
        z = _relu(_dot(z, wo2[...]) + bo2[...])
        out[...] = _dot(z, wo3[...]) + bo3[...]


def _node2_s2s_readout(s8, x8, u, consts, weights, lstm_w, qe, rweights):
    spread, grp, grpt, fold, pick13 = consts
    (wv1a8, wv1x8, wv1u, bv1, wv28, bv28, wv38, bv38, _ws8, _wd8,
     wu1e, wu1v, wu1u, bu1, wu2, bu2, wu3, bu3) = weights
    wih, whh, blstm = lstm_w
    wo1, bo1, wo2, bo2, wo3, bo3 = rweights
    return pl.pallas_call(
        _node2_body,
        grid=(NPP // RN,),
        in_specs=[pl.BlockSpec((NC, RN, 128), lambda i: (0, i, 0)),
                  _eblk((RN, 128)), _wblk((1, 32)), _wblk((16, 128)),
                  _wblk((128, 8)), _wblk((8, 128)), _wblk((128, 8)),
                  _wblk((128, 16)),
                  _wblk((128, 128)), _wblk((128, 128)), _wblk((32, 16)),
                  _wblk((1, 16)), _wblk((128, 128)), _wblk((1, 128)),
                  _wblk((128, 128)), _wblk((1, 128)),
                  _wblk((16, 16)), _wblk((16, 16)), _wblk((32, 16)),
                  _wblk((1, 16)), _wblk((16, 16)), _wblk((1, 16)),
                  _wblk((16, 32)), _wblk((1, 32)),
                  _wblk((32, 64)), _wblk((16, 64)), _wblk((1, 64)),
                  _wblk((1, 32)), _wblk((96, 32)), _wblk((1, 32)),
                  _wblk((32, 16)), _wblk((1, 16)), _wblk((16, 8)),
                  _wblk((1, 8))],
        out_specs=_wblk((1, 8)),
        out_shape=jax.ShapeDtypeStruct((1, 8), f32),
        scratch_shapes=[pltpu.VMEM((NPP, 128), f32),
                        pltpu.VMEM((1, 128), f32), pltpu.VMEM((1, 128), f32)],
    )(s8, x8, u, spread, grp, grpt, pick13, fold,
      wv1a8, wv1x8, wv1u, bv1, wv28, bv28, wv38, bv38,
      wu1e, wu1v, wu1u, bu1, wu2, bu2, wu3, bu3,
      wih, whh, blstm, qe, wo1, bo1, wo2, bo2, wo3, bo3)


def kernel(x, edge_index, edge_attr, global_state, node_batch, edge_batch,
           params):
    del node_batch, edge_batch
    srcg = edge_index[0].astype(jnp.int32).reshape(NW, NGRP, KG, CH)
    dstg = edge_index[1].astype(jnp.int32).reshape(NW, NGRP, KG, CH)
    zeros_n = jnp.zeros((NP, 16), f32)
    u0 = _pad2(global_state, 1, 32)
    consts = (_spread_const(), _grp_const(), _grp_const().T,
              _fold_const(), _pick13_const())

    x8 = x.reshape(NVAL, 8 * 128)
    ea8 = edge_attr.reshape(EP, 128)

    b1p, b2p = params["block1"], params["block2"]
    (w1_1, bb1_1), (w2_1, bb2_1), (w3_1, bb3_1) = b1p["phi_e"]
    (w1_2, bb1_2), (w2_2, bb2_2), (w3_2, bb3_2) = b2p["phi_e"]

    ws1_8 = _kron8(_pad2(w1_1[16:144], 128, 16))
    wd1_8 = _kron8(_pad2(w1_1[144:272], 128, 16))
    e1_weights = (_pad2(w1_1[272:304], 32, 16), _padrow(bb1_1, 16),
                  _kron8(_pad2(w1_1[0:16], 16, 16)),
                  _kron8(_pad2(w2_1, 16, 16)), _tile8(_padrow(bb2_1, 16)),
                  _kron8(_pad2(w3_1, 16, 16)), _tile8(_padrow(bb3_1, 16)),
                  _kron8(_pad2(w1_2[0:13], 16, 16)))
    ws2_8 = _kron8(_pad2(w1_2[13:29], 16, 16))
    wd2_8 = _kron8(_pad2(w1_2[29:45], 16, 16))
    e2_weights = (_pad2(w1_2[45:62], 32, 16), _padrow(bb1_2, 16),
                  _kron8(_pad2(w2_2, 16, 16)), _tile8(_padrow(bb2_2, 16)),
                  _kron8(_pad2(w3_2, 16, 16)), _tile8(_padrow(bb3_2, 16)))

    def node_weights(bp, dx, du, ws8, wd8):
        (wv1, bv1), (wv2, bv2), (wv3, bv3) = bp["phi_v"]
        (wu1, bu1), (wu2, bu2), (wu3, bu3) = bp["phi_u"]
        return (_kron8(_pad2(wv1[0:13], 16, 16)),
                _kron8(_pad2(wv1[13:13 + dx], dx, 16)),
                _pad2(wv1[13 + dx:13 + dx + du], 32, 16), _padrow(bv1, 16),
                _kron8(_pad2(wv2, 16, 16)), _tile8(_padrow(bv2, 16)),
                _kron8(_pad2(wv3, 16, 16)), _tile8(_padrow(bv3, 16)),
                ws8, wd8,
                _pad2(wu1[0:13], 16, 16), _pad2(wu1[13:29], 16, 16),
                _pad2(wu1[29:29 + du], 32, 16), _padrow(bu1, 16),
                _pad2(wu2, 16, 16), _padrow(bu2, 16),
                _pad2(wu3, 16, 32), _padrow(bu3, 32))

    nw1 = node_weights(b1p, 128, 32, ws2_8, wd2_8)
    zz = jnp.zeros((128, 128), f32)
    nw2 = node_weights(b2p, 16, 17, zz, zz)

    p1, q1 = _proj(x8, ws1_8, wd1_8)
    gs1, gd1 = _sc_gather(p1.reshape(NP, 16), q1.reshape(NP, 16), srcg, dstg)
    ep1, a2 = _edge_mlp1(ea8, gs1.reshape(EP, 128), gd1.reshape(EP, 128),
                         u0, consts[0], e1_weights)
    s1 = _sc_scatter(ep1.reshape(E, 16), dstg, zeros_n)
    x1, p2, q2, u1 = _node_mlp(s1.reshape(NC, NPP, 128), x8, u0, consts,
                               nw1, has_proj=True)

    gs2, gd2 = _sc_gather(p2.reshape(NP, 16), q2.reshape(NP, 16), srcg, dstg)
    ep2 = _edge_mlp2(a2, gs2.reshape(EP, 128), gd2.reshape(EP, 128),
                     u1, consts[0], e2_weights)
    s2 = _sc_scatter(ep2.reshape(E, 16), dstg, zeros_n)

    wih_e, whh_e, b_e = _lstm_pad(params["s2s_edge"], 13)
    wih_n, whh_n, b_n = _lstm_pad(params["s2s_node"], 16)
    (wo1, bo1), (wo2, bo2), (wo3, bo3) = params["out"]
    wo1p = jnp.zeros((96, 32), f32)
    wo1p = wo1p.at[0:13].set(wo1[0:13])
    wo1p = wo1p.at[16:29].set(wo1[13:26])
    wo1p = wo1p.at[32:64].set(wo1[26:58])
    wo1p = wo1p.at[64:81].set(wo1[58:75])
    rweights = (wo1p, _padrow(bo1, 32), wo2, _padrow(bo2, 16),
                _pad2(wo3, 16, 8), _padrow(bo3, 8))
    qe = _s2s_edge(ep2, wih_e, whh_e, b_e, consts)
    out = _node2_s2s_readout(s2.reshape(NC, NPP, 128), x1, u1, consts, nw2,
                             (wih_n, whh_n, b_n), qe, rweights)
    return out[:, :1]

# --- scband reference (transcript-rebuilt; emitter-appended) ---
"""Pipeline reference for scband-megnet-58643483459995 (READ-ONLY COPY).

The authoritative reference and input builder live on the scoring server;
editing this copy changes nothing except your own understanding.
"""

import jax, jax.numpy as jnp
import numpy as np

N_NODES = 10000
N_EDGES = 320000
D_V = 128
D_E = 16
D_U = 32
N_GRAPHS = 1
STEPS = 10


def _mlp_init(key, dims):
    params = []
    for i in range(len(dims) - 1):
        key, k1 = jax.random.split(key)
        W = jax.random.normal(k1, (dims[i], dims[i + 1]), jnp.float32) / np.sqrt(dims[i])
        b = jnp.zeros((dims[i + 1],), jnp.float32)
        params.append((W, b))
    return params


def _lstm_init(key, d):
    k1, k2 = jax.random.split(key)
    return {
        "W_ih": jax.random.normal(k1, (2 * d, 4 * d), jnp.float32) * 0.1,
        "W_hh": jax.random.normal(k2, (d, 4 * d), jnp.float32) * 0.1,
        "b": jnp.zeros((4 * d,), jnp.float32),
    }


def _mlp_apply(params, x):
    for (W, b) in params:
        x = jax.nn.relu(x @ W + b)
    return x


def _out_apply(params, x):
    for (W, b) in params[:-1]:
        x = jax.nn.relu(x @ W + b)
    W, b = params[-1]
    return x @ W + b


def _mean_segment(vals, ids, num_segments):
    s = jax.ops.segment_sum(vals, ids, num_segments=num_segments)
    c = jax.ops.segment_sum(jnp.ones((vals.shape[0], 1), vals.dtype), ids, num_segments=num_segments)
    return s / jnp.maximum(c, 1.0)


def _block_apply(p, x, e, u, src, dst, node_batch, edge_batch):
    e_in = jnp.concatenate([e, x[src], x[dst], u[edge_batch]], axis=1)
    e_new = _mlp_apply(p["phi_e"], e_in)
    agg = _mean_segment(e_new, dst, N_NODES)
    v_in = jnp.concatenate([agg, x, u[node_batch]], axis=1)
    x_new = _mlp_apply(p["phi_v"], v_in)
    e_mean = _mean_segment(e_new, edge_batch, N_GRAPHS)
    v_mean = _mean_segment(x_new, node_batch, N_GRAPHS)
    u_in = jnp.concatenate([e_mean, v_mean, u], axis=1)
    u_new = _mlp_apply(p["phi_u"], u_in)
    return x_new, e_new, u_new


def _set2set(p, x, batch, num_graphs, steps):
    d = x.shape[1]
    q_star = jnp.zeros((num_graphs, 2 * d), x.dtype)
    h = jnp.zeros((num_graphs, d), x.dtype)
    c = jnp.zeros((num_graphs, d), x.dtype)
    for _ in range(steps):
        gates = q_star @ p["W_ih"] + h @ p["W_hh"] + p["b"]
        i, f, g, o = jnp.split(gates, 4, axis=1)
        i = jax.nn.sigmoid(i)
        f = jax.nn.sigmoid(f)
        g = jnp.tanh(g)
        o = jax.nn.sigmoid(o)
        c = f * c + i * g
        h = o * jnp.tanh(c)
        q = h
        e = jnp.sum(x * q[batch], axis=1)
        e = e - jax.ops.segment_max(e, batch, num_segments=num_graphs)[batch]
        a = jnp.exp(e)
        a = a / jax.ops.segment_sum(a, batch, num_segments=num_graphs)[batch]
        r = jax.ops.segment_sum(a[:, None] * x, batch, num_segments=num_graphs)
        q_star = jnp.concatenate([q, r], axis=1)
    return q_star


def setup_inputs(seed: int = 0):
    key = jax.random.key(seed)
    ks = jax.random.split(key, 12)
    x = jax.random.normal(ks[0], (N_NODES, D_V), jnp.float32)
    edge_index = jax.random.randint(ks[1], (2, N_EDGES), 0, N_NODES)
    edge_attr = jax.random.normal(ks[2], (N_EDGES, D_E), jnp.float32)
    global_state = jnp.zeros((N_GRAPHS, D_U), jnp.float32)
    node_batch = jnp.zeros((N_NODES,), jnp.int32)
    edge_batch = jnp.zeros((N_EDGES,), jnp.int32)
    params = {
        "block1": {
            "phi_e": _mlp_init(ks[3], [D_E + 2 * D_V + D_U, 10, 12, 13]),
            "phi_v": _mlp_init(ks[4], [13 + D_V + D_U, 10, 14, 16]),
            "phi_u": _mlp_init(ks[5], [13 + 16 + D_U, 10, 15, 17]),
        },
        "block2": {
            "phi_e": _mlp_init(ks[6], [13 + 2 * 16 + 17, 10, 12, 13]),
            "phi_v": _mlp_init(ks[7], [13 + 16 + 17, 10, 14, 16]),
            "phi_u": _mlp_init(ks[8], [13 + 16 + 17, 10, 15, 17]),
        },
        "s2s_edge": _lstm_init(ks[9], 13),
        "s2s_node": _lstm_init(ks[10], 16),
        "out": _mlp_init(ks[11], [2 * 13 + 2 * 16 + 17, 32, 16, 1]),
    }
    return {
        "x": x,
        "edge_index": edge_index,
        "edge_attr": edge_attr,
        "global_state": global_state,
        "node_batch": node_batch,
        "edge_batch": edge_batch,
        "params": params,
    }


def reference(x, edge_index, edge_attr, global_state, node_batch, edge_batch, params):
    src = edge_index[0]
    dst = edge_index[1]
    x1, e1, u1 = _block_apply(params["block1"], x, edge_attr, global_state, src, dst, node_batch, edge_batch)
    x2, e2, u2 = _block_apply(params["block2"], x1, e1, u1, src, dst, node_batch, edge_batch)
    edge_res = _set2set(params["s2s_edge"], e2, edge_batch, N_GRAPHS, STEPS)
    node_res = _set2set(params["s2s_node"], x2, node_batch, N_GRAPHS, STEPS)
    cat = jnp.concatenate([edge_res, node_res, u2], axis=1)
    return _out_apply(params["out"], cat)

if __name__ == "__main__":
    import jax
    _d = setup_inputs()
    print(jax.jit(kernel)(*tuple(_d.values())))

</pallas_src>

<mosaic_0001>
#map = affine_map<(d0, d1) -> (0, 0)>
#map1 = affine_map<(d0, d1) -> (0, 0, 0, 0)>
#map2 = affine_map<(d0, d1) -> (0, 0, 0)>
module attributes {stable_mosaic.version = 14 : i64} {
  func.func @_scatter_body(%arg0: i32, %arg1: i32, %arg2: memref<320000x16xf32, #tpu.memory_space<hbm>>, %arg3: memref<32x25x5x80xi32, #tpu.memory_space<hbm>>, %arg4: memref<10240x16xf32, #tpu.memory_space<hbm>>, %arg5: memref<2x10240x16xf32, #tpu.memory_space<hbm>>, %arg6: memref<25x5x80xi32, #tpu.memory_space<vmem>>, %arg7: memref<800x16xf32, #tpu.memory_space<vmem>>, %arg8: memref<!tpu.dma_semaphore, #tpu.memory_space<semaphore_mem>>, %arg9: memref<!tpu.dma_semaphore, #tpu.memory_space<semaphore_mem>>, %arg10: memref<10240x16xf32, #tpu.memory_space<vmem_shared>>) attributes {dimension_semantics = [#tpu.dimension_semantics<core_parallel>, #tpu.dimension_semantics<subcore_parallel>], iteration_bounds = array<i64: 2, 16>, scalar_prefetch = 0 : i64, scratch_operands = 5 : i64, tpu.core_type = #tpu.core_type<sc_vector_subcore>, window_params = [{transform_indices = #map}, {transform_indices = #map1}, {transform_indices = #map}, {transform_indices = #map2}]} {
    %mul3A = arith.constant 2 : i32
    %mul3A_0 = arith.muli %arg1, %mul3A : i32
    %add3A = arith.addi %mul3A_0, %arg0 : i32
    %mul3A_1 = arith.constant 640 : i32
    %mul3A_2 = arith.muli %arg1, %mul3A_1 : i32
    %mul3A_3 = arith.constant 640 : i32
    %mul3A_4 = arith.muli %arg1, %mul3A_3 : i32
    "tpu.region"() ({
      %run_scoped3A = tpu.sem_alloc : memref<!tpu.dma_semaphore, #tpu.memory_space<semaphore_mem>>
      %dma_start3A_26 = arith.constant 0 : i32
      %dma_start3A_27 = tpu.memref_slice %arg10[%mul3A_4, %dma_start3A_26] : memref<10240x16xf32, #tpu.memory_space<vmem_shared>> -> memref<640x16xf32, #tpu.memory_space<vmem_shared>>
      %dma_start3A_28 = arith.constant 0 : i32
      %dma_start3A_29 = tpu.memref_slice %arg4[%mul3A_2, %dma_start3A_28] : memref<10240x16xf32, #tpu.memory_space<hbm>> -> memref<640x16xf32, #tpu.memory_space<hbm>>
      tpu.enqueue_dma source(%dma_start3A_29 : memref<640x16xf32, #tpu.memory_space<hbm>>) target(%dma_start3A_27 : memref<640x16xf32, #tpu.memory_space<vmem_shared>>) target_semaphore(%run_scoped3A : memref<!tpu.dma_semaphore, #tpu.memory_space<semaphore_mem>>)
      %dma_wait3A = arith.constant 0 : i32
      %dma_wait3A_30 = tpu.memref_slice %arg10[%mul3A_4, %dma_wait3A] : memref<10240x16xf32, #tpu.memory_space<vmem_shared>> -> memref<640x16xf32, #tpu.memory_space<vmem_shared>>
      %dma_wait3A_31 = arith.constant 0 : i32
      %dma_wait3A_32 = tpu.memref_slice %arg4[%mul3A_2, %dma_wait3A_31] : memref<10240x16xf32, #tpu.memory_space<hbm>> -> memref<640x16xf32, #tpu.memory_space<hbm>>
      tpu.wait_dma2 semaphore(%run_scoped3A : memref<!tpu.dma_semaphore, #tpu.memory_space<semaphore_mem>>) src(%dma_wait3A_32 : memref<640x16xf32, #tpu.memory_space<hbm>>) dst(%dma_wait3A_30 : memref<640x16xf32, #tpu.memory_space<vmem_shared>>)
      tpu.yield
    }) : () -> ()
    "tpu.region"() ({
      %run_scoped3A = tpu.sem_alloc : memref<!tpu.dma_semaphore, #tpu.memory_space<semaphore_mem>>
      %dma_start3A_26 = arith.constant 0 : i32
      %dma_start3A_27 = arith.constant 0 : i32
      %dma_start3A_28 = arith.constant 0 : i32
      %dma_start3A_29 = tpu.memref_slice %arg3[%add3A, %dma_start3A_26, %dma_start3A_27, %dma_start3A_28] : memref<32x25x5x80xi32, #tpu.memory_space<hbm>> -> memref<1x25x5x80xi32, #tpu.memory_space<hbm>>
      %dma_start3A_30 = tpu.memref_squeeze %dma_start3A_29 : memref<1x25x5x80xi32, #tpu.memory_space<hbm>> -> memref<25x5x80xi32, #tpu.memory_space<hbm>>
      %dma_start3A_31 = arith.constant 0 : i32
      %dma_start3A_32 = arith.constant 0 : i32
      %dma_start3A_33 = arith.constant 0 : i32
      %dma_start3A_34 = tpu.memref_slice %arg3[%add3A, %dma_start3A_31, %dma_start3A_32, %dma_start3A_33] : memref<32x25x5x80xi32, #tpu.memory_space<hbm>> -> memref<1x25x5x80xi32, #tpu.memory_space<hbm>>
      %dma_start3A_35 = tpu.memref_squeeze %dma_start3A_34 : memref<1x25x5x80xi32, #tpu.memory_space<hbm>> -> memref<25x5x80xi32, #tpu.memory_space<hbm>>
      tpu.enqueue_dma source(%dma_start3A_35 : memref<25x5x80xi32, #tpu.memory_space<hbm>>) target(%arg6 : memref<25x5x80xi32, #tpu.memory_space<vmem>>) target_semaphore(%run_scoped3A : memref<!tpu.dma_semaphore, #tpu.memory_space<semaphore_mem>>)
      %dma_wait3A = arith.constant 0 : i32
      %dma_wait3A_36 = arith.constant 0 : i32
      %dma_wait3A_37 = arith.constant 0 : i32
      %dma_wait3A_38 = tpu.memref_slice %arg3[%add3A, %dma_wait3A, %dma_wait3A_36, %dma_wait3A_37] : memref<32x25x5x80xi32, #tpu.memory_space<hbm>> -> memref<1x25x5x80xi32, #tpu.memory_space<hbm>>
      %dma_wait3A_39 = tpu.memref_squeeze %dma_wait3A_38 : memref<1x25x5x80xi32, #tpu.memory_space<hbm>> -> memref<25x5x80xi32, #tpu.memory_space<hbm>>
      %dma_wait3A_40 = arith.constant 0 : i32
      %dma_wait3A_41 = arith.constant 0 : i32
      %dma_wait3A_42 = arith.constant 0 : i32
      %dma_wait3A_43 = tpu.memref_slice %arg3[%add3A, %dma_wait3A_40, %dma_wait3A_41, %dma_wait3A_42] : memref<32x25x5x80xi32, #tpu.memory_space<hbm>> -> memref<1x25x5x80xi32, #tpu.memory_space<hbm>>
      %dma_wait3A_44 = tpu.memref_squeeze %dma_wait3A_43 : memref<1x25x5x80xi32, #tpu.memory_space<hbm>> -> memref<25x5x80xi32, #tpu.memory_space<hbm>>
      tpu.wait_dma2 semaphore(%run_scoped3A : memref<!tpu.dma_semaphore, #tpu.memory_space<semaphore_mem>>) src(%dma_wait3A_44 : memref<25x5x80xi32, #tpu.memory_space<hbm>>) dst(%arg6 : memref<25x5x80xi32, #tpu.memory_space<vmem>>)
      tpu.yield
    }) : () -> ()
    %barrier3A = arith.constant 0 : index
    tpu.barrier barrier_id(%barrier3A)
    %mul3A_5 = arith.constant 10000 : i32
    %mul3A_6 = arith.muli %add3A, %mul3A_5 : i32
    %dma_start3A = arith.constant 0 : i32
    %dma_start3A_7 = arith.constant 0 : i32
    %dma_start3A_8 = tpu.memref_slice %arg7[%dma_start3A, %dma_start3A_7] : memref<800x16xf32, #tpu.memory_space<vmem>> -> memref<400x16xf32, #tpu.memory_space<vmem>>
    %dma_start3A_9 = arith.constant 0 : i32
    %dma_start3A_10 = tpu.memref_slice %arg2[%mul3A_6, %dma_start3A_9] : memref<320000x16xf32, #tpu.memory_space<hbm>> -> memref<400x16xf32, #tpu.memory_space<hbm>>
    %dma_start3A_11 = arith.constant 0 : i32
    %dma_start3A_12 = arith.constant 0 : i32
    %dma_start3A_13 = tpu.memref_slice %arg7[%dma_start3A_11, %dma_start3A_12] : memref<800x16xf32, #tpu.memory_space<vmem>> -> memref<400x16xf32, #tpu.memory_space<vmem>>
    %dma_start3A_14 = arith.constant 0 : i32
    %dma_start3A_15 = tpu.memref_slice %arg2[%mul3A_6, %dma_start3A_14] : memref<320000x16xf32, #tpu.memory_space<hbm>> -> memref<400x16xf32, #tpu.memory_space<hbm>>
    tpu.enqueue_dma source(%dma_start3A_15 : memref<400x16xf32, #tpu.memory_space<hbm>>) target(%dma_start3A_13 : memref<400x16xf32, #tpu.memory_space<vmem>>) target_semaphore(%arg8 : memref<!tpu.dma_semaphore, #tpu.memory_space<semaphore_mem>>)
    %scan3A = arith.constant 0 : i32
    %scan3A_16 = arith.constant 0 : i32
    %scan3A_17 = arith.constant 25 : i32
    %scan3A_18 = arith.addi %scan3A_16, %scan3A_17 : i32
    %scan3A_19 = arith.constant 1 : i32
    scf.for %scan3A_26 = %scan3A_16 to %scan3A_18 step %scan3A_19  : i32 {
      %mul3A_27 = arith.constant 10000 : i32
      %mul3A_28 = arith.muli %add3A, %mul3A_27 : i32
      %mul3A_29 = arith.constant 400 : i32
      %mul3A_30 = arith.muli %scan3A_26, %mul3A_29 : i32
      %add3A_31 = arith.addi %mul3A_28, %mul3A_30 : i32
      %jit3A = arith.constant 2 : i32
      %eq3A = arith.constant 0 : i32
      %eq3A_32 = arith.cmpi eq, %jit3A, %eq3A : i32
      %jit3A_33 = arith.constant 1 : i32
      %select_n3A = arith.select %eq3A_32, %jit3A_33, %jit3A : i32
      %rem3A = arith.remsi %scan3A_26, %select_n3A : i32
      %ne3A = arith.constant 0 : i32
      %ne3A_34 = arith.cmpi ne, %rem3A, %ne3A : i32
      %lt3A = arith.constant 0 : i32
      %lt3A_35 = arith.cmpi slt, %rem3A, %lt3A : i32
      %lt3A_36 = arith.constant 0 : i32
      %lt3A_37 = arith.cmpi slt, %select_n3A, %lt3A_36 : i32
      %ne3A_38 = arith.xori %lt3A_35, %lt3A_37 : i1
      %and3A = arith.andi %ne3A_38, %ne3A_34 : i1
      %add3A_39 = arith.addi %rem3A, %select_n3A : i32
      %select_n3A_40 = arith.select %and3A, %add3A_39, %rem3A : i32
      %mul3A_41 = arith.constant 400 : i32
      %mul3A_42 = arith.muli %select_n3A_40, %mul3A_41 : i32
      %dma_wait3A = arith.constant 0 : i32
      %dma_wait3A_43 = tpu.memref_slice %arg7[%mul3A_42, %dma_wait3A] : memref<800x16xf32, #tpu.memory_space<vmem>> -> memref<400x16xf32, #tpu.memory_space<vmem>>
      %dma_wait3A_44 = arith.constant 0 : i32
      %dma_wait3A_45 = tpu.memref_slice %arg2[%add3A_31, %dma_wait3A_44] : memref<320000x16xf32, #tpu.memory_space<hbm>> -> memref<400x16xf32, #tpu.memory_space<hbm>>
      %dma_wait3A_46 = arith.constant 0 : i32
      %dma_wait3A_47 = tpu.memref_slice %arg7[%mul3A_42, %dma_wait3A_46] : memref<800x16xf32, #tpu.memory_space<vmem>> -> memref<400x16xf32, #tpu.memory_space<vmem>>
      %dma_wait3A_48 = arith.constant 0 : i32
      %dma_wait3A_49 = tpu.memref_slice %arg2[%add3A_31, %dma_wait3A_48] : memref<320000x16xf32, #tpu.memory_space<hbm>> -> memref<400x16xf32, #tpu.memory_space<hbm>>
      tpu.wait_dma2 semaphore(%arg8 : memref<!tpu.dma_semaphore, #tpu.memory_space<semaphore_mem>>) src(%dma_wait3A_49 : memref<400x16xf32, #tpu.memory_space<hbm>>) dst(%dma_wait3A_47 : memref<400x16xf32, #tpu.memory_space<vmem>>)
      %add3A_50 = arith.constant 1 : i32
      %add3A_51 = arith.addi %scan3A_26, %add3A_50 : i32
      %lt3A_52 = arith.constant 25 : i32
      %lt3A_53 = arith.cmpi slt, %add3A_51, %lt3A_52 : i32
      %convert_element_type3A = arith.extui %lt3A_53 : i1 to i32
      %cond3A = arith.constant 0 : i32
      %cond3A_54 = arith.cmpi ne, %convert_element_type3A, %cond3A : i32
      scf.if %cond3A_54 {
        %mul3A_175 = arith.constant 10000 : i32
        %mul3A_176 = arith.muli %add3A, %mul3A_175 : i32
        %add3A_177 = arith.constant 1 : i32
        %add3A_178 = arith.addi %scan3A_26, %add3A_177 : i32
        %mul3A_179 = arith.constant 400 : i32
        %mul3A_180 = arith.muli %add3A_178, %mul3A_179 : i32
        %add3A_181 = arith.addi %mul3A_176, %mul3A_180 : i32
        %add3A_182 = arith.constant 1 : i32
        %add3A_183 = arith.addi %scan3A_26, %add3A_182 : i32
        %jit3A_184 = arith.constant 2 : i32
        %eq3A_185 = arith.constant 0 : i32
        %eq3A_186 = arith.cmpi eq, %jit3A_184, %eq3A_185 : i32
        %jit3A_187 = arith.constant 1 : i32
        %select_n3A_188 = arith.select %eq3A_186, %jit3A_187, %jit3A_184 : i32
        %rem3A_189 = arith.remsi %add3A_183, %select_n3A_188 : i32
        %ne3A_190 = arith.constant 0 : i32
        %ne3A_191 = arith.cmpi ne, %rem3A_189, %ne3A_190 : i32
        %lt3A_192 = arith.constant 0 : i32
        %lt3A_193 = arith.cmpi slt, %rem3A_189, %lt3A_192 : i32
        %lt3A_194 = arith.constant 0 : i32
        %lt3A_195 = arith.cmpi slt, %select_n3A_188, %lt3A_194 : i32
        %ne3A_196 = arith.xori %lt3A_193, %lt3A_195 : i1
        %and3A_197 = arith.andi %ne3A_196, %ne3A_191 : i1
        %add3A_198 = arith.addi %rem3A_189, %select_n3A_188 : i32
        %select_n3A_199 = arith.select %and3A_197, %add3A_198, %rem3A_189 : i32
        %mul3A_200 = arith.constant 400 : i32
        %mul3A_201 = arith.muli %select_n3A_199, %mul3A_200 : i32
        %dma_start3A_202 = arith.constant 0 : i32
        %dma_start3A_203 = tpu.memref_slice %arg7[%mul3A_201, %dma_start3A_202] : memref<800x16xf32, #tpu.memory_space<vmem>> -> memref<400x16xf32, #tpu.memory_space<vmem>>
        %dma_start3A_204 = arith.constant 0 : i32
        %dma_start3A_205 = tpu.memref_slice %arg2[%add3A_181, %dma_start3A_204] : memref<320000x16xf32, #tpu.memory_space<hbm>> -> memref<400x16xf32, #tpu.memory_space<hbm>>
        %dma_start3A_206 = arith.constant 0 : i32
        %dma_start3A_207 = tpu.memref_slice %arg7[%mul3A_201, %dma_start3A_206] : memref<800x16xf32, #tpu.memory_space<vmem>> -> memref<400x16xf32, #tpu.memory_space<vmem>>
        %dma_start3A_208 = arith.constant 0 : i32
        %dma_start3A_209 = tpu.memref_slice %arg2[%add3A_181, %dma_start3A_208] : memref<320000x16xf32, #tpu.memory_space<hbm>> -> memref<400x16xf32, #tpu.memory_space<hbm>>
        tpu.enqueue_dma source(%dma_start3A_209 : memref<400x16xf32, #tpu.memory_space<hbm>>) target(%dma_start3A_207 : memref<400x16xf32, #tpu.memory_space<vmem>>) target_semaphore(%arg8 : memref<!tpu.dma_semaphore, #tpu.memory_space<semaphore_mem>>)
      } else {
      }
      %dma_start3A_55 = arith.constant 0 : i32
      %dma_start3A_56 = arith.constant 0 : i32
      %dma_start3A_57 = tpu.memref_slice %arg7[%mul3A_42, %dma_start3A_56] : memref<800x16xf32, #tpu.memory_space<vmem>> -> memref<400x16xf32, #tpu.memory_space<vmem>>
      %dma_start3A_58 = arith.constant 0 : i32
      %dma_start3A_59 = arith.constant 0 : i32
      %dma_start3A_60 = tpu.memref_slice %dma_start3A_57[%dma_start3A_58, %dma_start3A_59] : memref<400x16xf32, #tpu.memory_space<vmem>> -> memref<80x16xf32, #tpu.memory_space<vmem>>
      %dma_start3A_61 = arith.constant 0 : i32
      %dma_start3A_62 = tpu.memref_slice %arg6[%scan3A_26, %dma_start3A_55, %dma_start3A_61] : memref<25x5x80xi32, #tpu.memory_space<vmem>> -> memref<1x1x80xi32, #tpu.memory_space<vmem>>
      %dma_start3A_63 = tpu.memref_squeeze %dma_start3A_62 : memref<1x1x80xi32, #tpu.memory_space<vmem>> -> memref<80xi32, #tpu.memory_space<vmem>>
      %dma_start3A_64 = arith.constant 0 : i32
      %dma_start3A_65 = arith.constant 0 : i32
      %dma_start3A_66 = tpu.memref_slice %arg10[%dma_start3A_64, %dma_start3A_65] : memref<10240x16xf32, #tpu.memory_space<vmem_shared>> -> memref<10240x16xf32, #tpu.memory_space<vmem_shared>>
      tpu.enqueue_indirect_dma source(%dma_start3A_60 : memref<80x16xf32, #tpu.memory_space<vmem>>) target(%dma_start3A_66 : memref<10240x16xf32, #tpu.memory_space<vmem_shared>>) offsets(%dma_start3A_63 : memref<80xi32, #tpu.memory_space<vmem>>) semaphore(%arg9 : memref<!tpu.dma_semaphore, #tpu.memory_space<semaphore_mem>>) {add = true}
      %dma_start3A_67 = arith.constant 1 : i32
      %dma_start3A_68 = arith.constant 0 : i32
      %dma_start3A_69 = tpu.memref_slice %arg7[%mul3A_42, %dma_start3A_68] : memref<800x16xf32, #tpu.memory_space<vmem>> -> memref<400x16xf32, #tpu.memory_space<vmem>>
      %dma_start3A_70 = arith.constant 80 : i32
      %dma_start3A_71 = arith.constant 0 : i32
      %dma_start3A_72 = tpu.memref_slice %dma_start3A_69[%dma_start3A_70, %dma_start3A_71] : memref<400x16xf32, #tpu.memory_space<vmem>> -> memref<80x16xf32, #tpu.memory_space<vmem>>
      %dma_start3A_73 = arith.constant 0 : i32
      %dma_start3A_74 = tpu.memref_slice %arg6[%scan3A_26, %dma_start3A_67, %dma_start3A_73] : memref<25x5x80xi32, #tpu.memory_space<vmem>> -> memref<1x1x80xi32, #tpu.memory_space<vmem>>
      %dma_start3A_75 = tpu.memref_squeeze %dma_start3A_74 : memref<1x1x80xi32, #tpu.memory_space<vmem>> -> memref<80xi32, #tpu.memory_space<vmem>>
      %dma_start3A_76 = arith.constant 0 : i32
      %dma_start3A_77 = arith.constant 0 : i32
      %dma_start3A_78 = tpu.memref_slice %arg10[%dma_start3A_76, %dma_start3A_77] : memref<10240x16xf32, #tpu.memory_space<vmem_shared>> -> memref<10240x16xf32, #tpu.memory_space<vmem_shared>>
      tpu.enqueue_indirect_dma source(%dma_start3A_72 : memref<80x16xf32, #tpu.memory_space<vmem>>) target(%dma_start3A_78 : memref<10240x16xf32, #tpu.memory_space<vmem_shared>>) offsets(%dma_start3A_75 : memref<80xi32, #tpu.memory_space<vmem>>) semaphore(%arg9 : memref<!tpu.dma_semaphore, #tpu.memory_space<semaphore_mem>>) {add = true}
      %dma_start3A_79 = arith.constant 2 : i32
      %dma_start3A_80 = arith.constant 0 : i32
      %dma_start3A_81 = tpu.memref_slice %arg7[%mul3A_42, %dma_start3A_80] : memref<800x16xf32, #tpu.memory_space<vmem>> -> memref<400x16xf32, #tpu.memory_space<vmem>>
      %dma_start3A_82 = arith.constant 160 : i32
      %dma_start3A_83 = arith.constant 0 : i32
      %dma_start3A_84 = tpu.memref_slice %dma_start3A_81[%dma_start3A_82, %dma_start3A_83] : memref<400x16xf32, #tpu.memory_space<vmem>> -> memref<80x16xf32, #tpu.memory_space<vmem>>
      %dma_start3A_85 = arith.constant 0 : i32
      %dma_start3A_86 = tpu.memref_slice %arg6[%scan3A_26, %dma_start3A_79, %dma_start3A_85] : memref<25x5x80xi32, #tpu.memory_space<vmem>> -> memref<1x1x80xi32, #tpu.memory_space<vmem>>
      %dma_start3A_87 = tpu.memref_squeeze %dma_start3A_86 : memref<1x1x80xi32, #tpu.memory_space<vmem>> -> memref<80xi32, #tpu.memory_space<vmem>>
      %dma_start3A_88 = arith.constant 0 : i32
      %dma_start3A_89 = arith.constant 0 : i32
      %dma_start3A_90 = tpu.memref_slice %arg10[%dma_start3A_88, %dma_start3A_89] : memref<10240x16xf32, #tpu.memory_space<vmem_shared>> -> memref<10240x16xf32, #tpu.memory_space<vmem_shared>>
      tpu.enqueue_indirect_dma source(%dma_start3A_84 : memref<80x16xf32, #tpu.memory_space<vmem>>) target(%dma_start3A_90 : memref<10240x16xf32, #tpu.memory_space<vmem_shared>>) offsets(%dma_start3A_87 : memref<80xi32, #tpu.memory_space<vmem>>) semaphore(%arg9 : memref<!tpu.dma_semaphore, #tpu.memory_space<semaphore_mem>>) {add = true}
      %dma_start3A_91 = arith.constant 3 : i32
      %dma_start3A_92 = arith.constant 0 : i32
      %dma_start3A_93 = tpu.memref_slice %arg7[%mul3A_42, %dma_start3A_92] : memref<800x16xf32, #tpu.memory_space<vmem>> -> memref<400x16xf32, #tpu.memory_space<vmem>>
      %dma_start3A_94 = arith.constant 240 : i32
      %dma_start3A_95 = arith.constant 0 : i32
      %dma_start3A_96 = tpu.memref_slice %dma_start3A_93[%dma_start3A_94, %dma_start3A_95] : memref<400x16xf32, #tpu.memory_space<vmem>> -> memref<80x16xf32, #tpu.memory_space<vmem>>
      %dma_start3A_97 = arith.constant 0 : i32
      %dma_start3A_98 = tpu.memref_slice %arg6[%scan3A_26, %dma_start3A_91, %dma_start3A_97] : memref<25x5x80xi32, #tpu.memory_space<vmem>> -> memref<1x1x80xi32, #tpu.memory_space<vmem>>
      %dma_start3A_99 = tpu.memref_squeeze %dma_start3A_98 : memref<1x1x80xi32, #tpu.memory_space<vmem>> -> memref<80xi32, #tpu.memory_space<vmem>>
      %dma_start3A_100 = arith.constant 0 : i32
      %dma_start3A_101 = arith.constant 0 : i32
      %dma_start3A_102 = tpu.memref_slice %arg10[%dma_start3A_100, %dma_start3A_101] : memref<10240x16xf32, #tpu.memory_space<vmem_shared>> -> memref<10240x16xf32, #tpu.memory_space<vmem_shared>>
      tpu.enqueue_indirect_dma source(%dma_start3A_96 : memref<80x16xf32, #tpu.memory_space<vmem>>) target(%dma_start3A_102 : memref<10240x16xf32, #tpu.memory_space<vmem_shared>>) offsets(%dma_start3A_99 : memref<80xi32, #tpu.memory_space<vmem>>) semaphore(%arg9 : memref<!tpu.dma_semaphore, #tpu.memory_space<semaphore_mem>>) {add = true}
      %dma_start3A_103 = arith.constant 4 : i32
      %dma_start3A_104 = arith.constant 0 : i32
      %dma_start3A_105 = tpu.memref_slice %arg7[%mul3A_42, %dma_start3A_104] : memref<800x16xf32, #tpu.memory_space<vmem>> -> memref<400x16xf32, #tpu.memory_space<vmem>>
      %dma_start3A_106 = arith.constant 320 : i32
      %dma_start3A_107 = arith.constant 0 : i32
      %dma_start3A_108 = tpu.memref_slice %dma_start3A_105[%dma_start3A_106, %dma_start3A_107] : memref<400x16xf32, #tpu.memory_space<vmem>> -> memref<80x16xf32, #tpu.memory_space<vmem>>
      %dma_start3A_109 = arith.constant 0 : i32
      %dma_start3A_110 = tpu.memref_slice %arg6[%scan3A_26, %dma_start3A_103, %dma_start3A_109] : memref<25x5x80xi32, #tpu.memory_space<vmem>> -> memref<1x1x80xi32, #tpu.memory_space<vmem>>
      %dma_start3A_111 = tpu.memref_squeeze %dma_start3A_110 : memref<1x1x80xi32, #tpu.memory_space<vmem>> -> memref<80xi32, #tpu.memory_space<vmem>>
      %dma_start3A_112 = arith.constant 0 : i32
      %dma_start3A_113 = arith.constant 0 : i32
      %dma_start3A_114 = tpu.memref_slice %arg10[%dma_start3A_112, %dma_start3A_113] : memref<10240x16xf32, #tpu.memory_space<vmem_shared>> -> memref<10240x16xf32, #tpu.memory_space<vmem_shared>>
      tpu.enqueue_indirect_dma source(%dma_start3A_108 : memref<80x16xf32, #tpu.memory_space<vmem>>) target(%dma_start3A_114 : memref<10240x16xf32, #tpu.memory_space<vmem_shared>>) offsets(%dma_start3A_111 : memref<80xi32, #tpu.memory_space<vmem>>) semaphore(%arg9 : memref<!tpu.dma_semaphore, #tpu.memory_space<semaphore_mem>>) {add = true}
      %dma_wait3A_115 = arith.constant 0 : i32
      %dma_wait3A_116 = arith.constant 0 : i32
      %dma_wait3A_117 = tpu.memref_slice %arg7[%mul3A_42, %dma_wait3A_116] : memref<800x16xf32, #tpu.memory_space<vmem>> -> memref<400x16xf32, #tpu.memory_space<vmem>>
      %dma_wait3A_118 = arith.constant 0 : i32
      %dma_wait3A_119 = arith.constant 0 : i32
      %dma_wait3A_120 = tpu.memref_slice %dma_wait3A_117[%dma_wait3A_118, %dma_wait3A_119] : memref<400x16xf32, #tpu.memory_space<vmem>> -> memref<80x16xf32, #tpu.memory_space<vmem>>
      %dma_wait3A_121 = arith.constant 0 : i32
      %dma_wait3A_122 = tpu.memref_slice %arg6[%scan3A_26, %dma_wait3A_115, %dma_wait3A_121] : memref<25x5x80xi32, #tpu.memory_space<vmem>> -> memref<1x1x80xi32, #tpu.memory_space<vmem>>
      %dma_wait3A_123 = tpu.memref_squeeze %dma_wait3A_122 : memref<1x1x80xi32, #tpu.memory_space<vmem>> -> memref<80xi32, #tpu.memory_space<vmem>>
      %dma_wait3A_124 = arith.constant 0 : i32
      %dma_wait3A_125 = arith.constant 0 : i32
      %dma_wait3A_126 = tpu.memref_slice %arg10[%dma_wait3A_124, %dma_wait3A_125] : memref<10240x16xf32, #tpu.memory_space<vmem_shared>> -> memref<10240x16xf32, #tpu.memory_space<vmem_shared>>
      tpu.wait_indirect_dma semaphore(%arg9 : memref<!tpu.dma_semaphore, #tpu.memory_space<semaphore_mem>>) src(%dma_wait3A_120 : memref<80x16xf32, #tpu.memory_space<vmem>>) dst(%dma_wait3A_126 : memref<10240x16xf32, #tpu.memory_space<vmem_shared>>)
      %dma_wait3A_127 = arith.constant 1 : i32
      %dma_wait3A_128 = arith.constant 0 : i32
      %dma_wait3A_129 = tpu.memref_slice %arg7[%mul3A_42, %dma_wait3A_128] : memref<800x16xf32, #tpu.memory_space<vmem>> -> memref<400x16xf32, #tpu.memory_space<vmem>>
      %dma_wait3A_130 = arith.constant 80 : i32
      %dma_wait3A_131 = arith.constant 0 : i32
      %dma_wait3A_132 = tpu.memref_slice %dma_wait3A_129[%dma_wait3A_130, %dma_wait3A_131] : memref<400x16xf32, #tpu.memory_space<vmem>> -> memref<80x16xf32, #tpu.memory_space<vmem>>
      %dma_wait3A_133 = arith.constant 0 : i32
      %dma_wait3A_134 = tpu.memref_slice %arg6[%scan3A_26, %dma_wait3A_127, %dma_wait3A_133] : memref<25x5x80xi32, #tpu.memory_space<vmem>> -> memref<1x1x80xi32, #tpu.memory_space<vmem>>
      %dma_wait3A_135 = tpu.memref_squeeze %dma_wait3A_134 : memref<1x1x80xi32, #tpu.memory_space<vmem>> -> memref<80xi32, #tpu.memory_space<vmem>>
      %dma_wait3A_136 = arith.constant 0 : i32
      %dma_wait3A_137 = arith.constant 0 : i32
      %dma_wait3A_138 = tpu.memref_slice %arg10[%dma_wait3A_136, %dma_wait3A_137] : memref<10240x16xf32, #tpu.memory_space<vmem_shared>> -> memref<10240x16xf32, #tpu.memory_space<vmem_shared>>
      tpu.wait_indirect_dma semaphore(%arg9 : memref<!tpu.dma_semaphore, #tpu.memory_space<semaphore_mem>>) src(%dma_wait3A_132 : memref<80x16xf32, #tpu.memory_space<vmem>>) dst(%dma_wait3A_138 : memref<10240x16xf32, #tpu.memory_space<vmem_shared>>)
      %dma_wait3A_139 = arith.constant 2 : i32
      %dma_wait3A_140 = arith.constant 0 : i32
      %dma_wait3A_141 = tpu.memref_slice %arg7[%mul3A_42, %dma_wait3A_140] : memref<800x16xf32, #tpu.memory_space<vmem>> -> memref<400x16xf32, #tpu.memory_space<vmem>>
      %dma_wait3A_142 = arith.constant 160 : i32
      %dma_wait3A_143 = arith.constant 0 : i32
      %dma_wait3A_144 = tpu.memref_slice %dma_wait3A_141[%dma_wait3A_142, %dma_wait3A_143] : memref<400x16xf32, #tpu.memory_space<vmem>> -> memref<80x16xf32, #tpu.memory_space<vmem>>
      %dma_wait3A_145 = arith.constant 0 : i32
      %dma_wait3A_146 = tpu.memref_slice %arg6[%scan3A_26, %dma_wait3A_139, %dma_wait3A_145] : memref<25x5x80xi32, #tpu.memory_space<vmem>> -> memref<1x1x80xi32, #tpu.memory_space<vmem>>
      %dma_wait3A_147 = tpu.memref_squeeze %dma_wait3A_146 : memref<1x1x80xi32, #tpu.memory_space<vmem>> -> memref<80xi32, #tpu.memory_space<vmem>>
      %dma_wait3A_148 = arith.constant 0 : i32
      %dma_wait3A_149 = arith.constant 0 : i32
      %dma_wait3A_150 = tpu.memref_slice %arg10[%dma_wait3A_148, %dma_wait3A_149] : memref<10240x16xf32, #tpu.memory_space<vmem_shared>> -> memref<10240x16xf32, #tpu.memory_space<vmem_shared>>
      tpu.wait_indirect_dma semaphore(%arg9 : memref<!tpu.dma_semaphore, #tpu.memory_space<semaphore_mem>>) src(%dma_wait3A_144 : memref<80x16xf32, #tpu.memory_space<vmem>>) dst(%dma_wait3A_150 : memref<10240x16xf32, #tpu.memory_space<vmem_shared>>)
      %dma_wait3A_151 = arith.constant 3 : i32
      %dma_wait3A_152 = arith.constant 0 : i32
      %dma_wait3A_153 = tpu.memref_slice %arg7[%mul3A_42, %dma_wait3A_152] : memref<800x16xf32, #tpu.memory_space<vmem>> -> memref<400x16xf32, #tpu.memory_space<vmem>>
      %dma_wait3A_154 = arith.constant 240 : i32
      %dma_wait3A_155 = arith.constant 0 : i32
      %dma_wait3A_156 = tpu.memref_slice %dma_wait3A_153[%dma_wait3A_154, %dma_wait3A_155] : memref<400x16xf32, #tpu.memory_space<vmem>> -> memref<80x16xf32, #tpu.memory_space<vmem>>
      %dma_wait3A_157 = arith.constant 0 : i32
      %dma_wait3A_158 = tpu.memref_slice %arg6[%scan3A_26, %dma_wait3A_151, %dma_wait3A_157] : memref<25x5x80xi32, #tpu.memory_space<vmem>> -> memref<1x1x80xi32, #tpu.memory_space<vmem>>
      %dma_wait3A_159 = tpu.memref_squeeze %dma_wait3A_158 : memref<1x1x80xi32, #tpu.memory_space<vmem>> -> memref<80xi32, #tpu.memory_space<vmem>>
      %dma_wait3A_160 = arith.constant 0 : i32
      %dma_wait3A_161 = arith.constant 0 : i32
      %dma_wait3A_162 = tpu.memref_slice %arg10[%dma_wait3A_160, %dma_wait3A_161] : memref<10240x16xf32, #tpu.memory_space<vmem_shared>> -> memref<10240x16xf32, #tpu.memory_space<vmem_shared>>
      tpu.wait_indirect_dma semaphore(%arg9 : memref<!tpu.dma_semaphore, #tpu.memory_space<semaphore_mem>>) src(%dma_wait3A_156 : memref<80x16xf32, #tpu.memory_space<vmem>>) dst(%dma_wait3A_162 : memref<10240x16xf32, #tpu.memory_space<vmem_shared>>)
      %dma_wait3A_163 = arith.constant 4 : i32
      %dma_wait3A_164 = arith.constant 0 : i32
      %dma_wait3A_165 = tpu.memref_slice %arg7[%mul3A_42, %dma_wait3A_164] : memref<800x16xf32, #tpu.memory_space<vmem>> -> memref<400x16xf32, #tpu.memory_space<vmem>>
      %dma_wait3A_166 = arith.constant 320 : i32
      %dma_wait3A_167 = arith.constant 0 : i32
      %dma_wait3A_168 = tpu.memref_slice %dma_wait3A_165[%dma_wait3A_166, %dma_wait3A_167] : memref<400x16xf32, #tpu.memory_space<vmem>> -> memref<80x16xf32, #tpu.memory_space<vmem>>
      %dma_wait3A_169 = arith.constant 0 : i32
      %dma_wait3A_170 = tpu.memref_slice %arg6[%scan3A_26, %dma_wait3A_163, %dma_wait3A_169] : memref<25x5x80xi32, #tpu.memory_space<vmem>> -> memref<1x1x80xi32, #tpu.memory_space<vmem>>
      %dma_wait3A_171 = tpu.memref_squeeze %dma_wait3A_170 : memref<1x1x80xi32, #tpu.memory_space<vmem>> -> memref<80xi32, #tpu.memory_space<vmem>>
      %dma_wait3A_172 = arith.constant 0 : i32
      %dma_wait3A_173 = arith.constant 0 : i32
      %dma_wait3A_174 = tpu.memref_slice %arg10[%dma_wait3A_172, %dma_wait3A_173] : memref<10240x16xf32, #tpu.memory_space<vmem_shared>> -> memref<10240x16xf32, #tpu.memory_space<vmem_shared>>
      tpu.wait_indirect_dma semaphore(%arg9 : memref<!tpu.dma_semaphore, #tpu.memory_space<semaphore_mem>>) src(%dma_wait3A_168 : memref<80x16xf32, #tpu.memory_space<vmem>>) dst(%dma_wait3A_174 : memref<10240x16xf32, #tpu.memory_space<vmem_shared>>)
    }
    %scan3A_20 = arith.constant 25 : i32
    %barrier3A_21 = arith.constant 0 : index
    tpu.barrier barrier_id(%barrier3A_21)
    %mul3A_22 = arith.constant 640 : i32
    %mul3A_23 = arith.muli %arg1, %mul3A_22 : i32
    %mul3A_24 = arith.constant 640 : i32
    %mul3A_25 = arith.muli %arg1, %mul3A_24 : i32
    "tpu.region"() ({
      %run_scoped3A = tpu.sem_alloc : memref<!tpu.dma_semaphore, #tpu.memory_space<semaphore_mem>>
      %dma_start3A_26 = arith.constant 0 : i32
      %dma_start3A_27 = tpu.memref_slice %arg5[%arg0, %mul3A_25, %dma_start3A_26] : memref<2x10240x16xf32, #tpu.memory_space<hbm>> -> memref<1x640x16xf32, #tpu.memory_space<hbm>>
      %dma_start3A_28 = tpu.memref_squeeze %dma_start3A_27 : memref<1x640x16xf32, #tpu.memory_space<hbm>> -> memref<640x16xf32, #tpu.memory_space<hbm>>
      %dma_start3A_29 = arith.constant 0 : i32
      %dma_start3A_30 = tpu.memref_slice %arg10[%mul3A_23, %dma_start3A_29] : memref<10240x16xf32, #tpu.memory_space<vmem_shared>> -> memref<640x16xf32, #tpu.memory_space<vmem_shared>>
      tpu.enqueue_dma source(%dma_start3A_30 : memref<640x16xf32, #tpu.memory_space<vmem_shared>>) target(%dma_start3A_28 : memref<640x16xf32, #tpu.memory_space<hbm>>) target_semaphore(%run_scoped3A : memref<!tpu.dma_semaphore, #tpu.memory_space<semaphore_mem>>)
      %dma_wait3A = arith.constant 0 : i32
      %dma_wait3A_31 = tpu.memref_slice %arg5[%arg0, %mul3A_25, %dma_wait3A] : memref<2x10240x16xf32, #tpu.memory_space<hbm>> -> memref<1x640x16xf32, #tpu.memory_space<hbm>>
      %dma_wait3A_32 = tpu.memref_squeeze %dma_wait3A_31 : memref<1x640x16xf32, #tpu.memory_space<hbm>> -> memref<640x16xf32, #tpu.memory_space<hbm>>
      %dma_wait3A_33 = arith.constant 0 : i32
      %dma_wait3A_34 = tpu.memref_slice %arg10[%mul3A_23, %dma_wait3A_33] : memref<10240x16xf32, #tpu.memory_space<vmem_shared>> -> memref<640x16xf32, #tpu.memory_space<vmem_shared>>
      tpu.wait_dma2 semaphore(%run_scoped3A : memref<!tpu.dma_semaphore, #tpu.memory_space<semaphore_mem>>) src(%dma_wait3A_34 : memref<640x16xf32, #tpu.memory_space<vmem_shared>>) dst(%dma_wait3A_32 : memref<640x16xf32, #tpu.memory_space<hbm>>)
      tpu.yield
    }) : () -> ()
    return
  }
}

#map = affine_map<(d0, d1) -> (0, 0)>
#map1 = affine_map<(d0, d1) -> (0, 0, 0, 0)>
module attributes {stable_mosaic.version = 14 : i64} {
  func.func @_gather_body(%arg0: i32, %arg1: i32, %arg2: memref<10240x16xf32, #tpu.memory_space<hbm>>, %arg3: memref<10240x16xf32, #tpu.memory_space<hbm>>, %arg4: memref<32x25x5x80xi32, #tpu.memory_space<hbm>>, %arg5: memref<32x25x5x80xi32, #tpu.memory_space<hbm>>, %arg6: memref<320000x16xf32, #tpu.memory_space<hbm>>, %arg7: memref<320000x16xf32, #tpu.memory_space<hbm>>, %arg8: memref<25x5x80xi32, #tpu.memory_space<vmem>>, %arg9: memref<25x5x80xi32, #tpu.memory_space<vmem>>, %arg10: memref<800x16xf32, #tpu.memory_space<vmem>>, %arg11: memref<800x16xf32, #tpu.memory_space<vmem>>, %arg12: memref<!tpu.dma_semaphore, #tpu.memory_space<semaphore_mem>>, %arg13: memref<!tpu.dma_semaphore, #tpu.memory_space<semaphore_mem>>, %arg14: memref<!tpu.dma_semaphore, #tpu.memory_space<semaphore_mem>>) attributes {dimension_semantics = [#tpu.dimension_semantics<core_parallel>, #tpu.dimension_semantics<subcore_parallel>], iteration_bounds = array<i64: 2, 16>, scalar_prefetch = 0 : i64, scratch_operands = 7 : i64, tpu.core_type = #tpu.core_type<sc_vector_subcore>, window_params = [{transform_indices = #map}, {transform_indices = #map}, {transform_indices = #map1}, {transform_indices = #map1}, {transform_indices = #map}, {transform_indices = #map}]} {
    %mul3A = arith.constant 2 : i32
    %mul3A_0 = arith.muli %arg1, %mul3A : i32
    %add3A = arith.addi %mul3A_0, %arg0 : i32
    "tpu.region"() ({
      %run_scoped3A = tpu.sem_alloc : memref<!tpu.dma_semaphore, #tpu.memory_space<semaphore_mem>>
      %dma_start3A = arith.constant 0 : i32
      %dma_start3A_53 = arith.constant 0 : i32
      %dma_start3A_54 = arith.constant 0 : i32
      %dma_start3A_55 = tpu.memref_slice %arg4[%add3A, %dma_start3A, %dma_start3A_53, %dma_start3A_54] : memref<32x25x5x80xi32, #tpu.memory_space<hbm>> -> memref<1x25x5x80xi32, #tpu.memory_space<hbm>>
      %dma_start3A_56 = tpu.memref_squeeze %dma_start3A_55 : memref<1x25x5x80xi32, #tpu.memory_space<hbm>> -> memref<25x5x80xi32, #tpu.memory_space<hbm>>
      %dma_start3A_57 = arith.constant 0 : i32
      %dma_start3A_58 = arith.constant 0 : i32
      %dma_start3A_59 = arith.constant 0 : i32
      %dma_start3A_60 = tpu.memref_slice %arg4[%add3A, %dma_start3A_57, %dma_start3A_58, %dma_start3A_59] : memref<32x25x5x80xi32, #tpu.memory_space<hbm>> -> memref<1x25x5x80xi32, #tpu.memory_space<hbm>>
      %dma_start3A_61 = tpu.memref_squeeze %dma_start3A_60 : memref<1x25x5x80xi32, #tpu.memory_space<hbm>> -> memref<25x5x80xi32, #tpu.memory_space<hbm>>
      tpu.enqueue_dma source(%dma_start3A_61 : memref<25x5x80xi32, #tpu.memory_space<hbm>>) target(%arg8 : memref<25x5x80xi32, #tpu.memory_space<vmem>>) target_semaphore(%run_scoped3A : memref<!tpu.dma_semaphore, #tpu.memory_space<semaphore_mem>>)
      %dma_wait3A_62 = arith.constant 0 : i32
      %dma_wait3A_63 = arith.constant 0 : i32
      %dma_wait3A_64 = arith.constant 0 : i32
      %dma_wait3A_65 = tpu.memref_slice %arg4[%add3A, %dma_wait3A_62, %dma_wait3A_63, %dma_wait3A_64] : memref<32x25x5x80xi32, #tpu.memory_space<hbm>> -> memref<1x25x5x80xi32, #tpu.memory_space<hbm>>
      %dma_wait3A_66 = tpu.memref_squeeze %dma_wait3A_65 : memref<1x25x5x80xi32, #tpu.memory_space<hbm>> -> memref<25x5x80xi32, #tpu.memory_space<hbm>>
      %dma_wait3A_67 = arith.constant 0 : i32
      %dma_wait3A_68 = arith.constant 0 : i32
      %dma_wait3A_69 = arith.constant 0 : i32
      %dma_wait3A_70 = tpu.memref_slice %arg4[%add3A, %dma_wait3A_67, %dma_wait3A_68, %dma_wait3A_69] : memref<32x25x5x80xi32, #tpu.memory_space<hbm>> -> memref<1x25x5x80xi32, #tpu.memory_space<hbm>>
      %dma_wait3A_71 = tpu.memref_squeeze %dma_wait3A_70 : memref<1x25x5x80xi32, #tpu.memory_space<hbm>> -> memref<25x5x80xi32, #tpu.memory_space<hbm>>
      tpu.wait_dma2 semaphore(%run_scoped3A : memref<!tpu.dma_semaphore, #tpu.memory_space<semaphore_mem>>) src(%dma_wait3A_71 : memref<25x5x80xi32, #tpu.memory_space<hbm>>) dst(%arg8 : memref<25x5x80xi32, #tpu.memory_space<vmem>>)
      tpu.yield
    }) : () -> ()
    "tpu.region"() ({
      %run_scoped3A = tpu.sem_alloc : memref<!tpu.dma_semaphore, #tpu.memory_space<semaphore_mem>>
      %dma_start3A = arith.constant 0 : i32
      %dma_start3A_53 = arith.constant 0 : i32
      %dma_start3A_54 = arith.constant 0 : i32
      %dma_start3A_55 = tpu.memref_slice %arg5[%add3A, %dma_start3A, %dma_start3A_53, %dma_start3A_54] : memref<32x25x5x80xi32, #tpu.memory_space<hbm>> -> memref<1x25x5x80xi32, #tpu.memory_space<hbm>>
      %dma_start3A_56 = tpu.memref_squeeze %dma_start3A_55 : memref<1x25x5x80xi32, #tpu.memory_space<hbm>> -> memref<25x5x80xi32, #tpu.memory_space<hbm>>
      %dma_start3A_57 = arith.constant 0 : i32
      %dma_start3A_58 = arith.constant 0 : i32
      %dma_start3A_59 = arith.constant 0 : i32
      %dma_start3A_60 = tpu.memref_slice %arg5[%add3A, %dma_start3A_57, %dma_start3A_58, %dma_start3A_59] : memref<32x25x5x80xi32, #tpu.memory_space<hbm>> -> memref<1x25x5x80xi32, #tpu.memory_space<hbm>>
      %dma_start3A_61 = tpu.memref_squeeze %dma_start3A_60 : memref<1x25x5x80xi32, #tpu.memory_space<hbm>> -> memref<25x5x80xi32, #tpu.memory_space<hbm>>
      tpu.enqueue_dma source(%dma_start3A_61 : memref<25x5x80xi32, #tpu.memory_space<hbm>>) target(%arg9 : memref<25x5x80xi32, #tpu.memory_space<vmem>>) target_semaphore(%run_scoped3A : memref<!tpu.dma_semaphore, #tpu.memory_space<semaphore_mem>>)
      %dma_wait3A_62 = arith.constant 0 : i32
      %dma_wait3A_63 = arith.constant 0 : i32
      %dma_wait3A_64 = arith.constant 0 : i32
      %dma_wait3A_65 = tpu.memref_slice %arg5[%add3A, %dma_wait3A_62, %dma_wait3A_63, %dma_wait3A_64] : memref<32x25x5x80xi32, #tpu.memory_space<hbm>> -> memref<1x25x5x80xi32, #tpu.memory_space<hbm>>
      %dma_wait3A_66 = tpu.memref_squeeze %dma_wait3A_65 : memref<1x25x5x80xi32, #tpu.memory_space<hbm>> -> memref<25x5x80xi32, #tpu.memory_space<hbm>>
      %dma_wait3A_67 = arith.constant 0 : i32
      %dma_wait3A_68 = arith.constant 0 : i32
      %dma_wait3A_69 = arith.constant 0 : i32
      %dma_wait3A_70 = tpu.memref_slice %arg5[%add3A, %dma_wait3A_67, %dma_wait3A_68, %dma_wait3A_69] : memref<32x25x5x80xi32, #tpu.memory_space<hbm>> -> memref<1x25x5x80xi32, #tpu.memory_space<hbm>>
      %dma_wait3A_71 = tpu.memref_squeeze %dma_wait3A_70 : memref<1x25x5x80xi32, #tpu.memory_space<hbm>> -> memref<25x5x80xi32, #tpu.memory_space<hbm>>
      tpu.wait_dma2 semaphore(%run_scoped3A : memref<!tpu.dma_semaphore, #tpu.memory_space<semaphore_mem>>) src(%dma_wait3A_71 : memref<25x5x80xi32, #tpu.memory_space<hbm>>) dst(%arg9 : memref<25x5x80xi32, #tpu.memory_space<vmem>>)
      tpu.yield
    }) : () -> ()
    %scan3A = arith.constant 0 : i32
    %scan3A_1 = arith.constant 0 : i32
    %scan3A_2 = arith.constant 25 : i32
    %scan3A_3 = arith.addi %scan3A_1, %scan3A_2 : i32
    %scan3A_4 = arith.constant 1 : i32
    scf.for %scan3A_53 = %scan3A_1 to %scan3A_3 step %scan3A_4  : i32 {
      %mul3A_54 = arith.constant 10000 : i32
      %mul3A_55 = arith.muli %add3A, %mul3A_54 : i32
      %mul3A_56 = arith.constant 400 : i32
      %mul3A_57 = arith.muli %scan3A_53, %mul3A_56 : i32
      %add3A_58 = arith.addi %mul3A_55, %mul3A_57 : i32
      %jit3A = arith.constant 2 : i32
      %eq3A = arith.constant 0 : i32
      %eq3A_59 = arith.cmpi eq, %jit3A, %eq3A : i32
      %jit3A_60 = arith.constant 1 : i32
      %select_n3A = arith.select %eq3A_59, %jit3A_60, %jit3A : i32
      %rem3A = arith.remsi %scan3A_53, %select_n3A : i32
      %ne3A = arith.constant 0 : i32
      %ne3A_61 = arith.cmpi ne, %rem3A, %ne3A : i32
      %lt3A = arith.constant 0 : i32
      %lt3A_62 = arith.cmpi slt, %rem3A, %lt3A : i32
      %lt3A_63 = arith.constant 0 : i32
      %lt3A_64 = arith.cmpi slt, %select_n3A, %lt3A_63 : i32
      %ne3A_65 = arith.xori %lt3A_62, %lt3A_64 : i1
      %and3A = arith.andi %ne3A_65, %ne3A_61 : i1
      %add3A_66 = arith.addi %rem3A, %select_n3A : i32
      %select_n3A_67 = arith.select %and3A, %add3A_66, %rem3A : i32
      %mul3A_68 = arith.constant 400 : i32
      %mul3A_69 = arith.muli %select_n3A_67, %mul3A_68 : i32
      %ge3A = arith.constant 2 : i32
      %ge3A_70 = arith.cmpi sge, %scan3A_53, %ge3A : i32
      %convert_element_type3A = arith.extui %ge3A_70 : i1 to i32
      %cond3A = arith.constant 0 : i32
      %cond3A_71 = arith.cmpi ne, %convert_element_type3A, %cond3A : i32
      scf.if %cond3A_71 {
        %mul3A_327 = arith.constant 10000 : i32
        %mul3A_328 = arith.muli %add3A, %mul3A_327 : i32
        %sub3A = arith.constant 2 : i32
        %sub3A_329 = arith.subi %scan3A_53, %sub3A : i32
        %mul3A_330 = arith.constant 400 : i32
        %mul3A_331 = arith.muli %sub3A_329, %mul3A_330 : i32
        %add3A_332 = arith.addi %mul3A_328, %mul3A_331 : i32
        %dma_wait3A_333 = arith.constant 0 : i32
        %dma_wait3A_334 = tpu.memref_slice %arg10[%mul3A_69, %dma_wait3A_333] : memref<800x16xf32, #tpu.memory_space<vmem>> -> memref<400x16xf32, #tpu.memory_space<vmem>>
        %dma_wait3A_335 = arith.constant 0 : i32
        %dma_wait3A_336 = tpu.memref_slice %arg6[%add3A_332, %dma_wait3A_335] : memref<320000x16xf32, #tpu.memory_space<hbm>> -> memref<400x16xf32, #tpu.memory_space<hbm>>
        %dma_wait3A_337 = arith.constant 0 : i32
        %dma_wait3A_338 = tpu.memref_slice %arg6[%add3A_332, %dma_wait3A_337] : memref<320000x16xf32, #tpu.memory_space<hbm>> -> memref<400x16xf32, #tpu.memory_space<hbm>>
        %dma_wait3A_339 = arith.constant 0 : i32
        %dma_wait3A_340 = tpu.memref_slice %arg10[%mul3A_69, %dma_wait3A_339] : memref<800x16xf32, #tpu.memory_space<vmem>> -> memref<400x16xf32, #tpu.memory_space<vmem>>
        tpu.wait_dma2 semaphore(%arg13 : memref<!tpu.dma_semaphore, #tpu.memory_space<semaphore_mem>>) src(%dma_wait3A_340 : memref<400x16xf32, #tpu.memory_space<vmem>>) dst(%dma_wait3A_338 : memref<400x16xf32, #tpu.memory_space<hbm>>)
        %dma_wait3A_341 = arith.constant 0 : i32
        %dma_wait3A_342 = tpu.memref_slice %arg11[%mul3A_69, %dma_wait3A_341] : memref<800x16xf32, #tpu.memory_space<vmem>> -> memref<400x16xf32, #tpu.memory_space<vmem>>
        %dma_wait3A_343 = arith.constant 0 : i32
        %dma_wait3A_344 = tpu.memref_slice %arg7[%add3A_332, %dma_wait3A_343] : memref<320000x16xf32, #tpu.memory_space<hbm>> -> memref<400x16xf32, #tpu.memory_space<hbm>>
        %dma_wait3A_345 = arith.constant 0 : i32
        %dma_wait3A_346 = tpu.memref_slice %arg7[%add3A_332, %dma_wait3A_345] : memref<320000x16xf32, #tpu.memory_space<hbm>> -> memref<400x16xf32, #tpu.memory_space<hbm>>
        %dma_wait3A_347 = arith.constant 0 : i32
        %dma_wait3A_348 = tpu.memref_slice %arg11[%mul3A_69, %dma_wait3A_347] : memref<800x16xf32, #tpu.memory_space<vmem>> -> memref<400x16xf32, #tpu.memory_space<vmem>>
        tpu.wait_dma2 semaphore(%arg14 : memref<!tpu.dma_semaphore, #tpu.memory_space<semaphore_mem>>) src(%dma_wait3A_348 : memref<400x16xf32, #tpu.memory_space<vmem>>) dst(%dma_wait3A_346 : memref<400x16xf32, #tpu.memory_space<hbm>>)
      } else {
      }
      %dma_start3A = arith.constant 0 : i32
      %dma_start3A_72 = arith.constant 0 : i32
      %dma_start3A_73 = tpu.memref_slice %arg10[%mul3A_69, %dma_start3A_72] : memref<800x16xf32, #tpu.memory_space<vmem>> -> memref<400x16xf32, #tpu.memory_space<vmem>>
      %dma_start3A_74 = arith.constant 0 : i32
      %dma_start3A_75 = arith.constant 0 : i32
      %dma_start3A_76 = tpu.memref_slice %dma_start3A_73[%dma_start3A_74, %dma_start3A_75] : memref<400x16xf32, #tpu.memory_space<vmem>> -> memref<80x16xf32, #tpu.memory_space<vmem>>
      %dma_start3A_77 = arith.constant 0 : i32
      %dma_start3A_78 = tpu.memref_slice %arg8[%scan3A_53, %dma_start3A, %dma_start3A_77] : memref<25x5x80xi32, #tpu.memory_space<vmem>> -> memref<1x1x80xi32, #tpu.memory_space<vmem>>
      %dma_start3A_79 = tpu.memref_squeeze %dma_start3A_78 : memref<1x1x80xi32, #tpu.memory_space<vmem>> -> memref<80xi32, #tpu.memory_space<vmem>>
      %dma_start3A_80 = arith.constant 0 : i32
      %dma_start3A_81 = arith.constant 0 : i32
      %dma_start3A_82 = tpu.memref_slice %arg2[%dma_start3A_80, %dma_start3A_81] : memref<10240x16xf32, #tpu.memory_space<hbm>> -> memref<10240x16xf32, #tpu.memory_space<hbm>>
      tpu.enqueue_indirect_dma source(%dma_start3A_82 : memref<10240x16xf32, #tpu.memory_space<hbm>>) target(%dma_start3A_76 : memref<80x16xf32, #tpu.memory_space<vmem>>) offsets(%dma_start3A_79 : memref<80xi32, #tpu.memory_space<vmem>>) semaphore(%arg12 : memref<!tpu.dma_semaphore, #tpu.memory_space<semaphore_mem>>)
      %dma_start3A_83 = arith.constant 1 : i32
      %dma_start3A_84 = arith.constant 0 : i32
      %dma_start3A_85 = tpu.memref_slice %arg10[%mul3A_69, %dma_start3A_84] : memref<800x16xf32, #tpu.memory_space<vmem>> -> memref<400x16xf32, #tpu.memory_space<vmem>>
      %dma_start3A_86 = arith.constant 80 : i32
      %dma_start3A_87 = arith.constant 0 : i32
      %dma_start3A_88 = tpu.memref_slice %dma_start3A_85[%dma_start3A_86, %dma_start3A_87] : memref<400x16xf32, #tpu.memory_space<vmem>> -> memref<80x16xf32, #tpu.memory_space<vmem>>
      %dma_start3A_89 = arith.constant 0 : i32
      %dma_start3A_90 = tpu.memref_slice %arg8[%scan3A_53, %dma_start3A_83, %dma_start3A_89] : memref<25x5x80xi32, #tpu.memory_space<vmem>> -> memref<1x1x80xi32, #tpu.memory_space<vmem>>
      %dma_start3A_91 = tpu.memref_squeeze %dma_start3A_90 : memref<1x1x80xi32, #tpu.memory_space<vmem>> -> memref<80xi32, #tpu.memory_space<vmem>>
      %dma_start3A_92 = arith.constant 0 : i32
      %dma_start3A_93 = arith.constant 0 : i32
      %dma_start3A_94 = tpu.memref_slice %arg2[%dma_start3A_92, %dma_start3A_93] : memref<10240x16xf32, #tpu.memory_space<hbm>> -> memref<10240x16xf32, #tpu.memory_space<hbm>>
      tpu.enqueue_indirect_dma source(%dma_start3A_94 : memref<10240x16xf32, #tpu.memory_space<hbm>>) target(%dma_start3A_88 : memref<80x16xf32, #tpu.memory_space<vmem>>) offsets(%dma_start3A_91 : memref<80xi32, #tpu.memory_space<vmem>>) semaphore(%arg12 : memref<!tpu.dma_semaphore, #tpu.memory_space<semaphore_mem>>)
      %dma_start3A_95 = arith.constant 2 : i32
      %dma_start3A_96 = arith.constant 0 : i32
      %dma_start3A_97 = tpu.memref_slice %arg10[%mul3A_69, %dma_start3A_96] : memref<800x16xf32, #tpu.memory_space<vmem>> -> memref<400x16xf32, #tpu.memory_space<vmem>>
      %dma_start3A_98 = arith.constant 160 : i32
      %dma_start3A_99 = arith.constant 0 : i32
      %dma_start3A_100 = tpu.memref_slice %dma_start3A_97[%dma_start3A_98, %dma_start3A_99] : memref<400x16xf32, #tpu.memory_space<vmem>> -> memref<80x16xf32, #tpu.memory_space<vmem>>
      %dma_start3A_101 = arith.constant 0 : i32
      %dma_start3A_102 = tpu.memref_slice %arg8[%scan3A_53, %dma_start3A_95, %dma_start3A_101] : memref<25x5x80xi32, #tpu.memory_space<vmem>> -> memref<1x1x80xi32, #tpu.memory_space<vmem>>
      %dma_start3A_103 = tpu.memref_squeeze %dma_start3A_102 : memref<1x1x80xi32, #tpu.memory_space<vmem>> -> memref<80xi32, #tpu.memory_space<vmem>>
      %dma_start3A_104 = arith.constant 0 : i32
      %dma_start3A_105 = arith.constant 0 : i32
      %dma_start3A_106 = tpu.memref_slice %arg2[%dma_start3A_104, %dma_start3A_105] : memref<10240x16xf32, #tpu.memory_space<hbm>> -> memref<10240x16xf32, #tpu.memory_space<hbm>>
      tpu.enqueue_indirect_dma source(%dma_start3A_106 : memref<10240x16xf32, #tpu.memory_space<hbm>>) target(%dma_start3A_100 : memref<80x16xf32, #tpu.memory_space<vmem>>) offsets(%dma_start3A_103 : memref<80xi32, #tpu.memory_space<vmem>>) semaphore(%arg12 : memref<!tpu.dma_semaphore, #tpu.memory_space<semaphore_mem>>)
      %dma_start3A_107 = arith.constant 3 : i32
      %dma_start3A_108 = arith.constant 0 : i32
      %dma_start3A_109 = tpu.memref_slice %arg10[%mul3A_69, %dma_start3A_108] : memref<800x16xf32, #tpu.memory_space<vmem>> -> memref<400x16xf32, #tpu.memory_space<vmem>>
      %dma_start3A_110 = arith.constant 240 : i32
      %dma_start3A_111 = arith.constant 0 : i32
      %dma_start3A_112 = tpu.memref_slice %dma_start3A_109[%dma_start3A_110, %dma_start3A_111] : memref<400x16xf32, #tpu.memory_space<vmem>> -> memref<80x16xf32, #tpu.memory_space<vmem>>
      %dma_start3A_113 = arith.constant 0 : i32
      %dma_start3A_114 = tpu.memref_slice %arg8[%scan3A_53, %dma_start3A_107, %dma_start3A_113] : memref<25x5x80xi32, #tpu.memory_space<vmem>> -> memref<1x1x80xi32, #tpu.memory_space<vmem>>
      %dma_start3A_115 = tpu.memref_squeeze %dma_start3A_114 : memref<1x1x80xi32, #tpu.memory_space<vmem>> -> memref<80xi32, #tpu.memory_space<vmem>>
      %dma_start3A_116 = arith.constant 0 : i32
      %dma_start3A_117 = arith.constant 0 : i32
      %dma_start3A_118 = tpu.memref_slice %arg2[%dma_start3A_116, %dma_start3A_117] : memref<10240x16xf32, #tpu.memory_space<hbm>> -> memref<10240x16xf32, #tpu.memory_space<hbm>>
      tpu.enqueue_indirect_dma source(%dma_start3A_118 : memref<10240x16xf32, #tpu.memory_space<hbm>>) target(%dma_start3A_112 : memref<80x16xf32, #tpu.memory_space<vmem>>) offsets(%dma_start3A_115 : memref<80xi32, #tpu.memory_space<vmem>>) semaphore(%arg12 : memref<!tpu.dma_semaphore, #tpu.memory_space<semaphore_mem>>)
      %dma_start3A_119 = arith.constant 4 : i32
      %dma_start3A_120 = arith.constant 0 : i32
      %dma_start3A_121 = tpu.memref_slice %arg10[%mul3A_69, %dma_start3A_120] : memref<800x16xf32, #tpu.memory_space<vmem>> -> memref<400x16xf32, #tpu.memory_space<vmem>>
      %dma_start3A_122 = arith.constant 320 : i32
      %dma_start3A_123 = arith.constant 0 : i32
      %dma_start3A_124 = tpu.memref_slice %dma_start3A_121[%dma_start3A_122, %dma_start3A_123] : memref<400x16xf32, #tpu.memory_space<vmem>> -> memref<80x16xf32, #tpu.memory_space<vmem>>
      %dma_start3A_125 = arith.constant 0 : i32
      %dma_start3A_126 = tpu.memref_slice %arg8[%scan3A_53, %dma_start3A_119, %dma_start3A_125] : memref<25x5x80xi32, #tpu.memory_space<vmem>> -> memref<1x1x80xi32, #tpu.memory_space<vmem>>
      %dma_start3A_127 = tpu.memref_squeeze %dma_start3A_126 : memref<1x1x80xi32, #tpu.memory_space<vmem>> -> memref<80xi32, #tpu.memory_space<vmem>>
      %dma_start3A_128 = arith.constant 0 : i32
      %dma_start3A_129 = arith.constant 0 : i32
      %dma_start3A_130 = tpu.memref_slice %arg2[%dma_start3A_128, %dma_start3A_129] : memref<10240x16xf32, #tpu.memory_space<hbm>> -> memref<10240x16xf32, #tpu.memory_space<hbm>>
      tpu.enqueue_indirect_dma source(%dma_start3A_130 : memref<10240x16xf32, #tpu.memory_space<hbm>>) target(%dma_start3A_124 : memref<80x16xf32, #tpu.memory_space<vmem>>) offsets(%dma_start3A_127 : memref<80xi32, #tpu.memory_space<vmem>>) semaphore(%arg12 : memref<!tpu.dma_semaphore, #tpu.memory_space<semaphore_mem>>)
      %dma_start3A_131 = arith.constant 0 : i32
      %dma_start3A_132 = arith.constant 0 : i32
      %dma_start3A_133 = tpu.memref_slice %arg11[%mul3A_69, %dma_start3A_132] : memref<800x16xf32, #tpu.memory_space<vmem>> -> memref<400x16xf32, #tpu.memory_space<vmem>>
      %dma_start3A_134 = arith.constant 0 : i32
      %dma_start3A_135 = arith.constant 0 : i32
      %dma_start3A_136 = tpu.memref_slice %dma_start3A_133[%dma_start3A_134, %dma_start3A_135] : memref<400x16xf32, #tpu.memory_space<vmem>> -> memref<80x16xf32, #tpu.memory_space<vmem>>
      %dma_start3A_137 = arith.constant 0 : i32
      %dma_start3A_138 = tpu.memref_slice %arg9[%scan3A_53, %dma_start3A_131, %dma_start3A_137] : memref<25x5x80xi32, #tpu.memory_space<vmem>> -> memref<1x1x80xi32, #tpu.memory_space<vmem>>
      %dma_start3A_139 = tpu.memref_squeeze %dma_start3A_138 : memref<1x1x80xi32, #tpu.memory_space<vmem>> -> memref<80xi32, #tpu.memory_space<vmem>>
      %dma_start3A_140 = arith.constant 0 : i32
      %dma_start3A_141 = arith.constant 0 : i32
      %dma_start3A_142 = tpu.memref_slice %arg3[%dma_start3A_140, %dma_start3A_141] : memref<10240x16xf32, #tpu.memory_space<hbm>> -> memref<10240x16xf32, #tpu.memory_space<hbm>>
      tpu.enqueue_indirect_dma source(%dma_start3A_142 : memref<10240x16xf32, #tpu.memory_space<hbm>>) target(%dma_start3A_136 : memref<80x16xf32, #tpu.memory_space<vmem>>) offsets(%dma_start3A_139 : memref<80xi32, #tpu.memory_space<vmem>>) semaphore(%arg12 : memref<!tpu.dma_semaphore, #tpu.memory_space<semaphore_mem>>)
      %dma_start3A_143 = arith.constant 1 : i32
      %dma_start3A_144 = arith.constant 0 : i32
      %dma_start3A_145 = tpu.memref_slice %arg11[%mul3A_69, %dma_start3A_144] : memref<800x16xf32, #tpu.memory_space<vmem>> -> memref<400x16xf32, #tpu.memory_space<vmem>>
      %dma_start3A_146 = arith.constant 80 : i32
      %dma_start3A_147 = arith.constant 0 : i32
      %dma_start3A_148 = tpu.memref_slice %dma_start3A_145[%dma_start3A_146, %dma_start3A_147] : memref<400x16xf32, #tpu.memory_space<vmem>> -> memref<80x16xf32, #tpu.memory_space<vmem>>
      %dma_start3A_149 = arith.constant 0 : i32
      %dma_start3A_150 = tpu.memref_slice %arg9[%scan3A_53, %dma_start3A_143, %dma_start3A_149] : memref<25x5x80xi32, #tpu.memory_space<vmem>> -> memref<1x1x80xi32, #tpu.memory_space<vmem>>
      %dma_start3A_151 = tpu.memref_squeeze %dma_start3A_150 : memref<1x1x80xi32, #tpu.memory_space<vmem>> -> memref<80xi32, #tpu.memory_space<vmem>>
      %dma_start3A_152 = arith.constant 0 : i32
      %dma_start3A_153 = arith.constant 0 : i32
      %dma_start3A_154 = tpu.memref_slice %arg3[%dma_start3A_152, %dma_start3A_153] : memref<10240x16xf32, #tpu.memory_space<hbm>> -> memref<10240x16xf32, #tpu.memory_space<hbm>>
      tpu.enqueue_indirect_dma source(%dma_start3A_154 : memref<10240x16xf32, #tpu.memory_space<hbm>>) target(%dma_start3A_148 : memref<80x16xf32, #tpu.memory_space<vmem>>) offsets(%dma_start3A_151 : memref<80xi32, #tpu.memory_space<vmem>>) semaphore(%arg12 : memref<!tpu.dma_semaphore, #tpu.memory_space<semaphore_mem>>)
      %dma_start3A_155 = arith.constant 2 : i32
      %dma_start3A_156 = arith.constant 0 : i32
      %dma_start3A_157 = tpu.memref_slice %arg11[%mul3A_69, %dma_start3A_156] : memref<800x16xf32, #tpu.memory_space<vmem>> -> memref<400x16xf32, #tpu.memory_space<vmem>>
      %dma_start3A_158 = arith.constant 160 : i32
      %dma_start3A_159 = arith.constant 0 : i32
      %dma_start3A_160 = tpu.memref_slice %dma_start3A_157[%dma_start3A_158, %dma_start3A_159] : memref<400x16xf32, #tpu.memory_space<vmem>> -> memref<80x16xf32, #tpu.memory_space<vmem>>
      %dma_start3A_161 = arith.constant 0 : i32
      %dma_start3A_162 = tpu.memref_slice %arg9[%scan3A_53, %dma_start3A_155, %dma_start3A_161] : memref<25x5x80xi32, #tpu.memory_space<vmem>> -> memref<1x1x80xi32, #tpu.memory_space<vmem>>
      %dma_start3A_163 = tpu.memref_squeeze %dma_start3A_162 : memref<1x1x80xi32, #tpu.memory_space<vmem>> -> memref<80xi32, #tpu.memory_space<vmem>>
      %dma_start3A_164 = arith.constant 0 : i32
      %dma_start3A_165 = arith.constant 0 : i32
      %dma_start3A_166 = tpu.memref_slice %arg3[%dma_start3A_164, %dma_start3A_165] : memref<10240x16xf32, #tpu.memory_space<hbm>> -> memref<10240x16xf32, #tpu.memory_space<hbm>>
      tpu.enqueue_indirect_dma source(%dma_start3A_166 : memref<10240x16xf32, #tpu.memory_space<hbm>>) target(%dma_start3A_160 : memref<80x16xf32, #tpu.memory_space<vmem>>) offsets(%dma_start3A_163 : memref<80xi32, #tpu.memory_space<vmem>>) semaphore(%arg12 : memref<!tpu.dma_semaphore, #tpu.memory_space<semaphore_mem>>)
      %dma_start3A_167 = arith.constant 3 : i32
      %dma_start3A_168 = arith.constant 0 : i32
      %dma_start3A_169 = tpu.memref_slice %arg11[%mul3A_69, %dma_start3A_168] : memref<800x16xf32, #tpu.memory_space<vmem>> -> memref<400x16xf32, #tpu.memory_space<vmem>>
      %dma_start3A_170 = arith.constant 240 : i32
      %dma_start3A_171 = arith.constant 0 : i32
      %dma_start3A_172 = tpu.memref_slice %dma_start3A_169[%dma_start3A_170, %dma_start3A_171] : memref<400x16xf32, #tpu.memory_space<vmem>> -> memref<80x16xf32, #tpu.memory_space<vmem>>
      %dma_start3A_173 = arith.constant 0 : i32
      %dma_start3A_174 = tpu.memref_slice %arg9[%scan3A_53, %dma_start3A_167, %dma_start3A_173] : memref<25x5x80xi32, #tpu.memory_space<vmem>> -> memref<1x1x80xi32, #tpu.memory_space<vmem>>
      %dma_start3A_175 = tpu.memref_squeeze %dma_start3A_174 : memref<1x1x80xi32, #tpu.memory_space<vmem>> -> memref<80xi32, #tpu.memory_space<vmem>>
      %dma_start3A_176 = arith.constant 0 : i32
      %dma_start3A_177 = arith.constant 0 : i32
      %dma_start3A_178 = tpu.memref_slice %arg3[%dma_start3A_176, %dma_start3A_177] : memref<10240x16xf32, #tpu.memory_space<hbm>> -> memref<10240x16xf32, #tpu.memory_space<hbm>>
      tpu.enqueue_indirect_dma source(%dma_start3A_178 : memref<10240x16xf32, #tpu.memory_space<hbm>>) target(%dma_start3A_172 : memref<80x16xf32, #tpu.memory_space<vmem>>) offsets(%dma_start3A_175 : memref<80xi32, #tpu.memory_space<vmem>>) semaphore(%arg12 : memref<!tpu.dma_semaphore, #tpu.memory_space<semaphore_mem>>)
      %dma_start3A_179 = arith.constant 4 : i32
      %dma_start3A_180 = arith.constant 0 : i32
      %dma_start3A_181 = tpu.memref_slice %arg11[%mul3A_69, %dma_start3A_180] : memref<800x16xf32, #tpu.memory_space<vmem>> -> memref<400x16xf32, #tpu.memory_space<vmem>>
      %dma_start3A_182 = arith.constant 320 : i32
      %dma_start3A_183 = arith.constant 0 : i32
      %dma_start3A_184 = tpu.memref_slice %dma_start3A_181[%dma_start3A_182, %dma_start3A_183] : memref<400x16xf32, #tpu.memory_space<vmem>> -> memref<80x16xf32, #tpu.memory_space<vmem>>
      %dma_start3A_185 = arith.constant 0 : i32
      %dma_start3A_186 = tpu.memref_slice %arg9[%scan3A_53, %dma_start3A_179, %dma_start3A_185] : memref<25x5x80xi32, #tpu.memory_space<vmem>> -> memref<1x1x80xi32, #tpu.memory_space<vmem>>
      %dma_start3A_187 = tpu.memref_squeeze %dma_start3A_186 : memref<1x1x80xi32, #tpu.memory_space<vmem>> -> memref<80xi32, #tpu.memory_space<vmem>>
      %dma_start3A_188 = arith.constant 0 : i32
      %dma_start3A_189 = arith.constant 0 : i32
      %dma_start3A_190 = tpu.memref_slice %arg3[%dma_start3A_188, %dma_start3A_189] : memref<10240x16xf32, #tpu.memory_space<hbm>> -> memref<10240x16xf32, #tpu.memory_space<hbm>>
      tpu.enqueue_indirect_dma source(%dma_start3A_190 : memref<10240x16xf32, #tpu.memory_space<hbm>>) target(%dma_start3A_184 : memref<80x16xf32, #tpu.memory_space<vmem>>) offsets(%dma_start3A_187 : memref<80xi32, #tpu.memory_space<vmem>>) semaphore(%arg12 : memref<!tpu.dma_semaphore, #tpu.memory_space<semaphore_mem>>)
      %dma_wait3A_191 = arith.constant 0 : i32
      %dma_wait3A_192 = arith.constant 0 : i32
      %dma_wait3A_193 = tpu.memref_slice %arg10[%mul3A_69, %dma_wait3A_192] : memref<800x16xf32, #tpu.memory_space<vmem>> -> memref<400x16xf32, #tpu.memory_space<vmem>>
      %dma_wait3A_194 = arith.constant 0 : i32
      %dma_wait3A_195 = arith.constant 0 : i32
      %dma_wait3A_196 = tpu.memref_slice %dma_wait3A_193[%dma_wait3A_194, %dma_wait3A_195] : memref<400x16xf32, #tpu.memory_space<vmem>> -> memref<80x16xf32, #tpu.memory_space<vmem>>
      %dma_wait3A_197 = arith.constant 0 : i32
      %dma_wait3A_198 = tpu.memref_slice %arg8[%scan3A_53, %dma_wait3A_191, %dma_wait3A_197] : memref<25x5x80xi32, #tpu.memory_space<vmem>> -> memref<1x1x80xi32, #tpu.memory_space<vmem>>
      %dma_wait3A_199 = tpu.memref_squeeze %dma_wait3A_198 : memref<1x1x80xi32, #tpu.memory_space<vmem>> -> memref<80xi32, #tpu.memory_space<vmem>>
      %dma_wait3A_200 = arith.constant 0 : i32
      %dma_wait3A_201 = arith.constant 0 : i32
      %dma_wait3A_202 = tpu.memref_slice %arg2[%dma_wait3A_200, %dma_wait3A_201] : memref<10240x16xf32, #tpu.memory_space<hbm>> -> memref<10240x16xf32, #tpu.memory_space<hbm>>
      tpu.wait_indirect_dma semaphore(%arg12 : memref<!tpu.dma_semaphore, #tpu.memory_space<semaphore_mem>>) src(%dma_wait3A_202 : memref<10240x16xf32, #tpu.memory_space<hbm>>) dst(%dma_wait3A_196 : memref<80x16xf32, #tpu.memory_space<vmem>>)
      %dma_wait3A_203 = arith.constant 1 : i32
      %dma_wait3A_204 = arith.constant 0 : i32
      %dma_wait3A_205 = tpu.memref_slice %arg10[%mul3A_69, %dma_wait3A_204] : memref<800x16xf32, #tpu.memory_space<vmem>> -> memref<400x16xf32, #tpu.memory_space<vmem>>
      %dma_wait3A_206 = arith.constant 80 : i32
      %dma_wait3A_207 = arith.constant 0 : i32
      %dma_wait3A_208 = tpu.memref_slice %dma_wait3A_205[%dma_wait3A_206, %dma_wait3A_207] : memref<400x16xf32, #tpu.memory_space<vmem>> -> memref<80x16xf32, #tpu.memory_space<vmem>>
      %dma_wait3A_209 = arith.constant 0 : i32
      %dma_wait3A_210 = tpu.memref_slice %arg8[%scan3A_53, %dma_wait3A_203, %dma_wait3A_209] : memref<25x5x80xi32, #tpu.memory_space<vmem>> -> memref<1x1x80xi32, #tpu.memory_space<vmem>>
      %dma_wait3A_211 = tpu.memref_squeeze %dma_wait3A_210 : memref<1x1x80xi32, #tpu.memory_space<vmem>> -> memref<80xi32, #tpu.memory_space<vmem>>
      %dma_wait3A_212 = arith.constant 0 : i32
      %dma_wait3A_213 = arith.constant 0 : i32
      %dma_wait3A_214 = tpu.memref_slice %arg2[%dma_wait3A_212, %dma_wait3A_213] : memref<10240x16xf32, #tpu.memory_space<hbm>> -> memref<10240x16xf32, #tpu.memory_space<hbm>>
      tpu.wait_indirect_dma semaphore(%arg12 : memref<!tpu.dma_semaphore, #tpu.memory_space<semaphore_mem>>) src(%dma_wait3A_214 : memref<10240x16xf32, #tpu.memory_space<hbm>>) dst(%dma_wait3A_208 : memref<80x16xf32, #tpu.memory_space<vmem>>)
      %dma_wait3A_215 = arith.constant 2 : i32
      %dma_wait3A_216 = arith.constant 0 : i32
      %dma_wait3A_217 = tpu.memref_slice %arg10[%mul3A_69, %dma_wait3A_216] : memref<800x16xf32, #tpu.memory_space<vmem>> -> memref<400x16xf32, #tpu.memory_space<vmem>>
      %dma_wait3A_218 = arith.constant 160 : i32
      %dma_wait3A_219 = arith.constant 0 : i32
      %dma_wait3A_220 = tpu.memref_slice %dma_wait3A_217[%dma_wait3A_218, %dma_wait3A_219] : memref<400x16xf32, #tpu.memory_space<vmem>> -> memref<80x16xf32, #tpu.memory_space<vmem>>
      %dma_wait3A_221 = arith.constant 0 : i32
      %dma_wait3A_222 = tpu.memref_slice %arg8[%scan3A_53, %dma_wait3A_215, %dma_wait3A_221] : memref<25x5x80xi32, #tpu.memory_space<vmem>> -> memref<1x1x80xi32, #tpu.memory_space<vmem>>
      %dma_wait3A_223 = tpu.memref_squeeze %dma_wait3A_222 : memref<1x1x80xi32, #tpu.memory_space<vmem>> -> memref<80xi32, #tpu.memory_space<vmem>>
      %dma_wait3A_224 = arith.constant 0 : i32
      %dma_wait3A_225 = arith.constant 0 : i32
      %dma_wait3A_226 = tpu.memref_slice %arg2[%dma_wait3A_224, %dma_wait3A_225] : memref<10240x16xf32, #tpu.memory_space<hbm>> -> memref<10240x16xf32, #tpu.memory_space<hbm>>
      tpu.wait_indirect_dma semaphore(%arg12 : memref<!tpu.dma_semaphore, #tpu.memory_space<semaphore_mem>>) src(%dma_wait3A_226 : memref<10240x16xf32, #tpu.memory_space<hbm>>) dst(%dma_wait3A_220 : memref<80x16xf32, #tpu.memory_space<vmem>>)
      %dma_wait3A_227 = arith.constant 3 : i32
      %dma_wait3A_228 = arith.constant 0 : i32
      %dma_wait3A_229 = tpu.memref_slice %arg10[%mul3A_69, %dma_wait3A_228] : memref<800x16xf32, #tpu.memory_space<vmem>> -> memref<400x16xf32, #tpu.memory_space<vmem>>
      %dma_wait3A_230 = arith.constant 240 : i32
      %dma_wait3A_231 = arith.constant 0 : i32
      %dma_wait3A_232 = tpu.memref_slice %dma_wait3A_229[%dma_wait3A_230, %dma_wait3A_231] : memref<400x16xf32, #tpu.memory_space<vmem>> -> memref<80x16xf32, #tpu.memory_space<vmem>>
      %dma_wait3A_233 = arith.constant 0 : i32
      %dma_wait3A_234 = tpu.memref_slice %arg8[%scan3A_53, %dma_wait3A_227, %dma_wait3A_233] : memref<25x5x80xi32, #tpu.memory_space<vmem>> -> memref<1x1x80xi32, #tpu.memory_space<vmem>>
      %dma_wait3A_235 = tpu.memref_squeeze %dma_wait3A_234 : memref<1x1x80xi32, #tpu.memory_space<vmem>> -> memref<80xi32, #tpu.memory_space<vmem>>
      %dma_wait3A_236 = arith.constant 0 : i32
      %dma_wait3A_237 = arith.constant 0 : i32
      %dma_wait3A_238 = tpu.memref_slice %arg2[%dma_wait3A_236, %dma_wait3A_237] : memref<10240x16xf32, #tpu.memory_space<hbm>> -> memref<10240x16xf32, #tpu.memory_space<hbm>>
      tpu.wait_indirect_dma semaphore(%arg12 : memref<!tpu.dma_semaphore, #tpu.memory_space<semaphore_mem>>) src(%dma_wait3A_238 : memref<10240x16xf32, #tpu.memory_space<hbm>>) dst(%dma_wait3A_232 : memref<80x16xf32, #tpu.memory_space<vmem>>)
      %dma_wait3A_239 = arith.constant 4 : i32
      %dma_wait3A_240 = arith.constant 0 : i32
      %dma_wait3A_241 = tpu.memref_slice %arg10[%mul3A_69, %dma_wait3A_240] : memref<800x16xf32, #tpu.memory_space<vmem>> -> memref<400x16xf32, #tpu.memory_space<vmem>>
      %dma_wait3A_242 = arith.constant 320 : i32
      %dma_wait3A_243 = arith.constant 0 : i32
      %dma_wait3A_244 = tpu.memref_slice %dma_wait3A_241[%dma_wait3A_242, %dma_wait3A_243] : memref<400x16xf32, #tpu.memory_space<vmem>> -> memref<80x16xf32, #tpu.memory_space<vmem>>
      %dma_wait3A_245 = arith.constant 0 : i32
      %dma_wait3A_246 = tpu.memref_slice %arg8[%scan3A_53, %dma_wait3A_239, %dma_wait3A_245] : memref<25x5x80xi32, #tpu.memory_space<vmem>> -> memref<1x1x80xi32, #tpu.memory_space<vmem>>
      %dma_wait3A_247 = tpu.memref_squeeze %dma_wait3A_246 : memref<1x1x80xi32, #tpu.memory_space<vmem>> -> memref<80xi32, #tpu.memory_space<vmem>>
      %dma_wait3A_248 = arith.constant 0 : i32
      %dma_wait3A_249 = arith.constant 0 : i32
      %dma_wait3A_250 = tpu.memref_slice %arg2[%dma_wait3A_248, %dma_wait3A_249] : memref<10240x16xf32, #tpu.memory_space<hbm>> -> memref<10240x16xf32, #tpu.memory_space<hbm>>
      tpu.wait_indirect_dma semaphore(%arg12 : memref<!tpu.dma_semaphore, #tpu.memory_space<semaphore_mem>>) src(%dma_wait3A_250 : memref<10240x16xf32, #tpu.memory_space<hbm>>) dst(%dma_wait3A_244 : memref<80x16xf32, #tpu.memory_space<vmem>>)
      %dma_wait3A_251 = arith.constant 0 : i32
      %dma_wait3A_252 = arith.constant 0 : i32
      %dma_wait3A_253 = tpu.memref_slice %arg11[%mul3A_69, %dma_wait3A_252] : memref<800x16xf32, #tpu.memory_space<vmem>> -> memref<400x16xf32, #tpu.memory_space<vmem>>
      %dma_wait3A_254 = arith.constant 0 : i32
      %dma_wait3A_255 = arith.constant 0 : i32
      %dma_wait3A_256 = tpu.memref_slice %dma_wait3A_253[%dma_wait3A_254, %dma_wait3A_255] : memref<400x16xf32, #tpu.memory_space<vmem>> -> memref<80x16xf32, #tpu.memory_space<vmem>>
      %dma_wait3A_257 = arith.constant 0 : i32
      %dma_wait3A_258 = tpu.memref_slice %arg9[%scan3A_53, %dma_wait3A_251, %dma_wait3A_257] : memref<25x5x80xi32, #tpu.memory_space<vmem>> -> memref<1x1x80xi32, #tpu.memory_space<vmem>>
      %dma_wait3A_259 = tpu.memref_squeeze %dma_wait3A_258 : memref<1x1x80xi32, #tpu.memory_space<vmem>> -> memref<80xi32, #tpu.memory_space<vmem>>
      %dma_wait3A_260 = arith.constant 0 : i32
      %dma_wait3A_261 = arith.constant 0 : i32
      %dma_wait3A_262 = tpu.memref_slice %arg3[%dma_wait3A_260, %dma_wait3A_261] : memref<10240x16xf32, #tpu.memory_space<hbm>> -> memref<10240x16xf32, #tpu.memory_space<hbm>>
      tpu.wait_indirect_dma semaphore(%arg12 : memref<!tpu.dma_semaphore, #tpu.memory_space<semaphore_mem>>) src(%dma_wait3A_262 : memref<10240x16xf32, #tpu.memory_space<hbm>>) dst(%dma_wait3A_256 : memref<80x16xf32, #tpu.memory_space<vmem>>)
      %dma_wait3A_263 = arith.constant 1 : i32
      %dma_wait3A_264 = arith.constant 0 : i32
      %dma_wait3A_265 = tpu.memref_slice %arg11[%mul3A_69, %dma_wait3A_264] : memref<800x16xf32, #tpu.memory_space<vmem>> -> memref<400x16xf32, #tpu.memory_space<vmem>>
      %dma_wait3A_266 = arith.constant 80 : i32
      %dma_wait3A_267 = arith.constant 0 : i32
      %dma_wait3A_268 = tpu.memref_slice %dma_wait3A_265[%dma_wait3A_266, %dma_wait3A_267] : memref<400x16xf32, #tpu.memory_space<vmem>> -> memref<80x16xf32, #tpu.memory_space<vmem>>
      %dma_wait3A_269 = arith.constant 0 : i32
      %dma_wait3A_270 = tpu.memref_slice %arg9[%scan3A_53, %dma_wait3A_263, %dma_wait3A_269] : memref<25x5x80xi32, #tpu.memory_space<vmem>> -> memref<1x1x80xi32, #tpu.memory_space<vmem>>
      %dma_wait3A_271 = tpu.memref_squeeze %dma_wait3A_270 : memref<1x1x80xi32, #tpu.memory_space<vmem>> -> memref<80xi32, #tpu.memory_space<vmem>>
      %dma_wait3A_272 = arith.constant 0 : i32
      %dma_wait3A_273 = arith.constant 0 : i32
      %dma_wait3A_274 = tpu.memref_slice %arg3[%dma_wait3A_272, %dma_wait3A_273] : memref<10240x16xf32, #tpu.memory_space<hbm>> -> memref<10240x16xf32, #tpu.memory_space<hbm>>
      tpu.wait_indirect_dma semaphore(%arg12 : memref<!tpu.dma_semaphore, #tpu.memory_space<semaphore_mem>>) src(%dma_wait3A_274 : memref<10240x16xf32, #tpu.memory_space<hbm>>) dst(%dma_wait3A_268 : memref<80x16xf32, #tpu.memory_space<vmem>>)
      %dma_wait3A_275 = arith.constant 2 : i32
      %dma_wait3A_276 = arith.constant 0 : i32
      %dma_wait3A_277 = tpu.memref_slice %arg11[%mul3A_69, %dma_wait3A_276] : memref<800x16xf32, #tpu.memory_space<vmem>> -> memref<400x16xf32, #tpu.memory_space<vmem>>
      %dma_wait3A_278 = arith.constant 160 : i32
      %dma_wait3A_279 = arith.constant 0 : i32
      %dma_wait3A_280 = tpu.memref_slice %dma_wait3A_277[%dma_wait3A_278, %dma_wait3A_279] : memref<400x16xf32, #tpu.memory_space<vmem>> -> memref<80x16xf32, #tpu.memory_space<vmem>>
      %dma_wait3A_281 = arith.constant 0 : i32
      %dma_wait3A_282 = tpu.memref_slice %arg9[%scan3A_53, %dma_wait3A_275, %dma_wait3A_281] : memref<25x5x80xi32, #tpu.memory_space<vmem>> -> memref<1x1x80xi32, #tpu.memory_space<vmem>>
      %dma_wait3A_283 = tpu.memref_squeeze %dma_wait3A_282 : memref<1x1x80xi32, #tpu.memory_space<vmem>> -> memref<80xi32, #tpu.memory_space<vmem>>
      %dma_wait3A_284 = arith.constant 0 : i32
      %dma_wait3A_285 = arith.constant 0 : i32
      %dma_wait3A_286 = tpu.memref_slice %arg3[%dma_wait3A_284, %dma_wait3A_285] : memref<10240x16xf32, #tpu.memory_space<hbm>> -> memref<10240x16xf32, #tpu.memory_space<hbm>>
      tpu.wait_indirect_dma semaphore(%arg12 : memref<!tpu.dma_semaphore, #tpu.memory_space<semaphore_mem>>) src(%dma_wait3A_286 : memref<10240x16xf32, #tpu.memory_space<hbm>>) dst(%dma_wait3A_280 : memref<80x16xf32, #tpu.memory_space<vmem>>)
      %dma_wait3A_287 = arith.constant 3 : i32
      %dma_wait3A_288 = arith.constant 0 : i32
      %dma_wait3A_289 = tpu.memref_slice %arg11[%mul3A_69, %dma_wait3A_288] : memref<800x16xf32, #tpu.memory_space<vmem>> -> memref<400x16xf32, #tpu.memory_space<vmem>>
      %dma_wait3A_290 = arith.constant 240 : i32
      %dma_wait3A_291 = arith.constant 0 : i32
      %dma_wait3A_292 = tpu.memref_slice %dma_wait3A_289[%dma_wait3A_290, %dma_wait3A_291] : memref<400x16xf32, #tpu.memory_space<vmem>> -> memref<80x16xf32, #tpu.memory_space<vmem>>
      %dma_wait3A_293 = arith.constant 0 : i32
      %dma_wait3A_294 = tpu.memref_slice %arg9[%scan3A_53, %dma_wait3A_287, %dma_wait3A_293] : memref<25x5x80xi32, #tpu.memory_space<vmem>> -> memref<1x1x80xi32, #tpu.memory_space<vmem>>
      %dma_wait3A_295 = tpu.memref_squeeze %dma_wait3A_294 : memref<1x1x80xi32, #tpu.memory_space<vmem>> -> memref<80xi32, #tpu.memory_space<vmem>>
      %dma_wait3A_296 = arith.constant 0 : i32
      %dma_wait3A_297 = arith.constant 0 : i32
      %dma_wait3A_298 = tpu.memref_slice %arg3[%dma_wait3A_296, %dma_wait3A_297] : memref<10240x16xf32, #tpu.memory_space<hbm>> -> memref<10240x16xf32, #tpu.memory_space<hbm>>
      tpu.wait_indirect_dma semaphore(%arg12 : memref<!tpu.dma_semaphore, #tpu.memory_space<semaphore_mem>>) src(%dma_wait3A_298 : memref<10240x16xf32, #tpu.memory_space<hbm>>) dst(%dma_wait3A_292 : memref<80x16xf32, #tpu.memory_space<vmem>>)
      %dma_wait3A_299 = arith.constant 4 : i32
      %dma_wait3A_300 = arith.constant 0 : i32
      %dma_wait3A_301 = tpu.memref_slice %arg11[%mul3A_69, %dma_wait3A_300] : memref<800x16xf32, #tpu.memory_space<vmem>> -> memref<400x16xf32, #tpu.memory_space<vmem>>
      %dma_wait3A_302 = arith.constant 320 : i32
      %dma_wait3A_303 = arith.constant 0 : i32
      %dma_wait3A_304 = tpu.memref_slice %dma_wait3A_301[%dma_wait3A_302, %dma_wait3A_303] : memref<400x16xf32, #tpu.memory_space<vmem>> -> memref<80x16xf32, #tpu.memory_space<vmem>>
      %dma_wait3A_305 = arith.constant 0 : i32
      %dma_wait3A_306 = tpu.memref_slice %arg9[%scan3A_53, %dma_wait3A_299, %dma_wait3A_305] : memref<25x5x80xi32, #tpu.memory_space<vmem>> -> memref<1x1x80xi32, #tpu.memory_space<vmem>>
      %dma_wait3A_307 = tpu.memref_squeeze %dma_wait3A_306 : memref<1x1x80xi32, #tpu.memory_space<vmem>> -> memref<80xi32, #tpu.memory_space<vmem>>
      %dma_wait3A_308 = arith.constant 0 : i32
      %dma_wait3A_309 = arith.constant 0 : i32
      %dma_wait3A_310 = tpu.memref_slice %arg3[%dma_wait3A_308, %dma_wait3A_309] : memref<10240x16xf32, #tpu.memory_space<hbm>> -> memref<10240x16xf32, #tpu.memory_space<hbm>>
      tpu.wait_indirect_dma semaphore(%arg12 : memref<!tpu.dma_semaphore, #tpu.memory_space<semaphore_mem>>) src(%dma_wait3A_310 : memref<10240x16xf32, #tpu.memory_space<hbm>>) dst(%dma_wait3A_304 : memref<80x16xf32, #tpu.memory_space<vmem>>)
      %dma_start3A_311 = arith.constant 0 : i32
      %dma_start3A_312 = tpu.memref_slice %arg10[%mul3A_69, %dma_start3A_311] : memref<800x16xf32, #tpu.memory_space<vmem>> -> memref<400x16xf32, #tpu.memory_space<vmem>>
      %dma_start3A_313 = arith.constant 0 : i32
      %dma_start3A_314 = tpu.memref_slice %arg6[%add3A_58, %dma_start3A_313] : memref<320000x16xf32, #tpu.memory_space<hbm>> -> memref<400x16xf32, #tpu.memory_space<hbm>>
      %dma_start3A_315 = arith.constant 0 : i32
      %dma_start3A_316 = tpu.memref_slice %arg6[%add3A_58, %dma_start3A_315] : memref<320000x16xf32, #tpu.memory_space<hbm>> -> memref<400x16xf32, #tpu.memory_space<hbm>>
      %dma_start3A_317 = arith.constant 0 : i32
      %dma_start3A_318 = tpu.memref_slice %arg10[%mul3A_69, %dma_start3A_317] : memref<800x16xf32, #tpu.memory_space<vmem>> -> memref<400x16xf32, #tpu.memory_space<vmem>>
      tpu.enqueue_dma source(%dma_start3A_318 : memref<400x16xf32, #tpu.memory_space<vmem>>) target(%dma_start3A_316 : memref<400x16xf32, #tpu.memory_space<hbm>>) target_semaphore(%arg13 : memref<!tpu.dma_semaphore, #tpu.memory_space<semaphore_mem>>)
      %dma_start3A_319 = arith.constant 0 : i32
      %dma_start3A_320 = tpu.memref_slice %arg11[%mul3A_69, %dma_start3A_319] : memref<800x16xf32, #tpu.memory_space<vmem>> -> memref<400x16xf32, #tpu.memory_space<vmem>>
      %dma_start3A_321 = arith.constant 0 : i32
      %dma_start3A_322 = tpu.memref_slice %arg7[%add3A_58, %dma_start3A_321] : memref<320000x16xf32, #tpu.memory_space<hbm>> -> memref<400x16xf32, #tpu.memory_space<hbm>>
      %dma_start3A_323 = arith.constant 0 : i32
      %dma_start3A_324 = tpu.memref_slice %arg7[%add3A_58, %dma_start3A_323] : memref<320000x16xf32, #tpu.memory_space<hbm>> -> memref<400x16xf32, #tpu.memory_space<hbm>>
      %dma_start3A_325 = arith.constant 0 : i32
      %dma_start3A_326 = tpu.memref_slice %arg11[%mul3A_69, %dma_start3A_325] : memref<800x16xf32, #tpu.memory_space<vmem>> -> memref<400x16xf32, #tpu.memory_space<vmem>>
      tpu.enqueue_dma source(%dma_start3A_326 : memref<400x16xf32, #tpu.memory_space<vmem>>) target(%dma_start3A_324 : memref<400x16xf32, #tpu.memory_space<hbm>>) target_semaphore(%arg14 : memref<!tpu.dma_semaphore, #tpu.memory_space<semaphore_mem>>)
    }
    %scan3A_5 = arith.constant 25 : i32
    %mul3A_6 = arith.constant 10000 : i32
    %mul3A_7 = arith.muli %add3A, %mul3A_6 : i32
    %add3A_8 = arith.constant 9200 : i32
    %add3A_9 = arith.addi %mul3A_7, %add3A_8 : i32
    %dma_wait3A = arith.constant 400 : i32
    %dma_wait3A_10 = arith.constant 0 : i32
    %dma_wait3A_11 = tpu.memref_slice %arg10[%dma_wait3A, %dma_wait3A_10] : memref<800x16xf32, #tpu.memory_space<vmem>> -> memref<400x16xf32, #tpu.memory_space<vmem>>
    %dma_wait3A_12 = arith.constant 0 : i32
    %dma_wait3A_13 = tpu.memref_slice %arg6[%add3A_9, %dma_wait3A_12] : memref<320000x16xf32, #tpu.memory_space<hbm>> -> memref<400x16xf32, #tpu.memory_space<hbm>>
    %dma_wait3A_14 = arith.constant 0 : i32
    %dma_wait3A_15 = tpu.memref_slice %arg6[%add3A_9, %dma_wait3A_14] : memref<320000x16xf32, #tpu.memory_space<hbm>> -> memref<400x16xf32, #tpu.memory_space<hbm>>
    %dma_wait3A_16 = arith.constant 400 : i32
    %dma_wait3A_17 = arith.constant 0 : i32
    %dma_wait3A_18 = tpu.memref_slice %arg10[%dma_wait3A_16, %dma_wait3A_17] : memref<800x16xf32, #tpu.memory_space<vmem>> -> memref<400x16xf32, #tpu.memory_space<vmem>>
    tpu.wait_dma2 semaphore(%arg13 : memref<!tpu.dma_semaphore, #tpu.memory_space<semaphore_mem>>) src(%dma_wait3A_18 : memref<400x16xf32, #tpu.memory_space<vmem>>) dst(%dma_wait3A_15 : memref<400x16xf32, #tpu.memory_space<hbm>>)
    %dma_wait3A_19 = arith.constant 400 : i32
    %dma_wait3A_20 = arith.constant 0 : i32
    %dma_wait3A_21 = tpu.memref_slice %arg11[%dma_wait3A_19, %dma_wait3A_20] : memref<800x16xf32, #tpu.memory_space<vmem>> -> memref<400x16xf32, #tpu.memory_space<vmem>>
    %dma_wait3A_22 = arith.constant 0 : i32
    %dma_wait3A_23 = tpu.memref_slice %arg7[%add3A_9, %dma_wait3A_22] : memref<320000x16xf32, #tpu.memory_space<hbm>> -> memref<400x16xf32, #tpu.memory_space<hbm>>
    %dma_wait3A_24 = arith.constant 0 : i32
    %dma_wait3A_25 = tpu.memref_slice %arg7[%add3A_9, %dma_wait3A_24] : memref<320000x16xf32, #tpu.memory_space<hbm>> -> memref<400x16xf32, #tpu.memory_space<hbm>>
    %dma_wait3A_26 = arith.constant 400 : i32
    %dma_wait3A_27 = arith.constant 0 : i32
    %dma_wait3A_28 = tpu.memref_slice %arg11[%dma_wait3A_26, %dma_wait3A_27] : memref<800x16xf32, #tpu.memory_space<vmem>> -> memref<400x16xf32, #tpu.memory_space<vmem>>
    tpu.wait_dma2 semaphore(%arg14 : memref<!tpu.dma_semaphore, #tpu.memory_space<semaphore_mem>>) src(%dma_wait3A_28 : memref<400x16xf32, #tpu.memory_space<vmem>>) dst(%dma_wait3A_25 : memref<400x16xf32, #tpu.memory_space<hbm>>)
    %mul3A_29 = arith.constant 10000 : i32
    %mul3A_30 = arith.muli %add3A, %mul3A_29 : i32
    %add3A_31 = arith.constant 9600 : i32
    %add3A_32 = arith.addi %mul3A_30, %add3A_31 : i32
    %dma_wait3A_33 = arith.constant 0 : i32
    %dma_wait3A_34 = arith.constant 0 : i32
    %dma_wait3A_35 = tpu.memref_slice %arg10[%dma_wait3A_33, %dma_wait3A_34] : memref<800x16xf32, #tpu.memory_space<vmem>> -> memref<400x16xf32, #tpu.memory_space<vmem>>
    %dma_wait3A_36 = arith.constant 0 : i32
    %dma_wait3A_37 = tpu.memref_slice %arg6[%add3A_32, %dma_wait3A_36] : memref<320000x16xf32, #tpu.memory_space<hbm>> -> memref<400x16xf32, #tpu.memory_space<hbm>>
    %dma_wait3A_38 = arith.constant 0 : i32
    %dma_wait3A_39 = tpu.memref_slice %arg6[%add3A_32, %dma_wait3A_38] : memref<320000x16xf32, #tpu.memory_space<hbm>> -> memref<400x16xf32, #tpu.memory_space<hbm>>
    %dma_wait3A_40 = arith.constant 0 : i32
    %dma_wait3A_41 = arith.constant 0 : i32
    %dma_wait3A_42 = tpu.memref_slice %arg10[%dma_wait3A_40, %dma_wait3A_41] : memref<800x16xf32, #tpu.memory_space<vmem>> -> memref<400x16xf32, #tpu.memory_space<vmem>>
    tpu.wait_dma2 semaphore(%arg13 : memref<!tpu.dma_semaphore, #tpu.memory_space<semaphore_mem>>) src(%dma_wait3A_42 : memref<400x16xf32, #tpu.memory_space<vmem>>) dst(%dma_wait3A_39 : memref<400x16xf32, #tpu.memory_space<hbm>>)
    %dma_wait3A_43 = arith.constant 0 : i32
    %dma_wait3A_44 = arith.constant 0 : i32
    %dma_wait3A_45 = tpu.memref_slice %arg11[%dma_wait3A_43, %dma_wait3A_44] : memref<800x16xf32, #tpu.memory_space<vmem>> -> memref<400x16xf32, #tpu.memory_space<vmem>>
    %dma_wait3A_46 = arith.constant 0 : i32
    %dma_wait3A_47 = tpu.memref_slice %arg7[%add3A_32, %dma_wait3A_46] : memref<320000x16xf32, #tpu.memory_space<hbm>> -> memref<400x16xf32, #tpu.memory_space<hbm>>
    %dma_wait3A_48 = arith.constant 0 : i32
    %dma_wait3A_49 = tpu.memref_slice %arg7[%add3A_32, %dma_wait3A_48] : memref<320000x16xf32, #tpu.memory_space<hbm>> -> memref<400x16xf32, #tpu.memory_space<hbm>>
    %dma_wait3A_50 = arith.constant 0 : i32
    %dma_wait3A_51 = arith.constant 0 : i32
    %dma_wait3A_52 = tpu.memref_slice %arg11[%dma_wait3A_50, %dma_wait3A_51] : memref<800x16xf32, #tpu.memory_space<vmem>> -> memref<400x16xf32, #tpu.memory_space<vmem>>
    tpu.wait_dma2 semaphore(%arg14 : memref<!tpu.dma_semaphore, #tpu.memory_space<semaphore_mem>>) src(%dma_wait3A_52 : memref<400x16xf32, #tpu.memory_space<vmem>>) dst(%dma_wait3A_49 : memref<400x16xf32, #tpu.memory_space<hbm>>)
    return
  }
}

#map = affine_map<(d0, d1) -> (0, 0)>
#map1 = affine_map<(d0, d1) -> (0, 0, 0, 0)>
#map2 = affine_map<(d0, d1) -> (0, 0, 0)>
module attributes {stable_mosaic.version = 14 : i64} {
  func.func @_scatter_body(%arg0: i32, %arg1: i32, %arg2: memref<320000x16xf32, #tpu.memory_space<hbm>>, %arg3: memref<32x25x5x80xi32, #tpu.memory_space<hbm>>, %arg4: memref<10240x16xf32, #tpu.memory_space<hbm>>, %arg5: memref<2x10240x16xf32, #tpu.memory_space<hbm>>, %arg6: memref<25x5x80xi32, #tpu.memory_space<vmem>>, %arg7: memref<800x16xf32, #tpu.memory_space<vmem>>, %arg8: memref<!tpu.dma_semaphore, #tpu.memory_space<semaphore_mem>>, %arg9: memref<!tpu.dma_semaphore, #tpu.memory_space<semaphore_mem>>, %arg10: memref<10240x16xf32, #tpu.memory_space<vmem_shared>>) attributes {dimension_semantics = [#tpu.dimension_semantics<core_parallel>, #tpu.dimension_semantics<subcore_parallel>], iteration_bounds = array<i64: 2, 16>, scalar_prefetch = 0 : i64, scratch_operands = 5 : i64, tpu.core_type = #tpu.core_type<sc_vector_subcore>, window_params = [{transform_indices = #map}, {transform_indices = #map1}, {transform_indices = #map}, {transform_indices = #map2}]} {
    %mul3A = arith.constant 2 : i32
    %mul3A_0 = arith.muli %arg1, %mul3A : i32
    %add3A = arith.addi %mul3A_0, %arg0 : i32
    %mul3A_1 = arith.constant 640 : i32
    %mul3A_2 = arith.muli %arg1, %mul3A_1 : i32
    %mul3A_3 = arith.constant 640 : i32
    %mul3A_4 = arith.muli %arg1, %mul3A_3 : i32
    "tpu.region"() ({
      %run_scoped3A = tpu.sem_alloc : memref<!tpu.dma_semaphore, #tpu.memory_space<semaphore_mem>>
      %dma_start3A_26 = arith.constant 0 : i32
      %dma_start3A_27 = tpu.memref_slice %arg10[%mul3A_4, %dma_start3A_26] : memref<10240x16xf32, #tpu.memory_space<vmem_shared>> -> memref<640x16xf32, #tpu.memory_space<vmem_shared>>
      %dma_start3A_28 = arith.constant 0 : i32
      %dma_start3A_29 = tpu.memref_slice %arg4[%mul3A_2, %dma_start3A_28] : memref<10240x16xf32, #tpu.memory_space<hbm>> -> memref<640x16xf32, #tpu.memory_space<hbm>>
      tpu.enqueue_dma source(%dma_start3A_29 : memref<640x16xf32, #tpu.memory_space<hbm>>) target(%dma_start3A_27 : memref<640x16xf32, #tpu.memory_space<vmem_shared>>) target_semaphore(%run_scoped3A : memref<!tpu.dma_semaphore, #tpu.memory_space<semaphore_mem>>)
      %dma_wait3A = arith.constant 0 : i32
      %dma_wait3A_30 = tpu.memref_slice %arg10[%mul3A_4, %dma_wait3A] : memref<10240x16xf32, #tpu.memory_space<vmem_shared>> -> memref<640x16xf32, #tpu.memory_space<vmem_shared>>
      %dma_wait3A_31 = arith.constant 0 : i32
      %dma_wait3A_32 = tpu.memref_slice %arg4[%mul3A_2, %dma_wait3A_31] : memref<10240x16xf32, #tpu.memory_space<hbm>> -> memref<640x16xf32, #tpu.memory_space<hbm>>
      tpu.wait_dma2 semaphore(%run_scoped3A : memref<!tpu.dma_semaphore, #tpu.memory_space<semaphore_mem>>) src(%dma_wait3A_32 : memref<640x16xf32, #tpu.memory_space<hbm>>) dst(%dma_wait3A_30 : memref<640x16xf32, #tpu.memory_space<vmem_shared>>)
      tpu.yield
    }) : () -> ()
    "tpu.region"() ({
      %run_scoped3A = tpu.sem_alloc : memref<!tpu.dma_semaphore, #tpu.memory_space<semaphore_mem>>
      %dma_start3A_26 = arith.constant 0 : i32
      %dma_start3A_27 = arith.constant 0 : i32
      %dma_start3A_28 = arith.constant 0 : i32
      %dma_start3A_29 = tpu.memref_slice %arg3[%add3A, %dma_start3A_26, %dma_start3A_27, %dma_start3A_28] : memref<32x25x5x80xi32, #tpu.memory_space<hbm>> -> memref<1x25x5x80xi32, #tpu.memory_space<hbm>>
      %dma_start3A_30 = tpu.memref_squeeze %dma_start3A_29 : memref<1x25x5x80xi32, #tpu.memory_space<hbm>> -> memref<25x5x80xi32, #tpu.memory_space<hbm>>
      %dma_start3A_31 = arith.constant 0 : i32
      %dma_start3A_32 = arith.constant 0 : i32
      %dma_start3A_33 = arith.constant 0 : i32
      %dma_start3A_34 = tpu.memref_slice %arg3[%add3A, %dma_start3A_31, %dma_start3A_32, %dma_start3A_33] : memref<32x25x5x80xi32, #tpu.memory_space<hbm>> -> memref<1x25x5x80xi32, #tpu.memory_space<hbm>>
      %dma_start3A_35 = tpu.memref_squeeze %dma_start3A_34 : memref<1x25x5x80xi32, #tpu.memory_space<hbm>> -> memref<25x5x80xi32, #tpu.memory_space<hbm>>
      tpu.enqueue_dma source(%dma_start3A_35 : memref<25x5x80xi32, #tpu.memory_space<hbm>>) target(%arg6 : memref<25x5x80xi32, #tpu.memory_space<vmem>>) target_semaphore(%run_scoped3A : memref<!tpu.dma_semaphore, #tpu.memory_space<semaphore_mem>>)
      %dma_wait3A = arith.constant 0 : i32
      %dma_wait3A_36 = arith.constant 0 : i32
      %dma_wait3A_37 = arith.constant 0 : i32
      %dma_wait3A_38 = tpu.memref_slice %arg3[%add3A, %dma_wait3A, %dma_wait3A_36, %dma_wait3A_37] : memref<32x25x5x80xi32, #tpu.memory_space<hbm>> -> memref<1x25x5x80xi32, #tpu.memory_space<hbm>>
      %dma_wait3A_39 = tpu.memref_squeeze %dma_wait3A_38 : memref<1x25x5x80xi32, #tpu.memory_space<hbm>> -> memref<25x5x80xi32, #tpu.memory_space<hbm>>
      %dma_wait3A_40 = arith.constant 0 : i32
      %dma_wait3A_41 = arith.constant 0 : i32
      %dma_wait3A_42 = arith.constant 0 : i32
      %dma_wait3A_43 = tpu.memref_slice %arg3[%add3A, %dma_wait3A_40, %dma_wait3A_41, %dma_wait3A_42] : memref<32x25x5x80xi32, #tpu.memory_space<hbm>> -> memref<1x25x5x80xi32, #tpu.memory_space<hbm>>
      %dma_wait3A_44 = tpu.memref_squeeze %dma_wait3A_43 : memref<1x25x5x80xi32, #tpu.memory_space<hbm>> -> memref<25x5x80xi32, #tpu.memory_space<hbm>>
      tpu.wait_dma2 semaphore(%run_scoped3A : memref<!tpu.dma_semaphore, #tpu.memory_space<semaphore_mem>>) src(%dma_wait3A_44 : memref<25x5x80xi32, #tpu.memory_space<hbm>>) dst(%arg6 : memref<25x5x80xi32, #tpu.memory_space<vmem>>)
      tpu.yield
    }) : () -> ()
    %barrier3A = arith.constant 0 : index
    tpu.barrier barrier_id(%barrier3A)
    %mul3A_5 = arith.constant 10000 : i32
    %mul3A_6 = arith.muli %add3A, %mul3A_5 : i32
    %dma_start3A = arith.constant 0 : i32
    %dma_start3A_7 = arith.constant 0 : i32
    %dma_start3A_8 = tpu.memref_slice %arg7[%dma_start3A, %dma_start3A_7] : memref<800x16xf32, #tpu.memory_space<vmem>> -> memref<400x16xf32, #tpu.memory_space<vmem>>
    %dma_start3A_9 = arith.constant 0 : i32
    %dma_start3A_10 = tpu.memref_slice %arg2[%mul3A_6, %dma_start3A_9] : memref<320000x16xf32, #tpu.memory_space<hbm>> -> memref<400x16xf32, #tpu.memory_space<hbm>>
    %dma_start3A_11 = arith.constant 0 : i32
    %dma_start3A_12 = arith.constant 0 : i32
    %dma_start3A_13 = tpu.memref_slice %arg7[%dma_start3A_11, %dma_start3A_12] : memref<800x16xf32, #tpu.memory_space<vmem>> -> memref<400x16xf32, #tpu.memory_space<vmem>>
    %dma_start3A_14 = arith.constant 0 : i32
    %dma_start3A_15 = tpu.memref_slice %arg2[%mul3A_6, %dma_start3A_14] : memref<320000x16xf32, #tpu.memory_space<hbm>> -> memref<400x16xf32, #tpu.memory_space<hbm>>
    tpu.enqueue_dma source(%dma_start3A_15 : memref<400x16xf32, #tpu.memory_space<hbm>>) target(%dma_start3A_13 : memref<400x16xf32, #tpu.memory_space<vmem>>) target_semaphore(%arg8 : memref<!tpu.dma_semaphore, #tpu.memory_space<semaphore_mem>>)
    %scan3A = arith.constant 0 : i32
    %scan3A_16 = arith.constant 0 : i32
    %scan3A_17 = arith.constant 25 : i32
    %scan3A_18 = arith.addi %scan3A_16, %scan3A_17 : i32
    %scan3A_19 = arith.constant 1 : i32
    scf.for %scan3A_26 = %scan3A_16 to %scan3A_18 step %scan3A_19  : i32 {
      %mul3A_27 = arith.constant 10000 : i32
      %mul3A_28 = arith.muli %add3A, %mul3A_27 : i32
      %mul3A_29 = arith.constant 400 : i32
      %mul3A_30 = arith.muli %scan3A_26, %mul3A_29 : i32
      %add3A_31 = arith.addi %mul3A_28, %mul3A_30 : i32
      %jit3A = arith.constant 2 : i32
      %eq3A = arith.constant 0 : i32
      %eq3A_32 = arith.cmpi eq, %jit3A, %eq3A : i32
      %jit3A_33 = arith.constant 1 : i32
      %select_n3A = arith.select %eq3A_32, %jit3A_33, %jit3A : i32
      %rem3A = arith.remsi %scan3A_26, %select_n3A : i32
      %ne3A = arith.constant 0 : i32
      %ne3A_34 = arith.cmpi ne, %rem3A, %ne3A : i32
      %lt3A = arith.constant 0 : i32
      %lt3A_35 = arith.cmpi slt, %rem3A, %lt3A : i32
      %lt3A_36 = arith.constant 0 : i32
      %lt3A_37 = arith.cmpi slt, %select_n3A, %lt3A_36 : i32
      %ne3A_38 = arith.xori %lt3A_35, %lt3A_37 : i1
      %and3A = arith.andi %ne3A_38, %ne3A_34 : i1
      %add3A_39 = arith.addi %rem3A, %select_n3A : i32
      %select_n3A_40 = arith.select %and3A, %add3A_39, %rem3A : i32
      %mul3A_41 = arith.constant 400 : i32
      %mul3A_42 = arith.muli %select_n3A_40, %mul3A_41 : i32
      %dma_wait3A = arith.constant 0 : i32
      %dma_wait3A_43 = tpu.memref_slice %arg7[%mul3A_42, %dma_wait3A] : memref<800x16xf32, #tpu.memory_space<vmem>> -> memref<400x16xf32, #tpu.memory_space<vmem>>
      %dma_wait3A_44 = arith.constant 0 : i32
      %dma_wait3A_45 = tpu.memref_slice %arg2[%add3A_31, %dma_wait3A_44] : memref<320000x16xf32, #tpu.memory_space<hbm>> -> memref<400x16xf32, #tpu.memory_space<hbm>>
      %dma_wait3A_46 = arith.constant 0 : i32
      %dma_wait3A_47 = tpu.memref_slice %arg7[%mul3A_42, %dma_wait3A_46] : memref<800x16xf32, #tpu.memory_space<vmem>> -> memref<400x16xf32, #tpu.memory_space<vmem>>
      %dma_wait3A_48 = arith.constant 0 : i32
      %dma_wait3A_49 = tpu.memref_slice %arg2[%add3A_31, %dma_wait3A_48] : memref<320000x16xf32, #tpu.memory_space<hbm>> -> memref<400x16xf32, #tpu.memory_space<hbm>>
      tpu.wait_dma2 semaphore(%arg8 : memref<!tpu.dma_semaphore, #tpu.memory_space<semaphore_mem>>) src(%dma_wait3A_49 : memref<400x16xf32, #tpu.memory_space<hbm>>) dst(%dma_wait3A_47 : memref<400x16xf32, #tpu.memory_space<vmem>>)
      %add3A_50 = arith.constant 1 : i32
      %add3A_51 = arith.addi %scan3A_26, %add3A_50 : i32
      %lt3A_52 = arith.constant 25 : i32
      %lt3A_53 = arith.cmpi slt, %add3A_51, %lt3A_52 : i32
      %convert_element_type3A = arith.extui %lt3A_53 : i1 to i32
      %cond3A = arith.constant 0 : i32
      %cond3A_54 = arith.cmpi ne, %convert_element_type3A, %cond3A : i32
      scf.if %cond3A_54 {
        %mul3A_175 = arith.constant 10000 : i32
        %mul3A_176 = arith.muli %add3A, %mul3A_175 : i32
        %add3A_177 = arith.constant 1 : i32
        %add3A_178 = arith.addi %scan3A_26, %add3A_177 : i32
        %mul3A_179 = arith.constant 400 : i32
        %mul3A_180 = arith.muli %add3A_178, %mul3A_179 : i32
        %add3A_181 = arith.addi %mul3A_176, %mul3A_180 : i32
        %add3A_182 = arith.constant 1 : i32
        %add3A_183 = arith.addi %scan3A_26, %add3A_182 : i32
        %jit3A_184 = arith.constant 2 : i32
        %eq3A_185 = arith.constant 0 : i32
        %eq3A_186 = arith.cmpi eq, %jit3A_184, %eq3A_185 : i32
        %jit3A_187 = arith.constant 1 : i32
        %select_n3A_188 = arith.select %eq3A_186, %jit3A_187, %jit3A_184 : i32
        %rem3A_189 = arith.remsi %add3A_183, %select_n3A_188 : i32
        %ne3A_190 = arith.constant 0 : i32
        %ne3A_191 = arith.cmpi ne, %rem3A_189, %ne3A_190 : i32
        %lt3A_192 = arith.constant 0 : i32
        %lt3A_193 = arith.cmpi slt, %rem3A_189, %lt3A_192 : i32
        %lt3A_194 = arith.constant 0 : i32
        %lt3A_195 = arith.cmpi slt, %select_n3A_188, %lt3A_194 : i32
        %ne3A_196 = arith.xori %lt3A_193, %lt3A_195 : i1
        %and3A_197 = arith.andi %ne3A_196, %ne3A_191 : i1
        %add3A_198 = arith.addi %rem3A_189, %select_n3A_188 : i32
        %select_n3A_199 = arith.select %and3A_197, %add3A_198, %rem3A_189 : i32
        %mul3A_200 = arith.constant 400 : i32
        %mul3A_201 = arith.muli %select_n3A_199, %mul3A_200 : i32
        %dma_start3A_202 = arith.constant 0 : i32
        %dma_start3A_203 = tpu.memref_slice %arg7[%mul3A_201, %dma_start3A_202] : memref<800x16xf32, #tpu.memory_space<vmem>> -> memref<400x16xf32, #tpu.memory_space<vmem>>
        %dma_start3A_204 = arith.constant 0 : i32
        %dma_start3A_205 = tpu.memref_slice %arg2[%add3A_181, %dma_start3A_204] : memref<320000x16xf32, #tpu.memory_space<hbm>> -> memref<400x16xf32, #tpu.memory_space<hbm>>
        %dma_start3A_206 = arith.constant 0 : i32
        %dma_start3A_207 = tpu.memref_slice %arg7[%mul3A_201, %dma_start3A_206] : memref<800x16xf32, #tpu.memory_space<vmem>> -> memref<400x16xf32, #tpu.memory_space<vmem>>
        %dma_start3A_208 = arith.constant 0 : i32
        %dma_start3A_209 = tpu.memref_slice %arg2[%add3A_181, %dma_start3A_208] : memref<320000x16xf32, #tpu.memory_space<hbm>> -> memref<400x16xf32, #tpu.memory_space<hbm>>
        tpu.enqueue_dma source(%dma_start3A_209 : memref<400x16xf32, #tpu.memory_space<hbm>>) target(%dma_start3A_207 : memref<400x16xf32, #tpu.memory_space<vmem>>) target_semaphore(%arg8 : memref<!tpu.dma_semaphore, #tpu.memory_space<semaphore_mem>>)
      } else {
      }
      %dma_start3A_55 = arith.constant 0 : i32
      %dma_start3A_56 = arith.constant 0 : i32
      %dma_start3A_57 = tpu.memref_slice %arg7[%mul3A_42, %dma_start3A_56] : memref<800x16xf32, #tpu.memory_space<vmem>> -> memref<400x16xf32, #tpu.memory_space<vmem>>
      %dma_start3A_58 = arith.constant 0 : i32
      %dma_start3A_59 = arith.constant 0 : i32
      %dma_start3A_60 = tpu.memref_slice %dma_start3A_57[%dma_start3A_58, %dma_start3A_59] : memref<400x16xf32, #tpu.memory_space<vmem>> -> memref<80x16xf32, #tpu.memory_space<vmem>>
      %dma_start3A_61 = arith.constant 0 : i32
      %dma_start3A_62 = tpu.memref_slice %arg6[%scan3A_26, %dma_start3A_55, %dma_start3A_61] : memref<25x5x80xi32, #tpu.memory_space<vmem>> -> memref<1x1x80xi32, #tpu.memory_space<vmem>>
      %dma_start3A_63 = tpu.memref_squeeze %dma_start3A_62 : memref<1x1x80xi32, #tpu.memory_space<vmem>> -> memref<80xi32, #tpu.memory_space<vmem>>
      %dma_start3A_64 = arith.constant 0 : i32
      %dma_start3A_65 = arith.constant 0 : i32
      %dma_start3A_66 = tpu.memref_slice %arg10[%dma_start3A_64, %dma_start3A_65] : memref<10240x16xf32, #tpu.memory_space<vmem_shared>> -> memref<10240x16xf32, #tpu.memory_space<vmem_shared>>
      tpu.enqueue_indirect_dma source(%dma_start3A_60 : memref<80x16xf32, #tpu.memory_space<vmem>>) target(%dma_start3A_66 : memref<10240x16xf32, #tpu.memory_space<vmem_shared>>) offsets(%dma_start3A_63 : memref<80xi32, #tpu.memory_space<vmem>>) semaphore(%arg9 : memref<!tpu.dma_semaphore, #tpu.memory_space<semaphore_mem>>) {add = true}
      %dma_start3A_67 = arith.constant 1 : i32
      %dma_start3A_68 = arith.constant 0 : i32
      %dma_start3A_69 = tpu.memref_slice %arg7[%mul3A_42, %dma_start3A_68] : memref<800x16xf32, #tpu.memory_space<vmem>> -> memref<400x16xf32, #tpu.memory_space<vmem>>
      %dma_start3A_70 = arith.constant 80 : i32
      %dma_start3A_71 = arith.constant 0 : i32
      %dma_start3A_72 = tpu.memref_slice %dma_start3A_69[%dma_start3A_70, %dma_start3A_71] : memref<400x16xf32, #tpu.memory_space<vmem>> -> memref<80x16xf32, #tpu.memory_space<vmem>>
      %dma_start3A_73 = arith.constant 0 : i32
      %dma_start3A_74 = tpu.memref_slice %arg6[%scan3A_26, %dma_start3A_67, %dma_start3A_73] : memref<25x5x80xi32, #tpu.memory_space<vmem>> -> memref<1x1x80xi32, #tpu.memory_space<vmem>>
      %dma_start3A_75 = tpu.memref_squeeze %dma_start3A_74 : memref<1x1x80xi32, #tpu.memory_space<vmem>> -> memref<80xi32, #tpu.memory_space<vmem>>
      %dma_start3A_76 = arith.constant 0 : i32
      %dma_start3A_77 = arith.constant 0 : i32
      %dma_start3A_78 = tpu.memref_slice %arg10[%dma_start3A_76, %dma_start3A_77] : memref<10240x16xf32, #tpu.memory_space<vmem_shared>> -> memref<10240x16xf32, #tpu.memory_space<vmem_shared>>
      tpu.enqueue_indirect_dma source(%dma_start3A_72 : memref<80x16xf32, #tpu.memory_space<vmem>>) target(%dma_start3A_78 : memref<10240x16xf32, #tpu.memory_space<vmem_shared>>) offsets(%dma_start3A_75 : memref<80xi32, #tpu.memory_space<vmem>>) semaphore(%arg9 : memref<!tpu.dma_semaphore, #tpu.memory_space<semaphore_mem>>) {add = true}
      %dma_start3A_79 = arith.constant 2 : i32
      %dma_start3A_80 = arith.constant 0 : i32
      %dma_start3A_81 = tpu.memref_slice %arg7[%mul3A_42, %dma_start3A_80] : memref<800x16xf32, #tpu.memory_space<vmem>> -> memref<400x16xf32, #tpu.memory_space<vmem>>
      %dma_start3A_82 = arith.constant 160 : i32
      %dma_start3A_83 = arith.constant 0 : i32
      %dma_start3A_84 = tpu.memref_slice %dma_start3A_81[%dma_start3A_82, %dma_start3A_83] : memref<400x16xf32, #tpu.memory_space<vmem>> -> memref<80x16xf32, #tpu.memory_space<vmem>>
      %dma_start3A_85 = arith.constant 0 : i32
      %dma_start3A_86 = tpu.memref_slice %arg6[%scan3A_26, %dma_start3A_79, %dma_start3A_85] : memref<25x5x80xi32, #tpu.memory_space<vmem>> -> memref<1x1x80xi32, #tpu.memory_space<vmem>>
      %dma_start3A_87 = tpu.memref_squeeze %dma_start3A_86 : memref<1x1x80xi32, #tpu.memory_space<vmem>> -> memref<80xi32, #tpu.memory_space<vmem>>
      %dma_start3A_88 = arith.constant 0 : i32
      %dma_start3A_89 = arith.constant 0 : i32
      %dma_start3A_90 = tpu.memref_slice %arg10[%dma_start3A_88, %dma_start3A_89] : memref<10240x16xf32, #tpu.memory_space<vmem_shared>> -> memref<10240x16xf32, #tpu.memory_space<vmem_shared>>
      tpu.enqueue_indirect_dma source(%dma_start3A_84 : memref<80x16xf32, #tpu.memory_space<vmem>>) target(%dma_start3A_90 : memref<10240x16xf32, #tpu.memory_space<vmem_shared>>) offsets(%dma_start3A_87 : memref<80xi32, #tpu.memory_space<vmem>>) semaphore(%arg9 : memref<!tpu.dma_semaphore, #tpu.memory_space<semaphore_mem>>) {add = true}
      %dma_start3A_91 = arith.constant 3 : i32
      %dma_start3A_92 = arith.constant 0 : i32
      %dma_start3A_93 = tpu.memref_slice %arg7[%mul3A_42, %dma_start3A_92] : memref<800x16xf32, #tpu.memory_space<vmem>> -> memref<400x16xf32, #tpu.memory_space<vmem>>
      %dma_start3A_94 = arith.constant 240 : i32
      %dma_start3A_95 = arith.constant 0 : i32
      %dma_start3A_96 = tpu.memref_slice %dma_start3A_93[%dma_start3A_94, %dma_start3A_95] : memref<400x16xf32, #tpu.memory_space<vmem>> -> memref<80x16xf32, #tpu.memory_space<vmem>>
      %dma_start3A_97 = arith.constant 0 : i32
      %dma_start3A_98 = tpu.memref_slice %arg6[%scan3A_26, %dma_start3A_91, %dma_start3A_97] : memref<25x5x80xi32, #tpu.memory_space<vmem>> -> memref<1x1x80xi32, #tpu.memory_space<vmem>>
      %dma_start3A_99 = tpu.memref_squeeze %dma_start3A_98 : memref<1x1x80xi32, #tpu.memory_space<vmem>> -> memref<80xi32, #tpu.memory_space<vmem>>
      %dma_start3A_100 = arith.constant 0 : i32
      %dma_start3A_101 = arith.constant 0 : i32
      %dma_start3A_102 = tpu.memref_slice %arg10[%dma_start3A_100, %dma_start3A_101] : memref<10240x16xf32, #tpu.memory_space<vmem_shared>> -> memref<10240x16xf32, #tpu.memory_space<vmem_shared>>
      tpu.enqueue_indirect_dma source(%dma_start3A_96 : memref<80x16xf32, #tpu.memory_space<vmem>>) target(%dma_start3A_102 : memref<10240x16xf32, #tpu.memory_space<vmem_shared>>) offsets(%dma_start3A_99 : memref<80xi32, #tpu.memory_space<vmem>>) semaphore(%arg9 : memref<!tpu.dma_semaphore, #tpu.memory_space<semaphore_mem>>) {add = true}
      %dma_start3A_103 = arith.constant 4 : i32
      %dma_start3A_104 = arith.constant 0 : i32
      %dma_start3A_105 = tpu.memref_slice %arg7[%mul3A_42, %dma_start3A_104] : memref<800x16xf32, #tpu.memory_space<vmem>> -> memref<400x16xf32, #tpu.memory_space<vmem>>
      %dma_start3A_106 = arith.constant 320 : i32
      %dma_start3A_107 = arith.constant 0 : i32
      %dma_start3A_108 = tpu.memref_slice %dma_start3A_105[%dma_start3A_106, %dma_start3A_107] : memref<400x16xf32, #tpu.memory_space<vmem>> -> memref<80x16xf32, #tpu.memory_space<vmem>>
      %dma_start3A_109 = arith.constant 0 : i32
      %dma_start3A_110 = tpu.memref_slice %arg6[%scan3A_26, %dma_start3A_103, %dma_start3A_109] : memref<25x5x80xi32, #tpu.memory_space<vmem>> -> memref<1x1x80xi32, #tpu.memory_space<vmem>>
      %dma_start3A_111 = tpu.memref_squeeze %dma_start3A_110 : memref<1x1x80xi32, #tpu.memory_space<vmem>> -> memref<80xi32, #tpu.memory_space<vmem>>
      %dma_start3A_112 = arith.constant 0 : i32
      %dma_start3A_113 = arith.constant 0 : i32
      %dma_start3A_114 = tpu.memref_slice %arg10[%dma_start3A_112, %dma_start3A_113] : memref<10240x16xf32, #tpu.memory_space<vmem_shared>> -> memref<10240x16xf32, #tpu.memory_space<vmem_shared>>
      tpu.enqueue_indirect_dma source(%dma_start3A_108 : memref<80x16xf32, #tpu.memory_space<vmem>>) target(%dma_start3A_114 : memref<10240x16xf32, #tpu.memory_space<vmem_shared>>) offsets(%dma_start3A_111 : memref<80xi32, #tpu.memory_space<vmem>>) semaphore(%arg9 : memref<!tpu.dma_semaphore, #tpu.memory_space<semaphore_mem>>) {add = true}
      %dma_wait3A_115 = arith.constant 0 : i32
      %dma_wait3A_116 = arith.constant 0 : i32
      %dma_wait3A_117 = tpu.memref_slice %arg7[%mul3A_42, %dma_wait3A_116] : memref<800x16xf32, #tpu.memory_space<vmem>> -> memref<400x16xf32, #tpu.memory_space<vmem>>
      %dma_wait3A_118 = arith.constant 0 : i32
      %dma_wait3A_119 = arith.constant 0 : i32
      %dma_wait3A_120 = tpu.memref_slice %dma_wait3A_117[%dma_wait3A_118, %dma_wait3A_119] : memref<400x16xf32, #tpu.memory_space<vmem>> -> memref<80x16xf32, #tpu.memory_space<vmem>>
      %dma_wait3A_121 = arith.constant 0 : i32
      %dma_wait3A_122 = tpu.memref_slice %arg6[%scan3A_26, %dma_wait3A_115, %dma_wait3A_121] : memref<25x5x80xi32, #tpu.memory_space<vmem>> -> memref<1x1x80xi32, #tpu.memory_space<vmem>>
      %dma_wait3A_123 = tpu.memref_squeeze %dma_wait3A_122 : memref<1x1x80xi32, #tpu.memory_space<vmem>> -> memref<80xi32, #tpu.memory_space<vmem>>
      %dma_wait3A_124 = arith.constant 0 : i32
      %dma_wait3A_125 = arith.constant 0 : i32
      %dma_wait3A_126 = tpu.memref_slice %arg10[%dma_wait3A_124, %dma_wait3A_125] : memref<10240x16xf32, #tpu.memory_space<vmem_shared>> -> memref<10240x16xf32, #tpu.memory_space<vmem_shared>>
      tpu.wait_indirect_dma semaphore(%arg9 : memref<!tpu.dma_semaphore, #tpu.memory_space<semaphore_mem>>) src(%dma_wait3A_120 : memref<80x16xf32, #tpu.memory_space<vmem>>) dst(%dma_wait3A_126 : memref<10240x16xf32, #tpu.memory_space<vmem_shared>>)
      %dma_wait3A_127 = arith.constant 1 : i32
      %dma_wait3A_128 = arith.constant 0 : i32
      %dma_wait3A_129 = tpu.memref_slice %arg7[%mul3A_42, %dma_wait3A_128] : memref<800x16xf32, #tpu.memory_space<vmem>> -> memref<400x16xf32, #tpu.memory_space<vmem>>
      %dma_wait3A_130 = arith.constant 80 : i32
      %dma_wait3A_131 = arith.constant 0 : i32
      %dma_wait3A_132 = tpu.memref_slice %dma_wait3A_129[%dma_wait3A_130, %dma_wait3A_131] : memref<400x16xf32, #tpu.memory_space<vmem>> -> memref<80x16xf32, #tpu.memory_space<vmem>>
      %dma_wait3A_133 = arith.constant 0 : i32
      %dma_wait3A_134 = tpu.memref_slice %arg6[%scan3A_26, %dma_wait3A_127, %dma_wait3A_133] : memref<25x5x80xi32, #tpu.memory_space<vmem>> -> memref<1x1x80xi32, #tpu.memory_space<vmem>>
      %dma_wait3A_135 = tpu.memref_squeeze %dma_wait3A_134 : memref<1x1x80xi32, #tpu.memory_space<vmem>> -> memref<80xi32, #tpu.memory_space<vmem>>
      %dma_wait3A_136 = arith.constant 0 : i32
      %dma_wait3A_137 = arith.constant 0 : i32
      %dma_wait3A_138 = tpu.memref_slice %arg10[%dma_wait3A_136, %dma_wait3A_137] : memref<10240x16xf32, #tpu.memory_space<vmem_shared>> -> memref<10240x16xf32, #tpu.memory_space<vmem_shared>>
      tpu.wait_indirect_dma semaphore(%arg9 : memref<!tpu.dma_semaphore, #tpu.memory_space<semaphore_mem>>) src(%dma_wait3A_132 : memref<80x16xf32, #tpu.memory_space<vmem>>) dst(%dma_wait3A_138 : memref<10240x16xf32, #tpu.memory_space<vmem_shared>>)
      %dma_wait3A_139 = arith.constant 2 : i32
      %dma_wait3A_140 = arith.constant 0 : i32
      %dma_wait3A_141 = tpu.memref_slice %arg7[%mul3A_42, %dma_wait3A_140] : memref<800x16xf32, #tpu.memory_space<vmem>> -> memref<400x16xf32, #tpu.memory_space<vmem>>
      %dma_wait3A_142 = arith.constant 160 : i32
      %dma_wait3A_143 = arith.constant 0 : i32
      %dma_wait3A_144 = tpu.memref_slice %dma_wait3A_141[%dma_wait3A_142, %dma_wait3A_143] : memref<400x16xf32, #tpu.memory_space<vmem>> -> memref<80x16xf32, #tpu.memory_space<vmem>>
      %dma_wait3A_145 = arith.constant 0 : i32
      %dma_wait3A_146 = tpu.memref_slice %arg6[%scan3A_26, %dma_wait3A_139, %dma_wait3A_145] : memref<25x5x80xi32, #tpu.memory_space<vmem>> -> memref<1x1x80xi32, #tpu.memory_space<vmem>>
      %dma_wait3A_147 = tpu.memref_squeeze %dma_wait3A_146 : memref<1x1x80xi32, #tpu.memory_space<vmem>> -> memref<80xi32, #tpu.memory_space<vmem>>
      %dma_wait3A_148 = arith.constant 0 : i32
      %dma_wait3A_149 = arith.constant 0 : i32
      %dma_wait3A_150 = tpu.memref_slice %arg10[%dma_wait3A_148, %dma_wait3A_149] : memref<10240x16xf32, #tpu.memory_space<vmem_shared>> -> memref<10240x16xf32, #tpu.memory_space<vmem_shared>>
      tpu.wait_indirect_dma semaphore(%arg9 : memref<!tpu.dma_semaphore, #tpu.memory_space<semaphore_mem>>) src(%dma_wait3A_144 : memref<80x16xf32, #tpu.memory_space<vmem>>) dst(%dma_wait3A_150 : memref<10240x16xf32, #tpu.memory_space<vmem_shared>>)
      %dma_wait3A_151 = arith.constant 3 : i32
      %dma_wait3A_152 = arith.constant 0 : i32
      %dma_wait3A_153 = tpu.memref_slice %arg7[%mul3A_42, %dma_wait3A_152] : memref<800x16xf32, #tpu.memory_space<vmem>> -> memref<400x16xf32, #tpu.memory_space<vmem>>
      %dma_wait3A_154 = arith.constant 240 : i32
      %dma_wait3A_155 = arith.constant 0 : i32
      %dma_wait3A_156 = tpu.memref_slice %dma_wait3A_153[%dma_wait3A_154, %dma_wait3A_155] : memref<400x16xf32, #tpu.memory_space<vmem>> -> memref<80x16xf32, #tpu.memory_space<vmem>>
      %dma_wait3A_157 = arith.constant 0 : i32
      %dma_wait3A_158 = tpu.memref_slice %arg6[%scan3A_26, %dma_wait3A_151, %dma_wait3A_157] : memref<25x5x80xi32, #tpu.memory_space<vmem>> -> memref<1x1x80xi32, #tpu.memory_space<vmem>>
      %dma_wait3A_159 = tpu.memref_squeeze %dma_wait3A_158 : memref<1x1x80xi32, #tpu.memory_space<vmem>> -> memref<80xi32, #tpu.memory_space<vmem>>
      %dma_wait3A_160 = arith.constant 0 : i32
      %dma_wait3A_161 = arith.constant 0 : i32
      %dma_wait3A_162 = tpu.memref_slice %arg10[%dma_wait3A_160, %dma_wait3A_161] : memref<10240x16xf32, #tpu.memory_space<vmem_shared>> -> memref<10240x16xf32, #tpu.memory_space<vmem_shared>>
      tpu.wait_indirect_dma semaphore(%arg9 : memref<!tpu.dma_semaphore, #tpu.memory_space<semaphore_mem>>) src(%dma_wait3A_156 : memref<80x16xf32, #tpu.memory_space<vmem>>) dst(%dma_wait3A_162 : memref<10240x16xf32, #tpu.memory_space<vmem_shared>>)
      %dma_wait3A_163 = arith.constant 4 : i32
      %dma_wait3A_164 = arith.constant 0 : i32
      %dma_wait3A_165 = tpu.memref_slice %arg7[%mul3A_42, %dma_wait3A_164] : memref<800x16xf32, #tpu.memory_space<vmem>> -> memref<400x16xf32, #tpu.memory_space<vmem>>
      %dma_wait3A_166 = arith.constant 320 : i32
      %dma_wait3A_167 = arith.constant 0 : i32
      %dma_wait3A_168 = tpu.memref_slice %dma_wait3A_165[%dma_wait3A_166, %dma_wait3A_167] : memref<400x16xf32, #tpu.memory_space<vmem>> -> memref<80x16xf32, #tpu.memory_space<vmem>>
      %dma_wait3A_169 = arith.constant 0 : i32
      %dma_wait3A_170 = tpu.memref_slice %arg6[%scan3A_26, %dma_wait3A_163, %dma_wait3A_169] : memref<25x5x80xi32, #tpu.memory_space<vmem>> -> memref<1x1x80xi32, #tpu.memory_space<vmem>>
      %dma_wait3A_171 = tpu.memref_squeeze %dma_wait3A_170 : memref<1x1x80xi32, #tpu.memory_space<vmem>> -> memref<80xi32, #tpu.memory_space<vmem>>
      %dma_wait3A_172 = arith.constant 0 : i32
      %dma_wait3A_173 = arith.constant 0 : i32
      %dma_wait3A_174 = tpu.memref_slice %arg10[%dma_wait3A_172, %dma_wait3A_173] : memref<10240x16xf32, #tpu.memory_space<vmem_shared>> -> memref<10240x16xf32, #tpu.memory_space<vmem_shared>>
      tpu.wait_indirect_dma semaphore(%arg9 : memref<!tpu.dma_semaphore, #tpu.memory_space<semaphore_mem>>) src(%dma_wait3A_168 : memref<80x16xf32, #tpu.memory_space<vmem>>) dst(%dma_wait3A_174 : memref<10240x16xf32, #tpu.memory_space<vmem_shared>>)
    }
    %scan3A_20 = arith.constant 25 : i32
    %barrier3A_21 = arith.constant 0 : index
    tpu.barrier barrier_id(%barrier3A_21)
    %mul3A_22 = arith.constant 640 : i32
    %mul3A_23 = arith.muli %arg1, %mul3A_22 : i32
    %mul3A_24 = arith.constant 640 : i32
    %mul3A_25 = arith.muli %arg1, %mul3A_24 : i32
    "tpu.region"() ({
      %run_scoped3A = tpu.sem_alloc : memref<!tpu.dma_semaphore, #tpu.memory_space<semaphore_mem>>
      %dma_start3A_26 = arith.constant 0 : i32
      %dma_start3A_27 = tpu.memref_slice %arg5[%arg0, %mul3A_25, %dma_start3A_26] : memref<2x10240x16xf32, #tpu.memory_space<hbm>> -> memref<1x640x16xf32, #tpu.memory_space<hbm>>
      %dma_start3A_28 = tpu.memref_squeeze %dma_start3A_27 : memref<1x640x16xf32, #tpu.memory_space<hbm>> -> memref<640x16xf32, #tpu.memory_space<hbm>>
      %dma_start3A_29 = arith.constant 0 : i32
      %dma_start3A_30 = tpu.memref_slice %arg10[%mul3A_23, %dma_start3A_29] : memref<10240x16xf32, #tpu.memory_space<vmem_shared>> -> memref<640x16xf32, #tpu.memory_space<vmem_shared>>
      tpu.enqueue_dma source(%dma_start3A_30 : memref<640x16xf32, #tpu.memory_space<vmem_shared>>) target(%dma_start3A_28 : memref<640x16xf32, #tpu.memory_space<hbm>>) target_semaphore(%run_scoped3A : memref<!tpu.dma_semaphore, #tpu.memory_space<semaphore_mem>>)
      %dma_wait3A = arith.constant 0 : i32
      %dma_wait3A_31 = tpu.memref_slice %arg5[%arg0, %mul3A_25, %dma_wait3A] : memref<2x10240x16xf32, #tpu.memory_space<hbm>> -> memref<1x640x16xf32, #tpu.memory_space<hbm>>
      %dma_wait3A_32 = tpu.memref_squeeze %dma_wait3A_31 : memref<1x640x16xf32, #tpu.memory_space<hbm>> -> memref<640x16xf32, #tpu.memory_space<hbm>>
      %dma_wait3A_33 = arith.constant 0 : i32
      %dma_wait3A_34 = tpu.memref_slice %arg10[%mul3A_23, %dma_wait3A_33] : memref<10240x16xf32, #tpu.memory_space<vmem_shared>> -> memref<640x16xf32, #tpu.memory_space<vmem_shared>>
      tpu.wait_dma2 semaphore(%run_scoped3A : memref<!tpu.dma_semaphore, #tpu.memory_space<semaphore_mem>>) src(%dma_wait3A_34 : memref<640x16xf32, #tpu.memory_space<vmem_shared>>) dst(%dma_wait3A_32 : memref<640x16xf32, #tpu.memory_space<hbm>>)
      tpu.yield
    }) : () -> ()
    return
  }
}

#map = affine_map<(d0, d1) -> (0, 0)>
#map1 = affine_map<(d0, d1) -> (0, 0, 0, 0)>
module attributes {stable_mosaic.version = 14 : i64} {
  func.func @_gather_body(%arg0: i32, %arg1: i32, %arg2: memref<10240x16xf32, #tpu.memory_space<hbm>>, %arg3: memref<10240x16xf32, #tpu.memory_space<hbm>>, %arg4: memref<32x25x5x80xi32, #tpu.memory_space<hbm>>, %arg5: memref<32x25x5x80xi32, #tpu.memory_space<hbm>>, %arg6: memref<320000x16xf32, #tpu.memory_space<hbm>>, %arg7: memref<320000x16xf32, #tpu.memory_space<hbm>>, %arg8: memref<25x5x80xi32, #tpu.memory_space<vmem>>, %arg9: memref<25x5x80xi32, #tpu.memory_space<vmem>>, %arg10: memref<800x16xf32, #tpu.memory_space<vmem>>, %arg11: memref<800x16xf32, #tpu.memory_space<vmem>>, %arg12: memref<!tpu.dma_semaphore, #tpu.memory_space<semaphore_mem>>, %arg13: memref<!tpu.dma_semaphore, #tpu.memory_space<semaphore_mem>>, %arg14: memref<!tpu.dma_semaphore, #tpu.memory_space<semaphore_mem>>) attributes {dimension_semantics = [#tpu.dimension_semantics<core_parallel>, #tpu.dimension_semantics<subcore_parallel>], iteration_bounds = array<i64: 2, 16>, scalar_prefetch = 0 : i64, scratch_operands = 7 : i64, tpu.core_type = #tpu.core_type<sc_vector_subcore>, window_params = [{transform_indices = #map}, {transform_indices = #map}, {transform_indices = #map1}, {transform_indices = #map1}, {transform_indices = #map}, {transform_indices = #map}]} {
    %mul3A = arith.constant 2 : i32
    %mul3A_0 = arith.muli %arg1, %mul3A : i32
    %add3A = arith.addi %mul3A_0, %arg0 : i32
    "tpu.region"() ({
      %run_scoped3A = tpu.sem_alloc : memref<!tpu.dma_semaphore, #tpu.memory_space<semaphore_mem>>
      %dma_start3A = arith.constant 0 : i32
      %dma_start3A_53 = arith.constant 0 : i32
      %dma_start3A_54 = arith.constant 0 : i32
      %dma_start3A_55 = tpu.memref_slice %arg4[%add3A, %dma_start3A, %dma_start3A_53, %dma_start3A_54] : memref<32x25x5x80xi32, #tpu.memory_space<hbm>> -> memref<1x25x5x80xi32, #tpu.memory_space<hbm>>
      %dma_start3A_56 = tpu.memref_squeeze %dma_start3A_55 : memref<1x25x5x80xi32, #tpu.memory_space<hbm>> -> memref<25x5x80xi32, #tpu.memory_space<hbm>>
      %dma_start3A_57 = arith.constant 0 : i32
      %dma_start3A_58 = arith.constant 0 : i32
      %dma_start3A_59 = arith.constant 0 : i32
      %dma_start3A_60 = tpu.memref_slice %arg4[%add3A, %dma_start3A_57, %dma_start3A_58, %dma_start3A_59] : memref<32x25x5x80xi32, #tpu.memory_space<hbm>> -> memref<1x25x5x80xi32, #tpu.memory_space<hbm>>
      %dma_start3A_61 = tpu.memref_squeeze %dma_start3A_60 : memref<1x25x5x80xi32, #tpu.memory_space<hbm>> -> memref<25x5x80xi32, #tpu.memory_space<hbm>>
      tpu.enqueue_dma source(%dma_start3A_61 : memref<25x5x80xi32, #tpu.memory_space<hbm>>) target(%arg8 : memref<25x5x80xi32, #tpu.memory_space<vmem>>) target_semaphore(%run_scoped3A : memref<!tpu.dma_semaphore, #tpu.memory_space<semaphore_mem>>)
      %dma_wait3A_62 = arith.constant 0 : i32
      %dma_wait3A_63 = arith.constant 0 : i32
      %dma_wait3A_64 = arith.constant 0 : i32
      %dma_wait3A_65 = tpu.memref_slice %arg4[%add3A, %dma_wait3A_62, %dma_wait3A_63, %dma_wait3A_64] : memref<32x25x5x80xi32, #tpu.memory_space<hbm>> -> memref<1x25x5x80xi32, #tpu.memory_space<hbm>>
      %dma_wait3A_66 = tpu.memref_squeeze %dma_wait3A_65 : memref<1x25x5x80xi32, #tpu.memory_space<hbm>> -> memref<25x5x80xi32, #tpu.memory_space<hbm>>
      %dma_wait3A_67 = arith.constant 0 : i32
      %dma_wait3A_68 = arith.constant 0 : i32
      %dma_wait3A_69 = arith.constant 0 : i32
      %dma_wait3A_70 = tpu.memref_slice %arg4[%add3A, %dma_wait3A_67, %dma_wait3A_68, %dma_wait3A_69] : memref<32x25x5x80xi32, #tpu.memory_space<hbm>> -> memref<1x25x5x80xi32, #tpu.memory_space<hbm>>
      %dma_wait3A_71 = tpu.memref_squeeze %dma_wait3A_70 : memref<1x25x5x80xi32, #tpu.memory_space<hbm>> -> memref<25x5x80xi32, #tpu.memory_space<hbm>>
      tpu.wait_dma2 semaphore(%run_scoped3A : memref<!tpu.dma_semaphore, #tpu.memory_space<semaphore_mem>>) src(%dma_wait3A_71 : memref<25x5x80xi32, #tpu.memory_space<hbm>>) dst(%arg8 : memref<25x5x80xi32, #tpu.memory_space<vmem>>)
      tpu.yield
    }) : () -> ()
    "tpu.region"() ({
      %run_scoped3A = tpu.sem_alloc : memref<!tpu.dma_semaphore, #tpu.memory_space<semaphore_mem>>
      %dma_start3A = arith.constant 0 : i32
      %dma_start3A_53 = arith.constant 0 : i32
      %dma_start3A_54 = arith.constant 0 : i32
      %dma_start3A_55 = tpu.memref_slice %arg5[%add3A, %dma_start3A, %dma_start3A_53, %dma_start3A_54] : memref<32x25x5x80xi32, #tpu.memory_space<hbm>> -> memref<1x25x5x80xi32, #tpu.memory_space<hbm>>
      %dma_start3A_56 = tpu.memref_squeeze %dma_start3A_55 : memref<1x25x5x80xi32, #tpu.memory_space<hbm>> -> memref<25x5x80xi32, #tpu.memory_space<hbm>>
      %dma_start3A_57 = arith.constant 0 : i32
      %dma_start3A_58 = arith.constant 0 : i32
      %dma_start3A_59 = arith.constant 0 : i32
      %dma_start3A_60 = tpu.memref_slice %arg5[%add3A, %dma_start3A_57, %dma_start3A_58, %dma_start3A_59] : memref<32x25x5x80xi32, #tpu.memory_space<hbm>> -> memref<1x25x5x80xi32, #tpu.memory_space<hbm>>
      %dma_start3A_61 = tpu.memref_squeeze %dma_start3A_60 : memref<1x25x5x80xi32, #tpu.memory_space<hbm>> -> memref<25x5x80xi32, #tpu.memory_space<hbm>>
      tpu.enqueue_dma source(%dma_start3A_61 : memref<25x5x80xi32, #tpu.memory_space<hbm>>) target(%arg9 : memref<25x5x80xi32, #tpu.memory_space<vmem>>) target_semaphore(%run_scoped3A : memref<!tpu.dma_semaphore, #tpu.memory_space<semaphore_mem>>)
      %dma_wait3A_62 = arith.constant 0 : i32
      %dma_wait3A_63 = arith.constant 0 : i32
      %dma_wait3A_64 = arith.constant 0 : i32
      %dma_wait3A_65 = tpu.memref_slice %arg5[%add3A, %dma_wait3A_62, %dma_wait3A_63, %dma_wait3A_64] : memref<32x25x5x80xi32, #tpu.memory_space<hbm>> -> memref<1x25x5x80xi32, #tpu.memory_space<hbm>>
      %dma_wait3A_66 = tpu.memref_squeeze %dma_wait3A_65 : memref<1x25x5x80xi32, #tpu.memory_space<hbm>> -> memref<25x5x80xi32, #tpu.memory_space<hbm>>
      %dma_wait3A_67 = arith.constant 0 : i32
      %dma_wait3A_68 = arith.constant 0 : i32
      %dma_wait3A_69 = arith.constant 0 : i32
      %dma_wait3A_70 = tpu.memref_slice %arg5[%add3A, %dma_wait3A_67, %dma_wait3A_68, %dma_wait3A_69] : memref<32x25x5x80xi32, #tpu.memory_space<hbm>> -> memref<1x25x5x80xi32, #tpu.memory_space<hbm>>
      %dma_wait3A_71 = tpu.memref_squeeze %dma_wait3A_70 : memref<1x25x5x80xi32, #tpu.memory_space<hbm>> -> memref<25x5x80xi32, #tpu.memory_space<hbm>>
      tpu.wait_dma2 semaphore(%run_scoped3A : memref<!tpu.dma_semaphore, #tpu.memory_space<semaphore_mem>>) src(%dma_wait3A_71 : memref<25x5x80xi32, #tpu.memory_space<hbm>>) dst(%arg9 : memref<25x5x80xi32, #tpu.memory_space<vmem>>)
      tpu.yield
    }) : () -> ()
    %scan3A = arith.constant 0 : i32
    %scan3A_1 = arith.constant 0 : i32
    %scan3A_2 = arith.constant 25 : i32
    %scan3A_3 = arith.addi %scan3A_1, %scan3A_2 : i32
    %scan3A_4 = arith.constant 1 : i32
    scf.for %scan3A_53 = %scan3A_1 to %scan3A_3 step %scan3A_4  : i32 {
      %mul3A_54 = arith.constant 10000 : i32
      %mul3A_55 = arith.muli %add3A, %mul3A_54 : i32
      %mul3A_56 = arith.constant 400 : i32
      %mul3A_57 = arith.muli %scan3A_53, %mul3A_56 : i32
      %add3A_58 = arith.addi %mul3A_55, %mul3A_57 : i32
      %jit3A = arith.constant 2 : i32
      %eq3A = arith.constant 0 : i32
      %eq3A_59 = arith.cmpi eq, %jit3A, %eq3A : i32
      %jit3A_60 = arith.constant 1 : i32
      %select_n3A = arith.select %eq3A_59, %jit3A_60, %jit3A : i32
      %rem3A = arith.remsi %scan3A_53, %select_n3A : i32
      %ne3A = arith.constant 0 : i32
      %ne3A_61 = arith.cmpi ne, %rem3A, %ne3A : i32
      %lt3A = arith.constant 0 : i32
      %lt3A_62 = arith.cmpi slt, %rem3A, %lt3A : i32
      %lt3A_63 = arith.constant 0 : i32
      %lt3A_64 = arith.cmpi slt, %select_n3A, %lt3A_63 : i32
      %ne3A_65 = arith.xori %lt3A_62, %lt3A_64 : i1
      %and3A = arith.andi %ne3A_65, %ne3A_61 : i1
      %add3A_66 = arith.addi %rem3A, %select_n3A : i32
      %select_n3A_67 = arith.select %and3A, %add3A_66, %rem3A : i32
      %mul3A_68 = arith.constant 400 : i32
      %mul3A_69 = arith.muli %select_n3A_67, %mul3A_68 : i32
      %ge3A = arith.constant 2 : i32
      %ge3A_70 = arith.cmpi sge, %scan3A_53, %ge3A : i32
      %convert_element_type3A = arith.extui %ge3A_70 : i1 to i32
      %cond3A = arith.constant 0 : i32
      %cond3A_71 = arith.cmpi ne, %convert_element_type3A, %cond3A : i32
      scf.if %cond3A_71 {
        %mul3A_327 = arith.constant 10000 : i32
        %mul3A_328 = arith.muli %add3A, %mul3A_327 : i32
        %sub3A = arith.constant 2 : i32
        %sub3A_329 = arith.subi %scan3A_53, %sub3A : i32
        %mul3A_330 = arith.constant 400 : i32
        %mul3A_331 = arith.muli %sub3A_329, %mul3A_330 : i32
        %add3A_332 = arith.addi %mul3A_328, %mul3A_331 : i32
        %dma_wait3A_333 = arith.constant 0 : i32
        %dma_wait3A_334 = tpu.memref_slice %arg10[%mul3A_69, %dma_wait3A_333] : memref<800x16xf32, #tpu.memory_space<vmem>> -> memref<400x16xf32, #tpu.memory_space<vmem>>
        %dma_wait3A_335 = arith.constant 0 : i32
        %dma_wait3A_336 = tpu.memref_slice %arg6[%add3A_332, %dma_wait3A_335] : memref<320000x16xf32, #tpu.memory_space<hbm>> -> memref<400x16xf32, #tpu.memory_space<hbm>>
        %dma_wait3A_337 = arith.constant 0 : i32
        %dma_wait3A_338 = tpu.memref_slice %arg6[%add3A_332, %dma_wait3A_337] : memref<320000x16xf32, #tpu.memory_space<hbm>> -> memref<400x16xf32, #tpu.memory_space<hbm>>
        %dma_wait3A_339 = arith.constant 0 : i32
        %dma_wait3A_340 = tpu.memref_slice %arg10[%mul3A_69, %dma_wait3A_339] : memref<800x16xf32, #tpu.memory_space<vmem>> -> memref<400x16xf32, #tpu.memory_space<vmem>>
        tpu.wait_dma2 semaphore(%arg13 : memref<!tpu.dma_semaphore, #tpu.memory_space<semaphore_mem>>) src(%dma_wait3A_340 : memref<400x16xf32, #tpu.memory_space<vmem>>) dst(%dma_wait3A_338 : memref<400x16xf32, #tpu.memory_space<hbm>>)
        %dma_wait3A_341 = arith.constant 0 : i32
        %dma_wait3A_342 = tpu.memref_slice %arg11[%mul3A_69, %dma_wait3A_341] : memref<800x16xf32, #tpu.memory_space<vmem>> -> memref<400x16xf32, #tpu.memory_space<vmem>>
        %dma_wait3A_343 = arith.constant 0 : i32
        %dma_wait3A_344 = tpu.memref_slice %arg7[%add3A_332, %dma_wait3A_343] : memref<320000x16xf32, #tpu.memory_space<hbm>> -> memref<400x16xf32, #tpu.memory_space<hbm>>
        %dma_wait3A_345 = arith.constant 0 : i32
        %dma_wait3A_346 = tpu.memref_slice %arg7[%add3A_332, %dma_wait3A_345] : memref<320000x16xf32, #tpu.memory_space<hbm>> -> memref<400x16xf32, #tpu.memory_space<hbm>>
        %dma_wait3A_347 = arith.constant 0 : i32
        %dma_wait3A_348 = tpu.memref_slice %arg11[%mul3A_69, %dma_wait3A_347] : memref<800x16xf32, #tpu.memory_space<vmem>> -> memref<400x16xf32, #tpu.memory_space<vmem>>
        tpu.wait_dma2 semaphore(%arg14 : memref<!tpu.dma_semaphore, #tpu.memory_space<semaphore_mem>>) src(%dma_wait3A_348 : memref<400x16xf32, #tpu.memory_space<vmem>>) dst(%dma_wait3A_346 : memref<400x16xf32, #tpu.memory_space<hbm>>)
      } else {
      }
      %dma_start3A = arith.constant 0 : i32
      %dma_start3A_72 = arith.constant 0 : i32
      %dma_start3A_73 = tpu.memref_slice %arg10[%mul3A_69, %dma_start3A_72] : memref<800x16xf32, #tpu.memory_space<vmem>> -> memref<400x16xf32, #tpu.memory_space<vmem>>
      %dma_start3A_74 = arith.constant 0 : i32
      %dma_start3A_75 = arith.constant 0 : i32
      %dma_start3A_76 = tpu.memref_slice %dma_start3A_73[%dma_start3A_74, %dma_start3A_75] : memref<400x16xf32, #tpu.memory_space<vmem>> -> memref<80x16xf32, #tpu.memory_space<vmem>>
      %dma_start3A_77 = arith.constant 0 : i32
      %dma_start3A_78 = tpu.memref_slice %arg8[%scan3A_53, %dma_start3A, %dma_start3A_77] : memref<25x5x80xi32, #tpu.memory_space<vmem>> -> memref<1x1x80xi32, #tpu.memory_space<vmem>>
      %dma_start3A_79 = tpu.memref_squeeze %dma_start3A_78 : memref<1x1x80xi32, #tpu.memory_space<vmem>> -> memref<80xi32, #tpu.memory_space<vmem>>
      %dma_start3A_80 = arith.constant 0 : i32
      %dma_start3A_81 = arith.constant 0 : i32
      %dma_start3A_82 = tpu.memref_slice %arg2[%dma_start3A_80, %dma_start3A_81] : memref<10240x16xf32, #tpu.memory_space<hbm>> -> memref<10240x16xf32, #tpu.memory_space<hbm>>
      tpu.enqueue_indirect_dma source(%dma_start3A_82 : memref<10240x16xf32, #tpu.memory_space<hbm>>) target(%dma_start3A_76 : memref<80x16xf32, #tpu.memory_space<vmem>>) offsets(%dma_start3A_79 : memref<80xi32, #tpu.memory_space<vmem>>) semaphore(%arg12 : memref<!tpu.dma_semaphore, #tpu.memory_space<semaphore_mem>>)
      %dma_start3A_83 = arith.constant 1 : i32
      %dma_start3A_84 = arith.constant 0 : i32
      %dma_start3A_85 = tpu.memref_slice %arg10[%mul3A_69, %dma_start3A_84] : memref<800x16xf32, #tpu.memory_space<vmem>> -> memref<400x16xf32, #tpu.memory_space<vmem>>
      %dma_start3A_86 = arith.constant 80 : i32
      %dma_start3A_87 = arith.constant 0 : i32
      %dma_start3A_88 = tpu.memref_slice %dma_start3A_85[%dma_start3A_86, %dma_start3A_87] : memref<400x16xf32, #tpu.memory_space<vmem>> -> memref<80x16xf32, #tpu.memory_space<vmem>>
      %dma_start3A_89 = arith.constant 0 : i32
      %dma_start3A_90 = tpu.memref_slice %arg8[%scan3A_53, %dma_start3A_83, %dma_start3A_89] : memref<25x5x80xi32, #tpu.memory_space<vmem>> -> memref<1x1x80xi32, #tpu.memory_space<vmem>>
      %dma_start3A_91 = tpu.memref_squeeze %dma_start3A_90 : memref<1x1x80xi32, #tpu.memory_space<vmem>> -> memref<80xi32, #tpu.memory_space<vmem>>
      %dma_start3A_92 = arith.constant 0 : i32
      %dma_start3A_93 = arith.constant 0 : i32
      %dma_start3A_94 = tpu.memref_slice %arg2[%dma_start3A_92, %dma_start3A_93] : memref<10240x16xf32, #tpu.memory_space<hbm>> -> memref<10240x16xf32, #tpu.memory_space<hbm>>
      tpu.enqueue_indirect_dma source(%dma_start3A_94 : memref<10240x16xf32, #tpu.memory_space<hbm>>) target(%dma_start3A_88 : memref<80x16xf32, #tpu.memory_space<vmem>>) offsets(%dma_start3A_91 : memref<80xi32, #tpu.memory_space<vmem>>) semaphore(%arg12 : memref<!tpu.dma_semaphore, #tpu.memory_space<semaphore_mem>>)
      %dma_start3A_95 = arith.constant 2 : i32
      %dma_start3A_96 = arith.constant 0 : i32
      %dma_start3A_97 = tpu.memref_slice %arg10[%mul3A_69, %dma_start3A_96] : memref<800x16xf32, #tpu.memory_space<vmem>> -> memref<400x16xf32, #tpu.memory_space<vmem>>
      %dma_start3A_98 = arith.constant 160 : i32
      %dma_start3A_99 = arith.constant 0 : i32
      %dma_start3A_100 = tpu.memref_slice %dma_start3A_97[%dma_start3A_98, %dma_start3A_99] : memref<400x16xf32, #tpu.memory_space<vmem>> -> memref<80x16xf32, #tpu.memory_space<vmem>>
      %dma_start3A_101 = arith.constant 0 : i32
      %dma_start3A_102 = tpu.memref_slice %arg8[%scan3A_53, %dma_start3A_95, %dma_start3A_101] : memref<25x5x80xi32, #tpu.memory_space<vmem>> -> memref<1x1x80xi32, #tpu.memory_space<vmem>>
      %dma_start3A_103 = tpu.memref_squeeze %dma_start3A_102 : memref<1x1x80xi32, #tpu.memory_space<vmem>> -> memref<80xi32, #tpu.memory_space<vmem>>
      %dma_start3A_104 = arith.constant 0 : i32
      %dma_start3A_105 = arith.constant 0 : i32
      %dma_start3A_106 = tpu.memref_slice %arg2[%dma_start3A_104, %dma_start3A_105] : memref<10240x16xf32, #tpu.memory_space<hbm>> -> memref<10240x16xf32, #tpu.memory_space<hbm>>
      tpu.enqueue_indirect_dma source(%dma_start3A_106 : memref<10240x16xf32, #tpu.memory_space<hbm>>) target(%dma_start3A_100 : memref<80x16xf32, #tpu.memory_space<vmem>>) offsets(%dma_start3A_103 : memref<80xi32, #tpu.memory_space<vmem>>) semaphore(%arg12 : memref<!tpu.dma_semaphore, #tpu.memory_space<semaphore_mem>>)
      %dma_start3A_107 = arith.constant 3 : i32
      %dma_start3A_108 = arith.constant 0 : i32
      %dma_start3A_109 = tpu.memref_slice %arg10[%mul3A_69, %dma_start3A_108] : memref<800x16xf32, #tpu.memory_space<vmem>> -> memref<400x16xf32, #tpu.memory_space<vmem>>
      %dma_start3A_110 = arith.constant 240 : i32
      %dma_start3A_111 = arith.constant 0 : i32
      %dma_start3A_112 = tpu.memref_slice %dma_start3A_109[%dma_start3A_110, %dma_start3A_111] : memref<400x16xf32, #tpu.memory_space<vmem>> -> memref<80x16xf32, #tpu.memory_space<vmem>>
      %dma_start3A_113 = arith.constant 0 : i32
      %dma_start3A_114 = tpu.memref_slice %arg8[%scan3A_53, %dma_start3A_107, %dma_start3A_113] : memref<25x5x80xi32, #tpu.memory_space<vmem>> -> memref<1x1x80xi32, #tpu.memory_space<vmem>>
      %dma_start3A_115 = tpu.memref_squeeze %dma_start3A_114 : memref<1x1x80xi32, #tpu.memory_space<vmem>> -> memref<80xi32, #tpu.memory_space<vmem>>
      %dma_start3A_116 = arith.constant 0 : i32
      %dma_start3A_117 = arith.constant 0 : i32
      %dma_start3A_118 = tpu.memref_slice %arg2[%dma_start3A_116, %dma_start3A_117] : memref<10240x16xf32, #tpu.memory_space<hbm>> -> memref<10240x16xf32, #tpu.memory_space<hbm>>
      tpu.enqueue_indirect_dma source(%dma_start3A_118 : memref<10240x16xf32, #tpu.memory_space<hbm>>) target(%dma_start3A_112 : memref<80x16xf32, #tpu.memory_space<vmem>>) offsets(%dma_start3A_115 : memref<80xi32, #tpu.memory_space<vmem>>) semaphore(%arg12 : memref<!tpu.dma_semaphore, #tpu.memory_space<semaphore_mem>>)
      %dma_start3A_119 = arith.constant 4 : i32
      %dma_start3A_120 = arith.constant 0 : i32
      %dma_start3A_121 = tpu.memref_slice %arg10[%mul3A_69, %dma_start3A_120] : memref<800x16xf32, #tpu.memory_space<vmem>> -> memref<400x16xf32, #tpu.memory_space<vmem>>
      %dma_start3A_122 = arith.constant 320 : i32
      %dma_start3A_123 = arith.constant 0 : i32
      %dma_start3A_124 = tpu.memref_slice %dma_start3A_121[%dma_start3A_122, %dma_start3A_123] : memref<400x16xf32, #tpu.memory_space<vmem>> -> memref<80x16xf32, #tpu.memory_space<vmem>>
      %dma_start3A_125 = arith.constant 0 : i32
      %dma_start3A_126 = tpu.memref_slice %arg8[%scan3A_53, %dma_start3A_119, %dma_start3A_125] : memref<25x5x80xi32, #tpu.memory_space<vmem>> -> memref<1x1x80xi32, #tpu.memory_space<vmem>>
      %dma_start3A_127 = tpu.memref_squeeze %dma_start3A_126 : memref<1x1x80xi32, #tpu.memory_space<vmem>> -> memref<80xi32, #tpu.memory_space<vmem>>
      %dma_start3A_128 = arith.constant 0 : i32
      %dma_start3A_129 = arith.constant 0 : i32
      %dma_start3A_130 = tpu.memref_slice %arg2[%dma_start3A_128, %dma_start3A_129] : memref<10240x16xf32, #tpu.memory_space<hbm>> -> memref<10240x16xf32, #tpu.memory_space<hbm>>
      tpu.enqueue_indirect_dma source(%dma_start3A_130 : memref<10240x16xf32, #tpu.memory_space<hbm>>) target(%dma_start3A_124 : memref<80x16xf32, #tpu.memory_space<vmem>>) offsets(%dma_start3A_127 : memref<80xi32, #tpu.memory_space<vmem>>) semaphore(%arg12 : memref<!tpu.dma_semaphore, #tpu.memory_space<semaphore_mem>>)
      %dma_start3A_131 = arith.constant 0 : i32
      %dma_start3A_132 = arith.constant 0 : i32
      %dma_start3A_133 = tpu.memref_slice %arg11[%mul3A_69, %dma_start3A_132] : memref<800x16xf32, #tpu.memory_space<vmem>> -> memref<400x16xf32, #tpu.memory_space<vmem>>
      %dma_start3A_134 = arith.constant 0 : i32
      %dma_start3A_135 = arith.constant 0 : i32
      %dma_start3A_136 = tpu.memref_slice %dma_start3A_133[%dma_start3A_134, %dma_start3A_135] : memref<400x16xf32, #tpu.memory_space<vmem>> -> memref<80x16xf32, #tpu.memory_space<vmem>>
      %dma_start3A_137 = arith.constant 0 : i32
      %dma_start3A_138 = tpu.memref_slice %arg9[%scan3A_53, %dma_start3A_131, %dma_start3A_137] : memref<25x5x80xi32, #tpu.memory_space<vmem>> -> memref<1x1x80xi32, #tpu.memory_space<vmem>>
      %dma_start3A_139 = tpu.memref_squeeze %dma_start3A_138 : memref<1x1x80xi32, #tpu.memory_space<vmem>> -> memref<80xi32, #tpu.memory_space<vmem>>
      %dma_start3A_140 = arith.constant 0 : i32
      %dma_start3A_141 = arith.constant 0 : i32
      %dma_start3A_142 = tpu.memref_slice %arg3[%dma_start3A_140, %dma_start3A_141] : memref<10240x16xf32, #tpu.memory_space<hbm>> -> memref<10240x16xf32, #tpu.memory_space<hbm>>
      tpu.enqueue_indirect_dma source(%dma_start3A_142 : memref<10240x16xf32, #tpu.memory_space<hbm>>) target(%dma_start3A_136 : memref<80x16xf32, #tpu.memory_space<vmem>>) offsets(%dma_start3A_139 : memref<80xi32, #tpu.memory_space<vmem>>) semaphore(%arg12 : memref<!tpu.dma_semaphore, #tpu.memory_space<semaphore_mem>>)
      %dma_start3A_143 = arith.constant 1 : i32
      %dma_start3A_144 = arith.constant 0 : i32
      %dma_start3A_145 = tpu.memref_slice %arg11[%mul3A_69, %dma_start3A_144] : memref<800x16xf32, #tpu.memory_space<vmem>> -> memref<400x16xf32, #tpu.memory_space<vmem>>
      %dma_start3A_146 = arith.constant 80 : i32
      %dma_start3A_147 = arith.constant 0 : i32
      %dma_start3A_148 = tpu.memref_slice %dma_start3A_145[%dma_start3A_146, %dma_start3A_147] : memref<400x16xf32, #tpu.memory_space<vmem>> -> memref<80x16xf32, #tpu.memory_space<vmem>>
      %dma_start3A_149 = arith.constant 0 : i32
      %dma_start3A_150 = tpu.memref_slice %arg9[%scan3A_53, %dma_start3A_143, %dma_start3A_149] : memref<25x5x80xi32, #tpu.memory_space<vmem>> -> memref<1x1x80xi32, #tpu.memory_space<vmem>>
      %dma_start3A_151 = tpu.memref_squeeze %dma_start3A_150 : memref<1x1x80xi32, #tpu.memory_space<vmem>> -> memref<80xi32, #tpu.memory_space<vmem>>
      %dma_start3A_152 = arith.constant 0 : i32
      %dma_start3A_153 = arith.constant 0 : i32
      %dma_start3A_154 = tpu.memref_slice %arg3[%dma_start3A_152, %dma_start3A_153] : memref<10240x16xf32, #tpu.memory_space<hbm>> -> memref<10240x16xf32, #tpu.memory_space<hbm>>
      tpu.enqueue_indirect_dma source(%dma_start3A_154 : memref<10240x16xf32, #tpu.memory_space<hbm>>) target(%dma_start3A_148 : memref<80x16xf32, #tpu.memory_space<vmem>>) offsets(%dma_start3A_151 : memref<80xi32, #tpu.memory_space<vmem>>) semaphore(%arg12 : memref<!tpu.dma_semaphore, #tpu.memory_space<semaphore_mem>>)
      %dma_start3A_155 = arith.constant 2 : i32
      %dma_start3A_156 = arith.constant 0 : i32
      %dma_start3A_157 = tpu.memref_slice %arg11[%mul3A_69, %dma_start3A_156] : memref<800x16xf32, #tpu.memory_space<vmem>> -> memref<400x16xf32, #tpu.memory_space<vmem>>
      %dma_start3A_158 = arith.constant 160 : i32
      %dma_start3A_159 = arith.constant 0 : i32
      %dma_start3A_160 = tpu.memref_slice %dma_start3A_157[%dma_start3A_158, %dma_start3A_159] : memref<400x16xf32, #tpu.memory_space<vmem>> -> memref<80x16xf32, #tpu.memory_space<vmem>>
      %dma_start3A_161 = arith.constant 0 : i32
      %dma_start3A_162 = tpu.memref_slice %arg9[%scan3A_53, %dma_start3A_155, %dma_start3A_161] : memref<25x5x80xi32, #tpu.memory_space<vmem>> -> memref<1x1x80xi32, #tpu.memory_space<vmem>>
      %dma_start3A_163 = tpu.memref_squeeze %dma_start3A_162 : memref<1x1x80xi32, #tpu.memory_space<vmem>> -> memref<80xi32, #tpu.memory_space<vmem>>
      %dma_start3A_164 = arith.constant 0 : i32
      %dma_start3A_165 = arith.constant 0 : i32
      %dma_start3A_166 = tpu.memref_slice %arg3[%dma_start3A_164, %dma_start3A_165] : memref<10240x16xf32, #tpu.memory_space<hbm>> -> memref<10240x16xf32, #tpu.memory_space<hbm>>
      tpu.enqueue_indirect_dma source(%dma_start3A_166 : memref<10240x16xf32, #tpu.memory_space<hbm>>) target(%dma_start3A_160 : memref<80x16xf32, #tpu.memory_space<vmem>>) offsets(%dma_start3A_163 : memref<80xi32, #tpu.memory_space<vmem>>) semaphore(%arg12 : memref<!tpu.dma_semaphore, #tpu.memory_space<semaphore_mem>>)
      %dma_start3A_167 = arith.constant 3 : i32
      %dma_start3A_168 = arith.constant 0 : i32
      %dma_start3A_169 = tpu.memref_slice %arg11[%mul3A_69, %dma_start3A_168] : memref<800x16xf32, #tpu.memory_space<vmem>> -> memref<400x16xf32, #tpu.memory_space<vmem>>
      %dma_start3A_170 = arith.constant 240 : i32
      %dma_start3A_171 = arith.constant 0 : i32
      %dma_start3A_172 = tpu.memref_slice %dma_start3A_169[%dma_start3A_170, %dma_start3A_171] : memref<400x16xf32, #tpu.memory_space<vmem>> -> memref<80x16xf32, #tpu.memory_space<vmem>>
      %dma_start3A_173 = arith.constant 0 : i32
      %dma_start3A_174 = tpu.memref_slice %arg9[%scan3A_53, %dma_start3A_167, %dma_start3A_173] : memref<25x5x80xi32, #tpu.memory_space<vmem>> -> memref<1x1x80xi32, #tpu.memory_space<vmem>>
      %dma_start3A_175 = tpu.memref_squeeze %dma_start3A_174 : memref<1x1x80xi32, #tpu.memory_space<vmem>> -> memref<80xi32, #tpu.memory_space<vmem>>
      %dma_start3A_176 = arith.constant 0 : i32
      %dma_start3A_177 = arith.constant 0 : i32
      %dma_start3A_178 = tpu.memref_slice %arg3[%dma_start3A_176, %dma_start3A_177] : memref<10240x16xf32, #tpu.memory_space<hbm>> -> memref<10240x16xf32, #tpu.memory_space<hbm>>
      tpu.enqueue_indirect_dma source(%dma_start3A_178 : memref<10240x16xf32, #tpu.memory_space<hbm>>) target(%dma_start3A_172 : memref<80x16xf32, #tpu.memory_space<vmem>>) offsets(%dma_start3A_175 : memref<80xi32, #tpu.memory_space<vmem>>) semaphore(%arg12 : memref<!tpu.dma_semaphore, #tpu.memory_space<semaphore_mem>>)
      %dma_start3A_179 = arith.constant 4 : i32
      %dma_start3A_180 = arith.constant 0 : i32
      %dma_start3A_181 = tpu.memref_slice %arg11[%mul3A_69, %dma_start3A_180] : memref<800x16xf32, #tpu.memory_space<vmem>> -> memref<400x16xf32, #tpu.memory_space<vmem>>
      %dma_start3A_182 = arith.constant 320 : i32
      %dma_start3A_183 = arith.constant 0 : i32
      %dma_start3A_184 = tpu.memref_slice %dma_start3A_181[%dma_start3A_182, %dma_start3A_183] : memref<400x16xf32, #tpu.memory_space<vmem>> -> memref<80x16xf32, #tpu.memory_space<vmem>>
      %dma_start3A_185 = arith.constant 0 : i32
      %dma_start3A_186 = tpu.memref_slice %arg9[%scan3A_53, %dma_start3A_179, %dma_start3A_185] : memref<25x5x80xi32, #tpu.memory_space<vmem>> -> memref<1x1x80xi32, #tpu.memory_space<vmem>>
      %dma_start3A_187 = tpu.memref_squeeze %dma_start3A_186 : memref<1x1x80xi32, #tpu.memory_space<vmem>> -> memref<80xi32, #tpu.memory_space<vmem>>
      %dma_start3A_188 = arith.constant 0 : i32
      %dma_start3A_189 = arith.constant 0 : i32
      %dma_start3A_190 = tpu.memref_slice %arg3[%dma_start3A_188, %dma_start3A_189] : memref<10240x16xf32, #tpu.memory_space<hbm>> -> memref<10240x16xf32, #tpu.memory_space<hbm>>
      tpu.enqueue_indirect_dma source(%dma_start3A_190 : memref<10240x16xf32, #tpu.memory_space<hbm>>) target(%dma_start3A_184 : memref<80x16xf32, #tpu.memory_space<vmem>>) offsets(%dma_start3A_187 : memref<80xi32, #tpu.memory_space<vmem>>) semaphore(%arg12 : memref<!tpu.dma_semaphore, #tpu.memory_space<semaphore_mem>>)
      %dma_wait3A_191 = arith.constant 0 : i32
      %dma_wait3A_192 = arith.constant 0 : i32
      %dma_wait3A_193 = tpu.memref_slice %arg10[%mul3A_69, %dma_wait3A_192] : memref<800x16xf32, #tpu.memory_space<vmem>> -> memref<400x16xf32, #tpu.memory_space<vmem>>
      %dma_wait3A_194 = arith.constant 0 : i32
      %dma_wait3A_195 = arith.constant 0 : i32
      %dma_wait3A_196 = tpu.memref_slice %dma_wait3A_193[%dma_wait3A_194, %dma_wait3A_195] : memref<400x16xf32, #tpu.memory_space<vmem>> -> memref<80x16xf32, #tpu.memory_space<vmem>>
      %dma_wait3A_197 = arith.constant 0 : i32
      %dma_wait3A_198 = tpu.memref_slice %arg8[%scan3A_53, %dma_wait3A_191, %dma_wait3A_197] : memref<25x5x80xi32, #tpu.memory_space<vmem>> -> memref<1x1x80xi32, #tpu.memory_space<vmem>>
      %dma_wait3A_199 = tpu.memref_squeeze %dma_wait3A_198 : memref<1x1x80xi32, #tpu.memory_space<vmem>> -> memref<80xi32, #tpu.memory_space<vmem>>
      %dma_wait3A_200 = arith.constant 0 : i32
      %dma_wait3A_201 = arith.constant 0 : i32
      %dma_wait3A_202 = tpu.memref_slice %arg2[%dma_wait3A_200, %dma_wait3A_201] : memref<10240x16xf32, #tpu.memory_space<hbm>> -> memref<10240x16xf32, #tpu.memory_space<hbm>>
      tpu.wait_indirect_dma semaphore(%arg12 : memref<!tpu.dma_semaphore, #tpu.memory_space<semaphore_mem>>) src(%dma_wait3A_202 : memref<10240x16xf32, #tpu.memory_space<hbm>>) dst(%dma_wait3A_196 : memref<80x16xf32, #tpu.memory_space<vmem>>)
      %dma_wait3A_203 = arith.constant 1 : i32
      %dma_wait3A_204 = arith.constant 0 : i32
      %dma_wait3A_205 = tpu.memref_slice %arg10[%mul3A_69, %dma_wait3A_204] : memref<800x16xf32, #tpu.memory_space<vmem>> -> memref<400x16xf32, #tpu.memory_space<vmem>>
      %dma_wait3A_206 = arith.constant 80 : i32
      %dma_wait3A_207 = arith.constant 0 : i32
      %dma_wait3A_208 = tpu.memref_slice %dma_wait3A_205[%dma_wait3A_206, %dma_wait3A_207] : memref<400x16xf32, #tpu.memory_space<vmem>> -> memref<80x16xf32, #tpu.memory_space<vmem>>
      %dma_wait3A_209 = arith.constant 0 : i32
      %dma_wait3A_210 = tpu.memref_slice %arg8[%scan3A_53, %dma_wait3A_203, %dma_wait3A_209] : memref<25x5x80xi32, #tpu.memory_space<vmem>> -> memref<1x1x80xi32, #tpu.memory_space<vmem>>
      %dma_wait3A_211 = tpu.memref_squeeze %dma_wait3A_210 : memref<1x1x80xi32, #tpu.memory_space<vmem>> -> memref<80xi32, #tpu.memory_space<vmem>>
      %dma_wait3A_212 = arith.constant 0 : i32
      %dma_wait3A_213 = arith.constant 0 : i32
      %dma_wait3A_214 = tpu.memref_slice %arg2[%dma_wait3A_212, %dma_wait3A_213] : memref<10240x16xf32, #tpu.memory_space<hbm>> -> memref<10240x16xf32, #tpu.memory_space<hbm>>
      tpu.wait_indirect_dma semaphore(%arg12 : memref<!tpu.dma_semaphore, #tpu.memory_space<semaphore_mem>>) src(%dma_wait3A_214 : memref<10240x16xf32, #tpu.memory_space<hbm>>) dst(%dma_wait3A_208 : memref<80x16xf32, #tpu.memory_space<vmem>>)
      %dma_wait3A_215 = arith.constant 2 : i32
      %dma_wait3A_216 = arith.constant 0 : i32
      %dma_wait3A_217 = tpu.memref_slice %arg10[%mul3A_69, %dma_wait3A_216] : memref<800x16xf32, #tpu.memory_space<vmem>> -> memref<400x16xf32, #tpu.memory_space<vmem>>
      %dma_wait3A_218 = arith.constant 160 : i32
      %dma_wait3A_219 = arith.constant 0 : i32
      %dma_wait3A_220 = tpu.memref_slice %dma_wait3A_217[%dma_wait3A_218, %dma_wait3A_219] : memref<400x16xf32, #tpu.memory_space<vmem>> -> memref<80x16xf32, #tpu.memory_space<vmem>>
      %dma_wait3A_221 = arith.constant 0 : i32
      %dma_wait3A_222 = tpu.memref_slice %arg8[%scan3A_53, %dma_wait3A_215, %dma_wait3A_221] : memref<25x5x80xi32, #tpu.memory_space<vmem>> -> memref<1x1x80xi32, #tpu.memory_space<vmem>>
      %dma_wait3A_223 = tpu.memref_squeeze %dma_wait3A_222 : memref<1x1x80xi32, #tpu.memory_space<vmem>> -> memref<80xi32, #tpu.memory_space<vmem>>
      %dma_wait3A_224 = arith.constant 0 : i32
      %dma_wait3A_225 = arith.constant 0 : i32
      %dma_wait3A_226 = tpu.memref_slice %arg2[%dma_wait3A_224, %dma_wait3A_225] : memref<10240x16xf32, #tpu.memory_space<hbm>> -> memref<10240x16xf32, #tpu.memory_space<hbm>>
      tpu.wait_indirect_dma semaphore(%arg12 : memref<!tpu.dma_semaphore, #tpu.memory_space<semaphore_mem>>) src(%dma_wait3A_226 : memref<10240x16xf32, #tpu.memory_space<hbm>>) dst(%dma_wait3A_220 : memref<80x16xf32, #tpu.memory_space<vmem>>)
      %dma_wait3A_227 = arith.constant 3 : i32
      %dma_wait3A_228 = arith.constant 0 : i32
      %dma_wait3A_229 = tpu.memref_slice %arg10[%mul3A_69, %dma_wait3A_228] : memref<800x16xf32, #tpu.memory_space<vmem>> -> memref<400x16xf32, #tpu.memory_space<vmem>>
      %dma_wait3A_230 = arith.constant 240 : i32
      %dma_wait3A_231 = arith.constant 0 : i32
      %dma_wait3A_232 = tpu.memref_slice %dma_wait3A_229[%dma_wait3A_230, %dma_wait3A_231] : memref<400x16xf32, #tpu.memory_space<vmem>> -> memref<80x16xf32, #tpu.memory_space<vmem>>
      %dma_wait3A_233 = arith.constant 0 : i32
      %dma_wait3A_234 = tpu.memref_slice %arg8[%scan3A_53, %dma_wait3A_227, %dma_wait3A_233] : memref<25x5x80xi32, #tpu.memory_space<vmem>> -> memref<1x1x80xi32, #tpu.memory_space<vmem>>
      %dma_wait3A_235 = tpu.memref_squeeze %dma_wait3A_234 : memref<1x1x80xi32, #tpu.memory_space<vmem>> -> memref<80xi32, #tpu.memory_space<vmem>>
      %dma_wait3A_236 = arith.constant 0 : i32
      %dma_wait3A_237 = arith.constant 0 : i32
      %dma_wait3A_238 = tpu.memref_slice %arg2[%dma_wait3A_236, %dma_wait3A_237] : memref<10240x16xf32, #tpu.memory_space<hbm>> -> memref<10240x16xf32, #tpu.memory_space<hbm>>
      tpu.wait_indirect_dma semaphore(%arg12 : memref<!tpu.dma_semaphore, #tpu.memory_space<semaphore_mem>>) src(%dma_wait3A_238 : memref<10240x16xf32, #tpu.memory_space<hbm>>) dst(%dma_wait3A_232 : memref<80x16xf32, #tpu.memory_space<vmem>>)
      %dma_wait3A_239 = arith.constant 4 : i32
      %dma_wait3A_240 = arith.constant 0 : i32
      %dma_wait3A_241 = tpu.memref_slice %arg10[%mul3A_69, %dma_wait3A_240] : memref<800x16xf32, #tpu.memory_space<vmem>> -> memref<400x16xf32, #tpu.memory_space<vmem>>
      %dma_wait3A_242 = arith.constant 320 : i32
      %dma_wait3A_243 = arith.constant 0 : i32
      %dma_wait3A_244 = tpu.memref_slice %dma_wait3A_241[%dma_wait3A_242, %dma_wait3A_243] : memref<400x16xf32, #tpu.memory_space<vmem>> -> memref<80x16xf32, #tpu.memory_space<vmem>>
      %dma_wait3A_245 = arith.constant 0 : i32
      %dma_wait3A_246 = tpu.memref_slice %arg8[%scan3A_53, %dma_wait3A_239, %dma_wait3A_245] : memref<25x5x80xi32, #tpu.memory_space<vmem>> -> memref<1x1x80xi32, #tpu.memory_space<vmem>>
      %dma_wait3A_247 = tpu.memref_squeeze %dma_wait3A_246 : memref<1x1x80xi32, #tpu.memory_space<vmem>> -> memref<80xi32, #tpu.memory_space<vmem>>
      %dma_wait3A_248 = arith.constant 0 : i32
      %dma_wait3A_249 = arith.constant 0 : i32
      %dma_wait3A_250 = tpu.memref_slice %arg2[%dma_wait3A_248, %dma_wait3A_249] : memref<10240x16xf32, #tpu.memory_space<hbm>> -> memref<10240x16xf32, #tpu.memory_space<hbm>>
      tpu.wait_indirect_dma semaphore(%arg12 : memref<!tpu.dma_semaphore, #tpu.memory_space<semaphore_mem>>) src(%dma_wait3A_250 : memref<10240x16xf32, #tpu.memory_space<hbm>>) dst(%dma_wait3A_244 : memref<80x16xf32, #tpu.memory_space<vmem>>)
      %dma_wait3A_251 = arith.constant 0 : i32
      %dma_wait3A_252 = arith.constant 0 : i32
      %dma_wait3A_253 = tpu.memref_slice %arg11[%mul3A_69, %dma_wait3A_252] : memref<800x16xf32, #tpu.memory_space<vmem>> -> memref<400x16xf32, #tpu.memory_space<vmem>>
      %dma_wait3A_254 = arith.constant 0 : i32
      %dma_wait3A_255 = arith.constant 0 : i32
      %dma_wait3A_256 = tpu.memref_slice %dma_wait3A_253[%dma_wait3A_254, %dma_wait3A_255] : memref<400x16xf32, #tpu.memory_space<vmem>> -> memref<80x16xf32, #tpu.memory_space<vmem>>
      %dma_wait3A_257 = arith.constant 0 : i32
      %dma_wait3A_258 = tpu.memref_slice %arg9[%scan3A_53, %dma_wait3A_251, %dma_wait3A_257] : memref<25x5x80xi32, #tpu.memory_space<vmem>> -> memref<1x1x80xi32, #tpu.memory_space<vmem>>
      %dma_wait3A_259 = tpu.memref_squeeze %dma_wait3A_258 : memref<1x1x80xi32, #tpu.memory_space<vmem>> -> memref<80xi32, #tpu.memory_space<vmem>>
      %dma_wait3A_260 = arith.constant 0 : i32
      %dma_wait3A_261 = arith.constant 0 : i32
      %dma_wait3A_262 = tpu.memref_slice %arg3[%dma_wait3A_260, %dma_wait3A_261] : memref<10240x16xf32, #tpu.memory_space<hbm>> -> memref<10240x16xf32, #tpu.memory_space<hbm>>
      tpu.wait_indirect_dma semaphore(%arg12 : memref<!tpu.dma_semaphore, #tpu.memory_space<semaphore_mem>>) src(%dma_wait3A_262 : memref<10240x16xf32, #tpu.memory_space<hbm>>) dst(%dma_wait3A_256 : memref<80x16xf32, #tpu.memory_space<vmem>>)
      %dma_wait3A_263 = arith.constant 1 : i32
      %dma_wait3A_264 = arith.constant 0 : i32
      %dma_wait3A_265 = tpu.memref_slice %arg11[%mul3A_69, %dma_wait3A_264] : memref<800x16xf32, #tpu.memory_space<vmem>> -> memref<400x16xf32, #tpu.memory_space<vmem>>
      %dma_wait3A_266 = arith.constant 80 : i32
      %dma_wait3A_267 = arith.constant 0 : i32
      %dma_wait3A_268 = tpu.memref_slice %dma_wait3A_265[%dma_wait3A_266, %dma_wait3A_267] : memref<400x16xf32, #tpu.memory_space<vmem>> -> memref<80x16xf32, #tpu.memory_space<vmem>>
      %dma_wait3A_269 = arith.constant 0 : i32
      %dma_wait3A_270 = tpu.memref_slice %arg9[%scan3A_53, %dma_wait3A_263, %dma_wait3A_269] : memref<25x5x80xi32, #tpu.memory_space<vmem>> -> memref<1x1x80xi32, #tpu.memory_space<vmem>>
      %dma_wait3A_271 = tpu.memref_squeeze %dma_wait3A_270 : memref<1x1x80xi32, #tpu.memory_space<vmem>> -> memref<80xi32, #tpu.memory_space<vmem>>
      %dma_wait3A_272 = arith.constant 0 : i32
      %dma_wait3A_273 = arith.constant 0 : i32
      %dma_wait3A_274 = tpu.memref_slice %arg3[%dma_wait3A_272, %dma_wait3A_273] : memref<10240x16xf32, #tpu.memory_space<hbm>> -> memref<10240x16xf32, #tpu.memory_space<hbm>>
      tpu.wait_indirect_dma semaphore(%arg12 : memref<!tpu.dma_semaphore, #tpu.memory_space<semaphore_mem>>) src(%dma_wait3A_274 : memref<10240x16xf32, #tpu.memory_space<hbm>>) dst(%dma_wait3A_268 : memref<80x16xf32, #tpu.memory_space<vmem>>)
      %dma_wait3A_275 = arith.constant 2 : i32
      %dma_wait3A_276 = arith.constant 0 : i32
      %dma_wait3A_277 = tpu.memref_slice %arg11[%mul3A_69, %dma_wait3A_276] : memref<800x16xf32, #tpu.memory_space<vmem>> -> memref<400x16xf32, #tpu.memory_space<vmem>>
      %dma_wait3A_278 = arith.constant 160 : i32
      %dma_wait3A_279 = arith.constant 0 : i32
      %dma_wait3A_280 = tpu.memref_slice %dma_wait3A_277[%dma_wait3A_278, %dma_wait3A_279] : memref<400x16xf32, #tpu.memory_space<vmem>> -> memref<80x16xf32, #tpu.memory_space<vmem>>
      %dma_wait3A_281 = arith.constant 0 : i32
      %dma_wait3A_282 = tpu.memref_slice %arg9[%scan3A_53, %dma_wait3A_275, %dma_wait3A_281] : memref<25x5x80xi32, #tpu.memory_space<vmem>> -> memref<1x1x80xi32, #tpu.memory_space<vmem>>
      %dma_wait3A_283 = tpu.memref_squeeze %dma_wait3A_282 : memref<1x1x80xi32, #tpu.memory_space<vmem>> -> memref<80xi32, #tpu.memory_space<vmem>>
      %dma_wait3A_284 = arith.constant 0 : i32
      %dma_wait3A_285 = arith.constant 0 : i32
      %dma_wait3A_286 = tpu.memref_slice %arg3[%dma_wait3A_284, %dma_wait3A_285] : memref<10240x16xf32, #tpu.memory_space<hbm>> -> memref<10240x16xf32, #tpu.memory_space<hbm>>
      tpu.wait_indirect_dma semaphore(%arg12 : memref<!tpu.dma_semaphore, #tpu.memory_space<semaphore_mem>>) src(%dma_wait3A_286 : memref<10240x16xf32, #tpu.memory_space<hbm>>) dst(%dma_wait3A_280 : memref<80x16xf32, #tpu.memory_space<vmem>>)
      %dma_wait3A_287 = arith.constant 3 : i32
      %dma_wait3A_288 = arith.constant 0 : i32
      %dma_wait3A_289 = tpu.memref_slice %arg11[%mul3A_69, %dma_wait3A_288] : memref<800x16xf32, #tpu.memory_space<vmem>> -> memref<400x16xf32, #tpu.memory_space<vmem>>
      %dma_wait3A_290 = arith.constant 240 : i32
      %dma_wait3A_291 = arith.constant 0 : i32
      %dma_wait3A_292 = tpu.memref_slice %dma_wait3A_289[%dma_wait3A_290, %dma_wait3A_291] : memref<400x16xf32, #tpu.memory_space<vmem>> -> memref<80x16xf32, #tpu.memory_space<vmem>>
      %dma_wait3A_293 = arith.constant 0 : i32
      %dma_wait3A_294 = tpu.memref_slice %arg9[%scan3A_53, %dma_wait3A_287, %dma_wait3A_293] : memref<25x5x80xi32, #tpu.memory_space<vmem>> -> memref<1x1x80xi32, #tpu.memory_space<vmem>>
      %dma_wait3A_295 = tpu.memref_squeeze %dma_wait3A_294 : memref<1x1x80xi32, #tpu.memory_space<vmem>> -> memref<80xi32, #tpu.memory_space<vmem>>
      %dma_wait3A_296 = arith.constant 0 : i32
      %dma_wait3A_297 = arith.constant 0 : i32
      %dma_wait3A_298 = tpu.memref_slice %arg3[%dma_wait3A_296, %dma_wait3A_297] : memref<10240x16xf32, #tpu.memory_space<hbm>> -> memref<10240x16xf32, #tpu.memory_space<hbm>>
      tpu.wait_indirect_dma semaphore(%arg12 : memref<!tpu.dma_semaphore, #tpu.memory_space<semaphore_mem>>) src(%dma_wait3A_298 : memref<10240x16xf32, #tpu.memory_space<hbm>>) dst(%dma_wait3A_292 : memref<80x16xf32, #tpu.memory_space<vmem>>)
      %dma_wait3A_299 = arith.constant 4 : i32
      %dma_wait3A_300 = arith.constant 0 : i32
      %dma_wait3A_301 = tpu.memref_slice %arg11[%mul3A_69, %dma_wait3A_300] : memref<800x16xf32, #tpu.memory_space<vmem>> -> memref<400x16xf32, #tpu.memory_space<vmem>>
      %dma_wait3A_302 = arith.constant 320 : i32
      %dma_wait3A_303 = arith.constant 0 : i32
      %dma_wait3A_304 = tpu.memref_slice %dma_wait3A_301[%dma_wait3A_302, %dma_wait3A_303] : memref<400x16xf32, #tpu.memory_space<vmem>> -> memref<80x16xf32, #tpu.memory_space<vmem>>
      %dma_wait3A_305 = arith.constant 0 : i32
      %dma_wait3A_306 = tpu.memref_slice %arg9[%scan3A_53, %dma_wait3A_299, %dma_wait3A_305] : memref<25x5x80xi32, #tpu.memory_space<vmem>> -> memref<1x1x80xi32, #tpu.memory_space<vmem>>
      %dma_wait3A_307 = tpu.memref_squeeze %dma_wait3A_306 : memref<1x1x80xi32, #tpu.memory_space<vmem>> -> memref<80xi32, #tpu.memory_space<vmem>>
      %dma_wait3A_308 = arith.constant 0 : i32
      %dma_wait3A_309 = arith.constant 0 : i32
      %dma_wait3A_310 = tpu.memref_slice %arg3[%dma_wait3A_308, %dma_wait3A_309] : memref<10240x16xf32, #tpu.memory_space<hbm>> -> memref<10240x16xf32, #tpu.memory_space<hbm>>
      tpu.wait_indirect_dma semaphore(%arg12 : memref<!tpu.dma_semaphore, #tpu.memory_space<semaphore_mem>>) src(%dma_wait3A_310 : memref<10240x16xf32, #tpu.memory_space<hbm>>) dst(%dma_wait3A_304 : memref<80x16xf32, #tpu.memory_space<vmem>>)
      %dma_start3A_311 = arith.constant 0 : i32
      %dma_start3A_312 = tpu.memref_slice %arg10[%mul3A_69, %dma_start3A_311] : memref<800x16xf32, #tpu.memory_space<vmem>> -> memref<400x16xf32, #tpu.memory_space<vmem>>
      %dma_start3A_313 = arith.constant 0 : i32
      %dma_start3A_314 = tpu.memref_slice %arg6[%add3A_58, %dma_start3A_313] : memref<320000x16xf32, #tpu.memory_space<hbm>> -> memref<400x16xf32, #tpu.memory_space<hbm>>
      %dma_start3A_315 = arith.constant 0 : i32
      %dma_start3A_316 = tpu.memref_slice %arg6[%add3A_58, %dma_start3A_315] : memref<320000x16xf32, #tpu.memory_space<hbm>> -> memref<400x16xf32, #tpu.memory_space<hbm>>
      %dma_start3A_317 = arith.constant 0 : i32
      %dma_start3A_318 = tpu.memref_slice %arg10[%mul3A_69, %dma_start3A_317] : memref<800x16xf32, #tpu.memory_space<vmem>> -> memref<400x16xf32, #tpu.memory_space<vmem>>
      tpu.enqueue_dma source(%dma_start3A_318 : memref<400x16xf32, #tpu.memory_space<vmem>>) target(%dma_start3A_316 : memref<400x16xf32, #tpu.memory_space<hbm>>) target_semaphore(%arg13 : memref<!tpu.dma_semaphore, #tpu.memory_space<semaphore_mem>>)
      %dma_start3A_319 = arith.constant 0 : i32
      %dma_start3A_320 = tpu.memref_slice %arg11[%mul3A_69, %dma_start3A_319] : memref<800x16xf32, #tpu.memory_space<vmem>> -> memref<400x16xf32, #tpu.memory_space<vmem>>
      %dma_start3A_321 = arith.constant 0 : i32
      %dma_start3A_322 = tpu.memref_slice %arg7[%add3A_58, %dma_start3A_321] : memref<320000x16xf32, #tpu.memory_space<hbm>> -> memref<400x16xf32, #tpu.memory_space<hbm>>
      %dma_start3A_323 = arith.constant 0 : i32
      %dma_start3A_324 = tpu.memref_slice %arg7[%add3A_58, %dma_start3A_323] : memref<320000x16xf32, #tpu.memory_space<hbm>> -> memref<400x16xf32, #tpu.memory_space<hbm>>
      %dma_start3A_325 = arith.constant 0 : i32
      %dma_start3A_326 = tpu.memref_slice %arg11[%mul3A_69, %dma_start3A_325] : memref<800x16xf32, #tpu.memory_space<vmem>> -> memref<400x16xf32, #tpu.memory_space<vmem>>
      tpu.enqueue_dma source(%dma_start3A_326 : memref<400x16xf32, #tpu.memory_space<vmem>>) target(%dma_start3A_324 : memref<400x16xf32, #tpu.memory_space<hbm>>) target_semaphore(%arg14 : memref<!tpu.dma_semaphore, #tpu.memory_space<semaphore_mem>>)
    }
    %scan3A_5 = arith.constant 25 : i32
    %mul3A_6 = arith.constant 10000 : i32
    %mul3A_7 = arith.muli %add3A, %mul3A_6 : i32
    %add3A_8 = arith.constant 9200 : i32
    %add3A_9 = arith.addi %mul3A_7, %add3A_8 : i32
    %dma_wait3A = arith.constant 400 : i32
    %dma_wait3A_10 = arith.constant 0 : i32
    %dma_wait3A_11 = tpu.memref_slice %arg10[%dma_wait3A, %dma_wait3A_10] : memref<800x16xf32, #tpu.memory_space<vmem>> -> memref<400x16xf32, #tpu.memory_space<vmem>>
    %dma_wait3A_12 = arith.constant 0 : i32
    %dma_wait3A_13 = tpu.memref_slice %arg6[%add3A_9, %dma_wait3A_12] : memref<320000x16xf32, #tpu.memory_space<hbm>> -> memref<400x16xf32, #tpu.memory_space<hbm>>
    %dma_wait3A_14 = arith.constant 0 : i32
    %dma_wait3A_15 = tpu.memref_slice %arg6[%add3A_9, %dma_wait3A_14] : memref<320000x16xf32, #tpu.memory_space<hbm>> -> memref<400x16xf32, #tpu.memory_space<hbm>>
    %dma_wait3A_16 = arith.constant 400 : i32
    %dma_wait3A_17 = arith.constant 0 : i32
    %dma_wait3A_18 = tpu.memref_slice %arg10[%dma_wait3A_16, %dma_wait3A_17] : memref<800x16xf32, #tpu.memory_space<vmem>> -> memref<400x16xf32, #tpu.memory_space<vmem>>
    tpu.wait_dma2 semaphore(%arg13 : memref<!tpu.dma_semaphore, #tpu.memory_space<semaphore_mem>>) src(%dma_wait3A_18 : memref<400x16xf32, #tpu.memory_space<vmem>>) dst(%dma_wait3A_15 : memref<400x16xf32, #tpu.memory_space<hbm>>)
    %dma_wait3A_19 = arith.constant 400 : i32
    %dma_wait3A_20 = arith.constant 0 : i32
    %dma_wait3A_21 = tpu.memref_slice %arg11[%dma_wait3A_19, %dma_wait3A_20] : memref<800x16xf32, #tpu.memory_space<vmem>> -> memref<400x16xf32, #tpu.memory_space<vmem>>
    %dma_wait3A_22 = arith.constant 0 : i32
    %dma_wait3A_23 = tpu.memref_slice %arg7[%add3A_9, %dma_wait3A_22] : memref<320000x16xf32, #tpu.memory_space<hbm>> -> memref<400x16xf32, #tpu.memory_space<hbm>>
    %dma_wait3A_24 = arith.constant 0 : i32
    %dma_wait3A_25 = tpu.memref_slice %arg7[%add3A_9, %dma_wait3A_24] : memref<320000x16xf32, #tpu.memory_space<hbm>> -> memref<400x16xf32, #tpu.memory_space<hbm>>
    %dma_wait3A_26 = arith.constant 400 : i32
    %dma_wait3A_27 = arith.constant 0 : i32
    %dma_wait3A_28 = tpu.memref_slice %arg11[%dma_wait3A_26, %dma_wait3A_27] : memref<800x16xf32, #tpu.memory_space<vmem>> -> memref<400x16xf32, #tpu.memory_space<vmem>>
    tpu.wait_dma2 semaphore(%arg14 : memref<!tpu.dma_semaphore, #tpu.memory_space<semaphore_mem>>) src(%dma_wait3A_28 : memref<400x16xf32, #tpu.memory_space<vmem>>) dst(%dma_wait3A_25 : memref<400x16xf32, #tpu.memory_space<hbm>>)
    %mul3A_29 = arith.constant 10000 : i32
    %mul3A_30 = arith.muli %add3A, %mul3A_29 : i32
    %add3A_31 = arith.constant 9600 : i32
    %add3A_32 = arith.addi %mul3A_30, %add3A_31 : i32
    %dma_wait3A_33 = arith.constant 0 : i32
    %dma_wait3A_34 = arith.constant 0 : i32
    %dma_wait3A_35 = tpu.memref_slice %arg10[%dma_wait3A_33, %dma_wait3A_34] : memref<800x16xf32, #tpu.memory_space<vmem>> -> memref<400x16xf32, #tpu.memory_space<vmem>>
    %dma_wait3A_36 = arith.constant 0 : i32
    %dma_wait3A_37 = tpu.memref_slice %arg6[%add3A_32, %dma_wait3A_36] : memref<320000x16xf32, #tpu.memory_space<hbm>> -> memref<400x16xf32, #tpu.memory_space<hbm>>
    %dma_wait3A_38 = arith.constant 0 : i32
    %dma_wait3A_39 = tpu.memref_slice %arg6[%add3A_32, %dma_wait3A_38] : memref<320000x16xf32, #tpu.memory_space<hbm>> -> memref<400x16xf32, #tpu.memory_space<hbm>>
    %dma_wait3A_40 = arith.constant 0 : i32
    %dma_wait3A_41 = arith.constant 0 : i32
    %dma_wait3A_42 = tpu.memref_slice %arg10[%dma_wait3A_40, %dma_wait3A_41] : memref<800x16xf32, #tpu.memory_space<vmem>> -> memref<400x16xf32, #tpu.memory_space<vmem>>
    tpu.wait_dma2 semaphore(%arg13 : memref<!tpu.dma_semaphore, #tpu.memory_space<semaphore_mem>>) src(%dma_wait3A_42 : memref<400x16xf32, #tpu.memory_space<vmem>>) dst(%dma_wait3A_39 : memref<400x16xf32, #tpu.memory_space<hbm>>)
    %dma_wait3A_43 = arith.constant 0 : i32
    %dma_wait3A_44 = arith.constant 0 : i32
    %dma_wait3A_45 = tpu.memref_slice %arg11[%dma_wait3A_43, %dma_wait3A_44] : memref<800x16xf32, #tpu.memory_space<vmem>> -> memref<400x16xf32, #tpu.memory_space<vmem>>
    %dma_wait3A_46 = arith.constant 0 : i32
    %dma_wait3A_47 = tpu.memref_slice %arg7[%add3A_32, %dma_wait3A_46] : memref<320000x16xf32, #tpu.memory_space<hbm>> -> memref<400x16xf32, #tpu.memory_space<hbm>>
    %dma_wait3A_48 = arith.constant 0 : i32
    %dma_wait3A_49 = tpu.memref_slice %arg7[%add3A_32, %dma_wait3A_48] : memref<320000x16xf32, #tpu.memory_space<hbm>> -> memref<400x16xf32, #tpu.memory_space<hbm>>
    %dma_wait3A_50 = arith.constant 0 : i32
    %dma_wait3A_51 = arith.constant 0 : i32
    %dma_wait3A_52 = tpu.memref_slice %arg11[%dma_wait3A_50, %dma_wait3A_51] : memref<800x16xf32, #tpu.memory_space<vmem>> -> memref<400x16xf32, #tpu.memory_space<vmem>>
    tpu.wait_dma2 semaphore(%arg14 : memref<!tpu.dma_semaphore, #tpu.memory_space<semaphore_mem>>) src(%dma_wait3A_52 : memref<400x16xf32, #tpu.memory_space<vmem>>) dst(%dma_wait3A_49 : memref<400x16xf32, #tpu.memory_space<hbm>>)
    return
  }
}

module attributes {stable_mosaic.version = 14 : i64} {
  func.func @_proj_body(%arg0: i32, %arg1: memref<256x1024xf32, #tpu.memory_space<vmem>>, %arg2: memref<1024x128xf32, #tpu.memory_space<vmem>>, %arg3: memref<1024x128xf32, #tpu.memory_space<vmem>>, %arg4: memref<256x128xf32, #tpu.memory_space<vmem>>, %arg5: memref<256x128xf32, #tpu.memory_space<vmem>>) attributes {dimension_semantics = [#tpu.dimension_semantics<arbitrary>], iteration_bounds = array<i64: 5>, scalar_prefetch = 0 : i64, scratch_operands = 0 : i64, tpu.core_type = #tpu.core_type<tc>, window_params = [{transform_indices = @transform_0, window_bounds = array<i64: 256, 1024>}, {pipeline_mode = #tpu.pipeline_mode<synchronous>, transform_indices = @transform_1, window_bounds = array<i64: 1024, 128>}, {pipeline_mode = #tpu.pipeline_mode<synchronous>, transform_indices = @transform_2, window_bounds = array<i64: 1024, 128>}, {transform_indices = @transform_3, window_bounds = array<i64: 256, 128>}, {transform_indices = @transform_4, window_bounds = array<i64: 256, 128>}]} {
    %get3A = arith.constant 0 : index
    %get3A_0 = arith.constant 0 : index
    %get3A_1 = vector.load %arg1[%get3A, %get3A_0] : memref<256x1024xf32, #tpu.memory_space<vmem>>, vector<256x1024xf32>
    %get3A_2 = arith.constant 0 : index
    %get3A_3 = arith.constant 0 : index
    %get3A_4 = vector.load %arg2[%get3A_2, %get3A_3] : memref<1024x128xf32, #tpu.memory_space<vmem>>, vector<1024x128xf32>
    %dot_general3A = arith.constant dense<0.000000e+00> : vector<256x128xf32>
    %dot_general3A_5 = tpu.matmul %get3A_1, %get3A_4, %dot_general3A {dimension_numbers = #tpu.dot_dimension_numbers<[1], [0], [0], [1], [0, 0, 1, 1], [], []>, transpose_lhs_hint = false} : vector<256x1024xf32>, vector<1024x128xf32>, vector<256x128xf32> -> vector<256x128xf32>
    %swap3A = arith.constant 0 : index
    %swap3A_6 = arith.constant 0 : index
    %swap3A_7 = vector.load %arg4[%swap3A, %swap3A_6] : memref<256x128xf32, #tpu.memory_space<vmem>>, vector<256x128xf32>
    tpu.vector_store %arg4[%swap3A, %swap3A_6], %dot_general3A_5 {strides = array<i32>} : memref<256x128xf32, #tpu.memory_space<vmem>>, vector<256x128xf32>,
    %get3A_8 = arith.constant 0 : index
    %get3A_9 = arith.constant 0 : index
    %get3A_10 = vector.load %arg3[%get3A_8, %get3A_9] : memref<1024x128xf32, #tpu.memory_space<vmem>>, vector<1024x128xf32>
    %dot_general3A_11 = arith.constant dense<0.000000e+00> : vector<256x128xf32>
    %dot_general3A_12 = tpu.matmul %get3A_1, %get3A_10, %dot_general3A_11 {dimension_numbers = #tpu.dot_dimension_numbers<[1], [0], [0], [1], [0, 0, 1, 1], [], []>, transpose_lhs_hint = false} : vector<256x1024xf32>, vector<1024x128xf32>, vector<256x128xf32> -> vector<256x128xf32>
    %swap3A_13 = arith.constant 0 : index
    %swap3A_14 = arith.constant 0 : index
    %swap3A_15 = vector.load %arg5[%swap3A_13, %swap3A_14] : memref<256x128xf32, #tpu.memory_space<vmem>>, vector<256x128xf32>
    tpu.vector_store %arg5[%swap3A_13, %swap3A_14], %dot_general3A_12 {strides = array<i32>} : memref<256x128xf32, #tpu.memory_space<vmem>>, vector<256x128xf32>,
    return
  }
  func.func @transform_0(%arg0: i32) -> (i32, i32) {
    %c0_i32 = arith.constant 0 : i32
    %c0_i32_0 = arith.constant 0 : i32
    return %arg0, %c0_i32 : i32, i32
  }
  func.func @transform_1(%arg0: i32) -> (i32, i32) {
    %c0_i32 = arith.constant 0 : i32
    %c0_i32_0 = arith.constant 0 : i32
    %c0_i32_1 = arith.constant 0 : i32
    return %c0_i32, %c0_i32_0 : i32, i32
  }
  func.func @transform_2(%arg0: i32) -> (i32, i32) {
    %c0_i32 = arith.constant 0 : i32
    %c0_i32_0 = arith.constant 0 : i32
    %c0_i32_1 = arith.constant 0 : i32
    return %c0_i32, %c0_i32_0 : i32, i32
  }
  func.func @transform_3(%arg0: i32) -> (i32, i32) {
    %c0_i32 = arith.constant 0 : i32
    %c0_i32_0 = arith.constant 0 : i32
    return %arg0, %c0_i32 : i32, i32
  }
  func.func @transform_4(%arg0: i32) -> (i32, i32) {
    %c0_i32 = arith.constant 0 : i32
    %c0_i32_0 = arith.constant 0 : i32
    return %arg0, %c0_i32 : i32, i32
  }
}

module attributes {stable_mosaic.version = 14 : i64} {
  func.func @_edge1_body(%arg0: i32, %arg1: memref<2000x128xf32, #tpu.memory_space<vmem>>, %arg2: memref<2000x128xf32, #tpu.memory_space<vmem>>, %arg3: memref<2000x128xf32, #tpu.memory_space<vmem>>, %arg4: memref<1x32xf32, #tpu.memory_space<vmem>>, %arg5: memref<16x128xf32, #tpu.memory_space<vmem>>, %arg6: memref<32x16xf32, #tpu.memory_space<vmem>>, %arg7: memref<1x16xf32, #tpu.memory_space<vmem>>, %arg8: memref<128x128xf32, #tpu.memory_space<vmem>>, %arg9: memref<128x128xf32, #tpu.memory_space<vmem>>, %arg10: memref<1x128xf32, #tpu.memory_space<vmem>>, %arg11: memref<128x128xf32, #tpu.memory_space<vmem>>, %arg12: memref<1x128xf32, #tpu.memory_space<vmem>>, %arg13: memref<128x128xf32, #tpu.memory_space<vmem>>, %arg14: memref<2000x128xf32, #tpu.memory_space<vmem>>, %arg15: memref<2000x128xf32, #tpu.memory_space<vmem>>) attributes {dimension_semantics = [#tpu.dimension_semantics<arbitrary>], iteration_bounds = array<i64: 20>, scalar_prefetch = 0 : i64, scratch_operands = 0 : i64, tpu.core_type = #tpu.core_type<tc>, window_params = [{transform_indices = @transform_0, window_bounds = array<i64: 2000, 128>}, {transform_indices = @transform_1, window_bounds = array<i64: 2000, 128>}, {transform_indices = @transform_2, window_bounds = array<i64: 2000, 128>}, {pipeline_mode = #tpu.pipeline_mode<synchronous>, transform_indices = @transform_3, window_bounds = array<i64: 1, 32>}, {pipeline_mode = #tpu.pipeline_mode<synchronous>, transform_indices = @transform_4, window_bounds = array<i64: 16, 128>}, {pipeline_mode = #tpu.pipeline_mode<synchronous>, transform_indices = @transform_5, window_bounds = array<i64: 32, 16>}, {pipeline_mode = #tpu.pipeline_mode<synchronous>, transform_indices = @transform_6, window_bounds = array<i64: 1, 16>}, {pipeline_mode = #tpu.pipeline_mode<synchronous>, transform_indices = @transform_7, window_bounds = array<i64: 128, 128>}, {pipeline_mode = #tpu.pipeline_mode<synchronous>, transform_indices = @transform_8, window_bounds = array<i64: 128, 128>}, {pipeline_mode = #tpu.pipeline_mode<synchronous>, transform_indices = @transform_9, window_bounds = array<i64: 1, 128>}, {pipeline_mode = #tpu.pipeline_mode<synchronous>, transform_indices = @transform_10, window_bounds = array<i64: 128, 128>}, {pipeline_mode = #tpu.pipeline_mode<synchronous>, transform_indices = @transform_11, window_bounds = array<i64: 1, 128>}, {pipeline_mode = #tpu.pipeline_mode<synchronous>, transform_indices = @transform_12, window_bounds = array<i64: 128, 128>}, {transform_indices = @transform_13, window_bounds = array<i64: 2000, 128>}, {transform_indices = @transform_14, window_bounds = array<i64: 2000, 128>}]} {
    %get3A = arith.constant 0 : index
    %get3A_0 = arith.constant 0 : index
    %get3A_1 = vector.load %arg4[%get3A, %get3A_0] : memref<1x32xf32, #tpu.memory_space<vmem>>, vector<1x32xf32>
    %get3A_2 = arith.constant 0 : index
    %get3A_3 = arith.constant 0 : index
    %get3A_4 = vector.load %arg6[%get3A_2, %get3A_3] : memref<32x16xf32, #tpu.memory_space<vmem>>, vector<32x16xf32>
    %dot_general3A = arith.constant dense<0.000000e+00> : vector<1x16xf32>
    %dot_general3A_5 = tpu.matmul %get3A_1, %get3A_4, %dot_general3A {dimension_numbers = #tpu.dot_dimension_numbers<[1], [0], [0], [1], [0, 0, 1, 1], [], []>, transpose_lhs_hint = false} : vector<1x32xf32>, vector<32x16xf32>, vector<1x16xf32> -> vector<1x16xf32>
    %get3A_6 = arith.constant 0 : index
    %get3A_7 = arith.constant 0 : index
    %get3A_8 = vector.load %arg7[%get3A_6, %get3A_7] : memref<1x16xf32, #tpu.memory_space<vmem>>, vector<1x16xf32>
    %add3A = arith.addf %dot_general3A_5, %get3A_8 : vector<1x16xf32>
    %get3A_9 = arith.constant 0 : index
    %get3A_10 = arith.constant 0 : index
    %get3A_11 = vector.load %arg5[%get3A_9, %get3A_10] : memref<16x128xf32, #tpu.memory_space<vmem>>, vector<16x128xf32>
    %dot_general3A_12 = arith.constant dense<0.000000e+00> : vector<1x128xf32>
    %dot_general3A_13 = tpu.matmul %add3A, %get3A_11, %dot_general3A_12 {dimension_numbers = #tpu.dot_dimension_numbers<[1], [0], [0], [1], [0, 0, 1, 1], [], []>, precision = #tpu.contract_precision<fp32>, transpose_lhs_hint = false} : vector<1x16xf32>, vector<16x128xf32>, vector<1x128xf32> -> vector<1x128xf32>
    %get3A_14 = arith.constant 0 : index
    %get3A_15 = arith.constant 0 : index
    %get3A_16 = vector.load %arg1[%get3A_14, %get3A_15] : memref<2000x128xf32, #tpu.memory_space<vmem>>, vector<2000x128xf32>
    %get3A_17 = arith.constant 0 : index
    %get3A_18 = arith.constant 0 : index
    %get3A_19 = vector.load %arg8[%get3A_17, %get3A_18] : memref<128x128xf32, #tpu.memory_space<vmem>>, vector<128x128xf32>
    %dot_general3A_20 = arith.constant dense<0.000000e+00> : vector<2000x128xf32>
    %dot_general3A_21 = tpu.matmul %get3A_16, %get3A_19, %dot_general3A_20 {dimension_numbers = #tpu.dot_dimension_numbers<[1], [0], [0], [1], [0, 0, 1, 1], [], []>, transpose_lhs_hint = false} : vector<2000x128xf32>, vector<128x128xf32>, vector<2000x128xf32> -> vector<2000x128xf32>
    %get3A_22 = arith.constant 0 : index
    %get3A_23 = arith.constant 0 : index
    %get3A_24 = vector.load %arg2[%get3A_22, %get3A_23] : memref<2000x128xf32, #tpu.memory_space<vmem>>, vector<2000x128xf32>
    %add3A_25 = arith.addf %dot_general3A_21, %get3A_24 : vector<2000x128xf32>
    %get3A_26 = arith.constant 0 : index
    %get3A_27 = arith.constant 0 : index
    %get3A_28 = vector.load %arg3[%get3A_26, %get3A_27] : memref<2000x128xf32, #tpu.memory_space<vmem>>, vector<2000x128xf32>
    %add3A_29 = arith.addf %add3A_25, %get3A_28 : vector<2000x128xf32>
    %add3A_30 = vector.broadcast %dot_general3A_13 : vector<1x128xf32> to vector<2000x128xf32>
    %add3A_31 = arith.addf %add3A_29, %add3A_30 : vector<2000x128xf32>
    %max3A = arith.constant 0.000000e+00 : f32
    %max3A_32 = vector.broadcast %max3A : f32 to vector<2000x128xf32>
    %max3A_33 = arith.maximumf %add3A_31, %max3A_32 : vector<2000x128xf32>
    %get3A_34 = arith.constant 0 : index
    %get3A_35 = arith.constant 0 : index
    %get3A_36 = vector.load %arg9[%get3A_34, %get3A_35] : memref<128x128xf32, #tpu.memory_space<vmem>>, vector<128x128xf32>
    %dot_general3A_37 = arith.constant dense<0.000000e+00> : vector<2000x128xf32>
    %dot_general3A_38 = tpu.matmul %max3A_33, %get3A_36, %dot_general3A_37 {dimension_numbers = #tpu.dot_dimension_numbers<[1], [0], [0], [1], [0, 0, 1, 1], [], []>, transpose_lhs_hint = false} : vector<2000x128xf32>, vector<128x128xf32>, vector<2000x128xf32> -> vector<2000x128xf32>
    %get3A_39 = arith.constant 0 : index
    %get3A_40 = arith.constant 0 : index
    %get3A_41 = vector.load %arg10[%get3A_39, %get3A_40] : memref<1x128xf32, #tpu.memory_space<vmem>>, vector<1x128xf32>
    %add3A_42 = vector.broadcast %get3A_41 : vector<1x128xf32> to vector<2000x128xf32>
    %add3A_43 = arith.addf %dot_general3A_38, %add3A_42 : vector<2000x128xf32>
    %max3A_44 = arith.constant 0.000000e+00 : f32
    %max3A_45 = vector.broadcast %max3A_44 : f32 to vector<2000x128xf32>
    %max3A_46 = arith.maximumf %add3A_43, %max3A_45 : vector<2000x128xf32>
    %get3A_47 = arith.constant 0 : index
    %get3A_48 = arith.constant 0 : index
    %get3A_49 = vector.load %arg11[%get3A_47, %get3A_48] : memref<128x128xf32, #tpu.memory_space<vmem>>, vector<128x128xf32>
    %dot_general3A_50 = arith.constant dense<0.000000e+00> : vector<2000x128xf32>
    %dot_general3A_51 = tpu.matmul %max3A_46, %get3A_49, %dot_general3A_50 {dimension_numbers = #tpu.dot_dimension_numbers<[1], [0], [0], [1], [0, 0, 1, 1], [], []>, transpose_lhs_hint = false} : vector<2000x128xf32>, vector<128x128xf32>, vector<2000x128xf32> -> vector<2000x128xf32>
    %get3A_52 = arith.constant 0 : index
    %get3A_53 = arith.constant 0 : index
    %get3A_54 = vector.load %arg12[%get3A_52, %get3A_53] : memref<1x128xf32, #tpu.memory_space<vmem>>, vector<1x128xf32>
    %add3A_55 = vector.broadcast %get3A_54 : vector<1x128xf32> to vector<2000x128xf32>
    %add3A_56 = arith.addf %dot_general3A_51, %add3A_55 : vector<2000x128xf32>
    %max3A_57 = arith.constant 0.000000e+00 : f32
    %max3A_58 = vector.broadcast %max3A_57 : f32 to vector<2000x128xf32>
    %max3A_59 = arith.maximumf %add3A_56, %max3A_58 : vector<2000x128xf32>
    %get3A_60 = arith.constant 0 : index
    %get3A_61 = arith.constant 0 : index
    %get3A_62 = vector.load %arg13[%get3A_60, %get3A_61] : memref<128x128xf32, #tpu.memory_space<vmem>>, vector<128x128xf32>
    %dot_general3A_63 = arith.constant dense<0.000000e+00> : vector<2000x128xf32>
    %dot_general3A_64 = tpu.matmul %max3A_59, %get3A_62, %dot_general3A_63 {dimension_numbers = #tpu.dot_dimension_numbers<[1], [0], [0], [1], [0, 0, 1, 1], [], []>, transpose_lhs_hint = false} : vector<2000x128xf32>, vector<128x128xf32>, vector<2000x128xf32> -> vector<2000x128xf32>
    %swap3A = arith.constant 0 : index
    %swap3A_65 = arith.constant 0 : index
    %swap3A_66 = vector.load %arg15[%swap3A, %swap3A_65] : memref<2000x128xf32, #tpu.memory_space<vmem>>, vector<2000x128xf32>
    tpu.vector_store %arg15[%swap3A, %swap3A_65], %dot_general3A_64 {strides = array<i32>} : memref<2000x128xf32, #tpu.memory_space<vmem>>, vector<2000x128xf32>,
    %iota3A = tpu.iota {dimensions = array<i32: 1>} : vector<1x128xi32>
    %jit3A = arith.constant 16 : i32
    %eq3A = arith.constant 0 : i32
    %eq3A_67 = arith.cmpi eq, %jit3A, %eq3A : i32
    %jit3A_68 = arith.constant 1 : i32
    %select_n3A = arith.select %eq3A_67, %jit3A_68, %jit3A : i32
    %rem3A = vector.broadcast %select_n3A : i32 to vector<1x128xi32>
    %rem3A_69 = arith.remsi %iota3A, %rem3A : vector<1x128xi32>
    %ne3A = arith.constant 0 : i32
    %ne3A_70 = vector.broadcast %ne3A : i32 to vector<1x128xi32>
    %ne3A_71 = arith.cmpi ne, %rem3A_69, %ne3A_70 : vector<1x128xi32>
    %lt3A = arith.constant 0 : i32
    %lt3A_72 = vector.broadcast %lt3A : i32 to vector<1x128xi32>
    %lt3A_73 = arith.cmpi slt, %rem3A_69, %lt3A_72 : vector<1x128xi32>
    %lt3A_74 = arith.constant 0 : i32
    %lt3A_75 = arith.cmpi slt, %select_n3A, %lt3A_74 : i32
    %ne3A_76 = vector.broadcast %lt3A_75 : i1 to vector<1x128xi1>
    %ne3A_77 = vector.broadcast %ne3A_76 : vector<1x128xi1> to vector<1x128xi1>
    %ne3A_78 = arith.xori %lt3A_73, %ne3A_77 : vector<1x128xi1>
    %and3A = arith.andi %ne3A_78, %ne3A_71 : vector<1x128xi1>
    %add3A_79 = vector.broadcast %select_n3A : i32 to vector<1x128xi32>
    %add3A_80 = arith.addi %rem3A_69, %add3A_79 : vector<1x128xi32>
    %select_n3A_81 = arith.select %and3A, %add3A_80, %rem3A_69 : vector<1x128xi1>, vector<1x128xi32>
    %eq3A_82 = arith.constant 13 : i32
    %eq3A_83 = vector.broadcast %eq3A_82 : i32 to vector<1x128xi32>
    %eq3A_84 = arith.cmpi eq, %select_n3A_81, %eq3A_83 : vector<1x128xi32>
    %jit3A_85 = arith.constant 1.000000e+00 : f32
    %jit3A_86 = arith.constant 0.000000e+00 : f32
    %broadcast_in_dim3A = vector.broadcast %jit3A_85 : f32 to vector<1x128xf32>
    %broadcast_in_dim3A_87 = vector.broadcast %jit3A_86 : f32 to vector<1x128xf32>
    %select_n3A_88 = arith.select %eq3A_84, %broadcast_in_dim3A, %broadcast_in_dim3A_87 : vector<1x128xi1>, vector<1x128xf32>
    %add3A_89 = vector.broadcast %select_n3A_88 : vector<1x128xf32> to vector<2000x128xf32>
    %add3A_90 = arith.addf %max3A_59, %add3A_89 : vector<2000x128xf32>
    %swap3A_91 = arith.constant 0 : index
    %swap3A_92 = arith.constant 0 : index
    %swap3A_93 = vector.load %arg14[%swap3A_91, %swap3A_92] : memref<2000x128xf32, #tpu.memory_space<vmem>>, vector<2000x128xf32>
    tpu.vector_store %arg14[%swap3A_91, %swap3A_92], %add3A_90 {strides = array<i32>} : memref<2000x128xf32, #tpu.memory_space<vmem>>, vector<2000x128xf32>,
    return
  }
  func.func @transform_0(%arg0: i32) -> (i32, i32) {
    %c0_i32 = arith.constant 0 : i32
    %c0_i32_0 = arith.constant 0 : i32
    return %arg0, %c0_i32 : i32, i32
  }
  func.func @transform_1(%arg0: i32) -> (i32, i32) {
    %c0_i32 = arith.constant 0 : i32
    %c0_i32_0 = arith.constant 0 : i32
    return %arg0, %c0_i32 : i32, i32
  }
  func.func @transform_2(%arg0: i32) -> (i32, i32) {
    %c0_i32 = arith.constant 0 : i32
    %c0_i32_0 = arith.constant 0 : i32
    return %arg0, %c0_i32 : i32, i32
  }
  func.func @transform_3(%arg0: i32) -> (i32, i32) {
    %c0_i32 = arith.constant 0 : i32
    %c0_i32_0 = arith.constant 0 : i32
    %c0_i32_1 = arith.constant 0 : i32
    return %c0_i32, %c0_i32_0 : i32, i32
  }
  func.func @transform_4(%arg0: i32) -> (i32, i32) {
    %c0_i32 = arith.constant 0 : i32
    %c0_i32_0 = arith.constant 0 : i32
    %c0_i32_1 = arith.constant 0 : i32
    return %c0_i32, %c0_i32_0 : i32, i32
  }
  func.func @transform_5(%arg0: i32) -> (i32, i32) {
    %c0_i32 = arith.constant 0 : i32
    %c0_i32_0 = arith.constant 0 : i32
    %c0_i32_1 = arith.constant 0 : i32
    return %c0_i32, %c0_i32_0 : i32, i32
  }
  func.func @transform_6(%arg0: i32) -> (i32, i32) {
    %c0_i32 = arith.constant 0 : i32
    %c0_i32_0 = arith.constant 0 : i32
    %c0_i32_1 = arith.constant 0 : i32
    return %c0_i32, %c0_i32_0 : i32, i32
  }
  func.func @transform_7(%arg0: i32) -> (i32, i32) {
    %c0_i32 = arith.constant 0 : i32
    %c0_i32_0 = arith.constant 0 : i32
    %c0_i32_1 = arith.constant 0 : i32
    return %c0_i32, %c0_i32_0 : i32, i32
  }
  func.func @transform_8(%arg0: i32) -> (i32, i32) {
    %c0_i32 = arith.constant 0 : i32
    %c0_i32_0 = arith.constant 0 : i32
    %c0_i32_1 = arith.constant 0 : i32
    return %c0_i32, %c0_i32_0 : i32, i32
  }
  func.func @transform_9(%arg0: i32) -> (i32, i32) {
    %c0_i32 = arith.constant 0 : i32
    %c0_i32_0 = arith.constant 0 : i32
    %c0_i32_1 = arith.constant 0 : i32
    return %c0_i32, %c0_i32_0 : i32, i32
  }
  func.func @transform_10(%arg0: i32) -> (i32, i32) {
    %c0_i32 = arith.constant 0 : i32
    %c0_i32_0 = arith.constant 0 : i32
    %c0_i32_1 = arith.constant 0 : i32
    return %c0_i32, %c0_i32_0 : i32, i32
  }
  func.func @transform_11(%arg0: i32) -> (i32, i32) {
    %c0_i32 = arith.constant 0 : i32
    %c0_i32_0 = arith.constant 0 : i32
    %c0_i32_1 = arith.constant 0 : i32
    return %c0_i32, %c0_i32_0 : i32, i32
  }
  func.func @transform_12(%arg0: i32) -> (i32, i32) {
    %c0_i32 = arith.constant 0 : i32
    %c0_i32_0 = arith.constant 0 : i32
    %c0_i32_1 = arith.constant 0 : i32
    return %c0_i32, %c0_i32_0 : i32, i32
  }
  func.func @transform_13(%arg0: i32) -> (i32, i32) {
    %c0_i32 = arith.constant 0 : i32
    %c0_i32_0 = arith.constant 0 : i32
    return %arg0, %c0_i32 : i32, i32
  }
  func.func @transform_14(%arg0: i32) -> (i32, i32) {
    %c0_i32 = arith.constant 0 : i32
    %c0_i32_0 = arith.constant 0 : i32
    return %arg0, %c0_i32 : i32, i32
  }
}

module attributes {stable_mosaic.version = 14 : i64} {
  func.func @_node_mlp_body(%arg0: i32, %arg1: memref<2x256x128xf32, #tpu.memory_space<vmem>>, %arg2: memref<256x1024xf32, #tpu.memory_space<vmem>>, %arg3: memref<1x32xf32, #tpu.memory_space<vmem>>, %arg4: memref<16x128xf32, #tpu.memory_space<vmem>>, %arg5: memref<8x128xf32, #tpu.memory_space<vmem>>, %arg6: memref<128x8xf32, #tpu.memory_space<vmem>>, %arg7: memref<128x16xf32, #tpu.memory_space<vmem>>, %arg8: memref<128x128xf32, #tpu.memory_space<vmem>>, %arg9: memref<1024x128xf32, #tpu.memory_space<vmem>>, %arg10: memref<32x16xf32, #tpu.memory_space<vmem>>, %arg11: memref<1x16xf32, #tpu.memory_space<vmem>>, %arg12: memref<128x128xf32, #tpu.memory_space<vmem>>, %arg13: memref<1x128xf32, #tpu.memory_space<vmem>>, %arg14: memref<128x128xf32, #tpu.memory_space<vmem>>, %arg15: memref<1x128xf32, #tpu.memory_space<vmem>>, %arg16: memref<128x128xf32, #tpu.memory_space<vmem>>, %arg17: memref<128x128xf32, #tpu.memory_space<vmem>>, %arg18: memref<16x16xf32, #tpu.memory_space<vmem>>, %arg19: memref<16x16xf32, #tpu.memory_space<vmem>>, %arg20: memref<32x16xf32, #tpu.memory_space<vmem>>, %arg21: memref<1x16xf32, #tpu.memory_space<vmem>>, %arg22: memref<16x16xf32, #tpu.memory_space<vmem>>, %arg23: memref<1x16xf32, #tpu.memory_space<vmem>>, %arg24: memref<16x32xf32, #tpu.memory_space<vmem>>, %arg25: memref<1x32xf32, #tpu.memory_space<vmem>>, %arg26: memref<256x128xf32, #tpu.memory_space<vmem>>, %arg27: memref<256x128xf32, #tpu.memory_space<vmem>>, %arg28: memref<256x128xf32, #tpu.memory_space<vmem>>, %arg29: memref<1x32xf32, #tpu.memory_space<vmem>>, %arg30: memref<1x128xf32, #tpu.memory_space<vmem>>, %arg31: memref<1x128xf32, #tpu.memory_space<vmem>>) attributes {dimension_semantics = [#tpu.dimension_semantics<arbitrary>], iteration_bounds = array<i64: 5>, scalar_prefetch = 0 : i64, scratch_operands = 2 : i64, tpu.core_type = #tpu.core_type<tc>, window_params = [{transform_indices = @transform_0, window_bounds = array<i64: 2, 256, 128>}, {transform_indices = @transform_1, window_bounds = array<i64: 256, 1024>}, {pipeline_mode = #tpu.pipeline_mode<synchronous>, transform_indices = @transform_2, window_bounds = array<i64: 1, 32>}, {pipeline_mode = #tpu.pipeline_mode<synchronous>, transform_indices = @transform_3, window_bounds = array<i64: 16, 128>}, {pipeline_mode = #tpu.pipeline_mode<synchronous>, transform_indices = @transform_4, window_bounds = array<i64: 8, 128>}, {pipeline_mode = #tpu.pipeline_mode<synchronous>, transform_indices = @transform_5, window_bounds = array<i64: 128, 8>}, {pipeline_mode = #tpu.pipeline_mode<synchronous>, transform_indices = @transform_6, window_bounds = array<i64: 128, 16>}, {pipeline_mode = #tpu.pipeline_mode<synchronous>, transform_indices = @transform_7, window_bounds = array<i64: 128, 128>}, {pipeline_mode = #tpu.pipeline_mode<synchronous>, transform_indices = @transform_8, window_bounds = array<i64: 1024, 128>}, {pipeline_mode = #tpu.pipeline_mode<synchronous>, transform_indices = @transform_9, window_bounds = array<i64: 32, 16>}, {pipeline_mode = #tpu.pipeline_mode<synchronous>, transform_indices = @transform_10, window_bounds = array<i64: 1, 16>}, {pipeline_mode = #tpu.pipeline_mode<synchronous>, transform_indices = @transform_11, window_bounds = array<i64: 128, 128>}, {pipeline_mode = #tpu.pipeline_mode<synchronous>, transform_indices = @transform_12, window_bounds = array<i64: 1, 128>}, {pipeline_mode = #tpu.pipeline_mode<synchronous>, transform_indices = @transform_13, window_bounds = array<i64: 128, 128>}, {pipeline_mode = #tpu.pipeline_mode<synchronous>, transform_indices = @transform_14, window_bounds = array<i64: 1, 128>}, {pipeline_mode = #tpu.pipeline_mode<synchronous>, transform_indices = @transform_15, window_bounds = array<i64: 128, 128>}, {pipeline_mode = #tpu.pipeline_mode<synchronous>, transform_indices = @transform_16, window_bounds = array<i64: 128, 128>}, {pipeline_mode = #tpu.pipeline_mode<synchronous>, transform_indices = @transform_17, window_bounds = array<i64: 16, 16>}, {pipeline_mode = #tpu.pipeline_mode<synchronous>, transform_indices = @transform_18, window_bounds = array<i64: 16, 16>}, {pipeline_mode = #tpu.pipeline_mode<synchronous>, transform_indices = @transform_19, window_bounds = array<i64: 32, 16>}, {pipeline_mode = #tpu.pipeline_mode<synchronous>, transform_indices = @transform_20, window_bounds = array<i64: 1, 16>}, {pipeline_mode = #tpu.pipeline_mode<synchronous>, transform_indices = @transform_21, window_bounds = array<i64: 16, 16>}, {pipeline_mode = #tpu.pipeline_mode<synchronous>, transform_indices = @transform_22, window_bounds = array<i64: 1, 16>}, {pipeline_mode = #tpu.pipeline_mode<synchronous>, transform_indices = @transform_23, window_bounds = array<i64: 16, 32>}, {pipeline_mode = #tpu.pipeline_mode<synchronous>, transform_indices = @transform_24, window_bounds = array<i64: 1, 32>}, {transform_indices = @transform_25, window_bounds = array<i64: 256, 128>}, {transform_indices = @transform_26, window_bounds = array<i64: 256, 128>}, {transform_indices = @transform_27, window_bounds = array<i64: 256, 128>}, {pipeline_mode = #tpu.pipeline_mode<synchronous>, transform_indices = @transform_28, window_bounds = array<i64: 1, 32>}]} {
    %get3A = arith.constant 0 : index
    %get3A_0 = arith.constant 0 : index
    %get3A_1 = arith.constant 0 : index
    %get3A_2 = vector.load %arg1[%get3A, %get3A_0, %get3A_1] : memref<2x256x128xf32, #tpu.memory_space<vmem>>, vector<1x256x128xf32>
    %get3A_3 = vector.shape_cast %get3A_2 : vector<1x256x128xf32> to vector<256x128xf32>
    %get3A_4 = arith.constant 1 : index
    %get3A_5 = arith.constant 0 : index
    %get3A_6 = arith.constant 0 : index
    %get3A_7 = vector.load %arg1[%get3A_4, %get3A_5, %get3A_6] : memref<2x256x128xf32, #tpu.memory_space<vmem>>, vector<1x256x128xf32>
    %get3A_8 = vector.shape_cast %get3A_7 : vector<1x256x128xf32> to vector<256x128xf32>
    %add3A = arith.addf %get3A_3, %get3A_8 : vector<256x128xf32>
    %get3A_9 = arith.constant 0 : index
    %get3A_10 = arith.constant 0 : index
    %get3A_11 = vector.load %arg6[%get3A_9, %get3A_10] : memref<128x8xf32, #tpu.memory_space<vmem>>, vector<128x8xf32>
    %dot_general3A = arith.constant dense<0.000000e+00> : vector<256x8xf32>
    %dot_general3A_12 = tpu.matmul %add3A, %get3A_11, %dot_general3A {dimension_numbers = #tpu.dot_dimension_numbers<[1], [0], [0], [1], [0, 0, 1, 1], [], []>, precision = #tpu.contract_precision<fp32>, transpose_lhs_hint = false} : vector<256x128xf32>, vector<128x8xf32>, vector<256x8xf32> -> vector<256x8xf32>
    %max3A = arith.constant 1.000000e+00 : f32
    %max3A_13 = vector.broadcast %max3A : f32 to vector<256x8xf32>
    %max3A_14 = arith.maximumf %dot_general3A_12, %max3A_13 : vector<256x8xf32>
    %get3A_15 = arith.constant 0 : index
    %get3A_16 = arith.constant 0 : index
    %get3A_17 = vector.load %arg5[%get3A_15, %get3A_16] : memref<8x128xf32, #tpu.memory_space<vmem>>, vector<8x128xf32>
    %dot_general3A_18 = arith.constant dense<0.000000e+00> : vector<256x128xf32>
    %dot_general3A_19 = tpu.matmul %max3A_14, %get3A_17, %dot_general3A_18 {dimension_numbers = #tpu.dot_dimension_numbers<[1], [0], [0], [1], [0, 0, 1, 1], [], []>, precision = #tpu.contract_precision<fp32>, transpose_lhs_hint = false} : vector<256x8xf32>, vector<8x128xf32>, vector<256x128xf32> -> vector<256x128xf32>
    %div3A = arith.divf %add3A, %dot_general3A_19 : vector<256x128xf32>
    %get3A_20 = arith.constant 0 : index
    %get3A_21 = arith.constant 0 : index
    %get3A_22 = vector.load %arg3[%get3A_20, %get3A_21] : memref<1x32xf32, #tpu.memory_space<vmem>>, vector<1x32xf32>
    %get3A_23 = arith.constant 0 : index
    %get3A_24 = arith.constant 0 : index
    %get3A_25 = vector.load %arg10[%get3A_23, %get3A_24] : memref<32x16xf32, #tpu.memory_space<vmem>>, vector<32x16xf32>
    %dot_general3A_26 = arith.constant dense<0.000000e+00> : vector<1x16xf32>
    %dot_general3A_27 = tpu.matmul %get3A_22, %get3A_25, %dot_general3A_26 {dimension_numbers = #tpu.dot_dimension_numbers<[1], [0], [0], [1], [0, 0, 1, 1], [], []>, transpose_lhs_hint = false} : vector<1x32xf32>, vector<32x16xf32>, vector<1x16xf32> -> vector<1x16xf32>
    %get3A_28 = arith.constant 0 : index
    %get3A_29 = arith.constant 0 : index
    %get3A_30 = vector.load %arg11[%get3A_28, %get3A_29] : memref<1x16xf32, #tpu.memory_space<vmem>>, vector<1x16xf32>
    %add3A_31 = arith.addf %dot_general3A_27, %get3A_30 : vector<1x16xf32>
    %get3A_32 = arith.constant 0 : index
    %get3A_33 = arith.constant 0 : index
    %get3A_34 = vector.load %arg4[%get3A_32, %get3A_33] : memref<16x128xf32, #tpu.memory_space<vmem>>, vector<16x128xf32>
    %dot_general3A_35 = arith.constant dense<0.000000e+00> : vector<1x128xf32>
    %dot_general3A_36 = tpu.matmul %add3A_31, %get3A_34, %dot_general3A_35 {dimension_numbers = #tpu.dot_dimension_numbers<[1], [0], [0], [1], [0, 0, 1, 1], [], []>, precision = #tpu.contract_precision<fp32>, transpose_lhs_hint = false} : vector<1x16xf32>, vector<16x128xf32>, vector<1x128xf32> -> vector<1x128xf32>
    %get3A_37 = arith.constant 0 : index
    %get3A_38 = arith.constant 0 : index
    %get3A_39 = vector.load %arg8[%get3A_37, %get3A_38] : memref<128x128xf32, #tpu.memory_space<vmem>>, vector<128x128xf32>
    %dot_general3A_40 = arith.constant dense<0.000000e+00> : vector<256x128xf32>
    %dot_general3A_41 = tpu.matmul %div3A, %get3A_39, %dot_general3A_40 {dimension_numbers = #tpu.dot_dimension_numbers<[1], [0], [0], [1], [0, 0, 1, 1], [], []>, transpose_lhs_hint = false} : vector<256x128xf32>, vector<128x128xf32>, vector<256x128xf32> -> vector<256x128xf32>
    %get3A_42 = arith.constant 0 : index
    %get3A_43 = arith.constant 0 : index
    %get3A_44 = vector.load %arg2[%get3A_42, %get3A_43] : memref<256x1024xf32, #tpu.memory_space<vmem>>, vector<256x1024xf32>
    %get3A_45 = arith.constant 0 : index
    %get3A_46 = arith.constant 0 : index
    %get3A_47 = vector.load %arg9[%get3A_45, %get3A_46] : memref<1024x128xf32, #tpu.memory_space<vmem>>, vector<1024x128xf32>
    %dot_general3A_48 = arith.constant dense<0.000000e+00> : vector<256x128xf32>
    %dot_general3A_49 = tpu.matmul %get3A_44, %get3A_47, %dot_general3A_48 {dimension_numbers = #tpu.dot_dimension_numbers<[1], [0], [0], [1], [0, 0, 1, 1], [], []>, transpose_lhs_hint = false} : vector<256x1024xf32>, vector<1024x128xf32>, vector<256x128xf32> -> vector<256x128xf32>
    %add3A_50 = arith.addf %dot_general3A_41, %dot_general3A_49 : vector<256x128xf32>
    %add3A_51 = vector.broadcast %dot_general3A_36 : vector<1x128xf32> to vector<256x128xf32>
    %add3A_52 = arith.addf %add3A_50, %add3A_51 : vector<256x128xf32>
    %max3A_53 = arith.constant 0.000000e+00 : f32
    %max3A_54 = vector.broadcast %max3A_53 : f32 to vector<256x128xf32>
    %max3A_55 = arith.maximumf %add3A_52, %max3A_54 : vector<256x128xf32>
    %get3A_56 = arith.constant 0 : index
    %get3A_57 = arith.constant 0 : index
    %get3A_58 = vector.load %arg12[%get3A_56, %get3A_57] : memref<128x128xf32, #tpu.memory_space<vmem>>, vector<128x128xf32>
    %dot_general3A_59 = arith.constant dense<0.000000e+00> : vector<256x128xf32>
    %dot_general3A_60 = tpu.matmul %max3A_55, %get3A_58, %dot_general3A_59 {dimension_numbers = #tpu.dot_dimension_numbers<[1], [0], [0], [1], [0, 0, 1, 1], [], []>, transpose_lhs_hint = false} : vector<256x128xf32>, vector<128x128xf32>, vector<256x128xf32> -> vector<256x128xf32>
    %get3A_61 = arith.constant 0 : index
    %get3A_62 = arith.constant 0 : index
    %get3A_63 = vector.load %arg13[%get3A_61, %get3A_62] : memref<1x128xf32, #tpu.memory_space<vmem>>, vector<1x128xf32>
    %add3A_64 = vector.broadcast %get3A_63 : vector<1x128xf32> to vector<256x128xf32>
    %add3A_65 = arith.addf %dot_general3A_60, %add3A_64 : vector<256x128xf32>
    %max3A_66 = arith.constant 0.000000e+00 : f32
    %max3A_67 = vector.broadcast %max3A_66 : f32 to vector<256x128xf32>
    %max3A_68 = arith.maximumf %add3A_65, %max3A_67 : vector<256x128xf32>
    %get3A_69 = arith.constant 0 : index
    %get3A_70 = arith.constant 0 : index
    %get3A_71 = vector.load %arg14[%get3A_69, %get3A_70] : memref<128x128xf32, #tpu.memory_space<vmem>>, vector<128x128xf32>
    %dot_general3A_72 = arith.constant dense<0.000000e+00> : vector<256x128xf32>
    %dot_general3A_73 = tpu.matmul %max3A_68, %get3A_71, %dot_general3A_72 {dimension_numbers = #tpu.dot_dimension_numbers<[1], [0], [0], [1], [0, 0, 1, 1], [], []>, transpose_lhs_hint = false} : vector<256x128xf32>, vector<128x128xf32>, vector<256x128xf32> -> vector<256x128xf32>
    %get3A_74 = arith.constant 0 : index
    %get3A_75 = arith.constant 0 : index
    %get3A_76 = vector.load %arg15[%get3A_74, %get3A_75] : memref<1x128xf32, #tpu.memory_space<vmem>>, vector<1x128xf32>
    %add3A_77 = vector.broadcast %get3A_76 : vector<1x128xf32> to vector<256x128xf32>
    %add3A_78 = arith.addf %dot_general3A_73, %add3A_77 : vector<256x128xf32>
    %max3A_79 = arith.constant 0.000000e+00 : f32
    %max3A_80 = vector.broadcast %max3A_79 : f32 to vector<256x128xf32>
    %max3A_81 = arith.maximumf %add3A_78, %max3A_80 : vector<256x128xf32>
    %iota3A = tpu.iota {dimensions = array<i32: 0>} : vector<256x128xi32>
    %mul3A = arith.constant 256 : i32
    %mul3A_82 = arith.muli %arg0, %mul3A : i32
    %add3A_83 = vector.broadcast %mul3A_82 : i32 to vector<256x128xi32>
    %add3A_84 = arith.addi %iota3A, %add3A_83 : vector<256x128xi32>
    %lt3A = arith.constant 1250 : i32
    %lt3A_85 = vector.broadcast %lt3A : i32 to vector<256x128xi32>
    %lt3A_86 = arith.cmpi slt, %add3A_84, %lt3A_85 : vector<256x128xi32>
    %jit3A = arith.constant 0.000000e+00 : f32
    %broadcast_in_dim3A = vector.broadcast %jit3A : f32 to vector<256x128xf32>
    %select_n3A = arith.select %lt3A_86, %max3A_81, %broadcast_in_dim3A : vector<256x128xi1>, vector<256x128xf32>
    %swap3A = arith.constant 0 : index
    %swap3A_87 = arith.constant 0 : index
    %swap3A_88 = vector.load %arg26[%swap3A, %swap3A_87] : memref<256x128xf32, #tpu.memory_space<vmem>>, vector<256x128xf32>
    tpu.vector_store %arg26[%swap3A, %swap3A_87], %select_n3A {strides = array<i32>} : memref<256x128xf32, #tpu.memory_space<vmem>>, vector<256x128xf32>,
    %get3A_89 = arith.constant 0 : index
    %get3A_90 = arith.constant 0 : index
    %get3A_91 = vector.load %arg16[%get3A_89, %get3A_90] : memref<128x128xf32, #tpu.memory_space<vmem>>, vector<128x128xf32>
    %dot_general3A_92 = arith.constant dense<0.000000e+00> : vector<256x128xf32>
    %dot_general3A_93 = tpu.matmul %select_n3A, %get3A_91, %dot_general3A_92 {dimension_numbers = #tpu.dot_dimension_numbers<[1], [0], [0], [1], [0, 0, 1, 1], [], []>, transpose_lhs_hint = false} : vector<256x128xf32>, vector<128x128xf32>, vector<256x128xf32> -> vector<256x128xf32>
    %swap3A_94 = arith.constant 0 : index
    %swap3A_95 = arith.constant 0 : index
    %swap3A_96 = vector.load %arg27[%swap3A_94, %swap3A_95] : memref<256x128xf32, #tpu.memory_space<vmem>>, vector<256x128xf32>
    tpu.vector_store %arg27[%swap3A_94, %swap3A_95], %dot_general3A_93 {strides = array<i32>} : memref<256x128xf32, #tpu.memory_space<vmem>>, vector<256x128xf32>,
    %get3A_97 = arith.constant 0 : index
    %get3A_98 = arith.constant 0 : index
    %get3A_99 = vector.load %arg17[%get3A_97, %get3A_98] : memref<128x128xf32, #tpu.memory_space<vmem>>, vector<128x128xf32>
    %dot_general3A_100 = arith.constant dense<0.000000e+00> : vector<256x128xf32>
    %dot_general3A_101 = tpu.matmul %select_n3A, %get3A_99, %dot_general3A_100 {dimension_numbers = #tpu.dot_dimension_numbers<[1], [0], [0], [1], [0, 0, 1, 1], [], []>, transpose_lhs_hint = false} : vector<256x128xf32>, vector<128x128xf32>, vector<256x128xf32> -> vector<256x128xf32>
    %swap3A_102 = arith.constant 0 : index
    %swap3A_103 = arith.constant 0 : index
    %swap3A_104 = vector.load %arg28[%swap3A_102, %swap3A_103] : memref<256x128xf32, #tpu.memory_space<vmem>>, vector<256x128xf32>
    tpu.vector_store %arg28[%swap3A_102, %swap3A_103], %dot_general3A_101 {strides = array<i32>} : memref<256x128xf32, #tpu.memory_space<vmem>>, vector<256x128xf32>,
    %eq3A = arith.constant 0 : i32
    %eq3A_105 = arith.cmpi eq, %arg0, %eq3A : i32
    %convert_element_type3A = arith.extui %eq3A_105 : i1 to i32
    %cond3A = arith.constant 0 : i32
    %cond3A_106 = arith.cmpi ne, %convert_element_type3A, %cond3A : i32
    scf.if %cond3A_106 {
      %broadcast_in_dim3A_131 = arith.constant 0.000000e+00 : f32
      %broadcast_in_dim3A_132 = vector.broadcast %broadcast_in_dim3A_131 : f32 to vector<1x128xf32>
      %swap3A_133 = arith.constant 0 : index
      %swap3A_134 = arith.constant 0 : index
      %swap3A_135 = vector.load %arg30[%swap3A_133, %swap3A_134] : memref<1x128xf32, #tpu.memory_space<vmem>>, vector<1x128xf32>
      tpu.vector_store %arg30[%swap3A_133, %swap3A_134], %broadcast_in_dim3A_132 {strides = array<i32>} : memref<1x128xf32, #tpu.memory_space<vmem>>, vector<1x128xf32>,
      %broadcast_in_dim3A_136 = arith.constant 0.000000e+00 : f32
      %broadcast_in_dim3A_137 = vector.broadcast %broadcast_in_dim3A_136 : f32 to vector<1x128xf32>
      %swap3A_138 = arith.constant 0 : index
      %swap3A_139 = arith.constant 0 : index
      %swap3A_140 = vector.load %arg31[%swap3A_138, %swap3A_139] : memref<1x128xf32, #tpu.memory_space<vmem>>, vector<1x128xf32>
      tpu.vector_store %arg31[%swap3A_138, %swap3A_139], %broadcast_in_dim3A_137 {strides = array<i32>} : memref<1x128xf32, #tpu.memory_space<vmem>>, vector<1x128xf32>,
    } else {
    }
    %get3A_107 = arith.constant 0 : index
    %get3A_108 = arith.constant 0 : index
    %get3A_109 = vector.load %arg30[%get3A_107, %get3A_108] : memref<1x128xf32, #tpu.memory_space<vmem>>, vector<1x128xf32>
    %reduce_sum3A = arith.constant dense<0.000000e+00> : vector<128xf32>
    %reduce_sum3A_110 = vector.multi_reduction <add>, %select_n3A, %reduce_sum3A [0] : vector<256x128xf32> to vector<128xf32>
    %broadcast_in_dim3A_111 = vector.shape_cast %reduce_sum3A_110 : vector<128xf32> to vector<1x128xf32>
    %add3A_112 = arith.addf %get3A_109, %broadcast_in_dim3A_111 : vector<1x128xf32>
    %swap3A_113 = arith.constant 0 : index
    %swap3A_114 = arith.constant 0 : index
    %swap3A_115 = vector.load %arg30[%swap3A_113, %swap3A_114] : memref<1x128xf32, #tpu.memory_space<vmem>>, vector<1x128xf32>
    tpu.vector_store %arg30[%swap3A_113, %swap3A_114], %add3A_112 {strides = array<i32>} : memref<1x128xf32, #tpu.memory_space<vmem>>, vector<1x128xf32>,
    %get3A_116 = arith.constant 0 : index
    %get3A_117 = arith.constant 0 : index
    %get3A_118 = vector.load %arg31[%get3A_116, %get3A_117] : memref<1x128xf32, #tpu.memory_space<vmem>>, vector<1x128xf32>
    %reduce_sum3A_119 = arith.constant dense<0.000000e+00> : vector<128xf32>
    %reduce_sum3A_120 = vector.multi_reduction <add>, %add3A, %reduce_sum3A_119 [0] : vector<256x128xf32> to vector<128xf32>
    %broadcast_in_dim3A_121 = vector.shape_cast %reduce_sum3A_120 : vector<128xf32> to vector<1x128xf32>
    %add3A_122 = arith.addf %get3A_118, %broadcast_in_dim3A_121 : vector<1x128xf32>
    %swap3A_123 = arith.constant 0 : index
    %swap3A_124 = arith.constant 0 : index
    %swap3A_125 = vector.load %arg31[%swap3A_123, %swap3A_124] : memref<1x128xf32, #tpu.memory_space<vmem>>, vector<1x128xf32>
    tpu.vector_store %arg31[%swap3A_123, %swap3A_124], %add3A_122 {strides = array<i32>} : memref<1x128xf32, #tpu.memory_space<vmem>>, vector<1x128xf32>,
    %eq3A_126 = arith.constant 4 : i32
    %eq3A_127 = arith.cmpi eq, %arg0, %eq3A_126 : i32
    %convert_element_type3A_128 = arith.extui %eq3A_127 : i1 to i32
    %cond3A_129 = arith.constant 0 : i32
    %cond3A_130 = arith.cmpi ne, %convert_element_type3A_128, %cond3A_129 : i32
    scf.if %cond3A_130 {
      %get3A_131 = arith.constant 0 : index
      %get3A_132 = arith.constant 0 : index
      %get3A_133 = vector.load %arg31[%get3A_131, %get3A_132] : memref<1x128xf32, #tpu.memory_space<vmem>>, vector<1x128xf32>
      %get3A_134 = arith.constant 0 : index
      %get3A_135 = arith.constant 0 : index
      %get3A_136 = vector.load %arg7[%get3A_134, %get3A_135] : memref<128x16xf32, #tpu.memory_space<vmem>>, vector<128x16xf32>
      %dot_general3A_137 = arith.constant dense<0.000000e+00> : vector<1x16xf32>
      %dot_general3A_138 = tpu.matmul %get3A_133, %get3A_136, %dot_general3A_137 {dimension_numbers = #tpu.dot_dimension_numbers<[1], [0], [0], [1], [0, 0, 1, 1], [], []>, precision = #tpu.contract_precision<fp32>, transpose_lhs_hint = false} : vector<1x128xf32>, vector<128x16xf32>, vector<1x16xf32> -> vector<1x16xf32>
      %div3A_139 = arith.constant 3.200000e+05 : f32
      %div3A_140 = vector.broadcast %div3A_139 : f32 to vector<1x16xf32>
      %div3A_141 = arith.divf %dot_general3A_138, %div3A_140 : vector<1x16xf32>
      %get3A_142 = arith.constant 0 : index
      %get3A_143 = arith.constant 0 : index
      %get3A_144 = vector.load %arg30[%get3A_142, %get3A_143] : memref<1x128xf32, #tpu.memory_space<vmem>>, vector<1x128xf32>
      %get3A_145 = arith.constant 0 : index
      %get3A_146 = arith.constant 0 : index
      %get3A_147 = vector.load %arg7[%get3A_145, %get3A_146] : memref<128x16xf32, #tpu.memory_space<vmem>>, vector<128x16xf32>
      %dot_general3A_148 = arith.constant dense<0.000000e+00> : vector<1x16xf32>
      %dot_general3A_149 = tpu.matmul %get3A_144, %get3A_147, %dot_general3A_148 {dimension_numbers = #tpu.dot_dimension_numbers<[1], [0], [0], [1], [0, 0, 1, 1], [], []>, precision = #tpu.contract_precision<fp32>, transpose_lhs_hint = false} : vector<1x128xf32>, vector<128x16xf32>, vector<1x16xf32> -> vector<1x16xf32>
      %div3A_150 = arith.constant 1.000000e+04 : f32
      %div3A_151 = vector.broadcast %div3A_150 : f32 to vector<1x16xf32>
      %div3A_152 = arith.divf %dot_general3A_149, %div3A_151 : vector<1x16xf32>
      %get3A_153 = arith.constant 0 : index
      %get3A_154 = arith.constant 0 : index
      %get3A_155 = vector.load %arg18[%get3A_153, %get3A_154] : memref<16x16xf32, #tpu.memory_space<vmem>>, vector<16x16xf32>
      %dot_general3A_156 = arith.constant dense<0.000000e+00> : vector<1x16xf32>
      %dot_general3A_157 = tpu.matmul %div3A_141, %get3A_155, %dot_general3A_156 {dimension_numbers = #tpu.dot_dimension_numbers<[1], [0], [0], [1], [0, 0, 1, 1], [], []>, transpose_lhs_hint = false} : vector<1x16xf32>, vector<16x16xf32>, vector<1x16xf32> -> vector<1x16xf32>
      %get3A_158 = arith.constant 0 : index
      %get3A_159 = arith.constant 0 : index
      %get3A_160 = vector.load %arg19[%get3A_158, %get3A_159] : memref<16x16xf32, #tpu.memory_space<vmem>>, vector<16x16xf32>
      %dot_general3A_161 = arith.constant dense<0.000000e+00> : vector<1x16xf32>
      %dot_general3A_162 = tpu.matmul %div3A_152, %get3A_160, %dot_general3A_161 {dimension_numbers = #tpu.dot_dimension_numbers<[1], [0], [0], [1], [0, 0, 1, 1], [], []>, transpose_lhs_hint = false} : vector<1x16xf32>, vector<16x16xf32>, vector<1x16xf32> -> vector<1x16xf32>
      %add3A_163 = arith.addf %dot_general3A_157, %dot_general3A_162 : vector<1x16xf32>
      %get3A_164 = arith.constant 0 : index
      %get3A_165 = arith.constant 0 : index
      %get3A_166 = vector.load %arg3[%get3A_164, %get3A_165] : memref<1x32xf32, #tpu.memory_space<vmem>>, vector<1x32xf32>
      %get3A_167 = arith.constant 0 : index
      %get3A_168 = arith.constant 0 : index
      %get3A_169 = vector.load %arg20[%get3A_167, %get3A_168] : memref<32x16xf32, #tpu.memory_space<vmem>>, vector<32x16xf32>
      %dot_general3A_170 = arith.constant dense<0.000000e+00> : vector<1x16xf32>
      %dot_general3A_171 = tpu.matmul %get3A_166, %get3A_169, %dot_general3A_170 {dimension_numbers = #tpu.dot_dimension_numbers<[1], [0], [0], [1], [0, 0, 1, 1], [], []>, transpose_lhs_hint = false} : vector<1x32xf32>, vector<32x16xf32>, vector<1x16xf32> -> vector<1x16xf32>
      %add3A_172 = arith.addf %add3A_163, %dot_general3A_171 : vector<1x16xf32>
      %get3A_173 = arith.constant 0 : index
      %get3A_174 = arith.constant 0 : index
      %get3A_175 = vector.load %arg21[%get3A_173, %get3A_174] : memref<1x16xf32, #tpu.memory_space<vmem>>, vector<1x16xf32>
      %add3A_176 = arith.addf %add3A_172, %get3A_175 : vector<1x16xf32>
      %max3A_177 = arith.constant 0.000000e+00 : f32
      %max3A_178 = vector.broadcast %max3A_177 : f32 to vector<1x16xf32>
      %max3A_179 = arith.maximumf %add3A_176, %max3A_178 : vector<1x16xf32>
      %get3A_180 = arith.constant 0 : index
      %get3A_181 = arith.constant 0 : index
      %get3A_182 = vector.load %arg22[%get3A_180, %get3A_181] : memref<16x16xf32, #tpu.memory_space<vmem>>, vector<16x16xf32>
      %dot_general3A_183 = arith.constant dense<0.000000e+00> : vector<1x16xf32>
      %dot_general3A_184 = tpu.matmul %max3A_179, %get3A_182, %dot_general3A_183 {dimension_numbers = #tpu.dot_dimension_numbers<[1], [0], [0], [1], [0, 0, 1, 1], [], []>, transpose_lhs_hint = false} : vector<1x16xf32>, vector<16x16xf32>, vector<1x16xf32> -> vector<1x16xf32>
      %get3A_185 = arith.constant 0 : index
      %get3A_186 = arith.constant 0 : index
      %get3A_187 = vector.load %arg23[%get3A_185, %get3A_186] : memref<1x16xf32, #tpu.memory_space<vmem>>, vector<1x16xf32>
      %add3A_188 = arith.addf %dot_general3A_184, %get3A_187 : vector<1x16xf32>
      %max3A_189 = arith.constant 0.000000e+00 : f32
      %max3A_190 = vector.broadcast %max3A_189 : f32 to vector<1x16xf32>
      %max3A_191 = arith.maximumf %add3A_188, %max3A_190 : vector<1x16xf32>
      %get3A_192 = arith.constant 0 : index
      %get3A_193 = arith.constant 0 : index
      %get3A_194 = vector.load %arg24[%get3A_192, %get3A_193] : memref<16x32xf32, #tpu.memory_space<vmem>>, vector<16x32xf32>
      %dot_general3A_195 = arith.constant dense<0.000000e+00> : vector<1x32xf32>
      %dot_general3A_196 = tpu.matmul %max3A_191, %get3A_194, %dot_general3A_195 {dimension_numbers = #tpu.dot_dimension_numbers<[1], [0], [0], [1], [0, 0, 1, 1], [], []>, transpose_lhs_hint = false} : vector<1x16xf32>, vector<16x32xf32>, vector<1x32xf32> -> vector<1x32xf32>
      %get3A_197 = arith.constant 0 : index
      %get3A_198 = arith.constant 0 : index
      %get3A_199 = vector.load %arg25[%get3A_197, %get3A_198] : memref<1x32xf32, #tpu.memory_space<vmem>>, vector<1x32xf32>
      %add3A_200 = arith.addf %dot_general3A_196, %get3A_199 : vector<1x32xf32>
      %max3A_201 = arith.constant 0.000000e+00 : f32
      %max3A_202 = vector.broadcast %max3A_201 : f32 to vector<1x32xf32>
      %max3A_203 = arith.maximumf %add3A_200, %max3A_202 : vector<1x32xf32>
      %swap3A_204 = arith.constant 0 : index
      %swap3A_205 = arith.constant 0 : index
      %swap3A_206 = vector.load %arg29[%swap3A_204, %swap3A_205] : memref<1x32xf32, #tpu.memory_space<vmem>>, vector<1x32xf32>
      tpu.vector_store %arg29[%swap3A_204, %swap3A_205], %max3A_203 {strides = array<i32>} : memref<1x32xf32, #tpu.memory_space<vmem>>, vector<1x32xf32>,
    } else {
    }
    return
  }
  func.func @transform_0(%arg0: i32) -> (i32, i32, i32) {
    %c0_i32 = arith.constant 0 : i32
    %c0_i32_0 = arith.constant 0 : i32
    %c0_i32_1 = arith.constant 0 : i32
    return %c0_i32, %arg0, %c0_i32_0 : i32, i32, i32
  }
  func.func @transform_1(%arg0: i32) -> (i32, i32) {
    %c0_i32 = arith.constant 0 : i32
    %c0_i32_0 = arith.constant 0 : i32
    return %arg0, %c0_i32 : i32, i32
  }
  func.func @transform_2(%arg0: i32) -> (i32, i32) {
    %c0_i32 = arith.constant 0 : i32
    %c0_i32_0 = arith.constant 0 : i32
    %c0_i32_1 = arith.constant 0 : i32
    return %c0_i32, %c0_i32_0 : i32, i32
  }
  func.func @transform_3(%arg0: i32) -> (i32, i32) {
    %c0_i32 = arith.constant 0 : i32
    %c0_i32_0 = arith.constant 0 : i32
    %c0_i32_1 = arith.constant 0 : i32
    return %c0_i32, %c0_i32_0 : i32, i32
  }
  func.func @transform_4(%arg0: i32) -> (i32, i32) {
    %c0_i32 = arith.constant 0 : i32
    %c0_i32_0 = arith.constant 0 : i32
    %c0_i32_1 = arith.constant 0 : i32
    return %c0_i32, %c0_i32_0 : i32, i32
  }
  func.func @transform_5(%arg0: i32) -> (i32, i32) {
    %c0_i32 = arith.constant 0 : i32
    %c0_i32_0 = arith.constant 0 : i32
    %c0_i32_1 = arith.constant 0 : i32
    return %c0_i32, %c0_i32_0 : i32, i32
  }
  func.func @transform_6(%arg0: i32) -> (i32, i32) {
    %c0_i32 = arith.constant 0 : i32
    %c0_i32_0 = arith.constant 0 : i32
    %c0_i32_1 = arith.constant 0 : i32
    return %c0_i32, %c0_i32_0 : i32, i32
  }
  func.func @transform_7(%arg0: i32) -> (i32, i32) {
    %c0_i32 = arith.constant 0 : i32
    %c0_i32_0 = arith.constant 0 : i32
    %c0_i32_1 = arith.constant 0 : i32
    return %c0_i32, %c0_i32_0 : i32, i32
  }
  func.func @transform_8(%arg0: i32) -> (i32, i32) {
    %c0_i32 = arith.constant 0 : i32
    %c0_i32_0 = arith.constant 0 : i32
    %c0_i32_1 = arith.constant 0 : i32
    return %c0_i32, %c0_i32_0 : i32, i32
  }
  func.func @transform_9(%arg0: i32) -> (i32, i32) {
    %c0_i32 = arith.constant 0 : i32
    %c0_i32_0 = arith.constant 0 : i32
    %c0_i32_1 = arith.constant 0 : i32
    return %c0_i32, %c0_i32_0 : i32, i32
  }
  func.func @transform_10(%arg0: i32) -> (i32, i32) {
    %c0_i32 = arith.constant 0 : i32
    %c0_i32_0 = arith.constant 0 : i32
    %c0_i32_1 = arith.constant 0 : i32
    return %c0_i32, %c0_i32_0 : i32, i32
  }
  func.func @transform_11(%arg0: i32) -> (i32, i32) {
    %c0_i32 = arith.constant 0 : i32
    %c0_i32_0 = arith.constant 0 : i32
    %c0_i32_1 = arith.constant 0 : i32
    return %c0_i32, %c0_i32_0 : i32, i32
  }
  func.func @transform_12(%arg0: i32) -> (i32, i32) {
    %c0_i32 = arith.constant 0 : i32
    %c0_i32_0 = arith.constant 0 : i32
    %c0_i32_1 = arith.constant 0 : i32
    return %c0_i32, %c0_i32_0 : i32, i32
  }
  func.func @transform_13(%arg0: i32) -> (i32, i32) {
    %c0_i32 = arith.constant 0 : i32
    %c0_i32_0 = arith.constant 0 : i32
    %c0_i32_1 = arith.constant 0 : i32
    return %c0_i32, %c0_i32_0 : i32, i32
  }
  func.func @transform_14(%arg0: i32) -> (i32, i32) {
    %c0_i32 = arith.constant 0 : i32
    %c0_i32_0 = arith.constant 0 : i32
    %c0_i32_1 = arith.constant 0 : i32
    return %c0_i32, %c0_i32_0 : i32, i32
  }
  func.func @transform_15(%arg0: i32) -> (i32, i32) {
    %c0_i32 = arith.constant 0 : i32
    %c0_i32_0 = arith.constant 0 : i32
    %c0_i32_1 = arith.constant 0 : i32
    return %c0_i32, %c0_i32_0 : i32, i32
  }
  func.func @transform_16(%arg0: i32) -> (i32, i32) {
    %c0_i32 = arith.constant 0 : i32
    %c0_i32_0 = arith.constant 0 : i32
    %c0_i32_1 = arith.constant 0 : i32
    return %c0_i32, %c0_i32_0 : i32, i32
  }
  func.func @transform_17(%arg0: i32) -> (i32, i32) {
    %c0_i32 = arith.constant 0 : i32
    %c0_i32_0 = arith.constant 0 : i32
    %c0_i32_1 = arith.constant 0 : i32
    return %c0_i32, %c0_i32_0 : i32, i32
  }
  func.func @transform_18(%arg0: i32) -> (i32, i32) {
    %c0_i32 = arith.constant 0 : i32
    %c0_i32_0 = arith.constant 0 : i32
    %c0_i32_1 = arith.constant 0 : i32
    return %c0_i32, %c0_i32_0 : i32, i32
  }
  func.func @transform_19(%arg0: i32) -> (i32, i32) {
    %c0_i32 = arith.constant 0 : i32
    %c0_i32_0 = arith.constant 0 : i32
    %c0_i32_1 = arith.constant 0 : i32
    return %c0_i32, %c0_i32_0 : i32, i32
  }
  func.func @transform_20(%arg0: i32) -> (i32, i32) {
    %c0_i32 = arith.constant 0 : i32
    %c0_i32_0 = arith.constant 0 : i32
    %c0_i32_1 = arith.constant 0 : i32
    return %c0_i32, %c0_i32_0 : i32, i32
  }
  func.func @transform_21(%arg0: i32) -> (i32, i32) {
    %c0_i32 = arith.constant 0 : i32
    %c0_i32_0 = arith.constant 0 : i32
    %c0_i32_1 = arith.constant 0 : i32
    return %c0_i32, %c0_i32_0 : i32, i32
  }
  func.func @transform_22(%arg0: i32) -> (i32, i32) {
    %c0_i32 = arith.constant 0 : i32
    %c0_i32_0 = arith.constant 0 : i32
    %c0_i32_1 = arith.constant 0 : i32
    return %c0_i32, %c0_i32_0 : i32, i32
  }
  func.func @transform_23(%arg0: i32) -> (i32, i32) {
    %c0_i32 = arith.constant 0 : i32
    %c0_i32_0 = arith.constant 0 : i32
    %c0_i32_1 = arith.constant 0 : i32
    return %c0_i32, %c0_i32_0 : i32, i32
  }
  func.func @transform_24(%arg0: i32) -> (i32, i32) {
    %c0_i32 = arith.constant 0 : i32
    %c0_i32_0 = arith.constant 0 : i32
    %c0_i32_1 = arith.constant 0 : i32
    return %c0_i32, %c0_i32_0 : i32, i32
  }
  func.func @transform_25(%arg0: i32) -> (i32, i32) {
    %c0_i32 = arith.constant 0 : i32
    %c0_i32_0 = arith.constant 0 : i32
    return %arg0, %c0_i32 : i32, i32
  }
  func.func @transform_26(%arg0: i32) -> (i32, i32) {
    %c0_i32 = arith.constant 0 : i32
    %c0_i32_0 = arith.constant 0 : i32
    return %arg0, %c0_i32 : i32, i32
  }
  func.func @transform_27(%arg0: i32) -> (i32, i32) {
    %c0_i32 = arith.constant 0 : i32
    %c0_i32_0 = arith.constant 0 : i32
    return %arg0, %c0_i32 : i32, i32
  }
  func.func @transform_28(%arg0: i32) -> (i32, i32) {
    %c0_i32 = arith.constant 0 : i32
    %c0_i32_0 = arith.constant 0 : i32
    %c0_i32_1 = arith.constant 0 : i32
    return %c0_i32, %c0_i32_0 : i32, i32
  }
}

module attributes {stable_mosaic.version = 14 : i64} {
  func.func @_edge2_body(%arg0: i32, %arg1: memref<2000x128xf32, #tpu.memory_space<vmem>>, %arg2: memref<2000x128xf32, #tpu.memory_space<vmem>>, %arg3: memref<2000x128xf32, #tpu.memory_space<vmem>>, %arg4: memref<1x32xf32, #tpu.memory_space<vmem>>, %arg5: memref<16x128xf32, #tpu.memory_space<vmem>>, %arg6: memref<32x16xf32, #tpu.memory_space<vmem>>, %arg7: memref<1x16xf32, #tpu.memory_space<vmem>>, %arg8: memref<128x128xf32, #tpu.memory_space<vmem>>, %arg9: memref<1x128xf32, #tpu.memory_space<vmem>>, %arg10: memref<128x128xf32, #tpu.memory_space<vmem>>, %arg11: memref<1x128xf32, #tpu.memory_space<vmem>>, %arg12: memref<2000x128xf32, #tpu.memory_space<vmem>>) attributes {dimension_semantics = [#tpu.dimension_semantics<arbitrary>], iteration_bounds = array<i64: 20>, scalar_prefetch = 0 : i64, scratch_operands = 0 : i64, tpu.core_type = #tpu.core_type<tc>, window_params = [{transform_indices = @transform_0, window_bounds = array<i64: 2000, 128>}, {transform_indices = @transform_1, window_bounds = array<i64: 2000, 128>}, {transform_indices = @transform_2, window_bounds = array<i64: 2000, 128>}, {pipeline_mode = #tpu.pipeline_mode<synchronous>, transform_indices = @transform_3, window_bounds = array<i64: 1, 32>}, {pipeline_mode = #tpu.pipeline_mode<synchronous>, transform_indices = @transform_4, window_bounds = array<i64: 16, 128>}, {pipeline_mode = #tpu.pipeline_mode<synchronous>, transform_indices = @transform_5, window_bounds = array<i64: 32, 16>}, {pipeline_mode = #tpu.pipeline_mode<synchronous>, transform_indices = @transform_6, window_bounds = array<i64: 1, 16>}, {pipeline_mode = #tpu.pipeline_mode<synchronous>, transform_indices = @transform_7, window_bounds = array<i64: 128, 128>}, {pipeline_mode = #tpu.pipeline_mode<synchronous>, transform_indices = @transform_8, window_bounds = array<i64: 1, 128>}, {pipeline_mode = #tpu.pipeline_mode<synchronous>, transform_indices = @transform_9, window_bounds = array<i64: 128, 128>}, {pipeline_mode = #tpu.pipeline_mode<synchronous>, transform_indices = @transform_10, window_bounds = array<i64: 1, 128>}, {transform_indices = @transform_11, window_bounds = array<i64: 2000, 128>}]} {
    %get3A = arith.constant 0 : index
    %get3A_0 = arith.constant 0 : index
    %get3A_1 = vector.load %arg4[%get3A, %get3A_0] : memref<1x32xf32, #tpu.memory_space<vmem>>, vector<1x32xf32>
    %get3A_2 = arith.constant 0 : index
    %get3A_3 = arith.constant 0 : index
    %get3A_4 = vector.load %arg6[%get3A_2, %get3A_3] : memref<32x16xf32, #tpu.memory_space<vmem>>, vector<32x16xf32>
    %dot_general3A = arith.constant dense<0.000000e+00> : vector<1x16xf32>
    %dot_general3A_5 = tpu.matmul %get3A_1, %get3A_4, %dot_general3A {dimension_numbers = #tpu.dot_dimension_numbers<[1], [0], [0], [1], [0, 0, 1, 1], [], []>, transpose_lhs_hint = false} : vector<1x32xf32>, vector<32x16xf32>, vector<1x16xf32> -> vector<1x16xf32>
    %get3A_6 = arith.constant 0 : index
    %get3A_7 = arith.constant 0 : index
    %get3A_8 = vector.load %arg7[%get3A_6, %get3A_7] : memref<1x16xf32, #tpu.memory_space<vmem>>, vector<1x16xf32>
    %add3A = arith.addf %dot_general3A_5, %get3A_8 : vector<1x16xf32>
    %get3A_9 = arith.constant 0 : index
    %get3A_10 = arith.constant 0 : index
    %get3A_11 = vector.load %arg5[%get3A_9, %get3A_10] : memref<16x128xf32, #tpu.memory_space<vmem>>, vector<16x128xf32>
    %dot_general3A_12 = arith.constant dense<0.000000e+00> : vector<1x128xf32>
    %dot_general3A_13 = tpu.matmul %add3A, %get3A_11, %dot_general3A_12 {dimension_numbers = #tpu.dot_dimension_numbers<[1], [0], [0], [1], [0, 0, 1, 1], [], []>, precision = #tpu.contract_precision<fp32>, transpose_lhs_hint = false} : vector<1x16xf32>, vector<16x128xf32>, vector<1x128xf32> -> vector<1x128xf32>
    %get3A_14 = arith.constant 0 : index
    %get3A_15 = arith.constant 0 : index
    %get3A_16 = vector.load %arg1[%get3A_14, %get3A_15] : memref<2000x128xf32, #tpu.memory_space<vmem>>, vector<2000x128xf32>
    %get3A_17 = arith.constant 0 : index
    %get3A_18 = arith.constant 0 : index
    %get3A_19 = vector.load %arg2[%get3A_17, %get3A_18] : memref<2000x128xf32, #tpu.memory_space<vmem>>, vector<2000x128xf32>
    %add3A_20 = arith.addf %get3A_16, %get3A_19 : vector<2000x128xf32>
    %get3A_21 = arith.constant 0 : index
    %get3A_22 = arith.constant 0 : index
    %get3A_23 = vector.load %arg3[%get3A_21, %get3A_22] : memref<2000x128xf32, #tpu.memory_space<vmem>>, vector<2000x128xf32>
    %add3A_24 = arith.addf %add3A_20, %get3A_23 : vector<2000x128xf32>
    %add3A_25 = vector.broadcast %dot_general3A_13 : vector<1x128xf32> to vector<2000x128xf32>
    %add3A_26 = arith.addf %add3A_24, %add3A_25 : vector<2000x128xf32>
    %max3A = arith.constant 0.000000e+00 : f32
    %max3A_27 = vector.broadcast %max3A : f32 to vector<2000x128xf32>
    %max3A_28 = arith.maximumf %add3A_26, %max3A_27 : vector<2000x128xf32>
    %get3A_29 = arith.constant 0 : index
    %get3A_30 = arith.constant 0 : index
    %get3A_31 = vector.load %arg8[%get3A_29, %get3A_30] : memref<128x128xf32, #tpu.memory_space<vmem>>, vector<128x128xf32>
    %dot_general3A_32 = arith.constant dense<0.000000e+00> : vector<2000x128xf32>
    %dot_general3A_33 = tpu.matmul %max3A_28, %get3A_31, %dot_general3A_32 {dimension_numbers = #tpu.dot_dimension_numbers<[1], [0], [0], [1], [0, 0, 1, 1], [], []>, transpose_lhs_hint = false} : vector<2000x128xf32>, vector<128x128xf32>, vector<2000x128xf32> -> vector<2000x128xf32>
    %get3A_34 = arith.constant 0 : index
    %get3A_35 = arith.constant 0 : index
    %get3A_36 = vector.load %arg9[%get3A_34, %get3A_35] : memref<1x128xf32, #tpu.memory_space<vmem>>, vector<1x128xf32>
    %add3A_37 = vector.broadcast %get3A_36 : vector<1x128xf32> to vector<2000x128xf32>
    %add3A_38 = arith.addf %dot_general3A_33, %add3A_37 : vector<2000x128xf32>
    %max3A_39 = arith.constant 0.000000e+00 : f32
    %max3A_40 = vector.broadcast %max3A_39 : f32 to vector<2000x128xf32>
    %max3A_41 = arith.maximumf %add3A_38, %max3A_40 : vector<2000x128xf32>
    %get3A_42 = arith.constant 0 : index
    %get3A_43 = arith.constant 0 : index
    %get3A_44 = vector.load %arg10[%get3A_42, %get3A_43] : memref<128x128xf32, #tpu.memory_space<vmem>>, vector<128x128xf32>
    %dot_general3A_45 = arith.constant dense<0.000000e+00> : vector<2000x128xf32>
    %dot_general3A_46 = tpu.matmul %max3A_41, %get3A_44, %dot_general3A_45 {dimension_numbers = #tpu.dot_dimension_numbers<[1], [0], [0], [1], [0, 0, 1, 1], [], []>, transpose_lhs_hint = false} : vector<2000x128xf32>, vector<128x128xf32>, vector<2000x128xf32> -> vector<2000x128xf32>
    %get3A_47 = arith.constant 0 : index
    %get3A_48 = arith.constant 0 : index
    %get3A_49 = vector.load %arg11[%get3A_47, %get3A_48] : memref<1x128xf32, #tpu.memory_space<vmem>>, vector<1x128xf32>
    %add3A_50 = vector.broadcast %get3A_49 : vector<1x128xf32> to vector<2000x128xf32>
    %add3A_51 = arith.addf %dot_general3A_46, %add3A_50 : vector<2000x128xf32>
    %max3A_52 = arith.constant 0.000000e+00 : f32
    %max3A_53 = vector.broadcast %max3A_52 : f32 to vector<2000x128xf32>
    %max3A_54 = arith.maximumf %add3A_51, %max3A_53 : vector<2000x128xf32>
    %iota3A = tpu.iota {dimensions = array<i32: 1>} : vector<1x128xi32>
    %jit3A = arith.constant 16 : i32
    %eq3A = arith.constant 0 : i32
    %eq3A_55 = arith.cmpi eq, %jit3A, %eq3A : i32
    %jit3A_56 = arith.constant 1 : i32
    %select_n3A = arith.select %eq3A_55, %jit3A_56, %jit3A : i32
    %rem3A = vector.broadcast %select_n3A : i32 to vector<1x128xi32>
    %rem3A_57 = arith.remsi %iota3A, %rem3A : vector<1x128xi32>
    %ne3A = arith.constant 0 : i32
    %ne3A_58 = vector.broadcast %ne3A : i32 to vector<1x128xi32>
    %ne3A_59 = arith.cmpi ne, %rem3A_57, %ne3A_58 : vector<1x128xi32>
    %lt3A = arith.constant 0 : i32
    %lt3A_60 = vector.broadcast %lt3A : i32 to vector<1x128xi32>
    %lt3A_61 = arith.cmpi slt, %rem3A_57, %lt3A_60 : vector<1x128xi32>
    %lt3A_62 = arith.constant 0 : i32
    %lt3A_63 = arith.cmpi slt, %select_n3A, %lt3A_62 : i32
    %ne3A_64 = vector.broadcast %lt3A_63 : i1 to vector<1x128xi1>
    %ne3A_65 = vector.broadcast %ne3A_64 : vector<1x128xi1> to vector<1x128xi1>
    %ne3A_66 = arith.xori %lt3A_61, %ne3A_65 : vector<1x128xi1>
    %and3A = arith.andi %ne3A_66, %ne3A_59 : vector<1x128xi1>
    %add3A_67 = vector.broadcast %select_n3A : i32 to vector<1x128xi32>
    %add3A_68 = arith.addi %rem3A_57, %add3A_67 : vector<1x128xi32>
    %select_n3A_69 = arith.select %and3A, %add3A_68, %rem3A_57 : vector<1x128xi1>, vector<1x128xi32>
    %eq3A_70 = arith.constant 13 : i32
    %eq3A_71 = vector.broadcast %eq3A_70 : i32 to vector<1x128xi32>
    %eq3A_72 = arith.cmpi eq, %select_n3A_69, %eq3A_71 : vector<1x128xi32>
    %jit3A_73 = arith.constant 1.000000e+00 : f32
    %jit3A_74 = arith.constant 0.000000e+00 : f32
    %broadcast_in_dim3A = vector.broadcast %jit3A_73 : f32 to vector<1x128xf32>
    %broadcast_in_dim3A_75 = vector.broadcast %jit3A_74 : f32 to vector<1x128xf32>
    %select_n3A_76 = arith.select %eq3A_72, %broadcast_in_dim3A, %broadcast_in_dim3A_75 : vector<1x128xi1>, vector<1x128xf32>
    %add3A_77 = vector.broadcast %select_n3A_76 : vector<1x128xf32> to vector<2000x128xf32>
    %add3A_78 = arith.addf %max3A_54, %add3A_77 : vector<2000x128xf32>
    %swap3A = arith.constant 0 : index
    %swap3A_79 = arith.constant 0 : index
    %swap3A_80 = vector.load %arg12[%swap3A, %swap3A_79] : memref<2000x128xf32, #tpu.memory_space<vmem>>, vector<2000x128xf32>
    tpu.vector_store %arg12[%swap3A, %swap3A_79], %add3A_78 {strides = array<i32>} : memref<2000x128xf32, #tpu.memory_space<vmem>>, vector<2000x128xf32>,
    return
  }
  func.func @transform_0(%arg0: i32) -> (i32, i32) {
    %c0_i32 = arith.constant 0 : i32
    %c0_i32_0 = arith.constant 0 : i32
    return %arg0, %c0_i32 : i32, i32
  }
  func.func @transform_1(%arg0: i32) -> (i32, i32) {
    %c0_i32 = arith.constant 0 : i32
    %c0_i32_0 = arith.constant 0 : i32
    return %arg0, %c0_i32 : i32, i32
  }
  func.func @transform_2(%arg0: i32) -> (i32, i32) {
    %c0_i32 = arith.constant 0 : i32
    %c0_i32_0 = arith.constant 0 : i32
    return %arg0, %c0_i32 : i32, i32
  }
  func.func @transform_3(%arg0: i32) -> (i32, i32) {
    %c0_i32 = arith.constant 0 : i32
    %c0_i32_0 = arith.constant 0 : i32
    %c0_i32_1 = arith.constant 0 : i32
    return %c0_i32, %c0_i32_0 : i32, i32
  }
  func.func @transform_4(%arg0: i32) -> (i32, i32) {
    %c0_i32 = arith.constant 0 : i32
    %c0_i32_0 = arith.constant 0 : i32
    %c0_i32_1 = arith.constant 0 : i32
    return %c0_i32, %c0_i32_0 : i32, i32
  }
  func.func @transform_5(%arg0: i32) -> (i32, i32) {
    %c0_i32 = arith.constant 0 : i32
    %c0_i32_0 = arith.constant 0 : i32
    %c0_i32_1 = arith.constant 0 : i32
    return %c0_i32, %c0_i32_0 : i32, i32
  }
  func.func @transform_6(%arg0: i32) -> (i32, i32) {
    %c0_i32 = arith.constant 0 : i32
    %c0_i32_0 = arith.constant 0 : i32
    %c0_i32_1 = arith.constant 0 : i32
    return %c0_i32, %c0_i32_0 : i32, i32
  }
  func.func @transform_7(%arg0: i32) -> (i32, i32) {
    %c0_i32 = arith.constant 0 : i32
    %c0_i32_0 = arith.constant 0 : i32
    %c0_i32_1 = arith.constant 0 : i32
    return %c0_i32, %c0_i32_0 : i32, i32
  }
  func.func @transform_8(%arg0: i32) -> (i32, i32) {
    %c0_i32 = arith.constant 0 : i32
    %c0_i32_0 = arith.constant 0 : i32
    %c0_i32_1 = arith.constant 0 : i32
    return %c0_i32, %c0_i32_0 : i32, i32
  }
  func.func @transform_9(%arg0: i32) -> (i32, i32) {
    %c0_i32 = arith.constant 0 : i32
    %c0_i32_0 = arith.constant 0 : i32
    %c0_i32_1 = arith.constant 0 : i32
    return %c0_i32, %c0_i32_0 : i32, i32
  }
  func.func @transform_10(%arg0: i32) -> (i32, i32) {
    %c0_i32 = arith.constant 0 : i32
    %c0_i32_0 = arith.constant 0 : i32
    %c0_i32_1 = arith.constant 0 : i32
    return %c0_i32, %c0_i32_0 : i32, i32
  }
  func.func @transform_11(%arg0: i32) -> (i32, i32) {
    %c0_i32 = arith.constant 0 : i32
    %c0_i32_0 = arith.constant 0 : i32
    return %arg0, %c0_i32 : i32, i32
  }
}

module attributes {stable_mosaic.version = 14 : i64} {
  func.func @_s2s_edge_body(%arg0: memref<40000x128xf32, #tpu.memory_space<vmem>>, %arg1: memref<32x64xf32, #tpu.memory_space<vmem>>, %arg2: memref<16x64xf32, #tpu.memory_space<vmem>>, %arg3: memref<1x64xf32, #tpu.memory_space<vmem>>, %arg4: memref<16x128xf32, #tpu.memory_space<vmem>>, %arg5: memref<128x8xf32, #tpu.memory_space<vmem>>, %arg6: memref<8x128xf32, #tpu.memory_space<vmem>>, %arg7: memref<128x16xf32, #tpu.memory_space<vmem>>, %arg8: memref<1x32xf32, #tpu.memory_space<vmem>>) attributes {dimension_semantics = [], scalar_prefetch = 0 : i64, scratch_operands = 0 : i64, tpu.core_type = #tpu.core_type<tc>} {
    %get3A = arith.constant 0 : index
    %get3A_0 = arith.constant 0 : index
    %get3A_1 = vector.load %arg1[%get3A, %get3A_0] : memref<32x64xf32, #tpu.memory_space<vmem>>, vector<32x64xf32>
    %get3A_2 = arith.constant 0 : index
    %get3A_3 = arith.constant 0 : index
    %get3A_4 = vector.load %arg2[%get3A_2, %get3A_3] : memref<16x64xf32, #tpu.memory_space<vmem>>, vector<16x64xf32>
    %get3A_5 = arith.constant 0 : index
    %get3A_6 = arith.constant 0 : index
    %get3A_7 = vector.load %arg3[%get3A_5, %get3A_6] : memref<1x64xf32, #tpu.memory_space<vmem>>, vector<1x64xf32>
    %get3A_8 = arith.constant 0 : index
    %get3A_9 = arith.constant 0 : index
    %get3A_10 = vector.load %arg4[%get3A_8, %get3A_9] : memref<16x128xf32, #tpu.memory_space<vmem>>, vector<16x128xf32>
    %get3A_11 = arith.constant 0 : index
    %get3A_12 = arith.constant 0 : index
    %get3A_13 = vector.load %arg5[%get3A_11, %get3A_12] : memref<128x8xf32, #tpu.memory_space<vmem>>, vector<128x8xf32>
    %get3A_14 = arith.constant 0 : index
    %get3A_15 = arith.constant 0 : index
    %get3A_16 = vector.load %arg6[%get3A_14, %get3A_15] : memref<8x128xf32, #tpu.memory_space<vmem>>, vector<8x128xf32>
    %get3A_17 = arith.constant 0 : index
    %get3A_18 = arith.constant 0 : index
    %get3A_19 = vector.load %arg7[%get3A_17, %get3A_18] : memref<128x16xf32, #tpu.memory_space<vmem>>, vector<128x16xf32>
    %broadcast_in_dim3A = arith.constant 0.000000e+00 : f32
    %broadcast_in_dim3A_20 = vector.broadcast %broadcast_in_dim3A : f32 to vector<1x16xf32>
    %broadcast_in_dim3A_21 = arith.constant 0.000000e+00 : f32
    %broadcast_in_dim3A_22 = vector.broadcast %broadcast_in_dim3A_21 : f32 to vector<1x32xf32>
    %scan3A = arith.constant 0 : i32
    %scan3A_23 = arith.constant 10 : i32
    %scan3A_24 = arith.addi %scan3A, %scan3A_23 : i32
    %scan3A_25 = arith.constant 1 : i32
    %scan3A_26:3 = scf.for %scan3A_29 = %scan3A to %scan3A_24 step %scan3A_25 iter_args(%scan3A_30 = %broadcast_in_dim3A_20, %scan3A_31 = %broadcast_in_dim3A_20, %scan3A_32 = %broadcast_in_dim3A_22) -> (vector<1x16xf32>, vector<1x16xf32>, vector<1x32xf32>)  : i32 {
      %dot_general3A = arith.constant dense<0.000000e+00> : vector<1x64xf32>
      %dot_general3A_33 = tpu.matmul %scan3A_32, %get3A_1, %dot_general3A {dimension_numbers = #tpu.dot_dimension_numbers<[1], [0], [0], [1], [0, 0, 1, 1], [], []>, transpose_lhs_hint = false} : vector<1x32xf32>, vector<32x64xf32>, vector<1x64xf32> -> vector<1x64xf32>
      %dot_general3A_34 = arith.constant dense<0.000000e+00> : vector<1x64xf32>
      %dot_general3A_35 = tpu.matmul %scan3A_30, %get3A_4, %dot_general3A_34 {dimension_numbers = #tpu.dot_dimension_numbers<[1], [0], [0], [1], [0, 0, 1, 1], [], []>, transpose_lhs_hint = false} : vector<1x16xf32>, vector<16x64xf32>, vector<1x64xf32> -> vector<1x64xf32>
      %add3A = arith.addf %dot_general3A_33, %dot_general3A_35 : vector<1x64xf32>
      %add3A_36 = arith.addf %add3A, %get3A_7 : vector<1x64xf32>
      %slice3A = vector.extract_strided_slice %add3A_36 {offsets = [0, 0], sizes = [1, 16], strides = [1, 1]} : vector<1x64xf32> to vector<1x16xf32>
      %logistic3A = arith.negf %slice3A : vector<1x16xf32>
      %logistic3A_37 = math.exp %logistic3A : vector<1x16xf32>
      %logistic3A_38 = arith.constant 1.000000e+00 : f32
      %logistic3A_39 = vector.broadcast %logistic3A_38 : f32 to vector<1x16xf32>
      %logistic3A_40 = arith.addf %logistic3A_39, %logistic3A_37 : vector<1x16xf32>
      %logistic3A_41 = arith.divf %logistic3A_39, %logistic3A_40 : vector<1x16xf32>
      %slice3A_42 = vector.extract_strided_slice %add3A_36 {offsets = [0, 16], sizes = [1, 16], strides = [1, 1]} : vector<1x64xf32> to vector<1x16xf32>
      %logistic3A_43 = arith.negf %slice3A_42 : vector<1x16xf32>
      %logistic3A_44 = math.exp %logistic3A_43 : vector<1x16xf32>
      %logistic3A_45 = arith.constant 1.000000e+00 : f32
      %logistic3A_46 = vector.broadcast %logistic3A_45 : f32 to vector<1x16xf32>
      %logistic3A_47 = arith.addf %logistic3A_46, %logistic3A_44 : vector<1x16xf32>
      %logistic3A_48 = arith.divf %logistic3A_46, %logistic3A_47 : vector<1x16xf32>
      %slice3A_49 = vector.extract_strided_slice %add3A_36 {offsets = [0, 32], sizes = [1, 16], strides = [1, 1]} : vector<1x64xf32> to vector<1x16xf32>
      %tanh3A = math.tanh %slice3A_49 : vector<1x16xf32>
      %slice3A_50 = vector.extract_strided_slice %add3A_36 {offsets = [0, 48], sizes = [1, 16], strides = [1, 1]} : vector<1x64xf32> to vector<1x16xf32>
      %logistic3A_51 = arith.negf %slice3A_50 : vector<1x16xf32>
      %logistic3A_52 = math.exp %logistic3A_51 : vector<1x16xf32>
      %logistic3A_53 = arith.constant 1.000000e+00 : f32
      %logistic3A_54 = vector.broadcast %logistic3A_53 : f32 to vector<1x16xf32>
      %logistic3A_55 = arith.addf %logistic3A_54, %logistic3A_52 : vector<1x16xf32>
      %logistic3A_56 = arith.divf %logistic3A_54, %logistic3A_55 : vector<1x16xf32>
      %mul3A = arith.mulf %logistic3A_48, %scan3A_31 : vector<1x16xf32>
      %mul3A_57 = arith.mulf %logistic3A_41, %tanh3A : vector<1x16xf32>
      %add3A_58 = arith.addf %mul3A, %mul3A_57 : vector<1x16xf32>
      %tanh3A_59 = math.tanh %add3A_58 : vector<1x16xf32>
      %mul3A_60 = arith.mulf %logistic3A_56, %tanh3A_59 : vector<1x16xf32>
      %dot_general3A_61 = arith.constant dense<0.000000e+00> : vector<1x128xf32>
      %dot_general3A_62 = tpu.matmul %mul3A_60, %get3A_10, %dot_general3A_61 {dimension_numbers = #tpu.dot_dimension_numbers<[1], [0], [0], [1], [0, 0, 1, 1], [], []>, precision = #tpu.contract_precision<fp32>, transpose_lhs_hint = false} : vector<1x16xf32>, vector<16x128xf32>, vector<1x128xf32> -> vector<1x128xf32>
      %broadcast_in_dim3A_63 = arith.constant 0.000000e+00 : f32
      %broadcast_in_dim3A_64 = vector.broadcast %broadcast_in_dim3A_63 : f32 to vector<1x128xf32>
      %scan3A_65 = arith.constant -1.000000e+30 : f32
      %scan3A_66 = arith.constant 0.000000e+00 : f32
      %scan3A_67 = arith.constant 0 : i32
      %scan3A_68 = arith.constant 10 : i32
      %scan3A_69 = arith.addi %scan3A_67, %scan3A_68 : i32
      %scan3A_70 = arith.constant 1 : i32
      %scan3A_71:3 = scf.for %scan3A_76 = %scan3A_67 to %scan3A_69 step %scan3A_70 iter_args(%scan3A_77 = %scan3A_65, %scan3A_78 = %scan3A_66, %scan3A_79 = %broadcast_in_dim3A_64) -> (f32, f32, vector<1x128xf32>)  : i32 {
        %mul3A_80 = arith.constant 4000 : i32
        %mul3A_81 = arith.muli %scan3A_76, %mul3A_80 : i32
        %get3A_82 = arith.index_cast %mul3A_81 : i32 to index
        %get3A_83 = arith.constant 0 : index
        %get3A_84 = vector.load %arg0[%get3A_82, %get3A_83] : memref<40000x128xf32, #tpu.memory_space<vmem>>, vector<4000x128xf32>
        %mul3A_85 = vector.broadcast %dot_general3A_62 : vector<1x128xf32> to vector<4000x128xf32>
        %mul3A_86 = arith.mulf %get3A_84, %mul3A_85 : vector<4000x128xf32>
        %dot_general3A_87 = arith.constant dense<0.000000e+00> : vector<4000x8xf32>
        %dot_general3A_88 = tpu.matmul %mul3A_86, %get3A_13, %dot_general3A_87 {dimension_numbers = #tpu.dot_dimension_numbers<[1], [0], [0], [1], [0, 0, 1, 1], [], []>, precision = #tpu.contract_precision<fp32>, transpose_lhs_hint = false} : vector<4000x128xf32>, vector<128x8xf32>, vector<4000x8xf32> -> vector<4000x8xf32>
        %reduce_max3A = vector.shape_cast %dot_general3A_88 : vector<4000x8xf32> to vector<1x4000x8xf32>
        %reduce_max3A_89 = arith.constant dense<0xFF800000> : vector<1xf32>
        %reduce_max3A_90 = vector.multi_reduction <maximumf>, %reduce_max3A, %reduce_max3A_89 [1, 2] : vector<1x4000x8xf32> to vector<1xf32>
        %reduce_max3A_91 = vector.shape_cast %reduce_max3A_90 : vector<1xf32> to vector<1x1x1xf32>
        %reduce_max3A_92 = vector.extract %reduce_max3A_91[0, 0, 0] : f32 from vector<1x1x1xf32>
        %max3A = arith.maximumf %scan3A_77, %reduce_max3A_92 : f32
        %sub3A = arith.subf %scan3A_77, %max3A : f32
        %exp3A = math.exp %sub3A : f32
        %sub3A_93 = vector.broadcast %max3A : f32 to vector<4000x8xf32>
        %sub3A_94 = arith.subf %dot_general3A_88, %sub3A_93 : vector<4000x8xf32>
        %exp3A_95 = math.exp %sub3A_94 : vector<4000x8xf32>
        %mul3A_96 = arith.mulf %scan3A_78, %exp3A : f32
        %reduce_sum3A = vector.shape_cast %exp3A_95 : vector<4000x8xf32> to vector<1x4000x8xf32>
        %reduce_sum3A_97 = arith.constant dense<0.000000e+00> : vector<1xf32>
        %reduce_sum3A_98 = vector.multi_reduction <add>, %reduce_sum3A, %reduce_sum3A_97 [1, 2] : vector<1x4000x8xf32> to vector<1xf32>
        %reduce_sum3A_99 = vector.shape_cast %reduce_sum3A_98 : vector<1xf32> to vector<1x1x1xf32>
        %reduce_sum3A_100 = vector.extract %reduce_sum3A_99[0, 0, 0] : f32 from vector<1x1x1xf32>
        %add3A_101 = arith.addf %mul3A_96, %reduce_sum3A_100 : f32
        %mul3A_102 = vector.broadcast %exp3A : f32 to vector<1x128xf32>
        %mul3A_103 = arith.mulf %scan3A_79, %mul3A_102 : vector<1x128xf32>
        %dot_general3A_104 = arith.constant dense<0.000000e+00> : vector<4000x128xf32>
        %dot_general3A_105 = tpu.matmul %exp3A_95, %get3A_16, %dot_general3A_104 {dimension_numbers = #tpu.dot_dimension_numbers<[1], [0], [0], [1], [0, 0, 1, 1], [], []>, precision = #tpu.contract_precision<fp32>, transpose_lhs_hint = false} : vector<4000x8xf32>, vector<8x128xf32>, vector<4000x128xf32> -> vector<4000x128xf32>
        %mul3A_106 = arith.mulf %get3A_84, %dot_general3A_105 : vector<4000x128xf32>
        %reduce_sum3A_107 = arith.constant dense<0.000000e+00> : vector<128xf32>
        %reduce_sum3A_108 = vector.multi_reduction <add>, %mul3A_106, %reduce_sum3A_107 [0] : vector<4000x128xf32> to vector<128xf32>
        %broadcast_in_dim3A_109 = vector.shape_cast %reduce_sum3A_108 : vector<128xf32> to vector<1x128xf32>
        %add3A_110 = arith.addf %mul3A_103, %broadcast_in_dim3A_109 : vector<1x128xf32>
        scf.yield %max3A, %add3A_101, %add3A_110 : f32, f32, vector<1x128xf32>
      }
      %scan3A_72 = arith.constant 10 : i32
      %dot_general3A_73 = arith.constant dense<0.000000e+00> : vector<1x16xf32>
      %dot_general3A_74 = tpu.matmul %scan3A_71#2, %get3A_19, %dot_general3A_73 {dimension_numbers = #tpu.dot_dimension_numbers<[1], [0], [0], [1], [0, 0, 1, 1], [], []>, precision = #tpu.contract_precision<fp32>, transpose_lhs_hint = false} : vector<1x128xf32>, vector<128x16xf32>, vector<1x16xf32> -> vector<1x16xf32>
      %div3A = vector.broadcast %scan3A_71#1 : f32 to vector<1x16xf32>
      %div3A_75 = arith.divf %dot_general3A_74, %div3A : vector<1x16xf32>
      %concatenate3A = tpu.concatenate %mul3A_60, %div3A_75 in 1 : vector<1x16xf32>, vector<1x16xf32> -> vector<1x32xf32>
      scf.yield %mul3A_60, %add3A_58, %concatenate3A : vector<1x16xf32>, vector<1x16xf32>, vector<1x32xf32>
    }
    %swap3A = arith.constant 0 : index
    %swap3A_27 = arith.constant 0 : index
    %swap3A_28 = vector.load %arg8[%swap3A, %swap3A_27] : memref<1x32xf32, #tpu.memory_space<vmem>>, vector<1x32xf32>
    tpu.vector_store %arg8[%swap3A, %swap3A_27], %scan3A_26#2 {strides = array<i32>} : memref<1x32xf32, #tpu.memory_space<vmem>>, vector<1x32xf32>,
    return
  }
}

module attributes {stable_mosaic.version = 14 : i64} {
  func.func @_node2_body(%arg0: i32, %arg1: memref<2x256x128xf32, #tpu.memory_space<vmem>>, %arg2: memref<256x128xf32, #tpu.memory_space<vmem>>, %arg3: memref<1x32xf32, #tpu.memory_space<vmem>>, %arg4: memref<16x128xf32, #tpu.memory_space<vmem>>, %arg5: memref<128x8xf32, #tpu.memory_space<vmem>>, %arg6: memref<8x128xf32, #tpu.memory_space<vmem>>, %arg7: memref<128x8xf32, #tpu.memory_space<vmem>>, %arg8: memref<128x16xf32, #tpu.memory_space<vmem>>, %arg9: memref<128x128xf32, #tpu.memory_space<vmem>>, %arg10: memref<128x128xf32, #tpu.memory_space<vmem>>, %arg11: memref<32x16xf32, #tpu.memory_space<vmem>>, %arg12: memref<1x16xf32, #tpu.memory_space<vmem>>, %arg13: memref<128x128xf32, #tpu.memory_space<vmem>>, %arg14: memref<1x128xf32, #tpu.memory_space<vmem>>, %arg15: memref<128x128xf32, #tpu.memory_space<vmem>>, %arg16: memref<1x128xf32, #tpu.memory_space<vmem>>, %arg17: memref<16x16xf32, #tpu.memory_space<vmem>>, %arg18: memref<16x16xf32, #tpu.memory_space<vmem>>, %arg19: memref<32x16xf32, #tpu.memory_space<vmem>>, %arg20: memref<1x16xf32, #tpu.memory_space<vmem>>, %arg21: memref<16x16xf32, #tpu.memory_space<vmem>>, %arg22: memref<1x16xf32, #tpu.memory_space<vmem>>, %arg23: memref<16x32xf32, #tpu.memory_space<vmem>>, %arg24: memref<1x32xf32, #tpu.memory_space<vmem>>, %arg25: memref<32x64xf32, #tpu.memory_space<vmem>>, %arg26: memref<16x64xf32, #tpu.memory_space<vmem>>, %arg27: memref<1x64xf32, #tpu.memory_space<vmem>>, %arg28: memref<1x32xf32, #tpu.memory_space<vmem>>, %arg29: memref<96x32xf32, #tpu.memory_space<vmem>>, %arg30: memref<1x32xf32, #tpu.memory_space<vmem>>, %arg31: memref<32x16xf32, #tpu.memory_space<vmem>>, %arg32: memref<1x16xf32, #tpu.memory_space<vmem>>, %arg33: memref<16x8xf32, #tpu.memory_space<vmem>>, %arg34: memref<1x8xf32, #tpu.memory_space<vmem>>, %arg35: memref<1x8xf32, #tpu.memory_space<vmem>>, %arg36: memref<1280x128xf32, #tpu.memory_space<vmem>>, %arg37: memref<1x128xf32, #tpu.memory_space<vmem>>, %arg38: memref<1x128xf32, #tpu.memory_space<vmem>>) attributes {dimension_semantics = [#tpu.dimension_semantics<arbitrary>], iteration_bounds = array<i64: 5>, scalar_prefetch = 0 : i64, scratch_operands = 3 : i64, tpu.core_type = #tpu.core_type<tc>, window_params = [{transform_indices = @transform_0, window_bounds = array<i64: 2, 256, 128>}, {transform_indices = @transform_1, window_bounds = array<i64: 256, 128>}, {pipeline_mode = #tpu.pipeline_mode<synchronous>, transform_indices = @transform_2, window_bounds = array<i64: 1, 32>}, {pipeline_mode = #tpu.pipeline_mode<synchronous>, transform_indices = @transform_3, window_bounds = array<i64: 16, 128>}, {pipeline_mode = #tpu.pipeline_mode<synchronous>, transform_indices = @transform_4, window_bounds = array<i64: 128, 8>}, {pipeline_mode = #tpu.pipeline_mode<synchronous>, transform_indices = @transform_5, window_bounds = array<i64: 8, 128>}, {pipeline_mode = #tpu.pipeline_mode<synchronous>, transform_indices = @transform_6, window_bounds = array<i64: 128, 8>}, {pipeline_mode = #tpu.pipeline_mode<synchronous>, transform_indices = @transform_7, window_bounds = array<i64: 128, 16>}, {pipeline_mode = #tpu.pipeline_mode<synchronous>, transform_indices = @transform_8, window_bounds = array<i64: 128, 128>}, {pipeline_mode = #tpu.pipeline_mode<synchronous>, transform_indices = @transform_9, window_bounds = array<i64: 128, 128>}, {pipeline_mode = #tpu.pipeline_mode<synchronous>, transform_indices = @transform_10, window_bounds = array<i64: 32, 16>}, {pipeline_mode = #tpu.pipeline_mode<synchronous>, transform_indices = @transform_11, window_bounds = array<i64: 1, 16>}, {pipeline_mode = #tpu.pipeline_mode<synchronous>, transform_indices = @transform_12, window_bounds = array<i64: 128, 128>}, {pipeline_mode = #tpu.pipeline_mode<synchronous>, transform_indices = @transform_13, window_bounds = array<i64: 1, 128>}, {pipeline_mode = #tpu.pipeline_mode<synchronous>, transform_indices = @transform_14, window_bounds = array<i64: 128, 128>}, {pipeline_mode = #tpu.pipeline_mode<synchronous>, transform_indices = @transform_15, window_bounds = array<i64: 1, 128>}, {pipeline_mode = #tpu.pipeline_mode<synchronous>, transform_indices = @transform_16, window_bounds = array<i64: 16, 16>}, {pipeline_mode = #tpu.pipeline_mode<synchronous>, transform_indices = @transform_17, window_bounds = array<i64: 16, 16>}, {pipeline_mode = #tpu.pipeline_mode<synchronous>, transform_indices = @transform_18, window_bounds = array<i64: 32, 16>}, {pipeline_mode = #tpu.pipeline_mode<synchronous>, transform_indices = @transform_19, window_bounds = array<i64: 1, 16>}, {pipeline_mode = #tpu.pipeline_mode<synchronous>, transform_indices = @transform_20, window_bounds = array<i64: 16, 16>}, {pipeline_mode = #tpu.pipeline_mode<synchronous>, transform_indices = @transform_21, window_bounds = array<i64: 1, 16>}, {pipeline_mode = #tpu.pipeline_mode<synchronous>, transform_indices = @transform_22, window_bounds = array<i64: 16, 32>}, {pipeline_mode = #tpu.pipeline_mode<synchronous>, transform_indices = @transform_23, window_bounds = array<i64: 1, 32>}, {pipeline_mode = #tpu.pipeline_mode<synchronous>, transform_indices = @transform_24, window_bounds = array<i64: 32, 64>}, {pipeline_mode = #tpu.pipeline_mode<synchronous>, transform_indices = @transform_25, window_bounds = array<i64: 16, 64>}, {pipeline_mode = #tpu.pipeline_mode<synchronous>, transform_indices = @transform_26, window_bounds = array<i64: 1, 64>}, {pipeline_mode = #tpu.pipeline_mode<synchronous>, transform_indices = @transform_27, window_bounds = array<i64: 1, 32>}, {pipeline_mode = #tpu.pipeline_mode<synchronous>, transform_indices = @transform_28, window_bounds = array<i64: 96, 32>}, {pipeline_mode = #tpu.pipeline_mode<synchronous>, transform_indices = @transform_29, window_bounds = array<i64: 1, 32>}, {pipeline_mode = #tpu.pipeline_mode<synchronous>, transform_indices = @transform_30, window_bounds = array<i64: 32, 16>}, {pipeline_mode = #tpu.pipeline_mode<synchronous>, transform_indices = @transform_31, window_bounds = array<i64: 1, 16>}, {pipeline_mode = #tpu.pipeline_mode<synchronous>, transform_indices = @transform_32, window_bounds = array<i64: 16, 8>}, {pipeline_mode = #tpu.pipeline_mode<synchronous>, transform_indices = @transform_33, window_bounds = array<i64: 1, 8>}, {pipeline_mode = #tpu.pipeline_mode<synchronous>, transform_indices = @transform_34, window_bounds = array<i64: 1, 8>}]} {
    %get3A = arith.constant 0 : index
    %get3A_0 = arith.constant 0 : index
    %get3A_1 = arith.constant 0 : index
    %get3A_2 = vector.load %arg1[%get3A, %get3A_0, %get3A_1] : memref<2x256x128xf32, #tpu.memory_space<vmem>>, vector<1x256x128xf32>
    %get3A_3 = vector.shape_cast %get3A_2 : vector<1x256x128xf32> to vector<256x128xf32>
    %get3A_4 = arith.constant 1 : index
    %get3A_5 = arith.constant 0 : index
    %get3A_6 = arith.constant 0 : index
    %get3A_7 = vector.load %arg1[%get3A_4, %get3A_5, %get3A_6] : memref<2x256x128xf32, #tpu.memory_space<vmem>>, vector<1x256x128xf32>
    %get3A_8 = vector.shape_cast %get3A_7 : vector<1x256x128xf32> to vector<256x128xf32>
    %add3A = arith.addf %get3A_3, %get3A_8 : vector<256x128xf32>
    %get3A_9 = arith.constant 0 : index
    %get3A_10 = arith.constant 0 : index
    %get3A_11 = vector.load %arg7[%get3A_9, %get3A_10] : memref<128x8xf32, #tpu.memory_space<vmem>>, vector<128x8xf32>
    %dot_general3A = arith.constant dense<0.000000e+00> : vector<256x8xf32>
    %dot_general3A_12 = tpu.matmul %add3A, %get3A_11, %dot_general3A {dimension_numbers = #tpu.dot_dimension_numbers<[1], [0], [0], [1], [0, 0, 1, 1], [], []>, precision = #tpu.contract_precision<fp32>, transpose_lhs_hint = false} : vector<256x128xf32>, vector<128x8xf32>, vector<256x8xf32> -> vector<256x8xf32>
    %max3A = arith.constant 1.000000e+00 : f32
    %max3A_13 = vector.broadcast %max3A : f32 to vector<256x8xf32>
    %max3A_14 = arith.maximumf %dot_general3A_12, %max3A_13 : vector<256x8xf32>
    %get3A_15 = arith.constant 0 : index
    %get3A_16 = arith.constant 0 : index
    %get3A_17 = vector.load %arg6[%get3A_15, %get3A_16] : memref<8x128xf32, #tpu.memory_space<vmem>>, vector<8x128xf32>
    %dot_general3A_18 = arith.constant dense<0.000000e+00> : vector<256x128xf32>
    %dot_general3A_19 = tpu.matmul %max3A_14, %get3A_17, %dot_general3A_18 {dimension_numbers = #tpu.dot_dimension_numbers<[1], [0], [0], [1], [0, 0, 1, 1], [], []>, precision = #tpu.contract_precision<fp32>, transpose_lhs_hint = false} : vector<256x8xf32>, vector<8x128xf32>, vector<256x128xf32> -> vector<256x128xf32>
    %div3A = arith.divf %add3A, %dot_general3A_19 : vector<256x128xf32>
    %get3A_20 = arith.constant 0 : index
    %get3A_21 = arith.constant 0 : index
    %get3A_22 = vector.load %arg3[%get3A_20, %get3A_21] : memref<1x32xf32, #tpu.memory_space<vmem>>, vector<1x32xf32>
    %get3A_23 = arith.constant 0 : index
    %get3A_24 = arith.constant 0 : index
    %get3A_25 = vector.load %arg11[%get3A_23, %get3A_24] : memref<32x16xf32, #tpu.memory_space<vmem>>, vector<32x16xf32>
    %dot_general3A_26 = arith.constant dense<0.000000e+00> : vector<1x16xf32>
    %dot_general3A_27 = tpu.matmul %get3A_22, %get3A_25, %dot_general3A_26 {dimension_numbers = #tpu.dot_dimension_numbers<[1], [0], [0], [1], [0, 0, 1, 1], [], []>, transpose_lhs_hint = false} : vector<1x32xf32>, vector<32x16xf32>, vector<1x16xf32> -> vector<1x16xf32>
    %get3A_28 = arith.constant 0 : index
    %get3A_29 = arith.constant 0 : index
    %get3A_30 = vector.load %arg12[%get3A_28, %get3A_29] : memref<1x16xf32, #tpu.memory_space<vmem>>, vector<1x16xf32>
    %add3A_31 = arith.addf %dot_general3A_27, %get3A_30 : vector<1x16xf32>
    %get3A_32 = arith.constant 0 : index
    %get3A_33 = arith.constant 0 : index
    %get3A_34 = vector.load %arg4[%get3A_32, %get3A_33] : memref<16x128xf32, #tpu.memory_space<vmem>>, vector<16x128xf32>
    %dot_general3A_35 = arith.constant dense<0.000000e+00> : vector<1x128xf32>
    %dot_general3A_36 = tpu.matmul %add3A_31, %get3A_34, %dot_general3A_35 {dimension_numbers = #tpu.dot_dimension_numbers<[1], [0], [0], [1], [0, 0, 1, 1], [], []>, precision = #tpu.contract_precision<fp32>, transpose_lhs_hint = false} : vector<1x16xf32>, vector<16x128xf32>, vector<1x128xf32> -> vector<1x128xf32>
    %get3A_37 = arith.constant 0 : index
    %get3A_38 = arith.constant 0 : index
    %get3A_39 = vector.load %arg9[%get3A_37, %get3A_38] : memref<128x128xf32, #tpu.memory_space<vmem>>, vector<128x128xf32>
    %dot_general3A_40 = arith.constant dense<0.000000e+00> : vector<256x128xf32>
    %dot_general3A_41 = tpu.matmul %div3A, %get3A_39, %dot_general3A_40 {dimension_numbers = #tpu.dot_dimension_numbers<[1], [0], [0], [1], [0, 0, 1, 1], [], []>, transpose_lhs_hint = false} : vector<256x128xf32>, vector<128x128xf32>, vector<256x128xf32> -> vector<256x128xf32>
    %get3A_42 = arith.constant 0 : index
    %get3A_43 = arith.constant 0 : index
    %get3A_44 = vector.load %arg2[%get3A_42, %get3A_43] : memref<256x128xf32, #tpu.memory_space<vmem>>, vector<256x128xf32>
    %get3A_45 = arith.constant 0 : index
    %get3A_46 = arith.constant 0 : index
    %get3A_47 = vector.load %arg10[%get3A_45, %get3A_46] : memref<128x128xf32, #tpu.memory_space<vmem>>, vector<128x128xf32>
    %dot_general3A_48 = arith.constant dense<0.000000e+00> : vector<256x128xf32>
    %dot_general3A_49 = tpu.matmul %get3A_44, %get3A_47, %dot_general3A_48 {dimension_numbers = #tpu.dot_dimension_numbers<[1], [0], [0], [1], [0, 0, 1, 1], [], []>, transpose_lhs_hint = false} : vector<256x128xf32>, vector<128x128xf32>, vector<256x128xf32> -> vector<256x128xf32>
    %add3A_50 = arith.addf %dot_general3A_41, %dot_general3A_49 : vector<256x128xf32>
    %add3A_51 = vector.broadcast %dot_general3A_36 : vector<1x128xf32> to vector<256x128xf32>
    %add3A_52 = arith.addf %add3A_50, %add3A_51 : vector<256x128xf32>
    %max3A_53 = arith.constant 0.000000e+00 : f32
    %max3A_54 = vector.broadcast %max3A_53 : f32 to vector<256x128xf32>
    %max3A_55 = arith.maximumf %add3A_52, %max3A_54 : vector<256x128xf32>
    %get3A_56 = arith.constant 0 : index
    %get3A_57 = arith.constant 0 : index
    %get3A_58 = vector.load %arg13[%get3A_56, %get3A_57] : memref<128x128xf32, #tpu.memory_space<vmem>>, vector<128x128xf32>
    %dot_general3A_59 = arith.constant dense<0.000000e+00> : vector<256x128xf32>
    %dot_general3A_60 = tpu.matmul %max3A_55, %get3A_58, %dot_general3A_59 {dimension_numbers = #tpu.dot_dimension_numbers<[1], [0], [0], [1], [0, 0, 1, 1], [], []>, transpose_lhs_hint = false} : vector<256x128xf32>, vector<128x128xf32>, vector<256x128xf32> -> vector<256x128xf32>
    %get3A_61 = arith.constant 0 : index
    %get3A_62 = arith.constant 0 : index
    %get3A_63 = vector.load %arg14[%get3A_61, %get3A_62] : memref<1x128xf32, #tpu.memory_space<vmem>>, vector<1x128xf32>
    %add3A_64 = vector.broadcast %get3A_63 : vector<1x128xf32> to vector<256x128xf32>
    %add3A_65 = arith.addf %dot_general3A_60, %add3A_64 : vector<256x128xf32>
    %max3A_66 = arith.constant 0.000000e+00 : f32
    %max3A_67 = vector.broadcast %max3A_66 : f32 to vector<256x128xf32>
    %max3A_68 = arith.maximumf %add3A_65, %max3A_67 : vector<256x128xf32>
    %get3A_69 = arith.constant 0 : index
    %get3A_70 = arith.constant 0 : index
    %get3A_71 = vector.load %arg15[%get3A_69, %get3A_70] : memref<128x128xf32, #tpu.memory_space<vmem>>, vector<128x128xf32>
    %dot_general3A_72 = arith.constant dense<0.000000e+00> : vector<256x128xf32>
    %dot_general3A_73 = tpu.matmul %max3A_68, %get3A_71, %dot_general3A_72 {dimension_numbers = #tpu.dot_dimension_numbers<[1], [0], [0], [1], [0, 0, 1, 1], [], []>, transpose_lhs_hint = false} : vector<256x128xf32>, vector<128x128xf32>, vector<256x128xf32> -> vector<256x128xf32>
    %get3A_74 = arith.constant 0 : index
    %get3A_75 = arith.constant 0 : index
    %get3A_76 = vector.load %arg16[%get3A_74, %get3A_75] : memref<1x128xf32, #tpu.memory_space<vmem>>, vector<1x128xf32>
    %add3A_77 = vector.broadcast %get3A_76 : vector<1x128xf32> to vector<256x128xf32>
    %add3A_78 = arith.addf %dot_general3A_73, %add3A_77 : vector<256x128xf32>
    %max3A_79 = arith.constant 0.000000e+00 : f32
    %max3A_80 = vector.broadcast %max3A_79 : f32 to vector<256x128xf32>
    %max3A_81 = arith.maximumf %add3A_78, %max3A_80 : vector<256x128xf32>
    %iota3A = tpu.iota {dimensions = array<i32: 0>} : vector<256x128xi32>
    %mul3A = arith.constant 256 : i32
    %mul3A_82 = arith.muli %arg0, %mul3A : i32
    %add3A_83 = vector.broadcast %mul3A_82 : i32 to vector<256x128xi32>
    %add3A_84 = arith.addi %iota3A, %add3A_83 : vector<256x128xi32>
    %lt3A = arith.constant 1250 : i32
    %lt3A_85 = vector.broadcast %lt3A : i32 to vector<256x128xi32>
    %lt3A_86 = arith.cmpi slt, %add3A_84, %lt3A_85 : vector<256x128xi32>
    %jit3A = arith.constant 0.000000e+00 : f32
    %broadcast_in_dim3A = vector.broadcast %jit3A : f32 to vector<256x128xf32>
    %select_n3A = arith.select %lt3A_86, %max3A_81, %broadcast_in_dim3A : vector<256x128xi1>, vector<256x128xf32>
    %mul3A_87 = arith.constant 256 : i32
    %mul3A_88 = arith.muli %arg0, %mul3A_87 : i32
    %swap3A = arith.index_cast %mul3A_88 : i32 to index
    %swap3A_89 = arith.constant 0 : index
    %swap3A_90 = vector.load %arg36[%swap3A, %swap3A_89] : memref<1280x128xf32, #tpu.memory_space<vmem>>, vector<256x128xf32>
    tpu.vector_store %arg36[%swap3A, %swap3A_89], %select_n3A {strides = array<i32>} : memref<1280x128xf32, #tpu.memory_space<vmem>>, vector<256x128xf32>,
    %eq3A = arith.constant 0 : i32
    %eq3A_91 = arith.cmpi eq, %arg0, %eq3A : i32
    %convert_element_type3A = arith.extui %eq3A_91 : i1 to i32
    %cond3A = arith.constant 0 : i32
    %cond3A_92 = arith.cmpi ne, %convert_element_type3A, %cond3A : i32
    scf.if %cond3A_92 {
      %broadcast_in_dim3A_117 = arith.constant 0.000000e+00 : f32
      %broadcast_in_dim3A_118 = vector.broadcast %broadcast_in_dim3A_117 : f32 to vector<1x128xf32>
      %swap3A_119 = arith.constant 0 : index
      %swap3A_120 = arith.constant 0 : index
      %swap3A_121 = vector.load %arg37[%swap3A_119, %swap3A_120] : memref<1x128xf32, #tpu.memory_space<vmem>>, vector<1x128xf32>
      tpu.vector_store %arg37[%swap3A_119, %swap3A_120], %broadcast_in_dim3A_118 {strides = array<i32>} : memref<1x128xf32, #tpu.memory_space<vmem>>, vector<1x128xf32>,
      %broadcast_in_dim3A_122 = arith.constant 0.000000e+00 : f32
      %broadcast_in_dim3A_123 = vector.broadcast %broadcast_in_dim3A_122 : f32 to vector<1x128xf32>
      %swap3A_124 = arith.constant 0 : index
      %swap3A_125 = arith.constant 0 : index
      %swap3A_126 = vector.load %arg38[%swap3A_124, %swap3A_125] : memref<1x128xf32, #tpu.memory_space<vmem>>, vector<1x128xf32>
      tpu.vector_store %arg38[%swap3A_124, %swap3A_125], %broadcast_in_dim3A_123 {strides = array<i32>} : memref<1x128xf32, #tpu.memory_space<vmem>>, vector<1x128xf32>,
    } else {
    }
    %get3A_93 = arith.constant 0 : index
    %get3A_94 = arith.constant 0 : index
    %get3A_95 = vector.load %arg37[%get3A_93, %get3A_94] : memref<1x128xf32, #tpu.memory_space<vmem>>, vector<1x128xf32>
    %reduce_sum3A = arith.constant dense<0.000000e+00> : vector<128xf32>
    %reduce_sum3A_96 = vector.multi_reduction <add>, %select_n3A, %reduce_sum3A [0] : vector<256x128xf32> to vector<128xf32>
    %broadcast_in_dim3A_97 = vector.shape_cast %reduce_sum3A_96 : vector<128xf32> to vector<1x128xf32>
    %add3A_98 = arith.addf %get3A_95, %broadcast_in_dim3A_97 : vector<1x128xf32>
    %swap3A_99 = arith.constant 0 : index
    %swap3A_100 = arith.constant 0 : index
    %swap3A_101 = vector.load %arg37[%swap3A_99, %swap3A_100] : memref<1x128xf32, #tpu.memory_space<vmem>>, vector<1x128xf32>
    tpu.vector_store %arg37[%swap3A_99, %swap3A_100], %add3A_98 {strides = array<i32>} : memref<1x128xf32, #tpu.memory_space<vmem>>, vector<1x128xf32>,
    %get3A_102 = arith.constant 0 : index
    %get3A_103 = arith.constant 0 : index
    %get3A_104 = vector.load %arg38[%get3A_102, %get3A_103] : memref<1x128xf32, #tpu.memory_space<vmem>>, vector<1x128xf32>
    %reduce_sum3A_105 = arith.constant dense<0.000000e+00> : vector<128xf32>
    %reduce_sum3A_106 = vector.multi_reduction <add>, %add3A, %reduce_sum3A_105 [0] : vector<256x128xf32> to vector<128xf32>
    %broadcast_in_dim3A_107 = vector.shape_cast %reduce_sum3A_106 : vector<128xf32> to vector<1x128xf32>
    %add3A_108 = arith.addf %get3A_104, %broadcast_in_dim3A_107 : vector<1x128xf32>
    %swap3A_109 = arith.constant 0 : index
    %swap3A_110 = arith.constant 0 : index
    %swap3A_111 = vector.load %arg38[%swap3A_109, %swap3A_110] : memref<1x128xf32, #tpu.memory_space<vmem>>, vector<1x128xf32>
    tpu.vector_store %arg38[%swap3A_109, %swap3A_110], %add3A_108 {strides = array<i32>} : memref<1x128xf32, #tpu.memory_space<vmem>>, vector<1x128xf32>,
    %eq3A_112 = arith.constant 4 : i32
    %eq3A_113 = arith.cmpi eq, %arg0, %eq3A_112 : i32
    %convert_element_type3A_114 = arith.extui %eq3A_113 : i1 to i32
    %cond3A_115 = arith.constant 0 : i32
    %cond3A_116 = arith.cmpi ne, %convert_element_type3A_114, %cond3A_115 : i32
    scf.if %cond3A_116 {
      %get3A_117 = arith.constant 0 : index
      %get3A_118 = arith.constant 0 : index
      %get3A_119 = vector.load %arg38[%get3A_117, %get3A_118] : memref<1x128xf32, #tpu.memory_space<vmem>>, vector<1x128xf32>
      %get3A_120 = arith.constant 0 : index
      %get3A_121 = arith.constant 0 : index
      %get3A_122 = vector.load %arg8[%get3A_120, %get3A_121] : memref<128x16xf32, #tpu.memory_space<vmem>>, vector<128x16xf32>
      %dot_general3A_123 = arith.constant dense<0.000000e+00> : vector<1x16xf32>
      %dot_general3A_124 = tpu.matmul %get3A_119, %get3A_122, %dot_general3A_123 {dimension_numbers = #tpu.dot_dimension_numbers<[1], [0], [0], [1], [0, 0, 1, 1], [], []>, precision = #tpu.contract_precision<fp32>, transpose_lhs_hint = false} : vector<1x128xf32>, vector<128x16xf32>, vector<1x16xf32> -> vector<1x16xf32>
      %div3A_125 = arith.constant 3.200000e+05 : f32
      %div3A_126 = vector.broadcast %div3A_125 : f32 to vector<1x16xf32>
      %div3A_127 = arith.divf %dot_general3A_124, %div3A_126 : vector<1x16xf32>
      %get3A_128 = arith.constant 0 : index
      %get3A_129 = arith.constant 0 : index
      %get3A_130 = vector.load %arg37[%get3A_128, %get3A_129] : memref<1x128xf32, #tpu.memory_space<vmem>>, vector<1x128xf32>
      %get3A_131 = arith.constant 0 : index
      %get3A_132 = arith.constant 0 : index
      %get3A_133 = vector.load %arg8[%get3A_131, %get3A_132] : memref<128x16xf32, #tpu.memory_space<vmem>>, vector<128x16xf32>
      %dot_general3A_134 = arith.constant dense<0.000000e+00> : vector<1x16xf32>
      %dot_general3A_135 = tpu.matmul %get3A_130, %get3A_133, %dot_general3A_134 {dimension_numbers = #tpu.dot_dimension_numbers<[1], [0], [0], [1], [0, 0, 1, 1], [], []>, precision = #tpu.contract_precision<fp32>, transpose_lhs_hint = false} : vector<1x128xf32>, vector<128x16xf32>, vector<1x16xf32> -> vector<1x16xf32>
      %div3A_136 = arith.constant 1.000000e+04 : f32
      %div3A_137 = vector.broadcast %div3A_136 : f32 to vector<1x16xf32>
      %div3A_138 = arith.divf %dot_general3A_135, %div3A_137 : vector<1x16xf32>
      %get3A_139 = arith.constant 0 : index
      %get3A_140 = arith.constant 0 : index
      %get3A_141 = vector.load %arg17[%get3A_139, %get3A_140] : memref<16x16xf32, #tpu.memory_space<vmem>>, vector<16x16xf32>
      %dot_general3A_142 = arith.constant dense<0.000000e+00> : vector<1x16xf32>
      %dot_general3A_143 = tpu.matmul %div3A_127, %get3A_141, %dot_general3A_142 {dimension_numbers = #tpu.dot_dimension_numbers<[1], [0], [0], [1], [0, 0, 1, 1], [], []>, transpose_lhs_hint = false} : vector<1x16xf32>, vector<16x16xf32>, vector<1x16xf32> -> vector<1x16xf32>
      %get3A_144 = arith.constant 0 : index
      %get3A_145 = arith.constant 0 : index
      %get3A_146 = vector.load %arg18[%get3A_144, %get3A_145] : memref<16x16xf32, #tpu.memory_space<vmem>>, vector<16x16xf32>
      %dot_general3A_147 = arith.constant dense<0.000000e+00> : vector<1x16xf32>
      %dot_general3A_148 = tpu.matmul %div3A_138, %get3A_146, %dot_general3A_147 {dimension_numbers = #tpu.dot_dimension_numbers<[1], [0], [0], [1], [0, 0, 1, 1], [], []>, transpose_lhs_hint = false} : vector<1x16xf32>, vector<16x16xf32>, vector<1x16xf32> -> vector<1x16xf32>
      %add3A_149 = arith.addf %dot_general3A_143, %dot_general3A_148 : vector<1x16xf32>
      %get3A_150 = arith.constant 0 : index
      %get3A_151 = arith.constant 0 : index
      %get3A_152 = vector.load %arg3[%get3A_150, %get3A_151] : memref<1x32xf32, #tpu.memory_space<vmem>>, vector<1x32xf32>
      %get3A_153 = arith.constant 0 : index
      %get3A_154 = arith.constant 0 : index
      %get3A_155 = vector.load %arg19[%get3A_153, %get3A_154] : memref<32x16xf32, #tpu.memory_space<vmem>>, vector<32x16xf32>
      %dot_general3A_156 = arith.constant dense<0.000000e+00> : vector<1x16xf32>
      %dot_general3A_157 = tpu.matmul %get3A_152, %get3A_155, %dot_general3A_156 {dimension_numbers = #tpu.dot_dimension_numbers<[1], [0], [0], [1], [0, 0, 1, 1], [], []>, transpose_lhs_hint = false} : vector<1x32xf32>, vector<32x16xf32>, vector<1x16xf32> -> vector<1x16xf32>
      %add3A_158 = arith.addf %add3A_149, %dot_general3A_157 : vector<1x16xf32>
      %get3A_159 = arith.constant 0 : index
      %get3A_160 = arith.constant 0 : index
      %get3A_161 = vector.load %arg20[%get3A_159, %get3A_160] : memref<1x16xf32, #tpu.memory_space<vmem>>, vector<1x16xf32>
      %add3A_162 = arith.addf %add3A_158, %get3A_161 : vector<1x16xf32>
      %max3A_163 = arith.constant 0.000000e+00 : f32
      %max3A_164 = vector.broadcast %max3A_163 : f32 to vector<1x16xf32>
      %max3A_165 = arith.maximumf %add3A_162, %max3A_164 : vector<1x16xf32>
      %get3A_166 = arith.constant 0 : index
      %get3A_167 = arith.constant 0 : index
      %get3A_168 = vector.load %arg21[%get3A_166, %get3A_167] : memref<16x16xf32, #tpu.memory_space<vmem>>, vector<16x16xf32>
      %dot_general3A_169 = arith.constant dense<0.000000e+00> : vector<1x16xf32>
      %dot_general3A_170 = tpu.matmul %max3A_165, %get3A_168, %dot_general3A_169 {dimension_numbers = #tpu.dot_dimension_numbers<[1], [0], [0], [1], [0, 0, 1, 1], [], []>, transpose_lhs_hint = false} : vector<1x16xf32>, vector<16x16xf32>, vector<1x16xf32> -> vector<1x16xf32>
      %get3A_171 = arith.constant 0 : index
      %get3A_172 = arith.constant 0 : index
      %get3A_173 = vector.load %arg22[%get3A_171, %get3A_172] : memref<1x16xf32, #tpu.memory_space<vmem>>, vector<1x16xf32>
      %add3A_174 = arith.addf %dot_general3A_170, %get3A_173 : vector<1x16xf32>
      %max3A_175 = arith.constant 0.000000e+00 : f32
      %max3A_176 = vector.broadcast %max3A_175 : f32 to vector<1x16xf32>
      %max3A_177 = arith.maximumf %add3A_174, %max3A_176 : vector<1x16xf32>
      %get3A_178 = arith.constant 0 : index
      %get3A_179 = arith.constant 0 : index
      %get3A_180 = vector.load %arg23[%get3A_178, %get3A_179] : memref<16x32xf32, #tpu.memory_space<vmem>>, vector<16x32xf32>
      %dot_general3A_181 = arith.constant dense<0.000000e+00> : vector<1x32xf32>
      %dot_general3A_182 = tpu.matmul %max3A_177, %get3A_180, %dot_general3A_181 {dimension_numbers = #tpu.dot_dimension_numbers<[1], [0], [0], [1], [0, 0, 1, 1], [], []>, transpose_lhs_hint = false} : vector<1x16xf32>, vector<16x32xf32>, vector<1x32xf32> -> vector<1x32xf32>
      %get3A_183 = arith.constant 0 : index
      %get3A_184 = arith.constant 0 : index
      %get3A_185 = vector.load %arg24[%get3A_183, %get3A_184] : memref<1x32xf32, #tpu.memory_space<vmem>>, vector<1x32xf32>
      %add3A_186 = arith.addf %dot_general3A_182, %get3A_185 : vector<1x32xf32>
      %max3A_187 = arith.constant 0.000000e+00 : f32
      %max3A_188 = vector.broadcast %max3A_187 : f32 to vector<1x32xf32>
      %max3A_189 = arith.maximumf %add3A_186, %max3A_188 : vector<1x32xf32>
      %get3A_190 = arith.constant 0 : index
      %get3A_191 = arith.constant 0 : index
      %get3A_192 = vector.load %arg36[%get3A_190, %get3A_191] : memref<1280x128xf32, #tpu.memory_space<vmem>>, vector<1280x128xf32>
      %get3A_193 = arith.constant 0 : index
      %get3A_194 = arith.constant 0 : index
      %get3A_195 = vector.load %arg25[%get3A_193, %get3A_194] : memref<32x64xf32, #tpu.memory_space<vmem>>, vector<32x64xf32>
      %get3A_196 = arith.constant 0 : index
      %get3A_197 = arith.constant 0 : index
      %get3A_198 = vector.load %arg26[%get3A_196, %get3A_197] : memref<16x64xf32, #tpu.memory_space<vmem>>, vector<16x64xf32>
      %get3A_199 = arith.constant 0 : index
      %get3A_200 = arith.constant 0 : index
      %get3A_201 = vector.load %arg27[%get3A_199, %get3A_200] : memref<1x64xf32, #tpu.memory_space<vmem>>, vector<1x64xf32>
      %get3A_202 = arith.constant 0 : index
      %get3A_203 = arith.constant 0 : index
      %get3A_204 = vector.load %arg4[%get3A_202, %get3A_203] : memref<16x128xf32, #tpu.memory_space<vmem>>, vector<16x128xf32>
      %get3A_205 = arith.constant 0 : index
      %get3A_206 = arith.constant 0 : index
      %get3A_207 = vector.load %arg5[%get3A_205, %get3A_206] : memref<128x8xf32, #tpu.memory_space<vmem>>, vector<128x8xf32>
      %get3A_208 = arith.constant 0 : index
      %get3A_209 = arith.constant 0 : index
      %get3A_210 = vector.load %arg6[%get3A_208, %get3A_209] : memref<8x128xf32, #tpu.memory_space<vmem>>, vector<8x128xf32>
      %get3A_211 = arith.constant 0 : index
      %get3A_212 = arith.constant 0 : index
      %get3A_213 = vector.load %arg8[%get3A_211, %get3A_212] : memref<128x16xf32, #tpu.memory_space<vmem>>, vector<128x16xf32>
      %iota3A_214 = tpu.iota {dimensions = array<i32: 0>} : vector<1280x8xi32>
      %broadcast_in_dim3A_215 = arith.constant 0.000000e+00 : f32
      %broadcast_in_dim3A_216 = vector.broadcast %broadcast_in_dim3A_215 : f32 to vector<1x16xf32>
      %broadcast_in_dim3A_217 = arith.constant 0.000000e+00 : f32
      %broadcast_in_dim3A_218 = vector.broadcast %broadcast_in_dim3A_217 : f32 to vector<1x32xf32>
      %scan3A = arith.constant 0 : i32
      %scan3A_219 = arith.constant 10 : i32
      %scan3A_220 = arith.addi %scan3A, %scan3A_219 : i32
      %scan3A_221 = arith.constant 1 : i32
      %scan3A_222:3 = scf.for %scan3A_262 = %scan3A to %scan3A_220 step %scan3A_221 iter_args(%scan3A_263 = %broadcast_in_dim3A_216, %scan3A_264 = %broadcast_in_dim3A_216, %scan3A_265 = %broadcast_in_dim3A_218) -> (vector<1x16xf32>, vector<1x16xf32>, vector<1x32xf32>)  : i32 {
        %dot_general3A_266 = arith.constant dense<0.000000e+00> : vector<1x64xf32>
        %dot_general3A_267 = tpu.matmul %scan3A_265, %get3A_195, %dot_general3A_266 {dimension_numbers = #tpu.dot_dimension_numbers<[1], [0], [0], [1], [0, 0, 1, 1], [], []>, transpose_lhs_hint = false} : vector<1x32xf32>, vector<32x64xf32>, vector<1x64xf32> -> vector<1x64xf32>
        %dot_general3A_268 = arith.constant dense<0.000000e+00> : vector<1x64xf32>
        %dot_general3A_269 = tpu.matmul %scan3A_263, %get3A_198, %dot_general3A_268 {dimension_numbers = #tpu.dot_dimension_numbers<[1], [0], [0], [1], [0, 0, 1, 1], [], []>, transpose_lhs_hint = false} : vector<1x16xf32>, vector<16x64xf32>, vector<1x64xf32> -> vector<1x64xf32>
        %add3A_270 = arith.addf %dot_general3A_267, %dot_general3A_269 : vector<1x64xf32>
        %add3A_271 = arith.addf %add3A_270, %get3A_201 : vector<1x64xf32>
        %slice3A = vector.extract_strided_slice %add3A_271 {offsets = [0, 0], sizes = [1, 16], strides = [1, 1]} : vector<1x64xf32> to vector<1x16xf32>
        %logistic3A = arith.negf %slice3A : vector<1x16xf32>
        %logistic3A_272 = math.exp %logistic3A : vector<1x16xf32>
        %logistic3A_273 = arith.constant 1.000000e+00 : f32
        %logistic3A_274 = vector.broadcast %logistic3A_273 : f32 to vector<1x16xf32>
        %logistic3A_275 = arith.addf %logistic3A_274, %logistic3A_272 : vector<1x16xf32>
        %logistic3A_276 = arith.divf %logistic3A_274, %logistic3A_275 : vector<1x16xf32>
        %slice3A_277 = vector.extract_strided_slice %add3A_271 {offsets = [0, 16], sizes = [1, 16], strides = [1, 1]} : vector<1x64xf32> to vector<1x16xf32>
        %logistic3A_278 = arith.negf %slice3A_277 : vector<1x16xf32>
        %logistic3A_279 = math.exp %logistic3A_278 : vector<1x16xf32>
        %logistic3A_280 = arith.constant 1.000000e+00 : f32
        %logistic3A_281 = vector.broadcast %logistic3A_280 : f32 to vector<1x16xf32>
        %logistic3A_282 = arith.addf %logistic3A_281, %logistic3A_279 : vector<1x16xf32>
        %logistic3A_283 = arith.divf %logistic3A_281, %logistic3A_282 : vector<1x16xf32>
        %slice3A_284 = vector.extract_strided_slice %add3A_271 {offsets = [0, 32], sizes = [1, 16], strides = [1, 1]} : vector<1x64xf32> to vector<1x16xf32>
        %tanh3A = math.tanh %slice3A_284 : vector<1x16xf32>
        %slice3A_285 = vector.extract_strided_slice %add3A_271 {offsets = [0, 48], sizes = [1, 16], strides = [1, 1]} : vector<1x64xf32> to vector<1x16xf32>
        %logistic3A_286 = arith.negf %slice3A_285 : vector<1x16xf32>
        %logistic3A_287 = math.exp %logistic3A_286 : vector<1x16xf32>
        %logistic3A_288 = arith.constant 1.000000e+00 : f32
        %logistic3A_289 = vector.broadcast %logistic3A_288 : f32 to vector<1x16xf32>
        %logistic3A_290 = arith.addf %logistic3A_289, %logistic3A_287 : vector<1x16xf32>
        %logistic3A_291 = arith.divf %logistic3A_289, %logistic3A_290 : vector<1x16xf32>
        %mul3A_292 = arith.mulf %logistic3A_283, %scan3A_264 : vector<1x16xf32>
        %mul3A_293 = arith.mulf %logistic3A_276, %tanh3A : vector<1x16xf32>
        %add3A_294 = arith.addf %mul3A_292, %mul3A_293 : vector<1x16xf32>
        %tanh3A_295 = math.tanh %add3A_294 : vector<1x16xf32>
        %mul3A_296 = arith.mulf %logistic3A_291, %tanh3A_295 : vector<1x16xf32>
        %dot_general3A_297 = arith.constant dense<0.000000e+00> : vector<1x128xf32>
        %dot_general3A_298 = tpu.matmul %mul3A_296, %get3A_204, %dot_general3A_297 {dimension_numbers = #tpu.dot_dimension_numbers<[1], [0], [0], [1], [0, 0, 1, 1], [], []>, precision = #tpu.contract_precision<fp32>, transpose_lhs_hint = false} : vector<1x16xf32>, vector<16x128xf32>, vector<1x128xf32> -> vector<1x128xf32>
        %mul3A_299 = vector.broadcast %dot_general3A_298 : vector<1x128xf32> to vector<1280x128xf32>
        %mul3A_300 = arith.mulf %get3A_192, %mul3A_299 : vector<1280x128xf32>
        %dot_general3A_301 = arith.constant dense<0.000000e+00> : vector<1280x8xf32>
        %dot_general3A_302 = tpu.matmul %mul3A_300, %get3A_207, %dot_general3A_301 {dimension_numbers = #tpu.dot_dimension_numbers<[1], [0], [0], [1], [0, 0, 1, 1], [], []>, precision = #tpu.contract_precision<fp32>, transpose_lhs_hint = false} : vector<1280x128xf32>, vector<128x8xf32>, vector<1280x8xf32> -> vector<1280x8xf32>
        %lt3A_303 = arith.constant 1250 : i32
        %lt3A_304 = vector.broadcast %lt3A_303 : i32 to vector<1280x8xi32>
        %lt3A_305 = arith.cmpi slt, %iota3A_214, %lt3A_304 : vector<1280x8xi32>
        %jit3A_306 = arith.constant -1.000000e+30 : f32
        %broadcast_in_dim3A_307 = vector.broadcast %jit3A_306 : f32 to vector<1280x8xf32>
        %select_n3A_308 = arith.select %lt3A_305, %dot_general3A_302, %broadcast_in_dim3A_307 : vector<1280x8xi1>, vector<1280x8xf32>
        %reduce_max3A = vector.shape_cast %select_n3A_308 : vector<1280x8xf32> to vector<1x1280x8xf32>
        %reduce_max3A_309 = arith.constant dense<0xFF800000> : vector<1xf32>
        %reduce_max3A_310 = vector.multi_reduction <maximumf>, %reduce_max3A, %reduce_max3A_309 [1, 2] : vector<1x1280x8xf32> to vector<1xf32>
        %reduce_max3A_311 = vector.shape_cast %reduce_max3A_310 : vector<1xf32> to vector<1x1x1xf32>
        %reduce_max3A_312 = vector.extract %reduce_max3A_311[0, 0, 0] : f32 from vector<1x1x1xf32>
        %sub3A = vector.broadcast %reduce_max3A_312 : f32 to vector<1280x8xf32>
        %sub3A_313 = arith.subf %select_n3A_308, %sub3A : vector<1280x8xf32>
        %exp3A = math.exp %sub3A_313 : vector<1280x8xf32>
        %dot_general3A_314 = arith.constant dense<0.000000e+00> : vector<1280x128xf32>
        %dot_general3A_315 = tpu.matmul %exp3A, %get3A_210, %dot_general3A_314 {dimension_numbers = #tpu.dot_dimension_numbers<[1], [0], [0], [1], [0, 0, 1, 1], [], []>, precision = #tpu.contract_precision<fp32>, transpose_lhs_hint = false} : vector<1280x8xf32>, vector<8x128xf32>, vector<1280x128xf32> -> vector<1280x128xf32>
        %mul3A_316 = arith.mulf %get3A_192, %dot_general3A_315 : vector<1280x128xf32>
        %reduce_sum3A_317 = arith.constant dense<0.000000e+00> : vector<128xf32>
        %reduce_sum3A_318 = vector.multi_reduction <add>, %mul3A_316, %reduce_sum3A_317 [0] : vector<1280x128xf32> to vector<128xf32>
        %broadcast_in_dim3A_319 = vector.shape_cast %reduce_sum3A_318 : vector<128xf32> to vector<1x128xf32>
        %dot_general3A_320 = arith.constant dense<0.000000e+00> : vector<1x16xf32>
        %dot_general3A_321 = tpu.matmul %broadcast_in_dim3A_319, %get3A_213, %dot_general3A_320 {dimension_numbers = #tpu.dot_dimension_numbers<[1], [0], [0], [1], [0, 0, 1, 1], [], []>, precision = #tpu.contract_precision<fp32>, transpose_lhs_hint = false} : vector<1x128xf32>, vector<128x16xf32>, vector<1x16xf32> -> vector<1x16xf32>
        %reduce_sum3A_322 = vector.shape_cast %exp3A : vector<1280x8xf32> to vector<1x1280x8xf32>
        %reduce_sum3A_323 = arith.constant dense<0.000000e+00> : vector<1xf32>
        %reduce_sum3A_324 = vector.multi_reduction <add>, %reduce_sum3A_322, %reduce_sum3A_323 [1, 2] : vector<1x1280x8xf32> to vector<1xf32>
        %reduce_sum3A_325 = vector.shape_cast %reduce_sum3A_324 : vector<1xf32> to vector<1x1x1xf32>
        %reduce_sum3A_326 = vector.extract %reduce_sum3A_325[0, 0, 0] : f32 from vector<1x1x1xf32>
        %div3A_327 = vector.broadcast %reduce_sum3A_326 : f32 to vector<1x16xf32>
        %div3A_328 = arith.divf %dot_general3A_321, %div3A_327 : vector<1x16xf32>
        %concatenate3A_329 = tpu.concatenate %mul3A_296, %div3A_328 in 1 : vector<1x16xf32>, vector<1x16xf32> -> vector<1x32xf32>
        scf.yield %mul3A_296, %add3A_294, %concatenate3A_329 : vector<1x16xf32>, vector<1x16xf32>, vector<1x32xf32>
      }
      %get3A_223 = arith.constant 0 : index
      %get3A_224 = arith.constant 0 : index
      %get3A_225 = vector.load %arg28[%get3A_223, %get3A_224] : memref<1x32xf32, #tpu.memory_space<vmem>>, vector<1x32xf32>
      %concatenate3A = tpu.concatenate %get3A_225, %scan3A_222#2, %max3A_189 in 1 : vector<1x32xf32>, vector<1x32xf32>, vector<1x32xf32> -> vector<1x96xf32>
      %get3A_226 = arith.constant 0 : index
      %get3A_227 = arith.constant 0 : index
      %get3A_228 = vector.load %arg29[%get3A_226, %get3A_227] : memref<96x32xf32, #tpu.memory_space<vmem>>, vector<96x32xf32>
      %dot_general3A_229 = arith.constant dense<0.000000e+00> : vector<1x32xf32>
      %dot_general3A_230 = tpu.matmul %concatenate3A, %get3A_228, %dot_general3A_229 {dimension_numbers = #tpu.dot_dimension_numbers<[1], [0], [0], [1], [0, 0, 1, 1], [], []>, transpose_lhs_hint = false} : vector<1x96xf32>, vector<96x32xf32>, vector<1x32xf32> -> vector<1x32xf32>
      %get3A_231 = arith.constant 0 : index
      %get3A_232 = arith.constant 0 : index
      %get3A_233 = vector.load %arg30[%get3A_231, %get3A_232] : memref<1x32xf32, #tpu.memory_space<vmem>>, vector<1x32xf32>
      %add3A_234 = arith.addf %dot_general3A_230, %get3A_233 : vector<1x32xf32>
      %max3A_235 = arith.constant 0.000000e+00 : f32
      %max3A_236 = vector.broadcast %max3A_235 : f32 to vector<1x32xf32>
      %max3A_237 = arith.maximumf %add3A_234, %max3A_236 : vector<1x32xf32>
      %get3A_238 = arith.constant 0 : index
      %get3A_239 = arith.constant 0 : index
      %get3A_240 = vector.load %arg31[%get3A_238, %get3A_239] : memref<32x16xf32, #tpu.memory_space<vmem>>, vector<32x16xf32>
      %dot_general3A_241 = arith.constant dense<0.000000e+00> : vector<1x16xf32>
      %dot_general3A_242 = tpu.matmul %max3A_237, %get3A_240, %dot_general3A_241 {dimension_numbers = #tpu.dot_dimension_numbers<[1], [0], [0], [1], [0, 0, 1, 1], [], []>, transpose_lhs_hint = false} : vector<1x32xf32>, vector<32x16xf32>, vector<1x16xf32> -> vector<1x16xf32>
      %get3A_243 = arith.constant 0 : index
      %get3A_244 = arith.constant 0 : index
      %get3A_245 = vector.load %arg32[%get3A_243, %get3A_244] : memref<1x16xf32, #tpu.memory_space<vmem>>, vector<1x16xf32>
      %add3A_246 = arith.addf %dot_general3A_242, %get3A_245 : vector<1x16xf32>
      %max3A_247 = arith.constant 0.000000e+00 : f32
      %max3A_248 = vector.broadcast %max3A_247 : f32 to vector<1x16xf32>
      %max3A_249 = arith.maximumf %add3A_246, %max3A_248 : vector<1x16xf32>
      %get3A_250 = arith.constant 0 : index
      %get3A_251 = arith.constant 0 : index
      %get3A_252 = vector.load %arg33[%get3A_250, %get3A_251] : memref<16x8xf32, #tpu.memory_space<vmem>>, vector<16x8xf32>
      %dot_general3A_253 = arith.constant dense<0.000000e+00> : vector<1x8xf32>
      %dot_general3A_254 = tpu.matmul %max3A_249, %get3A_252, %dot_general3A_253 {dimension_numbers = #tpu.dot_dimension_numbers<[1], [0], [0], [1], [0, 0, 1, 1], [], []>, transpose_lhs_hint = false} : vector<1x16xf32>, vector<16x8xf32>, vector<1x8xf32> -> vector<1x8xf32>
      %get3A_255 = arith.constant 0 : index
      %get3A_256 = arith.constant 0 : index
      %get3A_257 = vector.load %arg34[%get3A_255, %get3A_256] : memref<1x8xf32, #tpu.memory_space<vmem>>, vector<1x8xf32>
      %add3A_258 = arith.addf %dot_general3A_254, %get3A_257 : vector<1x8xf32>
      %swap3A_259 = arith.constant 0 : index
      %swap3A_260 = arith.constant 0 : index
      %swap3A_261 = vector.load %arg35[%swap3A_259, %swap3A_260] : memref<1x8xf32, #tpu.memory_space<vmem>>, vector<1x8xf32>
      tpu.vector_store %arg35[%swap3A_259, %swap3A_260], %add3A_258 {strides = array<i32>} : memref<1x8xf32, #tpu.memory_space<vmem>>, vector<1x8xf32>,
    } else {
    }
    return
  }
  func.func @transform_0(%arg0: i32) -> (i32, i32, i32) {
    %c0_i32 = arith.constant 0 : i32
    %c0_i32_0 = arith.constant 0 : i32
    %c0_i32_1 = arith.constant 0 : i32
    return %c0_i32, %arg0, %c0_i32_0 : i32, i32, i32
  }
  func.func @transform_1(%arg0: i32) -> (i32, i32) {
    %c0_i32 = arith.constant 0 : i32
    %c0_i32_0 = arith.constant 0 : i32
    return %arg0, %c0_i32 : i32, i32
  }
  func.func @transform_2(%arg0: i32) -> (i32, i32) {
    %c0_i32 = arith.constant 0 : i32
    %c0_i32_0 = arith.constant 0 : i32
    %c0_i32_1 = arith.constant 0 : i32
    return %c0_i32, %c0_i32_0 : i32, i32
  }
  func.func @transform_3(%arg0: i32) -> (i32, i32) {
    %c0_i32 = arith.constant 0 : i32
    %c0_i32_0 = arith.constant 0 : i32
    %c0_i32_1 = arith.constant 0 : i32
    return %c0_i32, %c0_i32_0 : i32, i32
  }
  func.func @transform_4(%arg0: i32) -> (i32, i32) {
    %c0_i32 = arith.constant 0 : i32
    %c0_i32_0 = arith.constant 0 : i32
    %c0_i32_1 = arith.constant 0 : i32
    return %c0_i32, %c0_i32_0 : i32, i32
  }
  func.func @transform_5(%arg0: i32) -> (i32, i32) {
    %c0_i32 = arith.constant 0 : i32
    %c0_i32_0 = arith.constant 0 : i32
    %c0_i32_1 = arith.constant 0 : i32
    return %c0_i32, %c0_i32_0 : i32, i32
  }
  func.func @transform_6(%arg0: i32) -> (i32, i32) {
    %c0_i32 = arith.constant 0 : i32
    %c0_i32_0 = arith.constant 0 : i32
    %c0_i32_1 = arith.constant 0 : i32
    return %c0_i32, %c0_i32_0 : i32, i32
  }
  func.func @transform_7(%arg0: i32) -> (i32, i32) {
    %c0_i32 = arith.constant 0 : i32
    %c0_i32_0 = arith.constant 0 : i32
    %c0_i32_1 = arith.constant 0 : i32
    return %c0_i32, %c0_i32_0 : i32, i32
  }
  func.func @transform_8(%arg0: i32) -> (i32, i32) {
    %c0_i32 = arith.constant 0 : i32
    %c0_i32_0 = arith.constant 0 : i32
    %c0_i32_1 = arith.constant 0 : i32
    return %c0_i32, %c0_i32_0 : i32, i32
  }
  func.func @transform_9(%arg0: i32) -> (i32, i32) {
    %c0_i32 = arith.constant 0 : i32
    %c0_i32_0 = arith.constant 0 : i32
    %c0_i32_1 = arith.constant 0 : i32
    return %c0_i32, %c0_i32_0 : i32, i32
  }
  func.func @transform_10(%arg0: i32) -> (i32, i32) {
    %c0_i32 = arith.constant 0 : i32
    %c0_i32_0 = arith.constant 0 : i32
    %c0_i32_1 = arith.constant 0 : i32
    return %c0_i32, %c0_i32_0 : i32, i32
  }
  func.func @transform_11(%arg0: i32) -> (i32, i32) {
    %c0_i32 = arith.constant 0 : i32
    %c0_i32_0 = arith.constant 0 : i32
    %c0_i32_1 = arith.constant 0 : i32
    return %c0_i32, %c0_i32_0 : i32, i32
  }
  func.func @transform_12(%arg0: i32) -> (i32, i32) {
    %c0_i32 = arith.constant 0 : i32
    %c0_i32_0 = arith.constant 0 : i32
    %c0_i32_1 = arith.constant 0 : i32
    return %c0_i32, %c0_i32_0 : i32, i32
  }
  func.func @transform_13(%arg0: i32) -> (i32, i32) {
    %c0_i32 = arith.constant 0 : i32
    %c0_i32_0 = arith.constant 0 : i32
    %c0_i32_1 = arith.constant 0 : i32
    return %c0_i32, %c0_i32_0 : i32, i32
  }
  func.func @transform_14(%arg0: i32) -> (i32, i32) {
    %c0_i32 = arith.constant 0 : i32
    %c0_i32_0 = arith.constant 0 : i32
    %c0_i32_1 = arith.constant 0 : i32
    return %c0_i32, %c0_i32_0 : i32, i32
  }
  func.func @transform_15(%arg0: i32) -> (i32, i32) {
    %c0_i32 = arith.constant 0 : i32
    %c0_i32_0 = arith.constant 0 : i32
    %c0_i32_1 = arith.constant 0 : i32
    return %c0_i32, %c0_i32_0 : i32, i32
  }
  func.func @transform_16(%arg0: i32) -> (i32, i32) {
    %c0_i32 = arith.constant 0 : i32
    %c0_i32_0 = arith.constant 0 : i32
    %c0_i32_1 = arith.constant 0 : i32
    return %c0_i32, %c0_i32_0 : i32, i32
  }
  func.func @transform_17(%arg0: i32) -> (i32, i32) {
    %c0_i32 = arith.constant 0 : i32
    %c0_i32_0 = arith.constant 0 : i32
    %c0_i32_1 = arith.constant 0 : i32
    return %c0_i32, %c0_i32_0 : i32, i32
  }
  func.func @transform_18(%arg0: i32) -> (i32, i32) {
    %c0_i32 = arith.constant 0 : i32
    %c0_i32_0 = arith.constant 0 : i32
    %c0_i32_1 = arith.constant 0 : i32
    return %c0_i32, %c0_i32_0 : i32, i32
  }
  func.func @transform_19(%arg0: i32) -> (i32, i32) {
    %c0_i32 = arith.constant 0 : i32
    %c0_i32_0 = arith.constant 0 : i32
    %c0_i32_1 = arith.constant 0 : i32
    return %c0_i32, %c0_i32_0 : i32, i32
  }
  func.func @transform_20(%arg0: i32) -> (i32, i32) {
    %c0_i32 = arith.constant 0 : i32
    %c0_i32_0 = arith.constant 0 : i32
    %c0_i32_1 = arith.constant 0 : i32
    return %c0_i32, %c0_i32_0 : i32, i32
  }
  func.func @transform_21(%arg0: i32) -> (i32, i32) {
    %c0_i32 = arith.constant 0 : i32
    %c0_i32_0 = arith.constant 0 : i32
    %c0_i32_1 = arith.constant 0 : i32
    return %c0_i32, %c0_i32_0 : i32, i32
  }
  func.func @transform_22(%arg0: i32) -> (i32, i32) {
    %c0_i32 = arith.constant 0 : i32
    %c0_i32_0 = arith.constant 0 : i32
    %c0_i32_1 = arith.constant 0 : i32
    return %c0_i32, %c0_i32_0 : i32, i32
  }
  func.func @transform_23(%arg0: i32) -> (i32, i32) {
    %c0_i32 = arith.constant 0 : i32
    %c0_i32_0 = arith.constant 0 : i32
    %c0_i32_1 = arith.constant 0 : i32
    return %c0_i32, %c0_i32_0 : i32, i32
  }
  func.func @transform_24(%arg0: i32) -> (i32, i32) {
    %c0_i32 = arith.constant 0 : i32
    %c0_i32_0 = arith.constant 0 : i32
    %c0_i32_1 = arith.constant 0 : i32
    return %c0_i32, %c0_i32_0 : i32, i32
  }
  func.func @transform_25(%arg0: i32) -> (i32, i32) {
    %c0_i32 = arith.constant 0 : i32
    %c0_i32_0 = arith.constant 0 : i32
    %c0_i32_1 = arith.constant 0 : i32
    return %c0_i32, %c0_i32_0 : i32, i32
  }
  func.func @transform_26(%arg0: i32) -> (i32, i32) {
    %c0_i32 = arith.constant 0 : i32
    %c0_i32_0 = arith.constant 0 : i32
    %c0_i32_1 = arith.constant 0 : i32
    return %c0_i32, %c0_i32_0 : i32, i32
  }
  func.func @transform_27(%arg0: i32) -> (i32, i32) {
    %c0_i32 = arith.constant 0 : i32
    %c0_i32_0 = arith.constant 0 : i32
    %c0_i32_1 = arith.constant 0 : i32
    return %c0_i32, %c0_i32_0 : i32, i32
  }
  func.func @transform_28(%arg0: i32) -> (i32, i32) {
    %c0_i32 = arith.constant 0 : i32
    %c0_i32_0 = arith.constant 0 : i32
    %c0_i32_1 = arith.constant 0 : i32
    return %c0_i32, %c0_i32_0 : i32, i32
  }
  func.func @transform_29(%arg0: i32) -> (i32, i32) {
    %c0_i32 = arith.constant 0 : i32
    %c0_i32_0 = arith.constant 0 : i32
    %c0_i32_1 = arith.constant 0 : i32
    return %c0_i32, %c0_i32_0 : i32, i32
  }
  func.func @transform_30(%arg0: i32) -> (i32, i32) {
    %c0_i32 = arith.constant 0 : i32
    %c0_i32_0 = arith.constant 0 : i32
    %c0_i32_1 = arith.constant 0 : i32
    return %c0_i32, %c0_i32_0 : i32, i32
  }
  func.func @transform_31(%arg0: i32) -> (i32, i32) {
    %c0_i32 = arith.constant 0 : i32
    %c0_i32_0 = arith.constant 0 : i32
    %c0_i32_1 = arith.constant 0 : i32
    return %c0_i32, %c0_i32_0 : i32, i32
  }
  func.func @transform_32(%arg0: i32) -> (i32, i32) {
    %c0_i32 = arith.constant 0 : i32
    %c0_i32_0 = arith.constant 0 : i32
    %c0_i32_1 = arith.constant 0 : i32
    return %c0_i32, %c0_i32_0 : i32, i32
  }
  func.func @transform_33(%arg0: i32) -> (i32, i32) {
    %c0_i32 = arith.constant 0 : i32
    %c0_i32_0 = arith.constant 0 : i32
    %c0_i32_1 = arith.constant 0 : i32
    return %c0_i32, %c0_i32_0 : i32, i32
  }
  func.func @transform_34(%arg0: i32) -> (i32, i32) {
    %c0_i32 = arith.constant 0 : i32
    %c0_i32_0 = arith.constant 0 : i32
    %c0_i32_1 = arith.constant 0 : i32
    return %c0_i32, %c0_i32_0 : i32, i32
  }
}

</mosaic_0001>

<sc_bundles>
// kernel: kernel.12.cloned.1.call-start
scs
__scs_entry_jumppad:
0x0: {  	(pc) =	sbr.rel $0x88, $3  }
0x1: {  	(tag) =	ssettag $0x0;
	lr =	simm.s32 $0x1  }
0x2: {  	[smem:$0x3F6D] =	sst lr;
	_ =	strace $0xD0000000  }
0x3: {  	_ = 	snop  }
0x4: {  	_ = 	snop  }
0x5: {  	_ = 	snop  }
0x6: {  	_ = 	snop  }
0x7: {  	_ = 	snop  }
__scs_overlays_trampoline_lowered:
0x8: {  	[smem:$0x3F7C] =	sst s0  }
0x9: {  	[smem:$0x3F7D] =	sst s1  }
0xa: {  	[smem:$0x3F7E] =	sst s2  }
0xb: {  	[smem:$0x3F7F] =	sst s3  }
0xc: {  	[smem:$0x3F80] =	sst s4  }
0xd: {  	[smem:$0x3F81] =	sst s5  }
0xe: {  	[smem:$0x3F82] =	sst s6  }
0xf: {  	[smem:$0x3F83] =	sst s7  }
0x10: {  	[smem:$0x3F84] =	sst s8  }
0x11: {  	[smem:$0x3F85] =	sst s9;
	s0 =	simm.s32 @!p0 $0x0  }
0x12: {  	s1 =	sld [smem:$0x3F6B];
	s0 =	simm.s32 @p0 $0x1  }
0x13: {  	[smem:$0x3F86] =	sst s0;
	s0 =	simm.s32 @!p1 $0x0  }
0x14: {  	s2 =	sld [smem:$0x3F6A];
	s0 =	simm.s32 @p1 $0x1  }
0x15: {  	[smem:$0x3F87] =	sst s0;
	s0 =	simm.s32 @!p2 $0x0  }
0x16: {  	s3 =	sld [smem:$0x3FDB];
	s0 =	simm.s32 @p2 $0x1  }
0x17: {  	s4 =	simm.s32 $0x1BF5;
	[smem:$0x3F89] =	sst s0  }
0x18: {  	s0 =	sld [smem:$0x3F6C];
	_ =	swait.ge [sflag:s4], $0x0  }
0x19: {  	s7 =	sld [smem:$0x3F6D]  }
0x1a: {  	s8 =	sadd.s32 $0xFFFFE003, lr  }
0x1b: {  	s9 =	sadd.s32 $0xFFFFFEF7, lr;
	s5 =	simm.s32 $0xFFFFFFFF;
	p2 =	slt.u32 s8, $0xFFFFF086  }
0x1c: {  	p1 =	slt.u32 s9, $0xF7A;
	s5 =	simm.s32 @!p2 $0x0  }
0x1d: {  	s5 =	simm.s32 @p1 $0x1;
	p0 =	seq.s32 s7, s2  }
0x1e: {  	s7 =	smul.u32 @!p0 $0xF7A, s2;
	p2 =	seq.s32 @!p0 s5, $0x0  }
0x1f: {  	s9 =	smul.u32 $0xF7A, s1;
	s8 =	simm.s32 @!p0 $0x1BF5;
	p2 =	por !p2, p0  }
0x20: {  	[sflag:s8] =	ssyncset.s32 @!p0 $0xFFFFF086;
	s6 =	sadd.s32 @!p0 s3, s7;
	s7 =	simm.s32 @!p0 $0x108  }
0x21: {  	s3 =	sadd.s32 s3, s9;
	s6 =	sadd.s32 @!p0 $0x88, s6;
	s7 =	simm.s32 @p2 $0x1082  }
0x22: {  	[simem:s7], [sflag:s8] =	dma.local @!p0 [hbm:s6], $0xF7A  }
0x23: {  	s9 =	sor.u32 $0xD0000000, s2;
	s6 =	simm.s32 $0x108;
	_ =	swait.ge @!p0 [sflag:s8], $0x0  }
0x24: {  	s3 =	sadd.s32 $0x88, s3;
	s6 =	simm.s32 @!p1 $0x1082;
	[sflag:s4] =	ssyncset.s32 $0xFFFFF086  }
0x25: {  	[simem:s6], [sflag:s4] =	dma.local [hbm:s3], $0xF7A  }
0x26: {  	[smem:$0x3F6D] =	sst s1;
	(tag) =	ssettag s2;
	_ =	strace s9  }
0x27: {  	s1 =	sld [smem:$0x3F7D]  }
0x28: {  	s2 =	sld [smem:$0x3F7E]  }
0x29: {  	s4 =	sld [smem:$0x3F80]  }
0x2a: {  	p0 =	seq.s32 s5, $0x0;
	s5 =	sld [smem:$0x3F81]  }
0x2b: {  	s6 =	sld [smem:$0x3F82]  }
0x2c: {  	s7 =	sld [smem:$0x3F83]  }
0x2d: {  	s3 =	simm.s32 $0x108;
	s8 =	sld [smem:$0x3F84]  }
0x2e: {  	s3 =	simm.s32 @!p0 $0x1082;
	s9 =	sld [smem:$0x3F85]  }
0x2f: {  	lr =	sadd.s32 s0, s3;
	s0 =	sld [smem:$0x3F7C]  }
0x30: {  	s3 =	sld [smem:$0x3F7F]  }
0x31: {  	[smem:$0x3F88] =	sst s10  }
0x32: {  	s10 =	sld [smem:$0x3F86];
	_ =	sdelay $0x3  }
0x33: {  	p0 =	seq.s32 s10, $0x1;
	s10 =	sld [smem:$0x3F88];
	_ =	sdelay $0x3  }
0x34: {  	[smem:$0x3F88] =	sst s10  }
0x35: {  	s10 =	sld [smem:$0x3F87];
	_ =	sdelay $0x3  }
0x36: {  	p1 =	seq.s32 s10, $0x1;
	s10 =	sld [smem:$0x3F88];
	_ =	sdelay $0x3  }
0x37: {  	[smem:$0x3F88] =	sst s10  }
0x38: {  	s10 =	sld [smem:$0x3F89]  }
0x39: {  	_ = 	snop;
	(pc) =	sbr.ind lr, $3  }
0x3a: {  	_ = 	snop  }
0x3b: {  	_ = 	snop  }
0x3c: {  	p2 =	seq.s32 s10, $0x1;
	s10 =	sld [smem:$0x3F88]  }
0x3d: {  	_ =	shalt  }
0x3e: {  	_ =	shalt  }
0x3f: {  	_ =	shalt  }
0x40: {  	_ =	shalt  }
0x41: {  	_ =	shalt  }
0x42: {  	_ =	shalt  }
0x43: {  	_ =	shalt  }
0x44: {  	_ =	shalt  }
0x45: {  	_ =	shalt  }
0x46: {  	_ =	shalt  }
0x47: {  	_ =	shalt  }
0x48: {  	_ =	shalt  }
0x49: {  	_ =	shalt  }
0x4a: {  	_ =	shalt  }
0x4b: {  	_ =	shalt  }
0x4c: {  	_ =	shalt  }
0x4d: {  	_ =	shalt  }
0x4e: {  	_ =	shalt  }
0x4f: {  	_ =	shalt  }
0x50: {  	_ =	shalt  }
0x51: {  	_ =	shalt  }
0x52: {  	_ =	shalt  }
0x53: {  	_ =	shalt  }
0x54: {  	_ =	shalt  }
0x55: {  	_ =	shalt  }
0x56: {  	_ =	shalt  }
0x57: {  	_ =	shalt  }
0x58: {  	_ =	shalt  }
0x59: {  	_ =	shalt  }
0x5a: {  	_ =	shalt  }
0x5b: {  	_ =	shalt  }
0x5c: {  	_ =	shalt  }
0x5d: {  	_ =	shalt  }
0x5e: {  	_ =	shalt  }
0x5f: {  	_ =	shalt  }
0x60: {  	_ =	shalt  }
0x61: {  	_ =	shalt  }
0x62: {  	_ =	shalt  }
0x63: {  	_ =	shalt  }
0x64: {  	_ =	shalt  }
0x65: {  	_ =	shalt  }
0x66: {  	_ =	shalt  }
0x67: {  	_ =	shalt  }
0x68: {  	_ =	shalt  }
0x69: {  	_ =	shalt  }
0x6a: {  	_ =	shalt  }
0x6b: {  	_ =	shalt  }
0x6c: {  	_ =	shalt  }
0x6d: {  	_ =	shalt  }
0x6e: {  	_ =	shalt  }
0x6f: {  	_ =	shalt  }
0x70: {  	_ =	shalt  }
0x71: {  	_ =	shalt  }
0x72: {  	_ =	shalt  }
0x73: {  	_ =	shalt  }
0x74: {  	_ =	shalt  }
0x75: {  	_ =	shalt  }
0x76: {  	_ =	shalt  }
0x77: {  	_ =	shalt  }
0x78: {  	_ =	shalt  }
0x79: {  	_ =	shalt  }
0x7a: {  	_ =	shalt  }
0x7b: {  	_ =	shalt  }
0x7c: {  	_ =	shalt  }
0x7d: {  	_ =	shalt  }
0x7e: {  	_ =	shalt  }
0x7f: {  	_ =	shalt  }
0x80: {  	_ =	shalt  }
0x81: {  	_ =	shalt  }
0x82: {  	_ =	shalt  }
0x83: {  	_ =	shalt  }
0x84: {  	_ =	shalt  }
0x85: {  	_ =	shalt  }
0x86: {  	_ =	shalt  }
0x87: {  	_ =	shalt  }
.Lfunc_end0:
.L_simem_size_0:
called_computation_lowered:
.L_overlay_start_0:
0x88: {  	s2 =	sld [smem:$0x3FD9]  }
0x89: {  	s3 =	sld [smem:$0x3FFE];
	_ =	sdelay $0x1  }
0x8a: {  	s1 =	srdreg.scid  }
0x8b: {  	s0 =	sand.u32 $0x1, s1  }
0x8c: {  	s16 =	sshll.u32 s0, $0xA;
	s2 =	sadd.s32 s3, s2  }
0x8d: {  	s2 =	sadd.s32 s2, s16  }
0x8e: {  	[smem:$0x3F94] =	sst s2  }
0x8f: {  	_ = 	snop  }
0x90: {  	(tm) =	ssettm $0x1  }
0x91: {  	s17 =	sld [smem:$0x3FFB];
	_ =	sdelay $0x3  }
0x92: {  	_ =	strace s17  }
0x93: {  	s2 =	sld [smem:$0x3FFC];
	_ =	sdelay $0x3  }
0x94: {  	_ =	strace s2  }
0x95: {  	s2 =	sld [smem:$0x3FFD];
	_ =	sdelay $0x3  }
0x96: {  	_ =	strace s2  }
0x97: {  	_ =	strace $0x8FFFFFFF  }
0x98: {  	s18 =	sld [smem:$0x3FDB];
	_ =	sdelay $0x1  }
0x99: {  	s19 =	simm.s32 $_scs_section_size  }
0x9a: {  	s4 =	simm.s32 $_size__tile_overlayer_lowered;
	s5 =	simm.s32 $_tile_overlayer_lowered  }
0x9b: {  	s22 =	simm.s32 $0x1BFF;
	s21 =	sshll.u32 s5, $0x1;
	s2 =	sadd.s32 s19, s18  }
0x9c: {  	s6 =	simm.s32 $0x0;
	s20 =	sshll.u32 s4, $0x1;
	s4 =	sadd.s32 s21, s2  }
0x9d: {  	[timem:s6], [sflag:s22] =	dma.local [hbm:s4], s20  }
0x9e: {  	_ =	swait.ge [sflag:s22], s20  }
0x9f: {  	s3 =	ssub.s32 $0x0, s20;
	[sflag:s22] =	ssyncset.done $0x0  }
0xa0: {  	[sflag:s22] =	ssyncadd.s32 s3;
	_ =	sdelay $0x1  }
0xa1: {  	s23 =	simm.s32 $0x1B8B  }
0xa2: {  	_ =	swait.ge [sflag:s23], $0x1  }
0xa3: {  	[sflag:s23] =	ssyncset.done $0x0  }
0xa4: {  	s25 =	simm.s32 $0x1B8E;
	s24 =	sld [smem:$0x3FFE];
	[sflag:s23] =	ssyncadd.s32 $0xFFFFFFFF  }
0xa5: {  	s26 =	simm.s32 $execute0_lowered;
	[smem:$0x3FD2] =	sst s25  }
0xa6: {  	s4 =	sshll.u32 s26, $0x1;
	_ =	strace $0x80000046;
	[dreg:$0x1] =	wrdreg $0xFFFFFFFF  }
0xa7: {  	s28 =	simm.s32 $_size_execute0_lowered;
	s2 =	sadd.s32 s2, s4;
	[dreg:$0x0] =	wrdreg $0x0  }
0xa8: {  	s4 =	sshll.u32 s28, $0x1;
	[dreg:$0x2] =	wrdreg s2  }
0xa9: {  	[dreg:$0x3] =	wrdreg s4  }
0xaa: {  	[dreg:$0x4] =	wrdreg $0xC0  }
0xab: {  	_ =	task [dreg:s6], $0x5FFFF  }
0xac: {  	[dreg:$0x1] =	wrdreg $0xFFFFFFFF  }
0xad: {  	[dreg:$0x0] =	wrdreg $0x60  }
0xae: {  	[dreg:$0x2] =	wrdreg s24  }
0xaf: {  	[dreg:$0x3] =	wrdreg $0x9  }
0xb0: {  	_ =	task.clear_ibuf [dreg:s6], $0x4FFFF;
	_ =	strace $0x90000046  }
0xb1: {  	s29 =	simm.s32 $0x9;
	_ =	strace $0x80000048  }
0xb2: {  	_ =	swait.ge [sflag:s29], $0x1  }
0xb3: {  	[sflag:s29] =	ssyncadd.s32 $0xFFFFFFFF  }
0xb4: {  	_ =	strace $0x90000048  }
0xb5: {  	_ =	sfence  }
0xb6: {  	s30 =	sld [smem:$0x0];
	_ =	sdelay $0x2  }
0xb7: {  	s31 =	sshll.u32 s1, $0xD;
	s1 =	sshrl.u32 s1, $0x2  }
0xb8: {  	s3 =	sand.u32 $0x4000, s31;
	s1 =	sadd.s32 s1, s30  }
0xb9: {  	s0 =	sor.u32 s3, s0;
	s1 =	sshll.u32 s1, $0x11  }
0xba: {  	s0 =	sor.u32 s1, s0  }
0xbb: {  	s0 =	sadd.s32 $0x8F2B, s0  }
0xbc: {  	[sflag:s0] =	ssyncadd.remote.s32 $0x1  }
0xbd: {  	_ =	sfence.sel $0xFFFF  }
0xbe: {  	[dreg:$0x0] =	wrdreg $0xFFFFFFFF;
	(pc) =	sbr.abs _section_cstart, $3  }
0xbf: {  	[dreg:$0x1] =	wrdreg $0xFFFFFFFF  }
0xc0: {  	_ =	task.clear_ibuf [dreg:s6], $0x2FFFF;
	_ =	strace $0x9FFFFFFF  }
0xc1: {  	(tm) =	ssettm $0x7FFFFFFF  }
tec
execute0_lowered:
.L_overlay_start_1:
0x0: {  	(tag) =	ssettag $0x1  }
0x1: {  	s5 =	rddreg [dreg:$0x0]  }
0x2: {  	s0 =	rddreg [dreg:$0x1];
	s3 =	srdreg.scid  }
0x3: {  	s1 =	stileid.u32;
	s2 =	simm.s32 $0x0;
	s12 =	simm.s32 $0x1900  }
0x4: {  	s13 =	simm.s32 $0x1;
	s14 =	simm.s32 $0x2;
	s15 =	simm.s32 $0x3  }
0x5: {  	s16 =	simm.s32 $0x0;
	s6 =	sand.u32 $0x1, s3;
	s26 =	sshll.u32 s1, $0x1  }
0x6: {  	[smem:$0x7FF] =	sst s2;
	s3 =	sadd.s32 $0x1FC00, s5;
	s8 =	smul.u32 $0x9C40, s1  }
0x7: {  	s4 =	sor.u32 s6, s26;
	_ =	strace $0x80000047;
	s9 =	ssub.s32 $0x2, s6  }
0x8: {  	s11 =	smul.u32 $0x4E20, s6;
	[dreg:$0x2] =	wrdreg s12;
	s12 =	simm.s32 $0x50  }
0x9: {  	s7 =	smul.u32 $0x2710, s4;
	s10 =	sshrl.u32 s9, $0x1;
	s29 =	sadd.s32 s8, s5  }
0xa: {  	s4 =	sadd.s32 $0x24C00, s5;
	s30 =	ssub.s32 s9, s10;
	s31 =	sadd.s32 s11, s29  }
0xb: {  	s10 =	simm.s32 $0x4;
	s11 =	simm.s32 $0x2710;
	s7 =	sshrl.u32 s7, $0x3  }
0xc: {  	s8 =	sadd.s32 $0xC6000, s31;
	s9 =	sadd.s32 $0x29C00, s31;
	s28 =	sadd.s32 s7, s5  }
0xd: {  	s7 =	smax.u32 s30, $0x1;
	s5 =	sadd.s32 $0xC000, s28;
	s6 =	sadd.s32 $0x15E00, s28  }
.LBB2_1:
0xe: {  	[tilespmem:s2], [sflag:$0x4] =	stream.linear.gather [hbm4b:s5+s2], $0x2710, $0x38;
	[tilespmem:$0xB220] =	vst v63  }
0xf: {  	_ =	swait.ge [sflag:s10], $0x2710  }
0x10: {  	[sflag:s10] =	ssyncset.done $0x0  }
0x11: {  	[sflag:s10] =	ssyncadd.s32 $0xFFFFD8F0  }
0x12: {  	[tilespmem:s11], [sflag:$0x4] =	stream.linear.gather [hbm4b:s6+s2], $0x2710, $0x38;
	[tilespmem:$0xB220] =	vst v63  }
0x13: {  	_ =	swait.ge [sflag:s10], $0x2710  }
0x14: {  	p0 =	por $0x1, $0x1;
	[sflag:s10] =	ssyncset.done $0x0  }
0x15: {  	s17 =	simm.s32 @!p0 $0x2;
	[sflag:s10] =	ssyncadd.s32 $0xFFFFD8F0  }
0x16: {  	_ =	swait.ge @!p0 [sflag:s17], $0x1900  }
0x17: {  	[sflag:s17] =	ssyncset.done @!p0 $0x0  }
0x18: {  	[sflag:s17] =	ssyncadd.s32 @!p0 $0xFFFFE700;
	s17 =	simm.s32 @!p0 $0x3  }
0x19: {  	s19 =	sand.u32 $0x1, s2;
	_ =	swait.ge @!p0 [sflag:s17], $0x1900  }
0x1a: {  	p1 =	seq.s32 s19, $0x1;
	s18 =	rddreg [dreg:$0x2]  }
0x1b: {  	[sflag:s17] =	ssyncset.done @!p0 $0x0;
	s18 =	simm.s32 @!p1 $0x0  }
0x1c: {  	s25 =	simm.s32 $0x0;
	[sflag:s17] =	ssyncadd.s32 @!p0 $0xFFFFE700;
	s17 =	sadd.s32 $0x4E20, s18  }
0x1d: {  	[tilespmem:s17], [sflag:$0x1] =	stream.indirect.gather [hbm4b:s3+s12], $0x10, s25, s12, $0xb8;
	[tilespmem:$0xB220] =	vst v63  }
0x1e: {  	s20 =	simm.s32 $0x50;
	s26 =	sadd.s32 $0x5320, s18  }
0x1f: {  	[tilespmem:s26], [sflag:$0x1] =	stream.indirect.gather [hbm4b:s3+s12], $0x10, s20, s12, $0xb8;
	[tilespmem:$0xB220] =	vst v63  }
0x20: {  	s29 =	simm.s32 $0xA0;
	s28 =	sadd.s32 $0x5820, s18  }
0x21: {  	[tilespmem:s28], [sflag:$0x1] =	stream.indirect.gather [hbm4b:s3+s12], $0x10, s29, s12, $0xb8;
	[tilespmem:$0xB220] =	vst v63  }
0x22: {  	s31 =	simm.s32 $0xF0;
	s30 =	sadd.s32 $0x5D20, s18  }
0x23: {  	[tilespmem:s30], [sflag:$0x1] =	stream.indirect.gather [hbm4b:s3+s12], $0x10, s31, s12, $0xb8;
	[tilespmem:$0xB220] =	vst v63  }
0x24: {  	s22 =	simm.s32 $0x140;
	s21 =	sor.u32 $0x6220, s18  }
0x25: {  	[tilespmem:s21], [sflag:$0x1] =	stream.indirect.gather [hbm4b:s3+s12], $0x10, s22, s12, $0xb8;
	[tilespmem:$0xB220] =	vst v63  }
0x26: {  	s23 =	simm.s32 $0x2710;
	s21 =	sor.u32 $0x8020, s18  }
0x27: {  	[tilespmem:s21], [sflag:$0x1] =	stream.indirect.gather [hbm4b:s4+s12], $0x10, s23, s12, $0xb8;
	[tilespmem:$0xB220] =	vst v63  }
0x28: {  	s24 =	sadd.s32 $0x8520, s18;
	s25 =	simm.s32 $0x2760  }
0x29: {  	[tilespmem:s24], [sflag:$0x1] =	stream.indirect.gather [hbm4b:s4+s12], $0x10, s25, s12, $0xb8;
	[tilespmem:$0xB220] =	vst v63  }
0x2a: {  	s26 =	sadd.s32 $0x8A20, s18;
	s28 =	simm.s32 $0x27B0  }
0x2b: {  	[tilespmem:s26], [sflag:$0x1] =	stream.indirect.gather [hbm4b:s4+s12], $0x10, s28, s12, $0xb8;
	[tilespmem:$0xB220] =	vst v63  }
0x2c: {  	s29 =	sadd.s32 $0x8F20, s18;
	s30 =	simm.s32 $0x2800  }
0x2d: {  	[tilespmem:s29], [sflag:$0x1] =	stream.indirect.gather [hbm4b:s4+s12], $0x10, s30, s12, $0xb8;
	[tilespmem:$0xB220] =	vst v63  }
0x2e: {  	s31 =	simm.s32 $0x2850;
	s18 =	sadd.s32 $0x9420, s18  }
0x2f: {  	[tilespmem:s18], [sflag:$0x1] =	stream.indirect.gather [hbm4b:s4+s12], $0x10, s31, s12, $0xb8;
	[tilespmem:$0xB220] =	vst v63  }
0x30: {  	_ =	swait.ge [sflag:s13], $0x500  }
0x31: {  	[sflag:s13] =	ssyncset.done $0x0  }
0x32: {  	[sflag:s13] =	ssyncadd.s32 $0xFFFFFB00  }
0x33: {  	_ =	swait.ge [sflag:s13], $0x500  }
0x34: {  	[sflag:s13] =	ssyncset.done $0x0  }
0x35: {  	[sflag:s13] =	ssyncadd.s32 $0xFFFFFB00  }
0x36: {  	_ =	swait.ge [sflag:s13], $0x500  }
0x37: {  	[sflag:s13] =	ssyncset.done $0x0  }
0x38: {  	[sflag:s13] =	ssyncadd.s32 $0xFFFFFB00  }
0x39: {  	_ =	swait.ge [sflag:s13], $0x500  }
0x3a: {  	[sflag:s13] =	ssyncset.done $0x0  }
0x3b: {  	[sflag:s13] =	ssyncadd.s32 $0xFFFFFB00  }
0x3c: {  	_ =	swait.ge [sflag:s13], $0x500  }
0x3d: {  	[sflag:s13] =	ssyncset.done $0x0  }
0x3e: {  	[sflag:s13] =	ssyncadd.s32 $0xFFFFFB00  }
0x3f: {  	_ =	swait.ge [sflag:s13], $0x500  }
0x40: {  	[sflag:s13] =	ssyncset.done $0x0  }
0x41: {  	[sflag:s13] =	ssyncadd.s32 $0xFFFFFB00  }
0x42: {  	_ =	swait.ge [sflag:s13], $0x500  }
0x43: {  	[sflag:s13] =	ssyncset.done $0x0  }
0x44: {  	[sflag:s13] =	ssyncadd.s32 $0xFFFFFB00  }
0x45: {  	_ =	swait.ge [sflag:s13], $0x500  }
0x46: {  	[sflag:s13] =	ssyncset.done $0x0  }
0x47: {  	[sflag:s13] =	ssyncadd.s32 $0xFFFFFB00  }
0x48: {  	_ =	swait.ge [sflag:s13], $0x500  }
0x49: {  	[sflag:s13] =	ssyncset.done $0x0  }
0x4a: {  	[sflag:s13] =	ssyncadd.s32 $0xFFFFFB00  }
0x4b: {  	_ =	swait.ge [sflag:s13], $0x500  }
0x4c: {  	s19 =	simm.s32 $0x640;
	p1 =	por $0x1, $0x1;
	[sflag:s13] =	ssyncset.done $0x0  }
0x4d: {  	s20 =	simm.s32 $0x1;
	s22 =	simm.s32 $0xC80;
	[sflag:s13] =	ssyncadd.s32 $0xFFFFFB00  }
0x4e: {  	[hbm4b:s9+s2] =	stream.linear.scatter [tilespmem:s17], [sflag:$0x2], $0x1900, $0x38;
	[tilespmem:$0xB220] =	vst v63  }
0x4f: {  	s23 =	smov.u32 s8;
	s18 =	sadd.s32 $0x320, s9;
	s17 =	smov.u32 s8  }
.LBB2_2:
0x50: {  	s25 =	simm.s32 @!p1 $0x2  }
0x51: {  	[hbm4b:s23+s2] =	stream.linear.scatter [tilespmem:s21], [sflag:$0x3], $0x1900, $0x38;
	[tilespmem:$0xB220] =	vst v63  }
0x52: {  	_ =	swait.ge @!p1 [sflag:s25], $0x1900  }
0x53: {  	[sflag:s25] =	ssyncset.done @!p1 $0x0  }
0x54: {  	s21 =	simm.s32 @!p1 $0x3;
	[sflag:s25] =	ssyncadd.s32 @!p1 $0xFFFFE700  }
0x55: {  	s30 =	sand.u32 $0x1, s20;
	_ =	swait.ge @!p1 [sflag:s21], $0x1900  }
0x56: {  	p2 =	seq.s32 s30, $0x1;
	s28 =	rddreg [dreg:$0x2]  }
0x57: {  	[sflag:s21] =	ssyncset.done @!p1 $0x0;
	s28 =	simm.s32 @!p2 $0x0  }
0x58: {  	s29 =	sshra.s32 s19, $0x2;
	[sflag:s21] =	ssyncadd.s32 @!p1 $0xFFFFE700;
	s25 =	sadd.s32 $0x4E20, s28  }
0x59: {  	[tilespmem:s25], [sflag:$0x1] =	stream.indirect.gather [hbm4b:s3+s12], $0x10, s29, s12, $0xb8;
	[tilespmem:$0xB220] =	vst v63  }
0x5a: {  	s30 =	sadd.s32 $0x50, s29;
	s31 =	sadd.s32 $0x5320, s28  }
0x5b: {  	[tilespmem:s31], [sflag:$0x1] =	stream.indirect.gather [hbm4b:s3+s12], $0x10, s30, s12, $0xb8;
	[tilespmem:$0xB220] =	vst v63  }
0x5c: {  	s30 =	sadd.s32 $0x5820, s28;
	s31 =	sadd.s32 $0xA0, s29  }
0x5d: {  	[tilespmem:s30], [sflag:$0x1] =	stream.indirect.gather [hbm4b:s3+s12], $0x10, s31, s12, $0xb8;
	[tilespmem:$0xB220] =	vst v63  }
0x5e: {  	s30 =	sadd.s32 $0x5D20, s28;
	s31 =	sadd.s32 $0xF0, s29  }
0x5f: {  	[tilespmem:s30], [sflag:$0x1] =	stream.indirect.gather [hbm4b:s3+s12], $0x10, s31, s12, $0xb8;
	[tilespmem:$0xB220] =	vst v63  }
0x60: {  	s30 =	sor.u32 $0x6220, s28;
	s31 =	sadd.s32 $0x140, s29  }
0x61: {  	[tilespmem:s30], [sflag:$0x1] =	stream.indirect.gather [hbm4b:s3+s12], $0x10, s31, s12, $0xb8;
	[tilespmem:$0xB220] =	vst v63  }
0x62: {  	s26 =	smov.u32 s22;
	s21 =	sor.u32 $0x8020, s28;
	s30 =	sadd.s32 $0x2710, s29  }
0x63: {  	[tilespmem:s21], [sflag:$0x1] =	stream.indirect.gather [hbm4b:s4+s12], $0x10, s30, s12, $0xb8;
	[tilespmem:$0xB220] =	vst v63  }
0x64: {  	s19 =	smov.u32 s26;
	s26 =	sadd.s32 $0x8520, s28;
	s31 =	sadd.s32 $0x2760, s29  }
0x65: {  	[tilespmem:s26], [sflag:$0x1] =	stream.indirect.gather [hbm4b:s4+s12], $0x10, s31, s12, $0xb8;
	[tilespmem:$0xB220] =	vst v63  }
0x66: {  	s26 =	sadd.s32 $0x8A20, s28;
	s31 =	sadd.s32 $0x27B0, s29  }
0x67: {  	[tilespmem:s26], [sflag:$0x1] =	stream.indirect.gather [hbm4b:s4+s12], $0x10, s31, s12, $0xb8;
	[tilespmem:$0xB220] =	vst v63  }
0x68: {  	s26 =	sadd.s32 $0x8F20, s28;
	s31 =	sadd.s32 $0x2800, s29  }
0x69: {  	[tilespmem:s26], [sflag:$0x1] =	stream.indirect.gather [hbm4b:s4+s12], $0x10, s31, s12, $0xb8;
	[tilespmem:$0xB220] =	vst v63  }
0x6a: {  	s30 =	sadd.s32 $0x9420, s28;
	s31 =	sadd.s32 $0x2850, s29  }
0x6b: {  	[tilespmem:s30], [sflag:$0x1] =	stream.indirect.gather [hbm4b:s4+s12], $0x10, s31, s12, $0xb8;
	[tilespmem:$0xB220] =	vst v63  }
0x6c: {  	_ =	swait.ge [sflag:s13], $0x500  }
0x6d: {  	[sflag:s13] =	ssyncset.done $0x0  }
0x6e: {  	[sflag:s13] =	ssyncadd.s32 $0xFFFFFB00  }
0x6f: {  	_ =	swait.ge [sflag:s13], $0x500  }
0x70: {  	[sflag:s13] =	ssyncset.done $0x0  }
0x71: {  	[sflag:s13] =	ssyncadd.s32 $0xFFFFFB00  }
0x72: {  	_ =	swait.ge [sflag:s13], $0x500  }
0x73: {  	[sflag:s13] =	ssyncset.done $0x0  }
0x74: {  	[sflag:s13] =	ssyncadd.s32 $0xFFFFFB00  }
0x75: {  	_ =	swait.ge [sflag:s13], $0x500  }
0x76: {  	[sflag:s13] =	ssyncset.done $0x0  }
0x77: {  	[sflag:s13] =	ssyncadd.s32 $0xFFFFFB00  }
0x78: {  	_ =	swait.ge [sflag:s13], $0x500  }
0x79: {  	[sflag:s13] =	ssyncset.done $0x0  }
0x7a: {  	[sflag:s13] =	ssyncadd.s32 $0xFFFFFB00  }
0x7b: {  	_ =	swait.ge [sflag:s13], $0x500  }
0x7c: {  	[sflag:s13] =	ssyncset.done $0x0  }
0x7d: {  	[sflag:s13] =	ssyncadd.s32 $0xFFFFFB00  }
0x7e: {  	_ =	swait.ge [sflag:s13], $0x500  }
0x7f: {  	[sflag:s13] =	ssyncset.done $0x0  }
0x80: {  	[sflag:s13] =	ssyncadd.s32 $0xFFFFFB00  }
0x81: {  	_ =	swait.ge [sflag:s13], $0x500  }
0x82: {  	[sflag:s13] =	ssyncset.done $0x0  }
0x83: {  	[sflag:s13] =	ssyncadd.s32 $0xFFFFFB00  }
0x84: {  	s22 =	sadd.s32 $0x640, s22;
	_ =	swait.ge [sflag:s13], $0x500  }
0x85: {  	p0 =	sne.s32 s22, $0x9C40;
	[sflag:s13] =	ssyncset.done $0x0  }
.Ltmp0:
0x86: {  	[sflag:s13] =	ssyncadd.s32 $0xFFFFFB00;
	(pc) =	sbr.rel @p0 .LBB2_2-.Ltmp0, $4  }
0x87: {  	s17 =	sadd.s32 $0x320, s17;
	s24 =	smov.u32 s18;
	_ =	swait.ge [sflag:s13], $0x500  }
0x88: {  	s20 =	sadd.s32 $0x1, s20;
	s18 =	sadd.s32 $0x320, s18;
	[sflag:s13] =	ssyncset.done $0x0  }
0x89: {  	s23 =	smov.u32 s17;
	p1 =	slt.u32 s20, $0x2;
	[sflag:s13] =	ssyncadd.s32 $0xFFFFFB00  }
0x8a: {  	[hbm4b:s24+s2] =	stream.linear.scatter [tilespmem:s25], [sflag:$0x2], $0x1900, $0x38;
	[tilespmem:$0xB220] =	vst v63  }
0x8b: {  	s22 =	simm.s32 @!p1 $0x2  }
0x8c: {  	[hbm4b:s23+s2] =	stream.linear.scatter [tilespmem:s21], [sflag:$0x3], $0x1900, $0x38;
	[tilespmem:$0xB220] =	vst v63  }
0x8d: {  	_ =	swait.ge @!p1 [sflag:s22], $0x1900  }
0x8e: {  	[sflag:s22] =	ssyncset.done @!p1 $0x0  }
0x8f: {  	s21 =	simm.s32 @!p1 $0x3;
	[sflag:s22] =	ssyncadd.s32 @!p1 $0xFFFFE700  }
0x90: {  	s20 =	sand.u32 $0x1, s20;
	_ =	swait.ge @!p1 [sflag:s21], $0x1900  }
0x91: {  	p0 =	seq.s32 s20, $0x1;
	s22 =	rddreg [dreg:$0x2]  }
0x92: {  	[sflag:s21] =	ssyncset.done @!p1 $0x0;
	s22 =	simm.s32 @!p0 $0x0  }
0x93: {  	s19 =	sshra.s32 s19, $0x2;
	[sflag:s21] =	ssyncadd.s32 @!p1 $0xFFFFE700;
	s20 =	sadd.s32 $0x4E20, s22  }
0x94: {  	[tilespmem:s20], [sflag:$0x1] =	stream.indirect.gather [hbm4b:s3+s12], $0x10, s19, s12, $0xb8;
	[tilespmem:$0xB220] =	vst v63  }
0x95: {  	s26 =	sadd.s32 $0x50, s19;
	s25 =	sadd.s32 $0x5320, s22  }
0x96: {  	[tilespmem:s25], [sflag:$0x1] =	stream.indirect.gather [hbm4b:s3+s12], $0x10, s26, s12, $0xb8;
	[tilespmem:$0xB220] =	vst v63  }
0x97: {  	s29 =	sadd.s32 $0xA0, s19;
	s28 =	sadd.s32 $0x5820, s22  }
0x98: {  	[tilespmem:s28], [sflag:$0x1] =	stream.indirect.gather [hbm4b:s3+s12], $0x10, s29, s12, $0xb8;
	[tilespmem:$0xB220] =	vst v63  }
0x99: {  	s31 =	sadd.s32 $0xF0, s19;
	s30 =	sadd.s32 $0x5D20, s22  }
0x9a: {  	[tilespmem:s30], [sflag:$0x1] =	stream.indirect.gather [hbm4b:s3+s12], $0x10, s31, s12, $0xb8;
	[tilespmem:$0xB220] =	vst v63  }
0x9b: {  	s24 =	sadd.s32 $0x140, s19;
	s23 =	sor.u32 $0x6220, s22  }
0x9c: {  	[tilespmem:s23], [sflag:$0x1] =	stream.indirect.gather [hbm4b:s3+s12], $0x10, s24, s12, $0xb8;
	[tilespmem:$0xB220] =	vst v63  }
0x9d: {  	s21 =	sor.u32 $0x8020, s22;
	s25 =	sadd.s32 $0x2710, s19  }
0x9e: {  	[tilespmem:s21], [sflag:$0x1] =	stream.indirect.gather [hbm4b:s4+s12], $0x10, s25, s12, $0xb8;
	[tilespmem:$0xB220] =	vst v63  }
0x9f: {  	s26 =	sadd.s32 $0x8520, s22;
	s24 =	sadd.s32 $0x2760, s19  }
0xa0: {  	[tilespmem:s26], [sflag:$0x1] =	stream.indirect.gather [hbm4b:s4+s12], $0x10, s24, s12, $0xb8;
	[tilespmem:$0xB220] =	vst v63  }
0xa1: {  	s28 =	sadd.s32 $0x8A20, s22;
	s29 =	sadd.s32 $0x27B0, s19  }
0xa2: {  	[tilespmem:s28], [sflag:$0x1] =	stream.indirect.gather [hbm4b:s4+s12], $0x10, s29, s12, $0xb8;
	[tilespmem:$0xB220] =	vst v63  }
0xa3: {  	s30 =	sadd.s32 $0x8F20, s22;
	s31 =	sadd.s32 $0x2800, s19  }
0xa4: {  	[tilespmem:s30], [sflag:$0x1] =	stream.indirect.gather [hbm4b:s4+s12], $0x10, s31, s12, $0xb8;
	[tilespmem:$0xB220] =	vst v63  }
0xa5: {  	s22 =	sadd.s32 $0x9420, s22;
	s19 =	sadd.s32 $0x2850, s19  }
0xa6: {  	[tilespmem:s22], [sflag:$0x1] =	stream.indirect.gather [hbm4b:s4+s12], $0x10, s19, s12, $0xb8;
	[tilespmem:$0xB220] =	vst v63  }
0xa7: {  	_ =	swait.ge [sflag:s13], $0x500  }
0xa8: {  	[sflag:s13] =	ssyncset.done $0x0  }
0xa9: {  	[sflag:s13] =	ssyncadd.s32 $0xFFFFFB00  }
0xaa: {  	_ =	swait.ge [sflag:s13], $0x500  }
0xab: {  	[sflag:s13] =	ssyncset.done $0x0  }
0xac: {  	[sflag:s13] =	ssyncadd.s32 $0xFFFFFB00  }
0xad: {  	_ =	swait.ge [sflag:s13], $0x500  }
0xae: {  	[sflag:s13] =	ssyncset.done $0x0  }
0xaf: {  	[sflag:s13] =	ssyncadd.s32 $0xFFFFFB00  }
0xb0: {  	_ =	swait.ge [sflag:s13], $0x500  }
0xb1: {  	[sflag:s13] =	ssyncset.done $0x0  }
0xb2: {  	[sflag:s13] =	ssyncadd.s32 $0xFFFFFB00  }
0xb3: {  	_ =	swait.ge [sflag:s13], $0x500  }
0xb4: {  	[sflag:s13] =	ssyncset.done $0x0  }
0xb5: {  	[sflag:s13] =	ssyncadd.s32 $0xFFFFFB00  }
0xb6: {  	_ =	swait.ge [sflag:s13], $0x500  }
0xb7: {  	[sflag:s13] =	ssyncset.done $0x0  }
0xb8: {  	[sflag:s13] =	ssyncadd.s32 $0xFFFFFB00  }
0xb9: {  	_ =	swait.ge [sflag:s13], $0x500  }
0xba: {  	[sflag:s13] =	ssyncset.done $0x0  }
0xbb: {  	[sflag:s13] =	ssyncadd.s32 $0xFFFFFB00  }
0xbc: {  	_ =	swait.ge [sflag:s13], $0x500  }
0xbd: {  	[sflag:s13] =	ssyncset.done $0x0  }
0xbe: {  	[sflag:s13] =	ssyncadd.s32 $0xFFFFFB00  }
0xbf: {  	_ =	swait.ge [sflag:s13], $0x500  }
0xc0: {  	[sflag:s13] =	ssyncset.done $0x0  }
0xc1: {  	[sflag:s13] =	ssyncadd.s32 $0xFFFFFB00  }
0xc2: {  	_ =	swait.ge [sflag:s13], $0x500  }
0xc3: {  	[sflag:s13] =	ssyncset.done $0x0  }
0xc4: {  	[sflag:s13] =	ssyncadd.s32 $0xFFFFFB00  }
0xc5: {  	[hbm4b:s18+s2] =	stream.linear.scatter [tilespmem:s20], [sflag:$0x2], $0x1900, $0x38;
	[tilespmem:$0xB220] =	vst v63  }
0xc6: {  	s17 =	sadd.s32 $0x320, s17  }
0xc7: {  	[hbm4b:s17+s2] =	stream.linear.scatter [tilespmem:s21], [sflag:$0x3], $0x1900, $0x38;
	[tilespmem:$0xB220] =	vst v63  }
0xc8: {  	_ =	swait.ge [sflag:s14], $0x1900  }
0xc9: {  	[sflag:s14] =	ssyncset.done $0x0  }
0xca: {  	[sflag:s14] =	ssyncadd.s32 $0xFFFFE700  }
0xcb: {  	_ =	swait.ge [sflag:s15], $0x1900  }
0xcc: {  	[sflag:s15] =	ssyncset.done $0x0  }
0xcd: {  	s16 =	sadd.s32 $0x1, s16;
	[sflag:s15] =	ssyncadd.s32 $0xFFFFE700  }
0xce: {  	p0 =	sne.s32 s16, s7;
	_ =	swait.ge [sflag:s14], $0x1900  }
.Ltmp1:
0xcf: {  	[sflag:s14] =	ssyncset.done $0x0;
	(pc) =	sbr.rel @p0 .LBB2_1-.Ltmp1, $4  }
0xd0: {  	[sflag:s14] =	ssyncadd.s32 $0xFFFFE700  }
0xd1: {  	_ =	swait.ge [sflag:s15], $0x1900  }
0xd2: {  	[sflag:s15] =	ssyncset.done $0x0  }
0xd3: {  	[sflag:s15] =	ssyncadd.s32 $0xFFFFE700  }
0xd4: {  	_ =	sfence.sel $0x180000  }
0xd5: {  	[bflag:$0x0] =	sbarrier.arrive $0xFFFF  }
0xd6: {  	p0 =	sne.s32 s1, $0x0;
	_ =	strace $0x90000047  }
0xd7: {  	s0 =	sadd.s32 @!p0 $0x100000, s0;
	[bflag:$0x2] =	sbarrier.arrive $0xFFFF  }
0xd8: {  	[sflag:s0] =	ssyncadd.tile.s32 @!p0 $0x1;
	_ =	shalt  }
.Lfunc_end2:
_tile_overlayer_lowered:
.L_overlay_start_2:
0xd9: {  	(tag) =	ssettag $0x2  }
0xda: {  	s0 =	rddreg [dreg:$0x0];
	s2 =	stileid.u32  }
0xdb: {  	s1 =	rddreg [dreg:$0x1];
	p0 =	sne.s32 s2, $0x0  }
0xdc: {  	s3 =	rddreg [dreg:$0x2];
	[bflag:$0x3] =	sbarrier.arrive $0xFFFF;
	s2 =	simm.s32 @!p0 $0x1C04  }
0xdd: {  	[timem:s3], [sflag:s2] =	dma.local @!p0 [hbm:s0], s1  }
0xde: {  	s0 =	simm.s32 @!p0 $0x4  }
0xdf: {  	_ =	swait.ge @!p0 [sflag:s0], s1  }
0xe0: {  	s1 =	ssub.s32 @!p0 $0x0, s1;
	[sflag:s0] =	ssyncset.done @!p0 $0x0  }
0xe1: {  	[sflag:s0] =	ssyncadd.s32 @!p0 s1  }
0xe2: {  	[bflag:$0x3] =	sbarrier.arrive $0xFFFF  }
0xe3: {  	_ =	shalt  }

// kernel: kernel.15.cloned.1.call-start
scs
__scs_entry_jumppad:
0x0: {  	(pc) =	sbr.rel $0x88, $3  }
0x1: {  	(tag) =	ssettag $0x0;
	lr =	simm.s32 $0x1  }
0x2: {  	[smem:$0x3F6D] =	sst lr;
	_ =	strace $0xD0000000  }
0x3: {  	_ = 	snop  }
0x4: {  	_ = 	snop  }
0x5: {  	_ = 	snop  }
0x6: {  	_ = 	snop  }
0x7: {  	_ = 	snop  }
__scs_overlays_trampoline_lowered:
0x8: {  	[smem:$0x3F7C] =	sst s0  }
0x9: {  	[smem:$0x3F7D] =	sst s1  }
0xa: {  	[smem:$0x3F7E] =	sst s2  }
0xb: {  	[smem:$0x3F7F] =	sst s3  }
0xc: {  	[smem:$0x3F80] =	sst s4  }
0xd: {  	[smem:$0x3F81] =	sst s5  }
0xe: {  	[smem:$0x3F82] =	sst s6  }
0xf: {  	[smem:$0x3F83] =	sst s7  }
0x10: {  	[smem:$0x3F84] =	sst s8  }
0x11: {  	[smem:$0x3F85] =	sst s9;
	s0 =	simm.s32 @!p0 $0x0  }
0x12: {  	s1 =	sld [smem:$0x3F6B];
	s0 =	simm.s32 @p0 $0x1  }
0x13: {  	[smem:$0x3F86] =	sst s0;
	s0 =	simm.s32 @!p1 $0x0  }
0x14: {  	s2 =	sld [smem:$0x3F6A];
	s0 =	simm.s32 @p1 $0x1  }
0x15: {  	[smem:$0x3F87] =	sst s0;
	s0 =	simm.s32 @!p2 $0x0  }
0x16: {  	s3 =	sld [smem:$0x3FDB];
	s0 =	simm.s32 @p2 $0x1  }
0x17: {  	s4 =	simm.s32 $0x1BF5;
	[smem:$0x3F89] =	sst s0  }
0x18: {  	s0 =	sld [smem:$0x3F6C];
	_ =	swait.ge [sflag:s4], $0x0  }
0x19: {  	s7 =	sld [smem:$0x3F6D]  }
0x1a: {  	s8 =	sadd.s32 $0xFFFFE003, lr  }
0x1b: {  	s9 =	sadd.s32 $0xFFFFFEF7, lr;
	s5 =	simm.s32 $0xFFFFFFFF;
	p2 =	slt.u32 s8, $0xFFFFF086  }
0x1c: {  	p1 =	slt.u32 s9, $0xF7A;
	s5 =	simm.s32 @!p2 $0x0  }
0x1d: {  	s5 =	simm.s32 @p1 $0x1;
	p0 =	seq.s32 s7, s2  }
0x1e: {  	s7 =	smul.u32 @!p0 $0xF7A, s2;
	p2 =	seq.s32 @!p0 s5, $0x0  }
0x1f: {  	s9 =	smul.u32 $0xF7A, s1;
	s8 =	simm.s32 @!p0 $0x1BF5;
	p2 =	por !p2, p0  }
0x20: {  	[sflag:s8] =	ssyncset.s32 @!p0 $0xFFFFF086;
	s6 =	sadd.s32 @!p0 s3, s7;
	s7 =	simm.s32 @!p0 $0x108  }
0x21: {  	s3 =	sadd.s32 s3, s9;
	s6 =	sadd.s32 @!p0 $0x88, s6;
	s7 =	simm.s32 @p2 $0x1082  }
0x22: {  	[simem:s7], [sflag:s8] =	dma.local @!p0 [hbm:s6], $0xF7A  }
0x23: {  	s9 =	sor.u32 $0xD0000000, s2;
	s6 =	simm.s32 $0x108;
	_ =	swait.ge @!p0 [sflag:s8], $0x0  }
0x24: {  	s3 =	sadd.s32 $0x88, s3;
	s6 =	simm.s32 @!p1 $0x1082;
	[sflag:s4] =	ssyncset.s32 $0xFFFFF086  }
0x25: {  	[simem:s6], [sflag:s4] =	dma.local [hbm:s3], $0xF7A  }
0x26: {  	[smem:$0x3F6D] =	sst s1;
	(tag) =	ssettag s2;
	_ =	strace s9  }
0x27: {  	s1 =	sld [smem:$0x3F7D]  }
0x28: {  	s2 =	sld [smem:$0x3F7E]  }
0x29: {  	s4 =	sld [smem:$0x3F80]  }
0x2a: {  	p0 =	seq.s32 s5, $0x0;
	s5 =	sld [smem:$0x3F81]  }
0x2b: {  	s6 =	sld [smem:$0x3F82]  }
0x2c: {  	s7 =	sld [smem:$0x3F83]  }
0x2d: {  	s3 =	simm.s32 $0x108;
	s8 =	sld [smem:$0x3F84]  }
0x2e: {  	s3 =	simm.s32 @!p0 $0x1082;
	s9 =	sld [smem:$0x3F85]  }
0x2f: {  	lr =	sadd.s32 s0, s3;
	s0 =	sld [smem:$0x3F7C]  }
0x30: {  	s3 =	sld [smem:$0x3F7F]  }
0x31: {  	[smem:$0x3F88] =	sst s10  }
0x32: {  	s10 =	sld [smem:$0x3F86];
	_ =	sdelay $0x3  }
0x33: {  	p0 =	seq.s32 s10, $0x1;
	s10 =	sld [smem:$0x3F88];
	_ =	sdelay $0x3  }
0x34: {  	[smem:$0x3F88] =	sst s10  }
0x35: {  	s10 =	sld [smem:$0x3F87];
	_ =	sdelay $0x3  }
0x36: {  	p1 =	seq.s32 s10, $0x1;
	s10 =	sld [smem:$0x3F88];
	_ =	sdelay $0x3  }
0x37: {  	[smem:$0x3F88] =	sst s10  }
0x38: {  	s10 =	sld [smem:$0x3F89]  }
0x39: {  	_ = 	snop;
	(pc) =	sbr.ind lr, $3  }
0x3a: {  	_ = 	snop  }
0x3b: {  	_ = 	snop  }
0x3c: {  	p2 =	seq.s32 s10, $0x1;
	s10 =	sld [smem:$0x3F88]  }
0x3d: {  	_ =	shalt  }
0x3e: {  	_ =	shalt  }
0x3f: {  	_ =	shalt  }
0x40: {  	_ =	shalt  }
0x41: {  	_ =	shalt  }
0x42: {  	_ =	shalt  }
0x43: {  	_ =	shalt  }
0x44: {  	_ =	shalt  }
0x45: {  	_ =	shalt  }
0x46: {  	_ =	shalt  }
0x47: {  	_ =	shalt  }
0x48: {  	_ =	shalt  }
0x49: {  	_ =	shalt  }
0x4a: {  	_ =	shalt  }
0x4b: {  	_ =	shalt  }
0x4c: {  	_ =	shalt  }
0x4d: {  	_ =	shalt  }
0x4e: {  	_ =	shalt  }
0x4f: {  	_ =	shalt  }
0x50: {  	_ =	shalt  }
0x51: {  	_ =	shalt  }
0x52: {  	_ =	shalt  }
0x53: {  	_ =	shalt  }
0x54: {  	_ =	shalt  }
0x55: {  	_ =	shalt  }
0x56: {  	_ =	shalt  }
0x57: {  	_ =	shalt  }
0x58: {  	_ =	shalt  }
0x59: {  	_ =	shalt  }
0x5a: {  	_ =	shalt  }
0x5b: {  	_ =	shalt  }
0x5c: {  	_ =	shalt  }
0x5d: {  	_ =	shalt  }
0x5e: {  	_ =	shalt  }
0x5f: {  	_ =	shalt  }
0x60: {  	_ =	shalt  }
0x61: {  	_ =	shalt  }
0x62: {  	_ =	shalt  }
0x63: {  	_ =	shalt  }
0x64: {  	_ =	shalt  }
0x65: {  	_ =	shalt  }
0x66: {  	_ =	shalt  }
0x67: {  	_ =	shalt  }
0x68: {  	_ =	shalt  }
0x69: {  	_ =	shalt  }
0x6a: {  	_ =	shalt  }
0x6b: {  	_ =	shalt  }
0x6c: {  	_ =	shalt  }
0x6d: {  	_ =	shalt  }
0x6e: {  	_ =	shalt  }
0x6f: {  	_ =	shalt  }
0x70: {  	_ =	shalt  }
0x71: {  	_ =	shalt  }
0x72: {  	_ =	shalt  }
0x73: {  	_ =	shalt  }
0x74: {  	_ =	shalt  }
0x75: {  	_ =	shalt  }
0x76: {  	_ =	shalt  }
0x77: {  	_ =	shalt  }
0x78: {  	_ =	shalt  }
0x79: {  	_ =	shalt  }
0x7a: {  	_ =	shalt  }
0x7b: {  	_ =	shalt  }
0x7c: {  	_ =	shalt  }
0x7d: {  	_ =	shalt  }
0x7e: {  	_ =	shalt  }
0x7f: {  	_ =	shalt  }
0x80: {  	_ =	shalt  }
0x81: {  	_ =	shalt  }
0x82: {  	_ =	shalt  }
0x83: {  	_ =	shalt  }
0x84: {  	_ =	shalt  }
0x85: {  	_ =	shalt  }
0x86: {  	_ =	shalt  }
0x87: {  	_ =	shalt  }
.Lfunc_end0:
.L_simem_size_0:
called_computation.1_lowered:
.L_overlay_start_0:
0x88: {  	s2 =	sld [smem:$0x3FD9]  }
0x89: {  	s3 =	sld [smem:$0x3FFE];
	_ =	sdelay $0x1  }
0x8a: {  	s1 =	srdreg.scid  }
0x8b: {  	s0 =	sand.u32 $0x1, s1  }
0x8c: {  	s16 =	sshll.u32 s0, $0xA;
	s2 =	sadd.s32 s3, s2  }
0x8d: {  	s2 =	sadd.s32 s2, s16  }
0x8e: {  	[smem:$0x3F94] =	sst s2  }
0x8f: {  	_ = 	snop  }
0x90: {  	(tm) =	ssettm $0x1  }
0x91: {  	s17 =	sld [smem:$0x3FFB];
	_ =	sdelay $0x3  }
0x92: {  	_ =	strace s17  }
0x93: {  	s2 =	sld [smem:$0x3FFC];
	_ =	sdelay $0x3  }
0x94: {  	_ =	strace s2  }
0x95: {  	s2 =	sld [smem:$0x3FFD];
	_ =	sdelay $0x3  }
0x96: {  	_ =	strace s2  }
0x97: {  	_ =	strace $0x8FFFFFFF  }
0x98: {  	s18 =	sld [smem:$0x3FDB];
	_ =	sdelay $0x1  }
0x99: {  	s19 =	simm.s32 $_scs_section_size  }
0x9a: {  	s4 =	simm.s32 $_size__tile_overlayer_lowered;
	s5 =	simm.s32 $_tile_overlayer_lowered  }
0x9b: {  	s22 =	simm.s32 $0x1BFF;
	s21 =	sshll.u32 s5, $0x1;
	s2 =	sadd.s32 s19, s18  }
0x9c: {  	s6 =	simm.s32 $0x0;
	s20 =	sshll.u32 s4, $0x1;
	s4 =	sadd.s32 s21, s2  }
0x9d: {  	[timem:s6], [sflag:s22] =	dma.local [hbm:s4], s20  }
0x9e: {  	_ =	swait.ge [sflag:s22], s20  }
0x9f: {  	s3 =	ssub.s32 $0x0, s20;
	[sflag:s22] =	ssyncset.done $0x0  }
0xa0: {  	[sflag:s22] =	ssyncadd.s32 s3;
	_ =	sdelay $0x1  }
0xa1: {  	s23 =	simm.s32 $0x1B8B  }
0xa2: {  	_ =	swait.ge [sflag:s23], $0x1  }
0xa3: {  	[sflag:s23] =	ssyncset.done $0x0  }
0xa4: {  	s25 =	simm.s32 $0x1B8E;
	s24 =	sld [smem:$0x3FFE];
	[sflag:s23] =	ssyncadd.s32 $0xFFFFFFFF  }
0xa5: {  	s26 =	simm.s32 $execute0_lowered;
	[smem:$0x3FD2] =	sst s25  }
0xa6: {  	s4 =	sshll.u32 s26, $0x1;
	_ =	strace $0x80000049;
	[dreg:$0x1] =	wrdreg $0xFFFFFFFF  }
0xa7: {  	s28 =	simm.s32 $_size_execute0_lowered;
	s2 =	sadd.s32 s2, s4;
	[dreg:$0x0] =	wrdreg $0x0  }
0xa8: {  	s4 =	sshll.u32 s28, $0x1;
	[dreg:$0x2] =	wrdreg s2  }
0xa9: {  	[dreg:$0x3] =	wrdreg s4  }
0xaa: {  	[dreg:$0x4] =	wrdreg $0xC0  }
0xab: {  	_ =	task [dreg:s6], $0x5FFFF  }
0xac: {  	[dreg:$0x1] =	wrdreg $0xFFFFFFFF  }
0xad: {  	[dreg:$0x0] =	wrdreg $0x60  }
0xae: {  	[dreg:$0x2] =	wrdreg s24  }
0xaf: {  	[dreg:$0x3] =	wrdreg $0x59100  }
0xb0: {  	[dreg:$0x4] =	wrdreg $0x9  }
0xb1: {  	_ =	task.clear_ibuf [dreg:s6], $0x5FFFF;
	_ =	strace $0x90000049  }
0xb2: {  	s29 =	simm.s32 $0x9;
	_ =	strace $0x8000004B  }
0xb3: {  	_ =	swait.ge [sflag:s29], $0x1  }
0xb4: {  	[sflag:s29] =	ssyncadd.s32 $0xFFFFFFFF  }
0xb5: {  	_ =	strace $0x9000004B  }
0xb6: {  	_ =	sfence  }
0xb7: {  	s30 =	sld [smem:$0x0];
	_ =	sdelay $0x2  }
0xb8: {  	s31 =	sshll.u32 s1, $0xD;
	s1 =	sshrl.u32 s1, $0x2  }
0xb9: {  	s3 =	sand.u32 $0x4000, s31;
	s1 =	sadd.s32 s1, s30  }
0xba: {  	s0 =	sor.u32 s3, s0;
	s1 =	sshll.u32 s1, $0x11  }
0xbb: {  	s0 =	sor.u32 s1, s0  }
0xbc: {  	s0 =	sadd.s32 $0x8F2B, s0  }
0xbd: {  	[sflag:s0] =	ssyncadd.remote.s32 $0x1  }
0xbe: {  	_ =	sfence.sel $0xFFFF  }
0xbf: {  	[dreg:$0x0] =	wrdreg $0xFFFFFFFF;
	(pc) =	sbr.abs _section_cstart, $3  }
0xc0: {  	[dreg:$0x1] =	wrdreg $0xFFFFFFFF  }
0xc1: {  	_ =	task.clear_ibuf [dreg:s6], $0x2FFFF;
	_ =	strace $0x9FFFFFFF  }
0xc2: {  	(tm) =	ssettm $0x7FFFFFFF  }
0xc3: {  	_ =	shalt  }
tec
execute0_lowered:
.L_overlay_start_1:
0x0: {  	(tag) =	ssettag $0x1  }
0x1: {  	s1 =	srdreg.scid  }
0x2: {  	s0 =	stileid.u32;
	s4 =	rddreg [dreg:$0x0]  }
0x3: {  	s2 =	rddreg [dreg:$0x1];
	s3 =	simm.s32 $0x0;
	s15 =	simm.s32 $0x50  }
0x4: {  	s16 =	simm.s32 $0x2;
	s18 =	simm.s32 $0x25D0;
	s19 =	simm.s32 $0x2C10  }
0x5: {  	s20 =	simm.s32 $0x2620;
	s21 =	simm.s32 $0x3110;
	s22 =	simm.s32 $0x2670  }
0x6: {  	s23 =	simm.s32 $0x3610;
	s24 =	simm.s32 $0x26C0;
	s25 =	simm.s32 $0x3B10  }
0x7: {  	s26 =	simm.s32 $0x0;
	s5 =	sand.u32 $0x1, s1;
	s8 =	smul.u32 $0x2800, s0  }
0x8: {  	s28 =	sshll.u32 s0, $0x1;
	[smem:$0x7FF] =	sst s3;
	s13 =	smul.u32 $0x4E20, s0  }
0x9: {  	s10 =	sadd.s32 $0x1FC00, s4;
	s30 =	sshll.u32 s0, $0x6;
	s9 =	smul.u32 $0x28000, s5  }
0xa: {  	s6 =	sor.u32 s5, s28;
	s12 =	ssub.s32 $0x2, s5;
	s5 =	smul.u32 $0x2710, s5  }
0xb: {  	_ =	strace $0x8000004A;
	s7 =	smul.u32 $0x2710, s6;
	s11 =	sshrl.u32 s8, $0x3  }
0xc: {  	s29 =	sshrl.u32 s12, $0x1;
	s14 =	sadd.s32 s8, s2;
	s31 =	smul.u32 $0x4E20, s6  }
0xd: {  	s11 =	sadd.s32 s11, s4;
	s9 =	sadd.s32 s8, s9;
	s12 =	ssub.s32 s12, s29  }
0xe: {  	s13 =	sadd.s32 s5, s13;
	s5 =	sor.u32 $0x1C03, s30;
	s7 =	sshrl.u32 s7, $0x3  }
0xf: {  	s9 =	sshrl.u32 s9, $0x3;
	s13 =	sshll.u32 s13, $0x1;
	s7 =	sadd.s32 s7, s4  }
0x10: {  	s9 =	sadd.s32 s9, s4;
	s4 =	sadd.s32 $0xBC000, s11;
	s11 =	sshrl.u32 s14, $0x3  }
0x11: {  	s14 =	simm.s32 $0x1;
	s6 =	sadd.s32 $0x15E00, s7;
	s7 =	sadd.s32 s10, s31  }
0x12: {  	s8 =	sadd.s32 $0xC1000, s9;
	s10 =	sadd.s32 s10, s13;
	s9 =	smax.u32 s12, $0x1  }
0x13: {  	s12 =	simm.s32 $0x3;
	s13 =	simm.s32 $0x2710;
	s10 =	sadd.s32 $0x320, s10  }
.LBB2_1:
0x14: {  	[spmem:s11], [sflag:s5] =	dma.local [hbm:s4], $0x500  }
0x15: {  	_ =	swait.ge [sflag:s12], $0x500  }
0x16: {  	[sflag:s12] =	ssyncset.done $0x0  }
0x17: {  	[sflag:s12] =	ssyncadd.s32 $0xFFFFFB00  }
0x18: {  	[tilespmem:s3], [sflag:$0x3] =	stream.linear.gather [hbm4b:s6+s3], $0x2710, $0x38;
	[tilespmem:$0x8110] =	vst v63  }
0x19: {  	_ =	swait.ge [sflag:s12], $0x2710  }
0x1a: {  	[sflag:s12] =	ssyncset.done $0x0  }
0x1b: {  	[sflag:s12] =	ssyncadd.s32 $0xFFFFD8F0  }
0x1c: {  	[bflag:$0x0] =	sbarrier.arrive $0xFFFF  }
0x1d: {  	[tilespmem:s13], [sflag:$0x1] =	stream.linear.gather [hbm4b:s7+s3], $0x1900, $0x38;
	[tilespmem:$0x8110] =	vst v63  }
0x1e: {  	s28 =	sand.u32 $0x1, s14;
	s29 =	simm.s32 $0x4010;
	_ =	swait.ge [sflag:s14], $0x1900  }
0x1f: {  	p0 =	seq.s32 s28, $0x1;
	s28 =	simm.s32 $0x0;
	[sflag:s14] =	ssyncset.done $0x0  }
0x20: {  	s28 =	simm.s32 @!p0 $0x1900;
	s29 =	simm.s32 @!p0 $0x2710;
	[sflag:s14] =	ssyncadd.s32 $0xFFFFE700  }
0x21: {  	[tilespmem:s29], [sflag:$0x1] =	stream.linear.gather [hbm4b:s10+s3], $0x1900, $0x38;
	[tilespmem:$0x8110] =	vst v63  }
0x22: {  	s30 =	simm.s32 $0x0;
	s29 =	sadd.s32 $0x2710, s28  }
0x23: {  	[spmem:s2] =	stream.indirect.scatter.add.f32 [tilespmem:s29], [sflag:$0x2], $0x10, s30, s15, $0xb8;
	[tilespmem:$0x8110] =	vst v63  }
0x24: {  	s29 =	sadd.s32 $0x2C10, s28;
	s30 =	simm.s32 $0x50  }
0x25: {  	[spmem:s2] =	stream.indirect.scatter.add.f32 [tilespmem:s29], [sflag:$0x2], $0x10, s30, s15, $0xb8;
	[tilespmem:$0x8110] =	vst v63  }
0x26: {  	s29 =	sadd.s32 $0x3110, s28;
	s30 =	simm.s32 $0xA0  }
0x27: {  	[spmem:s2] =	stream.indirect.scatter.add.f32 [tilespmem:s29], [sflag:$0x2], $0x10, s30, s15, $0xb8;
	[tilespmem:$0x8110] =	vst v63  }
0x28: {  	s29 =	sadd.s32 $0x3610, s28;
	s30 =	simm.s32 $0xF0  }
0x29: {  	[spmem:s2] =	stream.indirect.scatter.add.f32 [tilespmem:s29], [sflag:$0x2], $0x10, s30, s15, $0xb8;
	[tilespmem:$0x8110] =	vst v63  }
0x2a: {  	s28 =	sadd.s32 $0x3B10, s28;
	s29 =	simm.s32 $0x140  }
0x2b: {  	[spmem:s2] =	stream.indirect.scatter.add.f32 [tilespmem:s28], [sflag:$0x2], $0x10, s29, s15, $0xb8;
	[tilespmem:$0x8110] =	vst v63  }
0x2c: {  	_ =	swait.ge [sflag:s16], $0x500  }
0x2d: {  	[sflag:s16] =	ssyncset.done $0x0  }
0x2e: {  	[sflag:s16] =	ssyncadd.s32 $0xFFFFFB00  }
0x2f: {  	_ =	swait.ge [sflag:s16], $0x500  }
0x30: {  	[sflag:s16] =	ssyncset.done $0x0  }
0x31: {  	[sflag:s16] =	ssyncadd.s32 $0xFFFFFB00  }
0x32: {  	_ =	swait.ge [sflag:s16], $0x500  }
0x33: {  	[sflag:s16] =	ssyncset.done $0x0  }
0x34: {  	[sflag:s16] =	ssyncadd.s32 $0xFFFFFB00  }
0x35: {  	_ =	swait.ge [sflag:s16], $0x500  }
0x36: {  	[sflag:s16] =	ssyncset.done $0x0  }
0x37: {  	[sflag:s16] =	ssyncadd.s32 $0xFFFFFB00  }
0x38: {  	s30 =	simm.s32 $0x1;
	_ =	swait.ge [sflag:s16], $0x500  }
0x39: {  	s28 =	simm.s32 $0x640;
	s29 =	smov.u32 s10;
	[sflag:s16] =	ssyncset.done $0x0  }
.LBB2_2:
0x3a: {  	[sflag:s16] =	ssyncadd.s32 $0xFFFFFB00;
	s29 =	sadd.s32 $0x320, s29;
	s30 =	sadd.s32 $0x1, s30  }
0x3b: {  	s31 =	smov.u32 s28;
	p0 =	sne.s32 s28, $0x8FC0;
	s28 =	sadd.s32 $0x640, s28  }
0x3c: {  	s0 =	simm.s32 $0x4010;
	s1 =	sand.u32 $0x1, s30;
	_ =	swait.ge [sflag:s14], $0x1900  }
0x3d: {  	p1 =	seq.s32 s1, $0x1;
	[sflag:s14] =	ssyncset.done $0x0;
	s1 =	simm.s32 $0x0  }
0x3e: {  	s1 =	simm.s32 @!p1 $0x1900;
	[sflag:s14] =	ssyncadd.s32 $0xFFFFE700;
	s0 =	simm.s32 @!p1 $0x2710  }
0x3f: {  	[tilespmem:s0], [sflag:$0x1] =	stream.linear.gather [hbm4b:s29+s3], $0x1900, $0x38;
	[tilespmem:$0x8110] =	vst v63  }
0x40: {  	s31 =	sshra.s32 s31, $0x2;
	s0 =	sadd.s32 $0x2710, s1  }
0x41: {  	[spmem:s2] =	stream.indirect.scatter.add.f32 [tilespmem:s0], [sflag:$0x2], $0x10, s31, s15, $0xb8;
	[tilespmem:$0x8110] =	vst v63  }
0x42: {  	s17 =	sadd.s32 $0x50, s31;
	s0 =	sadd.s32 $0x2C10, s1  }
0x43: {  	[spmem:s2] =	stream.indirect.scatter.add.f32 [tilespmem:s0], [sflag:$0x2], $0x10, s17, s15, $0xb8;
	[tilespmem:$0x8110] =	vst v63  }
0x44: {  	s0 =	sadd.s32 $0x3110, s1;
	s17 =	sadd.s32 $0xA0, s31  }
0x45: {  	[spmem:s2] =	stream.indirect.scatter.add.f32 [tilespmem:s0], [sflag:$0x2], $0x10, s17, s15, $0xb8;
	[tilespmem:$0x8110] =	vst v63  }
0x46: {  	s0 =	sadd.s32 $0x3610, s1;
	s17 =	sadd.s32 $0xF0, s31  }
0x47: {  	[spmem:s2] =	stream.indirect.scatter.add.f32 [tilespmem:s0], [sflag:$0x2], $0x10, s17, s15, $0xb8;
	[tilespmem:$0x8110] =	vst v63  }
0x48: {  	s0 =	sadd.s32 $0x3B10, s1;
	s1 =	sadd.s32 $0x140, s31  }
0x49: {  	[spmem:s2] =	stream.indirect.scatter.add.f32 [tilespmem:s0], [sflag:$0x2], $0x10, s1, s15, $0xb8;
	[tilespmem:$0x8110] =	vst v63  }
0x4a: {  	_ =	swait.ge [sflag:s16], $0x500  }
0x4b: {  	[sflag:s16] =	ssyncset.done $0x0  }
0x4c: {  	[sflag:s16] =	ssyncadd.s32 $0xFFFFFB00  }
0x4d: {  	_ =	swait.ge [sflag:s16], $0x500  }
0x4e: {  	[sflag:s16] =	ssyncset.done $0x0  }
0x4f: {  	[sflag:s16] =	ssyncadd.s32 $0xFFFFFB00  }
0x50: {  	_ =	swait.ge [sflag:s16], $0x500  }
0x51: {  	[sflag:s16] =	ssyncset.done $0x0  }
0x52: {  	[sflag:s16] =	ssyncadd.s32 $0xFFFFFB00  }
.Ltmp0:
0x53: {  	_ =	swait.ge [sflag:s16], $0x500;
	(pc) =	sbr.rel @p0 .LBB2_2-.Ltmp0, $4  }
0x54: {  	[sflag:s16] =	ssyncset.done $0x0  }
0x55: {  	[sflag:s16] =	ssyncadd.s32 $0xFFFFFB00  }
0x56: {  	_ =	swait.ge [sflag:s16], $0x500  }
0x57: {  	[sflag:s16] =	ssyncset.done $0x0  }
0x58: {  	[sflag:s16] =	ssyncadd.s32 $0xFFFFFB00  }
0x59: {  	_ =	swait.ge [sflag:s14], $0x1900  }
0x5a: {  	[sflag:s14] =	ssyncset.done $0x0  }
0x5b: {  	s0 =	simm.s32 $0x2580;
	[sflag:s14] =	ssyncadd.s32 $0xFFFFE700  }
0x5c: {  	[spmem:s2] =	stream.indirect.scatter.add.f32 [tilespmem:s13], [sflag:$0x2], $0x10, s0, s15, $0xb8;
	[tilespmem:$0x8110] =	vst v63  }
0x5d: {  	_ = 	snop  }
0x5e: {  	[spmem:s2] =	stream.indirect.scatter.add.f32 [tilespmem:s19], [sflag:$0x2], $0x10, s18, s15, $0xb8;
	[tilespmem:$0x8110] =	vst v63  }
0x5f: {  	_ = 	snop  }
0x60: {  	[spmem:s2] =	stream.indirect.scatter.add.f32 [tilespmem:s21], [sflag:$0x2], $0x10, s20, s15, $0xb8;
	[tilespmem:$0x8110] =	vst v63  }
0x61: {  	_ = 	snop  }
0x62: {  	[spmem:s2] =	stream.indirect.scatter.add.f32 [tilespmem:s23], [sflag:$0x2], $0x10, s22, s15, $0xb8;
	[tilespmem:$0x8110] =	vst v63  }
0x63: {  	_ = 	snop  }
0x64: {  	[spmem:s2] =	stream.indirect.scatter.add.f32 [tilespmem:s25], [sflag:$0x2], $0x10, s24, s15, $0xb8;
	[tilespmem:$0x8110] =	vst v63  }
0x65: {  	_ =	swait.ge [sflag:s16], $0x500  }
0x66: {  	[sflag:s16] =	ssyncset.done $0x0  }
0x67: {  	[sflag:s16] =	ssyncadd.s32 $0xFFFFFB00  }
0x68: {  	_ =	swait.ge [sflag:s16], $0x500  }
0x69: {  	[sflag:s16] =	ssyncset.done $0x0  }
0x6a: {  	[sflag:s16] =	ssyncadd.s32 $0xFFFFFB00  }
0x6b: {  	_ =	swait.ge [sflag:s16], $0x500  }
0x6c: {  	[sflag:s16] =	ssyncset.done $0x0  }
0x6d: {  	[sflag:s16] =	ssyncadd.s32 $0xFFFFFB00  }
0x6e: {  	_ =	swait.ge [sflag:s16], $0x500  }
0x6f: {  	[sflag:s16] =	ssyncset.done $0x0  }
0x70: {  	[sflag:s16] =	ssyncadd.s32 $0xFFFFFB00  }
0x71: {  	_ =	swait.ge [sflag:s16], $0x500  }
0x72: {  	s26 =	sadd.s32 $0x1, s26;
	[sflag:s16] =	ssyncset.done $0x0  }
0x73: {  	p0 =	sne.s32 s26, s9;
	[sflag:s16] =	ssyncadd.s32 $0xFFFFFB00  }
.Ltmp1:
0x74: {  	[bflag:$0x0] =	sbarrier.arrive $0xFFFF;
	(pc) =	sbr.rel @p0 .LBB2_1-.Ltmp1, $4  }
0x75: {  	[hbm:s8], [sflag:s5] =	dma.local [spmem:s11], $0x500  }
0x76: {  	_ =	swait.ge [sflag:s12], $0x500  }
0x77: {  	[sflag:s12] =	ssyncset.done $0x0  }
0x78: {  	[sflag:s12] =	ssyncadd.s32 $0xFFFFFB00  }
0x79: {  	_ =	sfence.sel $0x180000  }
0x7a: {  	[bflag:$0x0] =	sbarrier.arrive $0xFFFF  }
0x7b: {  	_ =	strace $0x9000004A  }
0x7c: {  	s0 =	stileid.u32;
	[bflag:$0x2] =	sbarrier.arrive $0xFFFF  }
0x7d: {  	p0 =	sne.s32 s0, $0x0;
	s0 =	rddreg [dreg:$0x2]  }
0x7e: {  	s0 =	sadd.s32 @!p0 $0x100000, s0  }
0x7f: {  	[sflag:s0] =	ssyncadd.tile.s32 @!p0 $0x1;
	_ =	shalt  }
.Lfunc_end2:
_tile_overlayer_lowered:
.L_overlay_start_2:
0x80: {  	(tag) =	ssettag $0x2  }
0x81: {  	s0 =	rddreg [dreg:$0x0];
	s2 =	stileid.u32  }
0x82: {  	s1 =	rddreg [dreg:$0x1];
	p0 =	sne.s32 s2, $0x0  }
0x83: {  	s3 =	rddreg [dreg:$0x2];
	[bflag:$0x3] =	sbarrier.arrive $0xFFFF;
	s2 =	simm.s32 @!p0 $0x1C03  }
0x84: {  	[timem:s3], [sflag:s2] =	dma.local @!p0 [hbm:s0], s1  }
0x85: {  	s0 =	simm.s32 @!p0 $0x3  }
0x86: {  	_ =	swait.ge @!p0 [sflag:s0], s1  }
0x87: {  	s1 =	ssub.s32 @!p0 $0x0, s1;
	[sflag:s0] =	ssyncset.done @!p0 $0x0  }
0x88: {  	[sflag:s0] =	ssyncadd.s32 @!p0 s1  }
0x89: {  	[bflag:$0x3] =	sbarrier.arrive $0xFFFF  }
0x8a: {  	_ =	shalt  }

// kernel: kernel.18.cloned.1.call-start
scs
__scs_entry_jumppad:
0x0: {  	(pc) =	sbr.rel $0x88, $3  }
0x1: {  	(tag) =	ssettag $0x0;
	lr =	simm.s32 $0x1  }
0x2: {  	[smem:$0x3F6D] =	sst lr;
	_ =	strace $0xD0000000  }
0x3: {  	_ = 	snop  }
0x4: {  	_ = 	snop  }
0x5: {  	_ = 	snop  }
0x6: {  	_ = 	snop  }
0x7: {  	_ = 	snop  }
__scs_overlays_trampoline_lowered:
0x8: {  	[smem:$0x3F7C] =	sst s0  }
0x9: {  	[smem:$0x3F7D] =	sst s1  }
0xa: {  	[smem:$0x3F7E] =	sst s2  }
0xb: {  	[smem:$0x3F7F] =	sst s3  }
0xc: {  	[smem:$0x3F80] =	sst s4  }
0xd: {  	[smem:$0x3F81] =	sst s5  }
0xe: {  	[smem:$0x3F82] =	sst s6  }
0xf: {  	[smem:$0x3F83] =	sst s7  }
0x10: {  	[smem:$0x3F84] =	sst s8  }
0x11: {  	[smem:$0x3F85] =	sst s9;
	s0 =	simm.s32 @!p0 $0x0  }
0x12: {  	s1 =	sld [smem:$0x3F6B];
	s0 =	simm.s32 @p0 $0x1  }
0x13: {  	[smem:$0x3F86] =	sst s0;
	s0 =	simm.s32 @!p1 $0x0  }
0x14: {  	s2 =	sld [smem:$0x3F6A];
	s0 =	simm.s32 @p1 $0x1  }
0x15: {  	[smem:$0x3F87] =	sst s0;
	s0 =	simm.s32 @!p2 $0x0  }
0x16: {  	s3 =	sld [smem:$0x3FDB];
	s0 =	simm.s32 @p2 $0x1  }
0x17: {  	s4 =	simm.s32 $0x1BF5;
	[smem:$0x3F89] =	sst s0  }
0x18: {  	s0 =	sld [smem:$0x3F6C];
	_ =	swait.ge [sflag:s4], $0x0  }
0x19: {  	s7 =	sld [smem:$0x3F6D]  }
0x1a: {  	s8 =	sadd.s32 $0xFFFFE003, lr  }
0x1b: {  	s9 =	sadd.s32 $0xFFFFFEF7, lr;
	s5 =	simm.s32 $0xFFFFFFFF;
	p2 =	slt.u32 s8, $0xFFFFF086  }
0x1c: {  	p1 =	slt.u32 s9, $0xF7A;
	s5 =	simm.s32 @!p2 $0x0  }
0x1d: {  	s5 =	simm.s32 @p1 $0x1;
	p0 =	seq.s32 s7, s2  }
0x1e: {  	s7 =	smul.u32 @!p0 $0xF7A, s2;
	p2 =	seq.s32 @!p0 s5, $0x0  }
0x1f: {  	s9 =	smul.u32 $0xF7A, s1;
	s8 =	simm.s32 @!p0 $0x1BF5;
	p2 =	por !p2, p0  }
0x20: {  	[sflag:s8] =	ssyncset.s32 @!p0 $0xFFFFF086;
	s6 =	sadd.s32 @!p0 s3, s7;
	s7 =	simm.s32 @!p0 $0x108  }
0x21: {  	s3 =	sadd.s32 s3, s9;
	s6 =	sadd.s32 @!p0 $0x88, s6;
	s7 =	simm.s32 @p2 $0x1082  }
0x22: {  	[simem:s7], [sflag:s8] =	dma.local @!p0 [hbm:s6], $0xF7A  }
0x23: {  	s9 =	sor.u32 $0xD0000000, s2;
	s6 =	simm.s32 $0x108;
	_ =	swait.ge @!p0 [sflag:s8], $0x0  }
0x24: {  	s3 =	sadd.s32 $0x88, s3;
	s6 =	simm.s32 @!p1 $0x1082;
	[sflag:s4] =	ssyncset.s32 $0xFFFFF086  }
0x25: {  	[simem:s6], [sflag:s4] =	dma.local [hbm:s3], $0xF7A  }
0x26: {  	[smem:$0x3F6D] =	sst s1;
	(tag) =	ssettag s2;
	_ =	strace s9  }
0x27: {  	s1 =	sld [smem:$0x3F7D]  }
0x28: {  	s2 =	sld [smem:$0x3F7E]  }
0x29: {  	s4 =	sld [smem:$0x3F80]  }
0x2a: {  	p0 =	seq.s32 s5, $0x0;
	s5 =	sld [smem:$0x3F81]  }
0x2b: {  	s6 =	sld [smem:$0x3F82]  }
0x2c: {  	s7 =	sld [smem:$0x3F83]  }
0x2d: {  	s3 =	simm.s32 $0x108;
	s8 =	sld [smem:$0x3F84]  }
0x2e: {  	s3 =	simm.s32 @!p0 $0x1082;
	s9 =	sld [smem:$0x3F85]  }
0x2f: {  	lr =	sadd.s32 s0, s3;
	s0 =	sld [smem:$0x3F7C]  }
0x30: {  	s3 =	sld [smem:$0x3F7F]  }
0x31: {  	[smem:$0x3F88] =	sst s10  }
0x32: {  	s10 =	sld [smem:$0x3F86];
	_ =	sdelay $0x3  }
0x33: {  	p0 =	seq.s32 s10, $0x1;
	s10 =	sld [smem:$0x3F88];
	_ =	sdelay $0x3  }
0x34: {  	[smem:$0x3F88] =	sst s10  }
0x35: {  	s10 =	sld [smem:$0x3F87];
	_ =	sdelay $0x3  }
0x36: {  	p1 =	seq.s32 s10, $0x1;
	s10 =	sld [smem:$0x3F88];
	_ =	sdelay $0x3  }
0x37: {  	[smem:$0x3F88] =	sst s10  }
0x38: {  	s10 =	sld [smem:$0x3F89]  }
0x39: {  	_ = 	snop;
	(pc) =	sbr.ind lr, $3  }
0x3a: {  	_ = 	snop  }
0x3b: {  	_ = 	snop  }
0x3c: {  	p2 =	seq.s32 s10, $0x1;
	s10 =	sld [smem:$0x3F88]  }
0x3d: {  	_ =	shalt  }
0x3e: {  	_ =	shalt  }
0x3f: {  	_ =	shalt  }
0x40: {  	_ =	shalt  }
0x41: {  	_ =	shalt  }
0x42: {  	_ =	shalt  }
0x43: {  	_ =	shalt  }
0x44: {  	_ =	shalt  }
0x45: {  	_ =	shalt  }
0x46: {  	_ =	shalt  }
0x47: {  	_ =	shalt  }
0x48: {  	_ =	shalt  }
0x49: {  	_ =	shalt  }
0x4a: {  	_ =	shalt  }
0x4b: {  	_ =	shalt  }
0x4c: {  	_ =	shalt  }
0x4d: {  	_ =	shalt  }
0x4e: {  	_ =	shalt  }
0x4f: {  	_ =	shalt  }
0x50: {  	_ =	shalt  }
0x51: {  	_ =	shalt  }
0x52: {  	_ =	shalt  }
0x53: {  	_ =	shalt  }
0x54: {  	_ =	shalt  }
0x55: {  	_ =	shalt  }
0x56: {  	_ =	shalt  }
0x57: {  	_ =	shalt  }
0x58: {  	_ =	shalt  }
0x59: {  	_ =	shalt  }
0x5a: {  	_ =	shalt  }
0x5b: {  	_ =	shalt  }
0x5c: {  	_ =	shalt  }
0x5d: {  	_ =	shalt  }
0x5e: {  	_ =	shalt  }
0x5f: {  	_ =	shalt  }
0x60: {  	_ =	shalt  }
0x61: {  	_ =	shalt  }
0x62: {  	_ =	shalt  }
0x63: {  	_ =	shalt  }
0x64: {  	_ =	shalt  }
0x65: {  	_ =	shalt  }
0x66: {  	_ =	shalt  }
0x67: {  	_ =	shalt  }
0x68: {  	_ =	shalt  }
0x69: {  	_ =	shalt  }
0x6a: {  	_ =	shalt  }
0x6b: {  	_ =	shalt  }
0x6c: {  	_ =	shalt  }
0x6d: {  	_ =	shalt  }
0x6e: {  	_ =	shalt  }
0x6f: {  	_ =	shalt  }
0x70: {  	_ =	shalt  }
0x71: {  	_ =	shalt  }
0x72: {  	_ =	shalt  }
0x73: {  	_ =	shalt  }
0x74: {  	_ =	shalt  }
0x75: {  	_ =	shalt  }
0x76: {  	_ =	shalt  }
0x77: {  	_ =	shalt  }
0x78: {  	_ =	shalt  }
0x79: {  	_ =	shalt  }
0x7a: {  	_ =	shalt  }
0x7b: {  	_ =	shalt  }
0x7c: {  	_ =	shalt  }
0x7d: {  	_ =	shalt  }
0x7e: {  	_ =	shalt  }
0x7f: {  	_ =	shalt  }
0x80: {  	_ =	shalt  }
0x81: {  	_ =	shalt  }
0x82: {  	_ =	shalt  }
0x83: {  	_ =	shalt  }
0x84: {  	_ =	shalt  }
0x85: {  	_ =	shalt  }
0x86: {  	_ =	shalt  }
0x87: {  	_ =	shalt  }
.Lfunc_end0:
.L_simem_size_0:
called_computation.2_lowered:
.L_overlay_start_0:
0x88: {  	s2 =	sld [smem:$0x3FD9]  }
0x89: {  	s3 =	sld [smem:$0x3FFE];
	_ =	sdelay $0x1  }
0x8a: {  	s1 =	srdreg.scid  }
0x8b: {  	s0 =	sand.u32 $0x1, s1  }
0x8c: {  	s16 =	sshll.u32 s0, $0xA;
	s2 =	sadd.s32 s3, s2  }
0x8d: {  	s2 =	sadd.s32 s2, s16  }
0x8e: {  	[smem:$0x3F94] =	sst s2  }
0x8f: {  	_ = 	snop  }
0x90: {  	(tm) =	ssettm $0x1  }
0x91: {  	s17 =	sld [smem:$0x3FFB];
	_ =	sdelay $0x3  }
0x92: {  	_ =	strace s17  }
0x93: {  	s2 =	sld [smem:$0x3FFC];
	_ =	sdelay $0x3  }
0x94: {  	_ =	strace s2  }
0x95: {  	s2 =	sld [smem:$0x3FFD];
	_ =	sdelay $0x3  }
0x96: {  	_ =	strace s2  }
0x97: {  	_ =	strace $0x8FFFFFFF  }
0x98: {  	s18 =	sld [smem:$0x3FDB];
	_ =	sdelay $0x1  }
0x99: {  	s19 =	simm.s32 $_scs_section_size  }
0x9a: {  	s4 =	simm.s32 $_size__tile_overlayer_lowered;
	s5 =	simm.s32 $_tile_overlayer_lowered  }
0x9b: {  	s22 =	simm.s32 $0x1BFF;
	s21 =	sshll.u32 s5, $0x1;
	s2 =	sadd.s32 s19, s18  }
0x9c: {  	s6 =	simm.s32 $0x0;
	s20 =	sshll.u32 s4, $0x1;
	s4 =	sadd.s32 s21, s2  }
0x9d: {  	[timem:s6], [sflag:s22] =	dma.local [hbm:s4], s20  }
0x9e: {  	_ =	swait.ge [sflag:s22], s20  }
0x9f: {  	s3 =	ssub.s32 $0x0, s20;
	[sflag:s22] =	ssyncset.done $0x0  }
0xa0: {  	[sflag:s22] =	ssyncadd.s32 s3;
	_ =	sdelay $0x1  }
0xa1: {  	s23 =	simm.s32 $0x1B8B  }
0xa2: {  	_ =	swait.ge [sflag:s23], $0x1  }
0xa3: {  	[sflag:s23] =	ssyncset.done $0x0  }
0xa4: {  	s25 =	simm.s32 $0x1B8E;
	s24 =	sld [smem:$0x3FFE];
	[sflag:s23] =	ssyncadd.s32 $0xFFFFFFFF  }
0xa5: {  	s26 =	simm.s32 $execute0_lowered;
	[smem:$0x3FD2] =	sst s25  }
0xa6: {  	s4 =	sshll.u32 s26, $0x1;
	_ =	strace $0x8000004C;
	[dreg:$0x1] =	wrdreg $0xFFFFFFFF  }
0xa7: {  	s28 =	simm.s32 $_size_execute0_lowered;
	s2 =	sadd.s32 s2, s4;
	[dreg:$0x0] =	wrdreg $0x0  }
0xa8: {  	s4 =	sshll.u32 s28, $0x1;
	[dreg:$0x2] =	wrdreg s2  }
0xa9: {  	[dreg:$0x3] =	wrdreg s4  }
0xaa: {  	[dreg:$0x4] =	wrdreg $0xC0  }
0xab: {  	_ =	task [dreg:s6], $0x5FFFF  }
0xac: {  	[dreg:$0x1] =	wrdreg $0xFFFFFFFF  }
0xad: {  	[dreg:$0x0] =	wrdreg $0x60  }
0xae: {  	[dreg:$0x2] =	wrdreg s24  }
0xaf: {  	[dreg:$0x3] =	wrdreg $0x9  }
0xb0: {  	_ =	task.clear_ibuf [dreg:s6], $0x4FFFF;
	_ =	strace $0x9000004C  }
0xb1: {  	s29 =	simm.s32 $0x9;
	_ =	strace $0x8000004E  }
0xb2: {  	_ =	swait.ge [sflag:s29], $0x1  }
0xb3: {  	[sflag:s29] =	ssyncadd.s32 $0xFFFFFFFF  }
0xb4: {  	_ =	strace $0x9000004E  }
0xb5: {  	_ =	sfence  }
0xb6: {  	s30 =	sld [smem:$0x0];
	_ =	sdelay $0x2  }
0xb7: {  	s31 =	sshll.u32 s1, $0xD;
	s1 =	sshrl.u32 s1, $0x2  }
0xb8: {  	s3 =	sand.u32 $0x4000, s31;
	s1 =	sadd.s32 s1, s30  }
0xb9: {  	s0 =	sor.u32 s3, s0;
	s1 =	sshll.u32 s1, $0x11  }
0xba: {  	s0 =	sor.u32 s1, s0  }
0xbb: {  	s0 =	sadd.s32 $0x8F2B, s0  }
0xbc: {  	[sflag:s0] =	ssyncadd.remote.s32 $0x1  }
0xbd: {  	_ =	sfence.sel $0xFFFF  }
0xbe: {  	[dreg:$0x0] =	wrdreg $0xFFFFFFFF;
	(pc) =	sbr.abs _section_cstart, $3  }
0xbf: {  	[dreg:$0x1] =	wrdreg $0xFFFFFFFF  }
0xc0: {  	_ =	task.clear_ibuf [dreg:s6], $0x2FFFF;
	_ =	strace $0x9FFFFFFF  }
0xc1: {  	(tm) =	ssettm $0x7FFFFFFF  }
tec
execute0_lowered:
.L_overlay_start_1:
0x0: {  	(tag) =	ssettag $0x1  }
0x1: {  	s5 =	rddreg [dreg:$0x0]  }
0x2: {  	s0 =	rddreg [dreg:$0x1];
	s3 =	srdreg.scid  }
0x3: {  	s1 =	stileid.u32;
	s2 =	simm.s32 $0x0;
	s12 =	simm.s32 $0x1900  }
0x4: {  	s13 =	simm.s32 $0x1;
	s14 =	simm.s32 $0x2;
	s15 =	simm.s32 $0x3  }
0x5: {  	s16 =	simm.s32 $0x0;
	s6 =	sand.u32 $0x1, s3;
	s26 =	sshll.u32 s1, $0x1  }
0x6: {  	[smem:$0x7FF] =	sst s2;
	s3 =	sadd.s32 $0x1FC00, s5;
	s8 =	smul.u32 $0x9C40, s1  }
0x7: {  	s4 =	sor.u32 s6, s26;
	_ =	strace $0x8000004D;
	s9 =	ssub.s32 $0x2, s6  }
0x8: {  	s11 =	smul.u32 $0x4E20, s6;
	[dreg:$0x2] =	wrdreg s12;
	s12 =	simm.s32 $0x50  }
0x9: {  	s7 =	smul.u32 $0x2710, s4;
	s10 =	sshrl.u32 s9, $0x1;
	s29 =	sadd.s32 s8, s5  }
0xa: {  	s4 =	sadd.s32 $0x24C00, s5;
	s30 =	ssub.s32 s9, s10;
	s31 =	sadd.s32 s11, s29  }
0xb: {  	s10 =	simm.s32 $0x4;
	s11 =	simm.s32 $0x2710;
	s7 =	sshrl.u32 s7, $0x3  }
0xc: {  	s8 =	sadd.s32 $0x1FE800, s31;
	s9 =	sadd.s32 $0xC1000, s31;
	s28 =	sadd.s32 s7, s5  }
0xd: {  	s7 =	smax.u32 s30, $0x1;
	s5 =	sadd.s32 $0xC000, s28;
	s6 =	sadd.s32 $0x15E00, s28  }
.LBB2_1:
0xe: {  	[tilespmem:s2], [sflag:$0x4] =	stream.linear.gather [hbm4b:s5+s2], $0x2710, $0x38;
	[tilespmem:$0xB220] =	vst v63  }
0xf: {  	_ =	swait.ge [sflag:s10], $0x2710  }
0x10: {  	[sflag:s10] =	ssyncset.done $0x0  }
0x11: {  	[sflag:s10] =	ssyncadd.s32 $0xFFFFD8F0  }
0x12: {  	[tilespmem:s11], [sflag:$0x4] =	stream.linear.gather [hbm4b:s6+s2], $0x2710, $0x38;
	[tilespmem:$0xB220] =	vst v63  }
0x13: {  	_ =	swait.ge [sflag:s10], $0x2710  }
0x14: {  	p0 =	por $0x1, $0x1;
	[sflag:s10] =	ssyncset.done $0x0  }
0x15: {  	s17 =	simm.s32 @!p0 $0x2;
	[sflag:s10] =	ssyncadd.s32 $0xFFFFD8F0  }
0x16: {  	_ =	swait.ge @!p0 [sflag:s17], $0x1900  }
0x17: {  	[sflag:s17] =	ssyncset.done @!p0 $0x0  }
0x18: {  	[sflag:s17] =	ssyncadd.s32 @!p0 $0xFFFFE700;
	s17 =	simm.s32 @!p0 $0x3  }
0x19: {  	s19 =	sand.u32 $0x1, s2;
	_ =	swait.ge @!p0 [sflag:s17], $0x1900  }
0x1a: {  	p1 =	seq.s32 s19, $0x1;
	s18 =	rddreg [dreg:$0x2]  }
0x1b: {  	[sflag:s17] =	ssyncset.done @!p0 $0x0;
	s18 =	simm.s32 @!p1 $0x0  }
0x1c: {  	s25 =	simm.s32 $0x0;
	[sflag:s17] =	ssyncadd.s32 @!p0 $0xFFFFE700;
	s17 =	sadd.s32 $0x4E20, s18  }
0x1d: {  	[tilespmem:s17], [sflag:$0x1] =	stream.indirect.gather [hbm4b:s3+s12], $0x10, s25, s12, $0xb8;
	[tilespmem:$0xB220] =	vst v63  }
0x1e: {  	s20 =	simm.s32 $0x50;
	s26 =	sadd.s32 $0x5320, s18  }
0x1f: {  	[tilespmem:s26], [sflag:$0x1] =	stream.indirect.gather [hbm4b:s3+s12], $0x10, s20, s12, $0xb8;
	[tilespmem:$0xB220] =	vst v63  }
0x20: {  	s29 =	simm.s32 $0xA0;
	s28 =	sadd.s32 $0x5820, s18  }
0x21: {  	[tilespmem:s28], [sflag:$0x1] =	stream.indirect.gather [hbm4b:s3+s12], $0x10, s29, s12, $0xb8;
	[tilespmem:$0xB220] =	vst v63  }
0x22: {  	s31 =	simm.s32 $0xF0;
	s30 =	sadd.s32 $0x5D20, s18  }
0x23: {  	[tilespmem:s30], [sflag:$0x1] =	stream.indirect.gather [hbm4b:s3+s12], $0x10, s31, s12, $0xb8;
	[tilespmem:$0xB220] =	vst v63  }
0x24: {  	s22 =	simm.s32 $0x140;
	s21 =	sor.u32 $0x6220, s18  }
0x25: {  	[tilespmem:s21], [sflag:$0x1] =	stream.indirect.gather [hbm4b:s3+s12], $0x10, s22, s12, $0xb8;
	[tilespmem:$0xB220] =	vst v63  }
0x26: {  	s23 =	simm.s32 $0x2710;
	s21 =	sor.u32 $0x8020, s18  }
0x27: {  	[tilespmem:s21], [sflag:$0x1] =	stream.indirect.gather [hbm4b:s4+s12], $0x10, s23, s12, $0xb8;
	[tilespmem:$0xB220] =	vst v63  }
0x28: {  	s24 =	sadd.s32 $0x8520, s18;
	s25 =	simm.s32 $0x2760  }
0x29: {  	[tilespmem:s24], [sflag:$0x1] =	stream.indirect.gather [hbm4b:s4+s12], $0x10, s25, s12, $0xb8;
	[tilespmem:$0xB220] =	vst v63  }
0x2a: {  	s26 =	sadd.s32 $0x8A20, s18;
	s28 =	simm.s32 $0x27B0  }
0x2b: {  	[tilespmem:s26], [sflag:$0x1] =	stream.indirect.gather [hbm4b:s4+s12], $0x10, s28, s12, $0xb8;
	[tilespmem:$0xB220] =	vst v63  }
0x2c: {  	s29 =	sadd.s32 $0x8F20, s18;
	s30 =	simm.s32 $0x2800  }
0x2d: {  	[tilespmem:s29], [sflag:$0x1] =	stream.indirect.gather [hbm4b:s4+s12], $0x10, s30, s12, $0xb8;
	[tilespmem:$0xB220] =	vst v63  }
0x2e: {  	s31 =	simm.s32 $0x2850;
	s18 =	sadd.s32 $0x9420, s18  }
0x2f: {  	[tilespmem:s18], [sflag:$0x1] =	stream.indirect.gather [hbm4b:s4+s12], $0x10, s31, s12, $0xb8;
	[tilespmem:$0xB220] =	vst v63  }
0x30: {  	_ =	swait.ge [sflag:s13], $0x500  }
0x31: {  	[sflag:s13] =	ssyncset.done $0x0  }
0x32: {  	[sflag:s13] =	ssyncadd.s32 $0xFFFFFB00  }
0x33: {  	_ =	swait.ge [sflag:s13], $0x500  }
0x34: {  	[sflag:s13] =	ssyncset.done $0x0  }
0x35: {  	[sflag:s13] =	ssyncadd.s32 $0xFFFFFB00  }
0x36: {  	_ =	swait.ge [sflag:s13], $0x500  }
0x37: {  	[sflag:s13] =	ssyncset.done $0x0  }
0x38: {  	[sflag:s13] =	ssyncadd.s32 $0xFFFFFB00  }
0x39: {  	_ =	swait.ge [sflag:s13], $0x500  }
0x3a: {  	[sflag:s13] =	ssyncset.done $0x0  }
0x3b: {  	[sflag:s13] =	ssyncadd.s32 $0xFFFFFB00  }
0x3c: {  	_ =	swait.ge [sflag:s13], $0x500  }
0x3d: {  	[sflag:s13] =	ssyncset.done $0x0  }
0x3e: {  	[sflag:s13] =	ssyncadd.s32 $0xFFFFFB00  }
0x3f: {  	_ =	swait.ge [sflag:s13], $0x500  }
0x40: {  	[sflag:s13] =	ssyncset.done $0x0  }
0x41: {  	[sflag:s13] =	ssyncadd.s32 $0xFFFFFB00  }
0x42: {  	_ =	swait.ge [sflag:s13], $0x500  }
0x43: {  	[sflag:s13] =	ssyncset.done $0x0  }
0x44: {  	[sflag:s13] =	ssyncadd.s32 $0xFFFFFB00  }
0x45: {  	_ =	swait.ge [sflag:s13], $0x500  }
0x46: {  	[sflag:s13] =	ssyncset.done $0x0  }
0x47: {  	[sflag:s13] =	ssyncadd.s32 $0xFFFFFB00  }
0x48: {  	_ =	swait.ge [sflag:s13], $0x500  }
0x49: {  	[sflag:s13] =	ssyncset.done $0x0  }
0x4a: {  	[sflag:s13] =	ssyncadd.s32 $0xFFFFFB00  }
0x4b: {  	_ =	swait.ge [sflag:s13], $0x500  }
0x4c: {  	s19 =	simm.s32 $0x640;
	p1 =	por $0x1, $0x1;
	[sflag:s13] =	ssyncset.done $0x0  }
0x4d: {  	s20 =	simm.s32 $0x1;
	s22 =	simm.s32 $0xC80;
	[sflag:s13] =	ssyncadd.s32 $0xFFFFFB00  }
0x4e: {  	[hbm4b:s9+s2] =	stream.linear.scatter [tilespmem:s17], [sflag:$0x2], $0x1900, $0x38;
	[tilespmem:$0xB220] =	vst v63  }
0x4f: {  	s23 =	smov.u32 s8;
	s18 =	sadd.s32 $0x320, s9;
	s17 =	smov.u32 s8  }
.LBB2_2:
0x50: {  	s25 =	simm.s32 @!p1 $0x2  }
0x51: {  	[hbm4b:s23+s2] =	stream.linear.scatter [tilespmem:s21], [sflag:$0x3], $0x1900, $0x38;
	[tilespmem:$0xB220] =	vst v63  }
0x52: {  	_ =	swait.ge @!p1 [sflag:s25], $0x1900  }
0x53: {  	[sflag:s25] =	ssyncset.done @!p1 $0x0  }
0x54: {  	s21 =	simm.s32 @!p1 $0x3;
	[sflag:s25] =	ssyncadd.s32 @!p1 $0xFFFFE700  }
0x55: {  	s30 =	sand.u32 $0x1, s20;
	_ =	swait.ge @!p1 [sflag:s21], $0x1900  }
0x56: {  	p2 =	seq.s32 s30, $0x1;
	s28 =	rddreg [dreg:$0x2]  }
0x57: {  	[sflag:s21] =	ssyncset.done @!p1 $0x0;
	s28 =	simm.s32 @!p2 $0x0  }
0x58: {  	s29 =	sshra.s32 s19, $0x2;
	[sflag:s21] =	ssyncadd.s32 @!p1 $0xFFFFE700;
	s25 =	sadd.s32 $0x4E20, s28  }
0x59: {  	[tilespmem:s25], [sflag:$0x1] =	stream.indirect.gather [hbm4b:s3+s12], $0x10, s29, s12, $0xb8;
	[tilespmem:$0xB220] =	vst v63  }
0x5a: {  	s30 =	sadd.s32 $0x50, s29;
	s31 =	sadd.s32 $0x5320, s28  }
0x5b: {  	[tilespmem:s31], [sflag:$0x1] =	stream.indirect.gather [hbm4b:s3+s12], $0x10, s30, s12, $0xb8;
	[tilespmem:$0xB220] =	vst v63  }
0x5c: {  	s30 =	sadd.s32 $0x5820, s28;
	s31 =	sadd.s32 $0xA0, s29  }
0x5d: {  	[tilespmem:s30], [sflag:$0x1] =	stream.indirect.gather [hbm4b:s3+s12], $0x10, s31, s12, $0xb8;
	[tilespmem:$0xB220] =	vst v63  }
0x5e: {  	s30 =	sadd.s32 $0x5D20, s28;
	s31 =	sadd.s32 $0xF0, s29  }
0x5f: {  	[tilespmem:s30], [sflag:$0x1] =	stream.indirect.gather [hbm4b:s3+s12], $0x10, s31, s12, $0xb8;
	[tilespmem:$0xB220] =	vst v63  }
0x60: {  	s30 =	sor.u32 $0x6220, s28;
	s31 =	sadd.s32 $0x140, s29  }
0x61: {  	[tilespmem:s30], [sflag:$0x1] =	stream.indirect.gather [hbm4b:s3+s12], $0x10, s31, s12, $0xb8;
	[tilespmem:$0xB220] =	vst v63  }
0x62: {  	s26 =	smov.u32 s22;
	s21 =	sor.u32 $0x8020, s28;
	s30 =	sadd.s32 $0x2710, s29  }
0x63: {  	[tilespmem:s21], [sflag:$0x1] =	stream.indirect.gather [hbm4b:s4+s12], $0x10, s30, s12, $0xb8;
	[tilespmem:$0xB220] =	vst v63  }
0x64: {  	s19 =	smov.u32 s26;
	s26 =	sadd.s32 $0x8520, s28;
	s31 =	sadd.s32 $0x2760, s29  }
0x65: {  	[tilespmem:s26], [sflag:$0x1] =	stream.indirect.gather [hbm4b:s4+s12], $0x10, s31, s12, $0xb8;
	[tilespmem:$0xB220] =	vst v63  }
0x66: {  	s26 =	sadd.s32 $0x8A20, s28;
	s31 =	sadd.s32 $0x27B0, s29  }
0x67: {  	[tilespmem:s26], [sflag:$0x1] =	stream.indirect.gather [hbm4b:s4+s12], $0x10, s31, s12, $0xb8;
	[tilespmem:$0xB220] =	vst v63  }
0x68: {  	s26 =	sadd.s32 $0x8F20, s28;
	s31 =	sadd.s32 $0x2800, s29  }
0x69: {  	[tilespmem:s26], [sflag:$0x1] =	stream.indirect.gather [hbm4b:s4+s12], $0x10, s31, s12, $0xb8;
	[tilespmem:$0xB220] =	vst v63  }
0x6a: {  	s30 =	sadd.s32 $0x9420, s28;
	s31 =	sadd.s32 $0x2850, s29  }
0x6b: {  	[tilespmem:s30], [sflag:$0x1] =	stream.indirect.gather [hbm4b:s4+s12], $0x10, s31, s12, $0xb8;
	[tilespmem:$0xB220] =	vst v63  }
0x6c: {  	_ =	swait.ge [sflag:s13], $0x500  }
0x6d: {  	[sflag:s13] =	ssyncset.done $0x0  }
0x6e: {  	[sflag:s13] =	ssyncadd.s32 $0xFFFFFB00  }
0x6f: {  	_ =	swait.ge [sflag:s13], $0x500  }
0x70: {  	[sflag:s13] =	ssyncset.done $0x0  }
0x71: {  	[sflag:s13] =	ssyncadd.s32 $0xFFFFFB00  }
0x72: {  	_ =	swait.ge [sflag:s13], $0x500  }
0x73: {  	[sflag:s13] =	ssyncset.done $0x0  }
0x74: {  	[sflag:s13] =	ssyncadd.s32 $0xFFFFFB00  }
0x75: {  	_ =	swait.ge [sflag:s13], $0x500  }
0x76: {  	[sflag:s13] =	ssyncset.done $0x0  }
0x77: {  	[sflag:s13] =	ssyncadd.s32 $0xFFFFFB00  }
0x78: {  	_ =	swait.ge [sflag:s13], $0x500  }
0x79: {  	[sflag:s13] =	ssyncset.done $0x0  }
0x7a: {  	[sflag:s13] =	ssyncadd.s32 $0xFFFFFB00  }
0x7b: {  	_ =	swait.ge [sflag:s13], $0x500  }
0x7c: {  	[sflag:s13] =	ssyncset.done $0x0  }
0x7d: {  	[sflag:s13] =	ssyncadd.s32 $0xFFFFFB00  }
0x7e: {  	_ =	swait.ge [sflag:s13], $0x500  }
0x7f: {  	[sflag:s13] =	ssyncset.done $0x0  }
0x80: {  	[sflag:s13] =	ssyncadd.s32 $0xFFFFFB00  }
0x81: {  	_ =	swait.ge [sflag:s13], $0x500  }
0x82: {  	[sflag:s13] =	ssyncset.done $0x0  }
0x83: {  	[sflag:s13] =	ssyncadd.s32 $0xFFFFFB00  }
0x84: {  	s22 =	sadd.s32 $0x640, s22;
	_ =	swait.ge [sflag:s13], $0x500  }
0x85: {  	p0 =	sne.s32 s22, $0x9C40;
	[sflag:s13] =	ssyncset.done $0x0  }
.Ltmp0:
0x86: {  	[sflag:s13] =	ssyncadd.s32 $0xFFFFFB00;
	(pc) =	sbr.rel @p0 .LBB2_2-.Ltmp0, $4  }
0x87: {  	s17 =	sadd.s32 $0x320, s17;
	s24 =	smov.u32 s18;
	_ =	swait.ge [sflag:s13], $0x500  }
0x88: {  	s20 =	sadd.s32 $0x1, s20;
	s18 =	sadd.s32 $0x320, s18;
	[sflag:s13] =	ssyncset.done $0x0  }
0x89: {  	s23 =	smov.u32 s17;
	p1 =	slt.u32 s20, $0x2;
	[sflag:s13] =	ssyncadd.s32 $0xFFFFFB00  }
0x8a: {  	[hbm4b:s24+s2] =	stream.linear.scatter [tilespmem:s25], [sflag:$0x2], $0x1900, $0x38;
	[tilespmem:$0xB220] =	vst v63  }
0x8b: {  	s22 =	simm.s32 @!p1 $0x2  }
0x8c: {  	[hbm4b:s23+s2] =	stream.linear.scatter [tilespmem:s21], [sflag:$0x3], $0x1900, $0x38;
	[tilespmem:$0xB220] =	vst v63  }
0x8d: {  	_ =	swait.ge @!p1 [sflag:s22], $0x1900  }
0x8e: {  	[sflag:s22] =	ssyncset.done @!p1 $0x0  }
0x8f: {  	s21 =	simm.s32 @!p1 $0x3;
	[sflag:s22] =	ssyncadd.s32 @!p1 $0xFFFFE700  }
0x90: {  	s20 =	sand.u32 $0x1, s20;
	_ =	swait.ge @!p1 [sflag:s21], $0x1900  }
0x91: {  	p0 =	seq.s32 s20, $0x1;
	s22 =	rddreg [dreg:$0x2]  }
0x92: {  	[sflag:s21] =	ssyncset.done @!p1 $0x0;
	s22 =	simm.s32 @!p0 $0x0  }
0x93: {  	s19 =	sshra.s32 s19, $0x2;
	[sflag:s21] =	ssyncadd.s32 @!p1 $0xFFFFE700;
	s20 =	sadd.s32 $0x4E20, s22  }
0x94: {  	[tilespmem:s20], [sflag:$0x1] =	stream.indirect.gather [hbm4b:s3+s12], $0x10, s19, s12, $0xb8;
	[tilespmem:$0xB220] =	vst v63  }
0x95: {  	s26 =	sadd.s32 $0x50, s19;
	s25 =	sadd.s32 $0x5320, s22  }
0x96: {  	[tilespmem:s25], [sflag:$0x1] =	stream.indirect.gather [hbm4b:s3+s12], $0x10, s26, s12, $0xb8;
	[tilespmem:$0xB220] =	vst v63  }
0x97: {  	s29 =	sadd.s32 $0xA0, s19;
	s28 =	sadd.s32 $0x5820, s22  }
0x98: {  	[tilespmem:s28], [sflag:$0x1] =	stream.indirect.gather [hbm4b:s3+s12], $0x10, s29, s12, $0xb8;
	[tilespmem:$0xB220] =	vst v63  }
0x99: {  	s31 =	sadd.s32 $0xF0, s19;
	s30 =	sadd.s32 $0x5D20, s22  }
0x9a: {  	[tilespmem:s30], [sflag:$0x1] =	stream.indirect.gather [hbm4b:s3+s12], $0x10, s31, s12, $0xb8;
	[tilespmem:$0xB220] =	vst v63  }
0x9b: {  	s24 =	sadd.s32 $0x140, s19;
	s23 =	sor.u32 $0x6220, s22  }
0x9c: {  	[tilespmem:s23], [sflag:$0x1] =	stream.indirect.gather [hbm4b:s3+s12], $0x10, s24, s12, $0xb8;
	[tilespmem:$0xB220] =	vst v63  }
0x9d: {  	s21 =	sor.u32 $0x8020, s22;
	s25 =	sadd.s32 $0x2710, s19  }
0x9e: {  	[tilespmem:s21], [sflag:$0x1] =	stream.indirect.gather [hbm4b:s4+s12], $0x10, s25, s12, $0xb8;
	[tilespmem:$0xB220] =	vst v63  }
0x9f: {  	s26 =	sadd.s32 $0x8520, s22;
	s24 =	sadd.s32 $0x2760, s19  }
0xa0: {  	[tilespmem:s26], [sflag:$0x1] =	stream.indirect.gather [hbm4b:s4+s12], $0x10, s24, s12, $0xb8;
	[tilespmem:$0xB220] =	vst v63  }
0xa1: {  	s28 =	sadd.s32 $0x8A20, s22;
	s29 =	sadd.s32 $0x27B0, s19  }
0xa2: {  	[tilespmem:s28], [sflag:$0x1] =	stream.indirect.gather [hbm4b:s4+s12], $0x10, s29, s12, $0xb8;
	[tilespmem:$0xB220] =	vst v63  }
0xa3: {  	s30 =	sadd.s32 $0x8F20, s22;
	s31 =	sadd.s32 $0x2800, s19  }
0xa4: {  	[tilespmem:s30], [sflag:$0x1] =	stream.indirect.gather [hbm4b:s4+s12], $0x10, s31, s12, $0xb8;
	[tilespmem:$0xB220] =	vst v63  }
0xa5: {  	s22 =	sadd.s32 $0x9420, s22;
	s19 =	sadd.s32 $0x2850, s19  }
0xa6: {  	[tilespmem:s22], [sflag:$0x1] =	stream.indirect.gather [hbm4b:s4+s12], $0x10, s19, s12, $0xb8;
	[tilespmem:$0xB220] =	vst v63  }
0xa7: {  	_ =	swait.ge [sflag:s13], $0x500  }
0xa8: {  	[sflag:s13] =	ssyncset.done $0x0  }
0xa9: {  	[sflag:s13] =	ssyncadd.s32 $0xFFFFFB00  }
0xaa: {  	_ =	swait.ge [sflag:s13], $0x500  }
0xab: {  	[sflag:s13] =	ssyncset.done $0x0  }
0xac: {  	[sflag:s13] =	ssyncadd.s32 $0xFFFFFB00  }
0xad: {  	_ =	swait.ge [sflag:s13], $0x500  }
0xae: {  	[sflag:s13] =	ssyncset.done $0x0  }
0xaf: {  	[sflag:s13] =	ssyncadd.s32 $0xFFFFFB00  }
0xb0: {  	_ =	swait.ge [sflag:s13], $0x500  }
0xb1: {  	[sflag:s13] =	ssyncset.done $0x0  }
0xb2: {  	[sflag:s13] =	ssyncadd.s32 $0xFFFFFB00  }
0xb3: {  	_ =	swait.ge [sflag:s13], $0x500  }
0xb4: {  	[sflag:s13] =	ssyncset.done $0x0  }
0xb5: {  	[sflag:s13] =	ssyncadd.s32 $0xFFFFFB00  }
0xb6: {  	_ =	swait.ge [sflag:s13], $0x500  }
0xb7: {  	[sflag:s13] =	ssyncset.done $0x0  }
0xb8: {  	[sflag:s13] =	ssyncadd.s32 $0xFFFFFB00  }
0xb9: {  	_ =	swait.ge [sflag:s13], $0x500  }
0xba: {  	[sflag:s13] =	ssyncset.done $0x0  }
0xbb: {  	[sflag:s13] =	ssyncadd.s32 $0xFFFFFB00  }
0xbc: {  	_ =	swait.ge [sflag:s13], $0x500  }
0xbd: {  	[sflag:s13] =	ssyncset.done $0x0  }
0xbe: {  	[sflag:s13] =	ssyncadd.s32 $0xFFFFFB00  }
0xbf: {  	_ =	swait.ge [sflag:s13], $0x500  }
0xc0: {  	[sflag:s13] =	ssyncset.done $0x0  }
0xc1: {  	[sflag:s13] =	ssyncadd.s32 $0xFFFFFB00  }
0xc2: {  	_ =	swait.ge [sflag:s13], $0x500  }
0xc3: {  	[sflag:s13] =	ssyncset.done $0x0  }
0xc4: {  	[sflag:s13] =	ssyncadd.s32 $0xFFFFFB00  }
0xc5: {  	[hbm4b:s18+s2] =	stream.linear.scatter [tilespmem:s20], [sflag:$0x2], $0x1900, $0x38;
	[tilespmem:$0xB220] =	vst v63  }
0xc6: {  	s17 =	sadd.s32 $0x320, s17  }
0xc7: {  	[hbm4b:s17+s2] =	stream.linear.scatter [tilespmem:s21], [sflag:$0x3], $0x1900, $0x38;
	[tilespmem:$0xB220] =	vst v63  }
0xc8: {  	_ =	swait.ge [sflag:s14], $0x1900  }
0xc9: {  	[sflag:s14] =	ssyncset.done $0x0  }
0xca: {  	[sflag:s14] =	ssyncadd.s32 $0xFFFFE700  }
0xcb: {  	_ =	swait.ge [sflag:s15], $0x1900  }
0xcc: {  	[sflag:s15] =	ssyncset.done $0x0  }
0xcd: {  	s16 =	sadd.s32 $0x1, s16;
	[sflag:s15] =	ssyncadd.s32 $0xFFFFE700  }
0xce: {  	p0 =	sne.s32 s16, s7;
	_ =	swait.ge [sflag:s14], $0x1900  }
.Ltmp1:
0xcf: {  	[sflag:s14] =	ssyncset.done $0x0;
	(pc) =	sbr.rel @p0 .LBB2_1-.Ltmp1, $4  }
0xd0: {  	[sflag:s14] =	ssyncadd.s32 $0xFFFFE700  }
0xd1: {  	_ =	swait.ge [sflag:s15], $0x1900  }
0xd2: {  	[sflag:s15] =	ssyncset.done $0x0  }
0xd3: {  	[sflag:s15] =	ssyncadd.s32 $0xFFFFE700  }
0xd4: {  	_ =	sfence.sel $0x180000  }
0xd5: {  	[bflag:$0x0] =	sbarrier.arrive $0xFFFF  }
0xd6: {  	p0 =	sne.s32 s1, $0x0;
	_ =	strace $0x9000004D  }
0xd7: {  	s0 =	sadd.s32 @!p0 $0x100000, s0;
	[bflag:$0x2] =	sbarrier.arrive $0xFFFF  }
0xd8: {  	[sflag:s0] =	ssyncadd.tile.s32 @!p0 $0x1;
	_ =	shalt  }
.Lfunc_end2:
_tile_overlayer_lowered:
.L_overlay_start_2:
0xd9: {  	(tag) =	ssettag $0x2  }
0xda: {  	s0 =	rddreg [dreg:$0x0];
	s2 =	stileid.u32  }
0xdb: {  	s1 =	rddreg [dreg:$0x1];
	p0 =	sne.s32 s2, $0x0  }
0xdc: {  	s3 =	rddreg [dreg:$0x2];
	[bflag:$0x3] =	sbarrier.arrive $0xFFFF;
	s2 =	simm.s32 @!p0 $0x1C04  }
0xdd: {  	[timem:s3], [sflag:s2] =	dma.local @!p0 [hbm:s0], s1  }
0xde: {  	s0 =	simm.s32 @!p0 $0x4  }
0xdf: {  	_ =	swait.ge @!p0 [sflag:s0], s1  }
0xe0: {  	s1 =	ssub.s32 @!p0 $0x0, s1;
	[sflag:s0] =	ssyncset.done @!p0 $0x0  }
0xe1: {  	[sflag:s0] =	ssyncadd.s32 @!p0 s1  }
0xe2: {  	[bflag:$0x3] =	sbarrier.arrive $0xFFFF  }
0xe3: {  	_ =	shalt  }

// kernel: kernel.21.cloned.1.call-start
scs
__scs_entry_jumppad:
0x0: {  	(pc) =	sbr.rel $0x88, $3  }
0x1: {  	(tag) =	ssettag $0x0;
	lr =	simm.s32 $0x1  }
0x2: {  	[smem:$0x3F6D] =	sst lr;
	_ =	strace $0xD0000000  }
0x3: {  	_ = 	snop  }
0x4: {  	_ = 	snop  }
0x5: {  	_ = 	snop  }
0x6: {  	_ = 	snop  }
0x7: {  	_ = 	snop  }
__scs_overlays_trampoline_lowered:
0x8: {  	[smem:$0x3F7C] =	sst s0  }
0x9: {  	[smem:$0x3F7D] =	sst s1  }
0xa: {  	[smem:$0x3F7E] =	sst s2  }
0xb: {  	[smem:$0x3F7F] =	sst s3  }
0xc: {  	[smem:$0x3F80] =	sst s4  }
0xd: {  	[smem:$0x3F81] =	sst s5  }
0xe: {  	[smem:$0x3F82] =	sst s6  }
0xf: {  	[smem:$0x3F83] =	sst s7  }
0x10: {  	[smem:$0x3F84] =	sst s8  }
0x11: {  	[smem:$0x3F85] =	sst s9;
	s0 =	simm.s32 @!p0 $0x0  }
0x12: {  	s1 =	sld [smem:$0x3F6B];
	s0 =	simm.s32 @p0 $0x1  }
0x13: {  	[smem:$0x3F86] =	sst s0;
	s0 =	simm.s32 @!p1 $0x0  }
0x14: {  	s2 =	sld [smem:$0x3F6A];
	s0 =	simm.s32 @p1 $0x1  }
0x15: {  	[smem:$0x3F87] =	sst s0;
	s0 =	simm.s32 @!p2 $0x0  }
0x16: {  	s3 =	sld [smem:$0x3FDB];
	s0 =	simm.s32 @p2 $0x1  }
0x17: {  	s4 =	simm.s32 $0x1BF5;
	[smem:$0x3F89] =	sst s0  }
0x18: {  	s0 =	sld [smem:$0x3F6C];
	_ =	swait.ge [sflag:s4], $0x0  }
0x19: {  	s7 =	sld [smem:$0x3F6D]  }
0x1a: {  	s8 =	sadd.s32 $0xFFFFE003, lr  }
0x1b: {  	s9 =	sadd.s32 $0xFFFFFEF7, lr;
	s5 =	simm.s32 $0xFFFFFFFF;
	p2 =	slt.u32 s8, $0xFFFFF086  }
0x1c: {  	p1 =	slt.u32 s9, $0xF7A;
	s5 =	simm.s32 @!p2 $0x0  }
0x1d: {  	s5 =	simm.s32 @p1 $0x1;
	p0 =	seq.s32 s7, s2  }
0x1e: {  	s7 =	smul.u32 @!p0 $0xF7A, s2;
	p2 =	seq.s32 @!p0 s5, $0x0  }
0x1f: {  	s9 =	smul.u32 $0xF7A, s1;
	s8 =	simm.s32 @!p0 $0x1BF5;
	p2 =	por !p2, p0  }
0x20: {  	[sflag:s8] =	ssyncset.s32 @!p0 $0xFFFFF086;
	s6 =	sadd.s32 @!p0 s3, s7;
	s7 =	simm.s32 @!p0 $0x108  }
0x21: {  	s3 =	sadd.s32 s3, s9;
	s6 =	sadd.s32 @!p0 $0x88, s6;
	s7 =	simm.s32 @p2 $0x1082  }
0x22: {  	[simem:s7], [sflag:s8] =	dma.local @!p0 [hbm:s6], $0xF7A  }
0x23: {  	s9 =	sor.u32 $0xD0000000, s2;
	s6 =	simm.s32 $0x108;
	_ =	swait.ge @!p0 [sflag:s8], $0x0  }
0x24: {  	s3 =	sadd.s32 $0x88, s3;
	s6 =	simm.s32 @!p1 $0x1082;
	[sflag:s4] =	ssyncset.s32 $0xFFFFF086  }
0x25: {  	[simem:s6], [sflag:s4] =	dma.local [hbm:s3], $0xF7A  }
0x26: {  	[smem:$0x3F6D] =	sst s1;
	(tag) =	ssettag s2;
	_ =	strace s9  }
0x27: {  	s1 =	sld [smem:$0x3F7D]  }
0x28: {  	s2 =	sld [smem:$0x3F7E]  }
0x29: {  	s4 =	sld [smem:$0x3F80]  }
0x2a: {  	p0 =	seq.s32 s5, $0x0;
	s5 =	sld [smem:$0x3F81]  }
0x2b: {  	s6 =	sld [smem:$0x3F82]  }
0x2c: {  	s7 =	sld [smem:$0x3F83]  }
0x2d: {  	s3 =	simm.s32 $0x108;
	s8 =	sld [smem:$0x3F84]  }
0x2e: {  	s3 =	simm.s32 @!p0 $0x1082;
	s9 =	sld [smem:$0x3F85]  }
0x2f: {  	lr =	sadd.s32 s0, s3;
	s0 =	sld [smem:$0x3F7C]  }
0x30: {  	s3 =	sld [smem:$0x3F7F]  }
0x31: {  	[smem:$0x3F88] =	sst s10  }
0x32: {  	s10 =	sld [smem:$0x3F86];
	_ =	sdelay $0x3  }
0x33: {  	p0 =	seq.s32 s10, $0x1;
	s10 =	sld [smem:$0x3F88];
	_ =	sdelay $0x3  }
0x34: {  	[smem:$0x3F88] =	sst s10  }
0x35: {  	s10 =	sld [smem:$0x3F87];
	_ =	sdelay $0x3  }
0x36: {  	p1 =	seq.s32 s10, $0x1;
	s10 =	sld [smem:$0x3F88];
	_ =	sdelay $0x3  }
0x37: {  	[smem:$0x3F88] =	sst s10  }
0x38: {  	s10 =	sld [smem:$0x3F89]  }
0x39: {  	_ = 	snop;
	(pc) =	sbr.ind lr, $3  }
0x3a: {  	_ = 	snop  }
0x3b: {  	_ = 	snop  }
0x3c: {  	p2 =	seq.s32 s10, $0x1;
	s10 =	sld [smem:$0x3F88]  }
0x3d: {  	_ =	shalt  }
0x3e: {  	_ =	shalt  }
0x3f: {  	_ =	shalt  }
0x40: {  	_ =	shalt  }
0x41: {  	_ =	shalt  }
0x42: {  	_ =	shalt  }
0x43: {  	_ =	shalt  }
0x44: {  	_ =	shalt  }
0x45: {  	_ =	shalt  }
0x46: {  	_ =	shalt  }
0x47: {  	_ =	shalt  }
0x48: {  	_ =	shalt  }
0x49: {  	_ =	shalt  }
0x4a: {  	_ =	shalt  }
0x4b: {  	_ =	shalt  }
0x4c: {  	_ =	shalt  }
0x4d: {  	_ =	shalt  }
0x4e: {  	_ =	shalt  }
0x4f: {  	_ =	shalt  }
0x50: {  	_ =	shalt  }
0x51: {  	_ =	shalt  }
0x52: {  	_ =	shalt  }
0x53: {  	_ =	shalt  }
0x54: {  	_ =	shalt  }
0x55: {  	_ =	shalt  }
0x56: {  	_ =	shalt  }
0x57: {  	_ =	shalt  }
0x58: {  	_ =	shalt  }
0x59: {  	_ =	shalt  }
0x5a: {  	_ =	shalt  }
0x5b: {  	_ =	shalt  }
0x5c: {  	_ =	shalt  }
0x5d: {  	_ =	shalt  }
0x5e: {  	_ =	shalt  }
0x5f: {  	_ =	shalt  }
0x60: {  	_ =	shalt  }
0x61: {  	_ =	shalt  }
0x62: {  	_ =	shalt  }
0x63: {  	_ =	shalt  }
0x64: {  	_ =	shalt  }
0x65: {  	_ =	shalt  }
0x66: {  	_ =	shalt  }
0x67: {  	_ =	shalt  }
0x68: {  	_ =	shalt  }
0x69: {  	_ =	shalt  }
0x6a: {  	_ =	shalt  }
0x6b: {  	_ =	shalt  }
0x6c: {  	_ =	shalt  }
0x6d: {  	_ =	shalt  }
0x6e: {  	_ =	shalt  }
0x6f: {  	_ =	shalt  }
0x70: {  	_ =	shalt  }
0x71: {  	_ =	shalt  }
0x72: {  	_ =	shalt  }
0x73: {  	_ =	shalt  }
0x74: {  	_ =	shalt  }
0x75: {  	_ =	shalt  }
0x76: {  	_ =	shalt  }
0x77: {  	_ =	shalt  }
0x78: {  	_ =	shalt  }
0x79: {  	_ =	shalt  }
0x7a: {  	_ =	shalt  }
0x7b: {  	_ =	shalt  }
0x7c: {  	_ =	shalt  }
0x7d: {  	_ =	shalt  }
0x7e: {  	_ =	shalt  }
0x7f: {  	_ =	shalt  }
0x80: {  	_ =	shalt  }
0x81: {  	_ =	shalt  }
0x82: {  	_ =	shalt  }
0x83: {  	_ =	shalt  }
0x84: {  	_ =	shalt  }
0x85: {  	_ =	shalt  }
0x86: {  	_ =	shalt  }
0x87: {  	_ =	shalt  }
.Lfunc_end0:
.L_simem_size_0:
called_computation.3_lowered:
.L_overlay_start_0:
0x88: {  	s2 =	sld [smem:$0x3FD9]  }
0x89: {  	s3 =	sld [smem:$0x3FFE];
	_ =	sdelay $0x1  }
0x8a: {  	s1 =	srdreg.scid  }
0x8b: {  	s0 =	sand.u32 $0x1, s1  }
0x8c: {  	s16 =	sshll.u32 s0, $0xA;
	s2 =	sadd.s32 s3, s2  }
0x8d: {  	s2 =	sadd.s32 s2, s16  }
0x8e: {  	[smem:$0x3F94] =	sst s2  }
0x8f: {  	_ = 	snop  }
0x90: {  	(tm) =	ssettm $0x1  }
0x91: {  	s17 =	sld [smem:$0x3FFB];
	_ =	sdelay $0x3  }
0x92: {  	_ =	strace s17  }
0x93: {  	s2 =	sld [smem:$0x3FFC];
	_ =	sdelay $0x3  }
0x94: {  	_ =	strace s2  }
0x95: {  	s2 =	sld [smem:$0x3FFD];
	_ =	sdelay $0x3  }
0x96: {  	_ =	strace s2  }
0x97: {  	_ =	strace $0x8FFFFFFF  }
0x98: {  	s18 =	sld [smem:$0x3FDB];
	_ =	sdelay $0x1  }
0x99: {  	s19 =	simm.s32 $_scs_section_size  }
0x9a: {  	s4 =	simm.s32 $_size__tile_overlayer_lowered;
	s5 =	simm.s32 $_tile_overlayer_lowered  }
0x9b: {  	s22 =	simm.s32 $0x1BFF;
	s21 =	sshll.u32 s5, $0x1;
	s2 =	sadd.s32 s19, s18  }
0x9c: {  	s6 =	simm.s32 $0x0;
	s20 =	sshll.u32 s4, $0x1;
	s4 =	sadd.s32 s21, s2  }
0x9d: {  	[timem:s6], [sflag:s22] =	dma.local [hbm:s4], s20  }
0x9e: {  	_ =	swait.ge [sflag:s22], s20  }
0x9f: {  	s3 =	ssub.s32 $0x0, s20;
	[sflag:s22] =	ssyncset.done $0x0  }
0xa0: {  	[sflag:s22] =	ssyncadd.s32 s3;
	_ =	sdelay $0x1  }
0xa1: {  	s23 =	simm.s32 $0x1B8B  }
0xa2: {  	_ =	swait.ge [sflag:s23], $0x1  }
0xa3: {  	[sflag:s23] =	ssyncset.done $0x0  }
0xa4: {  	s25 =	simm.s32 $0x1B8E;
	s24 =	sld [smem:$0x3FFE];
	[sflag:s23] =	ssyncadd.s32 $0xFFFFFFFF  }
0xa5: {  	s26 =	simm.s32 $execute0_lowered;
	[smem:$0x3FD2] =	sst s25  }
0xa6: {  	s4 =	sshll.u32 s26, $0x1;
	_ =	strace $0x8000004F;
	[dreg:$0x1] =	wrdreg $0xFFFFFFFF  }
0xa7: {  	s28 =	simm.s32 $_size_execute0_lowered;
	s2 =	sadd.s32 s2, s4;
	[dreg:$0x0] =	wrdreg $0x0  }
0xa8: {  	s4 =	sshll.u32 s28, $0x1;
	[dreg:$0x2] =	wrdreg s2  }
0xa9: {  	[dreg:$0x3] =	wrdreg s4  }
0xaa: {  	[dreg:$0x4] =	wrdreg $0xC0  }
0xab: {  	_ =	task [dreg:s6], $0x5FFFF  }
0xac: {  	[dreg:$0x1] =	wrdreg $0xFFFFFFFF  }
0xad: {  	[dreg:$0x0] =	wrdreg $0x60  }
0xae: {  	[dreg:$0x2] =	wrdreg s24  }
0xaf: {  	[dreg:$0x3] =	wrdreg $0x59100  }
0xb0: {  	[dreg:$0x4] =	wrdreg $0x9  }
0xb1: {  	_ =	task.clear_ibuf [dreg:s6], $0x5FFFF;
	_ =	strace $0x9000004F  }
0xb2: {  	s29 =	simm.s32 $0x9;
	_ =	strace $0x80000051  }
0xb3: {  	_ =	swait.ge [sflag:s29], $0x1  }
0xb4: {  	[sflag:s29] =	ssyncadd.s32 $0xFFFFFFFF  }
0xb5: {  	_ =	strace $0x90000051  }
0xb6: {  	_ =	sfence  }
0xb7: {  	s30 =	sld [smem:$0x0];
	_ =	sdelay $0x2  }
0xb8: {  	s31 =	sshll.u32 s1, $0xD;
	s1 =	sshrl.u32 s1, $0x2  }
0xb9: {  	s3 =	sand.u32 $0x4000, s31;
	s1 =	sadd.s32 s1, s30  }
0xba: {  	s0 =	sor.u32 s3, s0;
	s1 =	sshll.u32 s1, $0x11  }
0xbb: {  	s0 =	sor.u32 s1, s0  }
0xbc: {  	s0 =	sadd.s32 $0x8F2B, s0  }
0xbd: {  	[sflag:s0] =	ssyncadd.remote.s32 $0x1  }
0xbe: {  	_ =	sfence.sel $0xFFFF  }
0xbf: {  	[dreg:$0x0] =	wrdreg $0xFFFFFFFF;
	(pc) =	sbr.abs _section_cstart, $3  }
0xc0: {  	[dreg:$0x1] =	wrdreg $0xFFFFFFFF  }
0xc1: {  	_ =	task.clear_ibuf [dreg:s6], $0x2FFFF;
	_ =	strace $0x9FFFFFFF  }
0xc2: {  	(tm) =	ssettm $0x7FFFFFFF  }
0xc3: {  	_ =	shalt  }
tec
execute0_lowered:
.L_overlay_start_1:
0x0: {  	(tag) =	ssettag $0x1  }
0x1: {  	s1 =	srdreg.scid  }
0x2: {  	s0 =	stileid.u32;
	s4 =	rddreg [dreg:$0x0]  }
0x3: {  	s2 =	rddreg [dreg:$0x1];
	s3 =	simm.s32 $0x0;
	s15 =	simm.s32 $0x50  }
0x4: {  	s16 =	simm.s32 $0x2;
	s18 =	simm.s32 $0x25D0;
	s19 =	simm.s32 $0x2C10  }
0x5: {  	s20 =	simm.s32 $0x2620;
	s21 =	simm.s32 $0x3110;
	s22 =	simm.s32 $0x2670  }
0x6: {  	s23 =	simm.s32 $0x3610;
	s24 =	simm.s32 $0x26C0;
	s25 =	simm.s32 $0x3B10  }
0x7: {  	s26 =	simm.s32 $0x0;
	s5 =	sand.u32 $0x1, s1;
	s8 =	smul.u32 $0x2800, s0  }
0x8: {  	s28 =	sshll.u32 s0, $0x1;
	[smem:$0x7FF] =	sst s3;
	s13 =	smul.u32 $0x4E20, s0  }
0x9: {  	s10 =	sadd.s32 $0x1FC00, s4;
	s30 =	sshll.u32 s0, $0x6;
	s9 =	smul.u32 $0x28000, s5  }
0xa: {  	s6 =	sor.u32 s5, s28;
	s12 =	ssub.s32 $0x2, s5;
	s5 =	smul.u32 $0x2710, s5  }
0xb: {  	_ =	strace $0x80000050;
	s7 =	smul.u32 $0x2710, s6;
	s11 =	sshrl.u32 s8, $0x3  }
0xc: {  	s29 =	sshrl.u32 s12, $0x1;
	s14 =	sadd.s32 s8, s2;
	s31 =	smul.u32 $0x4E20, s6  }
0xd: {  	s11 =	sadd.s32 s11, s4;
	s9 =	sadd.s32 s8, s9;
	s12 =	ssub.s32 s12, s29  }
0xe: {  	s13 =	sadd.s32 s5, s13;
	s5 =	sor.u32 $0x1C03, s30;
	s7 =	sshrl.u32 s7, $0x3  }
0xf: {  	s9 =	sshrl.u32 s9, $0x3;
	s13 =	sshll.u32 s13, $0x1;
	s7 =	sadd.s32 s7, s4  }
0x10: {  	s9 =	sadd.s32 s9, s4;
	s4 =	sadd.s32 $0xBC000, s11;
	s11 =	sshrl.u32 s14, $0x3  }
0x11: {  	s14 =	simm.s32 $0x1;
	s6 =	sadd.s32 $0x15E00, s7;
	s7 =	sadd.s32 s10, s31  }
0x12: {  	s8 =	sadd.s32 $0x8000, s9;
	s10 =	sadd.s32 s10, s13;
	s9 =	smax.u32 s12, $0x1  }
0x13: {  	s12 =	simm.s32 $0x3;
	s13 =	simm.s32 $0x2710;
	s10 =	sadd.s32 $0x320, s10  }
.LBB2_1:
0x14: {  	[spmem:s11], [sflag:s5] =	dma.local [hbm:s4], $0x500  }
0x15: {  	_ =	swait.ge [sflag:s12], $0x500  }
0x16: {  	[sflag:s12] =	ssyncset.done $0x0  }
0x17: {  	[sflag:s12] =	ssyncadd.s32 $0xFFFFFB00  }
0x18: {  	[tilespmem:s3], [sflag:$0x3] =	stream.linear.gather [hbm4b:s6+s3], $0x2710, $0x38;
	[tilespmem:$0x8110] =	vst v63  }
0x19: {  	_ =	swait.ge [sflag:s12], $0x2710  }
0x1a: {  	[sflag:s12] =	ssyncset.done $0x0  }
0x1b: {  	[sflag:s12] =	ssyncadd.s32 $0xFFFFD8F0  }
0x1c: {  	[bflag:$0x0] =	sbarrier.arrive $0xFFFF  }
0x1d: {  	[tilespmem:s13], [sflag:$0x1] =	stream.linear.gather [hbm4b:s7+s3], $0x1900, $0x38;
	[tilespmem:$0x8110] =	vst v63  }
0x1e: {  	s28 =	sand.u32 $0x1, s14;
	s29 =	simm.s32 $0x4010;
	_ =	swait.ge [sflag:s14], $0x1900  }
0x1f: {  	p0 =	seq.s32 s28, $0x1;
	s28 =	simm.s32 $0x0;
	[sflag:s14] =	ssyncset.done $0x0  }
0x20: {  	s28 =	simm.s32 @!p0 $0x1900;
	s29 =	simm.s32 @!p0 $0x2710;
	[sflag:s14] =	ssyncadd.s32 $0xFFFFE700  }
0x21: {  	[tilespmem:s29], [sflag:$0x1] =	stream.linear.gather [hbm4b:s10+s3], $0x1900, $0x38;
	[tilespmem:$0x8110] =	vst v63  }
0x22: {  	s30 =	simm.s32 $0x0;
	s29 =	sadd.s32 $0x2710, s28  }
0x23: {  	[spmem:s2] =	stream.indirect.scatter.add.f32 [tilespmem:s29], [sflag:$0x2], $0x10, s30, s15, $0xb8;
	[tilespmem:$0x8110] =	vst v63  }
0x24: {  	s29 =	sadd.s32 $0x2C10, s28;
	s30 =	simm.s32 $0x50  }
0x25: {  	[spmem:s2] =	stream.indirect.scatter.add.f32 [tilespmem:s29], [sflag:$0x2], $0x10, s30, s15, $0xb8;
	[tilespmem:$0x8110] =	vst v63  }
0x26: {  	s29 =	sadd.s32 $0x3110, s28;
	s30 =	simm.s32 $0xA0  }
0x27: {  	[spmem:s2] =	stream.indirect.scatter.add.f32 [tilespmem:s29], [sflag:$0x2], $0x10, s30, s15, $0xb8;
	[tilespmem:$0x8110] =	vst v63  }
0x28: {  	s29 =	sadd.s32 $0x3610, s28;
	s30 =	simm.s32 $0xF0  }
0x29: {  	[spmem:s2] =	stream.indirect.scatter.add.f32 [tilespmem:s29], [sflag:$0x2], $0x10, s30, s15, $0xb8;
	[tilespmem:$0x8110] =	vst v63  }
0x2a: {  	s28 =	sadd.s32 $0x3B10, s28;
	s29 =	simm.s32 $0x140  }
0x2b: {  	[spmem:s2] =	stream.indirect.scatter.add.f32 [tilespmem:s28], [sflag:$0x2], $0x10, s29, s15, $0xb8;
	[tilespmem:$0x8110] =	vst v63  }
0x2c: {  	_ =	swait.ge [sflag:s16], $0x500  }
0x2d: {  	[sflag:s16] =	ssyncset.done $0x0  }
0x2e: {  	[sflag:s16] =	ssyncadd.s32 $0xFFFFFB00  }
0x2f: {  	_ =	swait.ge [sflag:s16], $0x500  }
0x30: {  	[sflag:s16] =	ssyncset.done $0x0  }
0x31: {  	[sflag:s16] =	ssyncadd.s32 $0xFFFFFB00  }
0x32: {  	_ =	swait.ge [sflag:s16], $0x500  }
0x33: {  	[sflag:s16] =	ssyncset.done $0x0  }
0x34: {  	[sflag:s16] =	ssyncadd.s32 $0xFFFFFB00  }
0x35: {  	_ =	swait.ge [sflag:s16], $0x500  }
0x36: {  	[sflag:s16] =	ssyncset.done $0x0  }
0x37: {  	[sflag:s16] =	ssyncadd.s32 $0xFFFFFB00  }
0x38: {  	s30 =	simm.s32 $0x1;
	_ =	swait.ge [sflag:s16], $0x500  }
0x39: {  	s28 =	simm.s32 $0x640;
	s29 =	smov.u32 s10;
	[sflag:s16] =	ssyncset.done $0x0  }
.LBB2_2:
0x3a: {  	[sflag:s16] =	ssyncadd.s32 $0xFFFFFB00;
	s29 =	sadd.s32 $0x320, s29;
	s30 =	sadd.s32 $0x1, s30  }
0x3b: {  	s31 =	smov.u32 s28;
	p0 =	sne.s32 s28, $0x8FC0;
	s28 =	sadd.s32 $0x640, s28  }
0x3c: {  	s0 =	simm.s32 $0x4010;
	s1 =	sand.u32 $0x1, s30;
	_ =	swait.ge [sflag:s14], $0x1900  }
0x3d: {  	p1 =	seq.s32 s1, $0x1;
	[sflag:s14] =	ssyncset.done $0x0;
	s1 =	simm.s32 $0x0  }
0x3e: {  	s1 =	simm.s32 @!p1 $0x1900;
	[sflag:s14] =	ssyncadd.s32 $0xFFFFE700;
	s0 =	simm.s32 @!p1 $0x2710  }
0x3f: {  	[tilespmem:s0], [sflag:$0x1] =	stream.linear.gather [hbm4b:s29+s3], $0x1900, $0x38;
	[tilespmem:$0x8110] =	vst v63  }
0x40: {  	s31 =	sshra.s32 s31, $0x2;
	s0 =	sadd.s32 $0x2710, s1  }
0x41: {  	[spmem:s2] =	stream.indirect.scatter.add.f32 [tilespmem:s0], [sflag:$0x2], $0x10, s31, s15, $0xb8;
	[tilespmem:$0x8110] =	vst v63  }
0x42: {  	s17 =	sadd.s32 $0x50, s31;
	s0 =	sadd.s32 $0x2C10, s1  }
0x43: {  	[spmem:s2] =	stream.indirect.scatter.add.f32 [tilespmem:s0], [sflag:$0x2], $0x10, s17, s15, $0xb8;
	[tilespmem:$0x8110] =	vst v63  }
0x44: {  	s0 =	sadd.s32 $0x3110, s1;
	s17 =	sadd.s32 $0xA0, s31  }
0x45: {  	[spmem:s2] =	stream.indirect.scatter.add.f32 [tilespmem:s0], [sflag:$0x2], $0x10, s17, s15, $0xb8;
	[tilespmem:$0x8110] =	vst v63  }
0x46: {  	s0 =	sadd.s32 $0x3610, s1;
	s17 =	sadd.s32 $0xF0, s31  }
0x47: {  	[spmem:s2] =	stream.indirect.scatter.add.f32 [tilespmem:s0], [sflag:$0x2], $0x10, s17, s15, $0xb8;
	[tilespmem:$0x8110] =	vst v63  }
0x48: {  	s0 =	sadd.s32 $0x3B10, s1;
	s1 =	sadd.s32 $0x140, s31  }
0x49: {  	[spmem:s2] =	stream.indirect.scatter.add.f32 [tilespmem:s0], [sflag:$0x2], $0x10, s1, s15, $0xb8;
	[tilespmem:$0x8110] =	vst v63  }
0x4a: {  	_ =	swait.ge [sflag:s16], $0x500  }
0x4b: {  	[sflag:s16] =	ssyncset.done $0x0  }
0x4c: {  	[sflag:s16] =	ssyncadd.s32 $0xFFFFFB00  }
0x4d: {  	_ =	swait.ge [sflag:s16], $0x500  }
0x4e: {  	[sflag:s16] =	ssyncset.done $0x0  }
0x4f: {  	[sflag:s16] =	ssyncadd.s32 $0xFFFFFB00  }
0x50: {  	_ =	swait.ge [sflag:s16], $0x500  }
0x51: {  	[sflag:s16] =	ssyncset.done $0x0  }
0x52: {  	[sflag:s16] =	ssyncadd.s32 $0xFFFFFB00  }
.Ltmp0:
0x53: {  	_ =	swait.ge [sflag:s16], $0x500;
	(pc) =	sbr.rel @p0 .LBB2_2-.Ltmp0, $4  }
0x54: {  	[sflag:s16] =	ssyncset.done $0x0  }
0x55: {  	[sflag:s16] =	ssyncadd.s32 $0xFFFFFB00  }
0x56: {  	_ =	swait.ge [sflag:s16], $0x500  }
0x57: {  	[sflag:s16] =	ssyncset.done $0x0  }
0x58: {  	[sflag:s16] =	ssyncadd.s32 $0xFFFFFB00  }
0x59: {  	_ =	swait.ge [sflag:s14], $0x1900  }
0x5a: {  	[sflag:s14] =	ssyncset.done $0x0  }
0x5b: {  	s0 =	simm.s32 $0x2580;
	[sflag:s14] =	ssyncadd.s32 $0xFFFFE700  }
0x5c: {  	[spmem:s2] =	stream.indirect.scatter.add.f32 [tilespmem:s13], [sflag:$0x2], $0x10, s0, s15, $0xb8;
	[tilespmem:$0x8110] =	vst v63  }
0x5d: {  	_ = 	snop  }
0x5e: {  	[spmem:s2] =	stream.indirect.scatter.add.f32 [tilespmem:s19], [sflag:$0x2], $0x10, s18, s15, $0xb8;
	[tilespmem:$0x8110] =	vst v63  }
0x5f: {  	_ = 	snop  }
0x60: {  	[spmem:s2] =	stream.indirect.scatter.add.f32 [tilespmem:s21], [sflag:$0x2], $0x10, s20, s15, $0xb8;
	[tilespmem:$0x8110] =	vst v63  }
0x61: {  	_ = 	snop  }
0x62: {  	[spmem:s2] =	stream.indirect.scatter.add.f32 [tilespmem:s23], [sflag:$0x2], $0x10, s22, s15, $0xb8;
	[tilespmem:$0x8110] =	vst v63  }
0x63: {  	_ = 	snop  }
0x64: {  	[spmem:s2] =	stream.indirect.scatter.add.f32 [tilespmem:s25], [sflag:$0x2], $0x10, s24, s15, $0xb8;
	[tilespmem:$0x8110] =	vst v63  }
0x65: {  	_ =	swait.ge [sflag:s16], $0x500  }
0x66: {  	[sflag:s16] =	ssyncset.done $0x0  }
0x67: {  	[sflag:s16] =	ssyncadd.s32 $0xFFFFFB00  }
0x68: {  	_ =	swait.ge [sflag:s16], $0x500  }
0x69: {  	[sflag:s16] =	ssyncset.done $0x0  }
0x6a: {  	[sflag:s16] =	ssyncadd.s32 $0xFFFFFB00  }
0x6b: {  	_ =	swait.ge [sflag:s16], $0x500  }
0x6c: {  	[sflag:s16] =	ssyncset.done $0x0  }
0x6d: {  	[sflag:s16] =	ssyncadd.s32 $0xFFFFFB00  }
0x6e: {  	_ =	swait.ge [sflag:s16], $0x500  }
0x6f: {  	[sflag:s16] =	ssyncset.done $0x0  }
0x70: {  	[sflag:s16] =	ssyncadd.s32 $0xFFFFFB00  }
0x71: {  	_ =	swait.ge [sflag:s16], $0x500  }
0x72: {  	s26 =	sadd.s32 $0x1, s26;
	[sflag:s16] =	ssyncset.done $0x0  }
0x73: {  	p0 =	sne.s32 s26, s9;
	[sflag:s16] =	ssyncadd.s32 $0xFFFFFB00  }
.Ltmp1:
0x74: {  	[bflag:$0x0] =	sbarrier.arrive $0xFFFF;
	(pc) =	sbr.rel @p0 .LBB2_1-.Ltmp1, $4  }
0x75: {  	[hbm:s8], [sflag:s5] =	dma.local [spmem:s11], $0x500  }
0x76: {  	_ =	swait.ge [sflag:s12], $0x500  }
0x77: {  	[sflag:s12] =	ssyncset.done $0x0  }
0x78: {  	[sflag:s12] =	ssyncadd.s32 $0xFFFFFB00  }
0x79: {  	_ =	sfence.sel $0x180000  }
0x7a: {  	[bflag:$0x0] =	sbarrier.arrive $0xFFFF  }
0x7b: {  	_ =	strace $0x90000050  }
0x7c: {  	s0 =	stileid.u32;
	[bflag:$0x2] =	sbarrier.arrive $0xFFFF  }
0x7d: {  	p0 =	sne.s32 s0, $0x0;
	s0 =	rddreg [dreg:$0x2]  }
0x7e: {  	s0 =	sadd.s32 @!p0 $0x100000, s0  }
0x7f: {  	[sflag:s0] =	ssyncadd.tile.s32 @!p0 $0x1;
	_ =	shalt  }
.Lfunc_end2:
_tile_overlayer_lowered:
.L_overlay_start_2:
0x80: {  	(tag) =	ssettag $0x2  }
0x81: {  	s0 =	rddreg [dreg:$0x0];
	s2 =	stileid.u32  }
0x82: {  	s1 =	rddreg [dreg:$0x1];
	p0 =	sne.s32 s2, $0x0  }
0x83: {  	s3 =	rddreg [dreg:$0x2];
	[bflag:$0x3] =	sbarrier.arrive $0xFFFF;
	s2 =	simm.s32 @!p0 $0x1C03  }
0x84: {  	[timem:s3], [sflag:s2] =	dma.local @!p0 [hbm:s0], s1  }
0x85: {  	s0 =	simm.s32 @!p0 $0x3  }
0x86: {  	_ =	swait.ge @!p0 [sflag:s0], s1  }
0x87: {  	s1 =	ssub.s32 @!p0 $0x0, s1;
	[sflag:s0] =	ssyncset.done @!p0 $0x0  }
0x88: {  	[sflag:s0] =	ssyncadd.s32 @!p0 s1  }
0x89: {  	[bflag:$0x3] =	sbarrier.arrive $0xFFFF  }
0x8a: {  	_ =	shalt  }

</sc_bundles>
